<compile_context>
chip_gen: v7x
topology: tpu7x:2x2x1
jax: 0.10.2.dev20260603
libtpu: 0.0.44.dev20260713+nightly
codegen_flags: <defaults>
</compile_context>

<pallas_src>
import functools

import jax
import jax.numpy as jnp
from jax import lax
from jax.experimental import pallas as pl
from jax.experimental.pallas import tpu as pltpu
from jax.experimental.pallas import tpu_sc as plsc

B = 1024
S = 100000
D = 64
C = 500
CP = 512
TEMP = 0.05
EPS = 1e-6

NC = 2
NS = 16
NW = NC * NS
BATCH = 128
NFULL = S // BATCH
TAIL = S - NFULL * BATCH
NB = -(-NFULL // NW)
LANES = 16


def _sc_segment_stats(features, labels, indexes, zeros_f, zeros_c, ones_c):
  mesh = plsc.VectorSubcoreMesh(core_axis_name="c", subcore_axis_name="s")

  @functools.partial(
      pl.kernel,
      out_type=[
          jax.ShapeDtypeStruct((NC, CP, D), jnp.float32),
          jax.ShapeDtypeStruct((NC, CP, LANES), jnp.float32),
          jax.ShapeDtypeStruct((B,), jnp.int32),
      ],
      mesh=mesh,
      compiler_params=pltpu.CompilerParams(needs_layout_passes=False),
      scratch_types=[
          pltpu.VMEM((BATCH, D), jnp.float32),
          pltpu.VMEM((BATCH, D), jnp.float32),
          pltpu.VMEM((BATCH,), jnp.int32),
          pltpu.VMEM((BATCH,), jnp.int32),
          pltpu.VMEM((TAIL, D), jnp.float32),
          pltpu.VMEM((TAIL,), jnp.int32),
          pltpu.VMEM((BATCH, LANES), jnp.float32),
          pltpu.VMEM((B // NW,), jnp.int32),
          pltpu.VMEM((B // NW,), jnp.int32),
          pltpu.SemaphoreType.DMA,
          pltpu.SemaphoreType.DMA,
          pltpu.SemaphoreType.DMA,
          pltpu.SemaphoreType.DMA,
          pltpu.SemaphoreType.DMA,
          pltpu.VMEM_SHARED((CP, D), jnp.float32),
          pltpu.VMEM_SHARED((CP, LANES), jnp.float32),
      ],
  )
  def k(feat_hbm, labf_hbm, idx_hbm, zf_hbm, zc_hbm, ones_hbm,
        fsum_out, cnt_out, tgt_out,
        feat_v0, feat_v1, lab_v0, lab_v1, feat_t, lab_t, ones_v,
        idx_v, tgt_v, sem, fsem0, fsem1, lsem0, lsem1,
        fsum_sh, cnt_sh):
    cid = lax.axis_index("c")
    sid = lax.axis_index("s")
    wid = cid * NS + sid
    feat_vs, lab_vs = (feat_v0, feat_v1), (lab_v0, lab_v1)
    fsems, lsems = (fsem0, fsem1), (lsem0, lsem1)

    @pl.when(sid == 0)
    def _zero():
      pltpu.sync_copy(zf_hbm, fsum_sh)
      pltpu.sync_copy(zc_hbm, cnt_sh)

    plsc.subcore_barrier()

    pltpu.sync_copy(ones_hbm, ones_v)

    def start(j):
      g = j * NW + wid

      @pl.when(g < NFULL)
      def _():
        off = pl.multiple_of(g * BATCH, BATCH)
        pltpu.async_copy(labf_hbm.at[pl.ds(off, BATCH)], lab_vs[j % 2],
                         lsems[j % 2])
        pltpu.async_copy(feat_hbm.at[pl.ds(off, BATCH)], feat_vs[j % 2],
                         fsems[j % 2])

    def finish(j):
      g = j * NW + wid

      @pl.when(g < NFULL)
      def _():
        off = pl.multiple_of(g * BATCH, BATCH)
        pltpu.make_async_copy(labf_hbm.at[pl.ds(off, BATCH)], lab_vs[j % 2],
                              lsems[j % 2]).wait()
        pltpu.make_async_copy(feat_hbm.at[pl.ds(off, BATCH)], feat_vs[j % 2],
                              fsems[j % 2]).wait()
        pltpu.sync_copy(feat_vs[j % 2], fsum_sh.at[lab_vs[j % 2]], add=True)
        pltpu.sync_copy(ones_v, cnt_sh.at[lab_vs[j % 2]], add=True)

    start(0)
    for j in range(NB):
      if j + 1 < NB:
        start(j + 1)
      finish(j)

    @pl.when(wid == NW - 1)
    def _tail():
      pltpu.sync_copy(labf_hbm.at[pl.ds(NFULL * BATCH, TAIL)], lab_t)
      pltpu.sync_copy(feat_hbm.at[pl.ds(NFULL * BATCH, TAIL)], feat_t)
      pltpu.sync_copy(feat_t, fsum_sh.at[lab_t], add=True)
      pltpu.sync_copy(ones_v.at[pl.ds(0, TAIL)], cnt_sh.at[lab_t], add=True)

    bpw = B // NW
    pltpu.sync_copy(idx_hbm.at[pl.ds(wid * bpw, bpw)], idx_v)
    pltpu.async_copy(labf_hbm.at[idx_v], tgt_v, sem).wait()
    pltpu.sync_copy(tgt_v, tgt_out.at[pl.ds(wid * bpw, bpw)])

    plsc.subcore_barrier()

    @pl.when(sid == 0)
    def _writeback():
      pltpu.sync_copy(fsum_sh, fsum_out.at[cid])
      pltpu.sync_copy(cnt_sh, cnt_out.at[cid])

  return k(features, labels, indexes, zeros_f, zeros_c, ones_c)


def _tc_loss(inputs, fsum_parts, cnt_parts, targets2d):

  def body(x_ref, f_ref, c_ref, t_ref, loss_ref):
    x = x_ref[...]
    f = f_ref[0] + f_ref[1]
    cnt2 = c_ref[0] + c_ref[1]
    cnt_col = cnt2[:, 0:1]
    denom = TEMP * jnp.where(cnt_col > 0, cnt_col, 1.0)
    fmean = f / denom
    sim = lax.dot_general(x, fmean, (((1,), (1,)), ((), ())),
                          preferred_element_type=jnp.float32)
    ones_row = jnp.ones((1, LANES), jnp.float32)
    cnt_row = lax.dot_general(ones_row, cnt2, (((1,), (1,)), ((), ())),
                              preferred_element_type=jnp.float32)
    maskr = (cnt_row > 0).astype(jnp.float32)
    exps = jnp.exp(sim) * maskr
    sums = jnp.sum(exps, axis=1, keepdims=True) + EPS
    logp = jnp.log(exps / sums + EPS)
    t = t_ref[...]
    cls = lax.broadcasted_iota(jnp.int32, (B, CP), 1)
    onehot = (cls == t).astype(jnp.float32)
    loss = -jnp.sum(onehot * logp) * (1.0 / B)
    loss_ref[...] = jnp.reshape(loss, (1, 1))

  return pl.pallas_call(
      body,
      out_shape=jax.ShapeDtypeStruct((1, 1), jnp.float32),
  )(inputs, fsum_parts, cnt_parts, targets2d)


def kernel(inputs, indexes, features, labels):
  zeros_f = jnp.zeros((CP, D), jnp.float32)
  zeros_c = jnp.zeros((CP, LANES), jnp.float32)
  ones_c = jnp.ones((BATCH, LANES), jnp.float32)
  fsum, cnts, targets = _sc_segment_stats(
      features, labels, indexes, zeros_f, zeros_c, ones_c)
  loss = _tc_loss(inputs, fsum, cnts, targets.reshape(B, 1))
  return loss[0, 0]

# --- scband reference (transcript-rebuilt; emitter-appended) ---
"""Pipeline reference for scband-hybrid-memory-62062277427227 (READ-ONLY COPY).

The authoritative reference and input builder live on the scoring server;
editing this copy changes nothing except your own understanding.
"""

import jax, jax.numpy as jnp
import numpy as np

B = 1024
S = 100000  # num_samples (memory bank rows)
D = 64      # num_features
C = 500     # number of pseudo-label clusters
TEMP = 0.05
EPS = 1e-06


def setup_inputs(seed: int = 0) -> dict:
    key = jax.random.key(seed)
    k1, k2, k3, k4 = jax.random.split(key, 4)
    inputs = jax.random.normal(k1, (B, D), dtype=jnp.float32)
    # embeddings fed to the memory are L2-normalized in practice; keeps exp(sim/temp) finite
    inputs = inputs / (jnp.linalg.norm(inputs, axis=1, keepdims=True) + 1e-12)
    indexes = jax.random.randint(k2, (B,), 0, S, dtype=jnp.int32)
    # learned/buffered state: the memory bank features (row-normalized, as maintained by HM backward)
    features = jax.random.normal(k3, (S, D), dtype=jnp.float32)
    features = features / (jnp.linalg.norm(features, axis=1, keepdims=True) + 1e-12)
    # pseudo labels buffer (cluster assignments)
    labels = jax.random.randint(k4, (S,), 0, C, dtype=jnp.int32)
    return {"inputs": inputs, "indexes": indexes, "features": features, "labels": labels}


def reference(inputs, indexes, features, labels):
    # HM.forward: similarity against the whole memory bank
    out = inputs @ features.T            # [B, S]
    out = out / TEMP
    targets = labels[indexes]            # [B]
    # sim.index_add_(0, labels, inputs.t()) -> per-cluster sum of similarities
    sim = jax.ops.segment_sum(out.T, labels, num_segments=C)          # [C, B]
    nums = jax.ops.segment_sum(jnp.ones((S, 1), jnp.float32), labels, num_segments=C)  # [C, 1]
    mask = (nums > 0).astype(jnp.float32)                             # [C, 1]
    sim = sim / (mask * nums + (1.0 - mask))                          # cluster-mean similarity
    simT = sim.T                                                      # [B, C]
    maskT = jnp.broadcast_to(mask.T, simT.shape)                      # [B, C]
    # masked_softmax
    exps = jnp.exp(simT)
    masked_exps = exps * maskT
    masked_sums = jnp.sum(masked_exps, axis=1, keepdims=True) + EPS
    masked_sim = masked_exps / masked_sums
    logp = jnp.log(masked_sim + EPS)
    # F.nll_loss(logp, targets) with mean reduction
    loss = -jnp.mean(logp[jnp.arange(B), targets])
    return loss


if False:  # reference __main__ guard neutralized (emitter)
    out = reference(**setup_inputs())
    print(out)

if __name__ == "__main__":
    import jax
    _d = setup_inputs()
    print(jax.jit(kernel)(*tuple(_d.values())))

</pallas_src>

<mosaic_0001>
#map = affine_map<(d0, d1) -> (0, 0)>
#map1 = affine_map<(d0, d1) -> (0)>
#map2 = affine_map<(d0, d1) -> (0, 0, 0)>
module attributes {stable_mosaic.version = 14 : i64} {
  func.func @k(%arg0: i32, %arg1: i32, %arg2: memref<100000x64xf32, #tpu.memory_space<hbm>>, %arg3: memref<100000xi32, #tpu.memory_space<hbm>>, %arg4: memref<1024xi32, #tpu.memory_space<hbm>>, %arg5: memref<512x64xf32, #tpu.memory_space<hbm>>, %arg6: memref<512x16xf32, #tpu.memory_space<hbm>>, %arg7: memref<128x16xf32, #tpu.memory_space<hbm>>, %arg8: memref<2x512x64xf32, #tpu.memory_space<hbm>>, %arg9: memref<2x512x16xf32, #tpu.memory_space<hbm>>, %arg10: memref<1024xi32, #tpu.memory_space<hbm>>, %arg11: memref<128x64xf32, #tpu.memory_space<vmem>>, %arg12: memref<128x64xf32, #tpu.memory_space<vmem>>, %arg13: memref<128xi32, #tpu.memory_space<vmem>>, %arg14: memref<128xi32, #tpu.memory_space<vmem>>, %arg15: memref<32x64xf32, #tpu.memory_space<vmem>>, %arg16: memref<32xi32, #tpu.memory_space<vmem>>, %arg17: memref<128x16xf32, #tpu.memory_space<vmem>>, %arg18: memref<32xi32, #tpu.memory_space<vmem>>, %arg19: memref<32xi32, #tpu.memory_space<vmem>>, %arg20: memref<!tpu.dma_semaphore, #tpu.memory_space<semaphore_mem>>, %arg21: memref<!tpu.dma_semaphore, #tpu.memory_space<semaphore_mem>>, %arg22: memref<!tpu.dma_semaphore, #tpu.memory_space<semaphore_mem>>, %arg23: memref<!tpu.dma_semaphore, #tpu.memory_space<semaphore_mem>>, %arg24: memref<!tpu.dma_semaphore, #tpu.memory_space<semaphore_mem>>, %arg25: memref<512x64xf32, #tpu.memory_space<vmem_shared>>, %arg26: memref<512x16xf32, #tpu.memory_space<vmem_shared>>) attributes {dimension_semantics = [#tpu.dimension_semantics<core_parallel>, #tpu.dimension_semantics<subcore_parallel>], iteration_bounds = array<i64: 2, 16>, scalar_prefetch = 0 : i64, scratch_operands = 16 : i64, tpu.core_type = #tpu.core_type<sc_vector_subcore>, window_params = [{transform_indices = #map}, {transform_indices = #map1}, {transform_indices = #map1}, {transform_indices = #map}, {transform_indices = #map}, {transform_indices = #map}, {transform_indices = #map2}, {transform_indices = #map2}, {transform_indices = #map1}]} {
    %mul3A = arith.constant 16 : i32
    %mul3A_0 = arith.muli %arg0, %mul3A : i32
    %add3A = arith.addi %mul3A_0, %arg1 : i32
    %eq3A = arith.constant 0 : i32
    %eq3A_1 = arith.cmpi eq, %arg1, %eq3A : i32
    %convert_element_type3A = arith.extui %eq3A_1 : i1 to i32
    %cond3A = arith.constant 0 : i32
    %cond3A_2 = arith.cmpi ne, %convert_element_type3A, %cond3A : i32
    scf.if %cond3A_2 {
      "tpu.region"() ({
        %run_scoped3A = tpu.sem_alloc : memref<!tpu.dma_semaphore, #tpu.memory_space<semaphore_mem>>
        tpu.enqueue_dma source(%arg5 : memref<512x64xf32, #tpu.memory_space<hbm>>) target(%arg25 : memref<512x64xf32, #tpu.memory_space<vmem_shared>>) target_semaphore(%run_scoped3A : memref<!tpu.dma_semaphore, #tpu.memory_space<semaphore_mem>>)
        tpu.wait_dma2 semaphore(%run_scoped3A : memref<!tpu.dma_semaphore, #tpu.memory_space<semaphore_mem>>) src(%arg5 : memref<512x64xf32, #tpu.memory_space<hbm>>) dst(%arg25 : memref<512x64xf32, #tpu.memory_space<vmem_shared>>)
        tpu.yield
      }) : () -> ()
      "tpu.region"() ({
        %run_scoped3A = tpu.sem_alloc : memref<!tpu.dma_semaphore, #tpu.memory_space<semaphore_mem>>
        tpu.enqueue_dma source(%arg6 : memref<512x16xf32, #tpu.memory_space<hbm>>) target(%arg26 : memref<512x16xf32, #tpu.memory_space<vmem_shared>>) target_semaphore(%run_scoped3A : memref<!tpu.dma_semaphore, #tpu.memory_space<semaphore_mem>>)
        tpu.wait_dma2 semaphore(%run_scoped3A : memref<!tpu.dma_semaphore, #tpu.memory_space<semaphore_mem>>) src(%arg6 : memref<512x16xf32, #tpu.memory_space<hbm>>) dst(%arg26 : memref<512x16xf32, #tpu.memory_space<vmem_shared>>)
        tpu.yield
      }) : () -> ()
    } else {
    }
    %barrier3A = arith.constant 0 : index
    tpu.barrier barrier_id(%barrier3A)
    "tpu.region"() ({
      %run_scoped3A = tpu.sem_alloc : memref<!tpu.dma_semaphore, #tpu.memory_space<semaphore_mem>>
      tpu.enqueue_dma source(%arg7 : memref<128x16xf32, #tpu.memory_space<hbm>>) target(%arg17 : memref<128x16xf32, #tpu.memory_space<vmem>>) target_semaphore(%run_scoped3A : memref<!tpu.dma_semaphore, #tpu.memory_space<semaphore_mem>>)
      tpu.wait_dma2 semaphore(%run_scoped3A : memref<!tpu.dma_semaphore, #tpu.memory_space<semaphore_mem>>) src(%arg7 : memref<128x16xf32, #tpu.memory_space<hbm>>) dst(%arg17 : memref<128x16xf32, #tpu.memory_space<vmem>>)
      tpu.yield
    }) : () -> ()
    %add3A_3 = arith.constant 0 : i32
    %add3A_4 = arith.addi %add3A_3, %add3A : i32
    %lt3A = arith.constant 781 : i32
    %lt3A_5 = arith.cmpi slt, %add3A_4, %lt3A : i32
    %convert_element_type3A_6 = arith.extui %lt3A_5 : i1 to i32
    %cond3A_7 = arith.constant 0 : i32
    %cond3A_8 = arith.cmpi ne, %convert_element_type3A_6, %cond3A_7 : i32
    scf.if %cond3A_8 {
      %mul3A_369 = arith.constant 128 : i32
      %mul3A_370 = arith.muli %add3A_4, %mul3A_369 : i32
      %multiple_of3A = tpu.assume_multiple %mul3A_370, 128 : i32
      %dma_start3A_371 = tpu.memref_slice %arg3[%multiple_of3A] : memref<100000xi32, #tpu.memory_space<hbm>> -> memref<128xi32, #tpu.memory_space<hbm>>
      %dma_start3A_372 = tpu.memref_slice %arg3[%multiple_of3A] : memref<100000xi32, #tpu.memory_space<hbm>> -> memref<128xi32, #tpu.memory_space<hbm>>
      tpu.enqueue_dma source(%dma_start3A_372 : memref<128xi32, #tpu.memory_space<hbm>>) target(%arg13 : memref<128xi32, #tpu.memory_space<vmem>>) target_semaphore(%arg23 : memref<!tpu.dma_semaphore, #tpu.memory_space<semaphore_mem>>)
      %dma_start3A_373 = arith.constant 0 : i32
      %dma_start3A_374 = tpu.memref_slice %arg2[%multiple_of3A, %dma_start3A_373] : memref<100000x64xf32, #tpu.memory_space<hbm>> -> memref<128x64xf32, #tpu.memory_space<hbm>>
      %dma_start3A_375 = arith.constant 0 : i32
      %dma_start3A_376 = tpu.memref_slice %arg2[%multiple_of3A, %dma_start3A_375] : memref<100000x64xf32, #tpu.memory_space<hbm>> -> memref<128x64xf32, #tpu.memory_space<hbm>>
      tpu.enqueue_dma source(%dma_start3A_376 : memref<128x64xf32, #tpu.memory_space<hbm>>) target(%arg11 : memref<128x64xf32, #tpu.memory_space<vmem>>) target_semaphore(%arg21 : memref<!tpu.dma_semaphore, #tpu.memory_space<semaphore_mem>>)
    } else {
    }
    %add3A_9 = arith.constant 32 : i32
    %add3A_10 = arith.addi %add3A_9, %add3A : i32
    %lt3A_11 = arith.constant 781 : i32
    %lt3A_12 = arith.cmpi slt, %add3A_10, %lt3A_11 : i32
    %convert_element_type3A_13 = arith.extui %lt3A_12 : i1 to i32
    %cond3A_14 = arith.constant 0 : i32
    %cond3A_15 = arith.cmpi ne, %convert_element_type3A_13, %cond3A_14 : i32
    scf.if %cond3A_15 {
      %mul3A_369 = arith.constant 128 : i32
      %mul3A_370 = arith.muli %add3A_10, %mul3A_369 : i32
      %multiple_of3A = tpu.assume_multiple %mul3A_370, 128 : i32
      %dma_start3A_371 = tpu.memref_slice %arg3[%multiple_of3A] : memref<100000xi32, #tpu.memory_space<hbm>> -> memref<128xi32, #tpu.memory_space<hbm>>
      %dma_start3A_372 = tpu.memref_slice %arg3[%multiple_of3A] : memref<100000xi32, #tpu.memory_space<hbm>> -> memref<128xi32, #tpu.memory_space<hbm>>
      tpu.enqueue_dma source(%dma_start3A_372 : memref<128xi32, #tpu.memory_space<hbm>>) target(%arg14 : memref<128xi32, #tpu.memory_space<vmem>>) target_semaphore(%arg24 : memref<!tpu.dma_semaphore, #tpu.memory_space<semaphore_mem>>)
      %dma_start3A_373 = arith.constant 0 : i32
      %dma_start3A_374 = tpu.memref_slice %arg2[%multiple_of3A, %dma_start3A_373] : memref<100000x64xf32, #tpu.memory_space<hbm>> -> memref<128x64xf32, #tpu.memory_space<hbm>>
      %dma_start3A_375 = arith.constant 0 : i32
      %dma_start3A_376 = tpu.memref_slice %arg2[%multiple_of3A, %dma_start3A_375] : memref<100000x64xf32, #tpu.memory_space<hbm>> -> memref<128x64xf32, #tpu.memory_space<hbm>>
      tpu.enqueue_dma source(%dma_start3A_376 : memref<128x64xf32, #tpu.memory_space<hbm>>) target(%arg12 : memref<128x64xf32, #tpu.memory_space<vmem>>) target_semaphore(%arg22 : memref<!tpu.dma_semaphore, #tpu.memory_space<semaphore_mem>>)
    } else {
    }
    %add3A_16 = arith.constant 0 : i32
    %add3A_17 = arith.addi %add3A_16, %add3A : i32
    %lt3A_18 = arith.constant 781 : i32
    %lt3A_19 = arith.cmpi slt, %add3A_17, %lt3A_18 : i32
    %convert_element_type3A_20 = arith.extui %lt3A_19 : i1 to i32
    %cond3A_21 = arith.constant 0 : i32
    %cond3A_22 = arith.cmpi ne, %convert_element_type3A_20, %cond3A_21 : i32
    scf.if %cond3A_22 {
      %mul3A_369 = arith.constant 128 : i32
      %mul3A_370 = arith.muli %add3A_17, %mul3A_369 : i32
      %multiple_of3A = tpu.assume_multiple %mul3A_370, 128 : i32
      %dma_wait3A_371 = tpu.memref_slice %arg3[%multiple_of3A] : memref<100000xi32, #tpu.memory_space<hbm>> -> memref<128xi32, #tpu.memory_space<hbm>>
      %dma_wait3A_372 = tpu.memref_slice %arg3[%multiple_of3A] : memref<100000xi32, #tpu.memory_space<hbm>> -> memref<128xi32, #tpu.memory_space<hbm>>
      tpu.wait_dma2 semaphore(%arg23 : memref<!tpu.dma_semaphore, #tpu.memory_space<semaphore_mem>>) src(%dma_wait3A_372 : memref<128xi32, #tpu.memory_space<hbm>>) dst(%arg13 : memref<128xi32, #tpu.memory_space<vmem>>)
      %dma_wait3A_373 = arith.constant 0 : i32
      %dma_wait3A_374 = tpu.memref_slice %arg2[%multiple_of3A, %dma_wait3A_373] : memref<100000x64xf32, #tpu.memory_space<hbm>> -> memref<128x64xf32, #tpu.memory_space<hbm>>
      %dma_wait3A_375 = arith.constant 0 : i32
      %dma_wait3A_376 = tpu.memref_slice %arg2[%multiple_of3A, %dma_wait3A_375] : memref<100000x64xf32, #tpu.memory_space<hbm>> -> memref<128x64xf32, #tpu.memory_space<hbm>>
      tpu.wait_dma2 semaphore(%arg21 : memref<!tpu.dma_semaphore, #tpu.memory_space<semaphore_mem>>) src(%dma_wait3A_376 : memref<128x64xf32, #tpu.memory_space<hbm>>) dst(%arg11 : memref<128x64xf32, #tpu.memory_space<vmem>>)
      "tpu.region"() ({
        %run_scoped3A = tpu.sem_alloc : memref<!tpu.dma_semaphore, #tpu.memory_space<semaphore_mem>>
        %dma_start3A_377 = arith.constant 0 : i32
        %dma_start3A_378 = arith.constant 0 : i32
        %dma_start3A_379 = tpu.memref_slice %arg25[%dma_start3A_377, %dma_start3A_378] : memref<512x64xf32, #tpu.memory_space<vmem_shared>> -> memref<512x64xf32, #tpu.memory_space<vmem_shared>>
        tpu.enqueue_indirect_dma source(%arg11 : memref<128x64xf32, #tpu.memory_space<vmem>>) target(%dma_start3A_379 : memref<512x64xf32, #tpu.memory_space<vmem_shared>>) offsets(%arg13 : memref<128xi32, #tpu.memory_space<vmem>>) semaphore(%run_scoped3A : memref<!tpu.dma_semaphore, #tpu.memory_space<semaphore_mem>>) {add = true}
        %dma_wait3A_380 = arith.constant 0 : i32
        %dma_wait3A_381 = arith.constant 0 : i32
        %dma_wait3A_382 = tpu.memref_slice %arg25[%dma_wait3A_380, %dma_wait3A_381] : memref<512x64xf32, #tpu.memory_space<vmem_shared>> -> memref<512x64xf32, #tpu.memory_space<vmem_shared>>
        tpu.wait_indirect_dma semaphore(%run_scoped3A : memref<!tpu.dma_semaphore, #tpu.memory_space<semaphore_mem>>) src(%arg11 : memref<128x64xf32, #tpu.memory_space<vmem>>) dst(%dma_wait3A_382 : memref<512x64xf32, #tpu.memory_space<vmem_shared>>)
        tpu.yield
      }) : () -> ()
      "tpu.region"() ({
        %run_scoped3A = tpu.sem_alloc : memref<!tpu.dma_semaphore, #tpu.memory_space<semaphore_mem>>
        %dma_start3A_377 = arith.constant 0 : i32
        %dma_start3A_378 = arith.constant 0 : i32
        %dma_start3A_379 = tpu.memref_slice %arg26[%dma_start3A_377, %dma_start3A_378] : memref<512x16xf32, #tpu.memory_space<vmem_shared>> -> memref<512x16xf32, #tpu.memory_space<vmem_shared>>
        tpu.enqueue_indirect_dma source(%arg17 : memref<128x16xf32, #tpu.memory_space<vmem>>) target(%dma_start3A_379 : memref<512x16xf32, #tpu.memory_space<vmem_shared>>) offsets(%arg13 : memref<128xi32, #tpu.memory_space<vmem>>) semaphore(%run_scoped3A : memref<!tpu.dma_semaphore, #tpu.memory_space<semaphore_mem>>) {add = true}
        %dma_wait3A_380 = arith.constant 0 : i32
        %dma_wait3A_381 = arith.constant 0 : i32
        %dma_wait3A_382 = tpu.memref_slice %arg26[%dma_wait3A_380, %dma_wait3A_381] : memref<512x16xf32, #tpu.memory_space<vmem_shared>> -> memref<512x16xf32, #tpu.memory_space<vmem_shared>>
        tpu.wait_indirect_dma semaphore(%run_scoped3A : memref<!tpu.dma_semaphore, #tpu.memory_space<semaphore_mem>>) src(%arg17 : memref<128x16xf32, #tpu.memory_space<vmem>>) dst(%dma_wait3A_382 : memref<512x16xf32, #tpu.memory_space<vmem_shared>>)
        tpu.yield
      }) : () -> ()
    } else {
    }
    %add3A_23 = arith.constant 64 : i32
    %add3A_24 = arith.addi %add3A_23, %add3A : i32
    %lt3A_25 = arith.constant 781 : i32
    %lt3A_26 = arith.cmpi slt, %add3A_24, %lt3A_25 : i32
    %convert_element_type3A_27 = arith.extui %lt3A_26 : i1 to i32
    %cond3A_28 = arith.constant 0 : i32
    %cond3A_29 = arith.cmpi ne, %convert_element_type3A_27, %cond3A_28 : i32
    scf.if %cond3A_29 {
      %mul3A_369 = arith.constant 128 : i32
      %mul3A_370 = arith.muli %add3A_24, %mul3A_369 : i32
      %multiple_of3A = tpu.assume_multiple %mul3A_370, 128 : i32
      %dma_start3A_371 = tpu.memref_slice %arg3[%multiple_of3A] : memref<100000xi32, #tpu.memory_space<hbm>> -> memref<128xi32, #tpu.memory_space<hbm>>
      %dma_start3A_372 = tpu.memref_slice %arg3[%multiple_of3A] : memref<100000xi32, #tpu.memory_space<hbm>> -> memref<128xi32, #tpu.memory_space<hbm>>
      tpu.enqueue_dma source(%dma_start3A_372 : memref<128xi32, #tpu.memory_space<hbm>>) target(%arg13 : memref<128xi32, #tpu.memory_space<vmem>>) target_semaphore(%arg23 : memref<!tpu.dma_semaphore, #tpu.memory_space<semaphore_mem>>)
      %dma_start3A_373 = arith.constant 0 : i32
      %dma_start3A_374 = tpu.memref_slice %arg2[%multiple_of3A, %dma_start3A_373] : memref<100000x64xf32, #tpu.memory_space<hbm>> -> memref<128x64xf32, #tpu.memory_space<hbm>>
      %dma_start3A_375 = arith.constant 0 : i32
      %dma_start3A_376 = tpu.memref_slice %arg2[%multiple_of3A, %dma_start3A_375] : memref<100000x64xf32, #tpu.memory_space<hbm>> -> memref<128x64xf32, #tpu.memory_space<hbm>>
      tpu.enqueue_dma source(%dma_start3A_376 : memref<128x64xf32, #tpu.memory_space<hbm>>) target(%arg11 : memref<128x64xf32, #tpu.memory_space<vmem>>) target_semaphore(%arg21 : memref<!tpu.dma_semaphore, #tpu.memory_space<semaphore_mem>>)
    } else {
    }
    %add3A_30 = arith.constant 32 : i32
    %add3A_31 = arith.addi %add3A_30, %add3A : i32
    %lt3A_32 = arith.constant 781 : i32
    %lt3A_33 = arith.cmpi slt, %add3A_31, %lt3A_32 : i32
    %convert_element_type3A_34 = arith.extui %lt3A_33 : i1 to i32
    %cond3A_35 = arith.constant 0 : i32
    %cond3A_36 = arith.cmpi ne, %convert_element_type3A_34, %cond3A_35 : i32
    scf.if %cond3A_36 {
      %mul3A_369 = arith.constant 128 : i32
      %mul3A_370 = arith.muli %add3A_31, %mul3A_369 : i32
      %multiple_of3A = tpu.assume_multiple %mul3A_370, 128 : i32
      %dma_wait3A_371 = tpu.memref_slice %arg3[%multiple_of3A] : memref<100000xi32, #tpu.memory_space<hbm>> -> memref<128xi32, #tpu.memory_space<hbm>>
      %dma_wait3A_372 = tpu.memref_slice %arg3[%multiple_of3A] : memref<100000xi32, #tpu.memory_space<hbm>> -> memref<128xi32, #tpu.memory_space<hbm>>
      tpu.wait_dma2 semaphore(%arg24 : memref<!tpu.dma_semaphore, #tpu.memory_space<semaphore_mem>>) src(%dma_wait3A_372 : memref<128xi32, #tpu.memory_space<hbm>>) dst(%arg14 : memref<128xi32, #tpu.memory_space<vmem>>)
      %dma_wait3A_373 = arith.constant 0 : i32
      %dma_wait3A_374 = tpu.memref_slice %arg2[%multiple_of3A, %dma_wait3A_373] : memref<100000x64xf32, #tpu.memory_space<hbm>> -> memref<128x64xf32, #tpu.memory_space<hbm>>
      %dma_wait3A_375 = arith.constant 0 : i32
      %dma_wait3A_376 = tpu.memref_slice %arg2[%multiple_of3A, %dma_wait3A_375] : memref<100000x64xf32, #tpu.memory_space<hbm>> -> memref<128x64xf32, #tpu.memory_space<hbm>>
      tpu.wait_dma2 semaphore(%arg22 : memref<!tpu.dma_semaphore, #tpu.memory_space<semaphore_mem>>) src(%dma_wait3A_376 : memref<128x64xf32, #tpu.memory_space<hbm>>) dst(%arg12 : memref<128x64xf32, #tpu.memory_space<vmem>>)
      "tpu.region"() ({
        %run_scoped3A = tpu.sem_alloc : memref<!tpu.dma_semaphore, #tpu.memory_space<semaphore_mem>>
        %dma_start3A_377 = arith.constant 0 : i32
        %dma_start3A_378 = arith.constant 0 : i32
        %dma_start3A_379 = tpu.memref_slice %arg25[%dma_start3A_377, %dma_start3A_378] : memref<512x64xf32, #tpu.memory_space<vmem_shared>> -> memref<512x64xf32, #tpu.memory_space<vmem_shared>>
        tpu.enqueue_indirect_dma source(%arg12 : memref<128x64xf32, #tpu.memory_space<vmem>>) target(%dma_start3A_379 : memref<512x64xf32, #tpu.memory_space<vmem_shared>>) offsets(%arg14 : memref<128xi32, #tpu.memory_space<vmem>>) semaphore(%run_scoped3A : memref<!tpu.dma_semaphore, #tpu.memory_space<semaphore_mem>>) {add = true}
        %dma_wait3A_380 = arith.constant 0 : i32
        %dma_wait3A_381 = arith.constant 0 : i32
        %dma_wait3A_382 = tpu.memref_slice %arg25[%dma_wait3A_380, %dma_wait3A_381] : memref<512x64xf32, #tpu.memory_space<vmem_shared>> -> memref<512x64xf32, #tpu.memory_space<vmem_shared>>
        tpu.wait_indirect_dma semaphore(%run_scoped3A : memref<!tpu.dma_semaphore, #tpu.memory_space<semaphore_mem>>) src(%arg12 : memref<128x64xf32, #tpu.memory_space<vmem>>) dst(%dma_wait3A_382 : memref<512x64xf32, #tpu.memory_space<vmem_shared>>)
        tpu.yield
      }) : () -> ()
      "tpu.region"() ({
        %run_scoped3A = tpu.sem_alloc : memref<!tpu.dma_semaphore, #tpu.memory_space<semaphore_mem>>
        %dma_start3A_377 = arith.constant 0 : i32
        %dma_start3A_378 = arith.constant 0 : i32
        %dma_start3A_379 = tpu.memref_slice %arg26[%dma_start3A_377, %dma_start3A_378] : memref<512x16xf32, #tpu.memory_space<vmem_shared>> -> memref<512x16xf32, #tpu.memory_space<vmem_shared>>
        tpu.enqueue_indirect_dma source(%arg17 : memref<128x16xf32, #tpu.memory_space<vmem>>) target(%dma_start3A_379 : memref<512x16xf32, #tpu.memory_space<vmem_shared>>) offsets(%arg14 : memref<128xi32, #tpu.memory_space<vmem>>) semaphore(%run_scoped3A : memref<!tpu.dma_semaphore, #tpu.memory_space<semaphore_mem>>) {add = true}
        %dma_wait3A_380 = arith.constant 0 : i32
        %dma_wait3A_381 = arith.constant 0 : i32
        %dma_wait3A_382 = tpu.memref_slice %arg26[%dma_wait3A_380, %dma_wait3A_381] : memref<512x16xf32, #tpu.memory_space<vmem_shared>> -> memref<512x16xf32, #tpu.memory_space<vmem_shared>>
        tpu.wait_indirect_dma semaphore(%run_scoped3A : memref<!tpu.dma_semaphore, #tpu.memory_space<semaphore_mem>>) src(%arg17 : memref<128x16xf32, #tpu.memory_space<vmem>>) dst(%dma_wait3A_382 : memref<512x16xf32, #tpu.memory_space<vmem_shared>>)
        tpu.yield
      }) : () -> ()
    } else {
    }
    %add3A_37 = arith.constant 96 : i32
    %add3A_38 = arith.addi %add3A_37, %add3A : i32
    %lt3A_39 = arith.constant 781 : i32
    %lt3A_40 = arith.cmpi slt, %add3A_38, %lt3A_39 : i32
    %convert_element_type3A_41 = arith.extui %lt3A_40 : i1 to i32
    %cond3A_42 = arith.constant 0 : i32
    %cond3A_43 = arith.cmpi ne, %convert_element_type3A_41, %cond3A_42 : i32
    scf.if %cond3A_43 {
      %mul3A_369 = arith.constant 128 : i32
      %mul3A_370 = arith.muli %add3A_38, %mul3A_369 : i32
      %multiple_of3A = tpu.assume_multiple %mul3A_370, 128 : i32
      %dma_start3A_371 = tpu.memref_slice %arg3[%multiple_of3A] : memref<100000xi32, #tpu.memory_space<hbm>> -> memref<128xi32, #tpu.memory_space<hbm>>
      %dma_start3A_372 = tpu.memref_slice %arg3[%multiple_of3A] : memref<100000xi32, #tpu.memory_space<hbm>> -> memref<128xi32, #tpu.memory_space<hbm>>
      tpu.enqueue_dma source(%dma_start3A_372 : memref<128xi32, #tpu.memory_space<hbm>>) target(%arg14 : memref<128xi32, #tpu.memory_space<vmem>>) target_semaphore(%arg24 : memref<!tpu.dma_semaphore, #tpu.memory_space<semaphore_mem>>)
      %dma_start3A_373 = arith.constant 0 : i32
      %dma_start3A_374 = tpu.memref_slice %arg2[%multiple_of3A, %dma_start3A_373] : memref<100000x64xf32, #tpu.memory_space<hbm>> -> memref<128x64xf32, #tpu.memory_space<hbm>>
      %dma_start3A_375 = arith.constant 0 : i32
      %dma_start3A_376 = tpu.memref_slice %arg2[%multiple_of3A, %dma_start3A_375] : memref<100000x64xf32, #tpu.memory_space<hbm>> -> memref<128x64xf32, #tpu.memory_space<hbm>>
      tpu.enqueue_dma source(%dma_start3A_376 : memref<128x64xf32, #tpu.memory_space<hbm>>) target(%arg12 : memref<128x64xf32, #tpu.memory_space<vmem>>) target_semaphore(%arg22 : memref<!tpu.dma_semaphore, #tpu.memory_space<semaphore_mem>>)
    } else {
    }
    %add3A_44 = arith.constant 64 : i32
    %add3A_45 = arith.addi %add3A_44, %add3A : i32
    %lt3A_46 = arith.constant 781 : i32
    %lt3A_47 = arith.cmpi slt, %add3A_45, %lt3A_46 : i32
    %convert_element_type3A_48 = arith.extui %lt3A_47 : i1 to i32
    %cond3A_49 = arith.constant 0 : i32
    %cond3A_50 = arith.cmpi ne, %convert_element_type3A_48, %cond3A_49 : i32
    scf.if %cond3A_50 {
      %mul3A_369 = arith.constant 128 : i32
      %mul3A_370 = arith.muli %add3A_45, %mul3A_369 : i32
      %multiple_of3A = tpu.assume_multiple %mul3A_370, 128 : i32
      %dma_wait3A_371 = tpu.memref_slice %arg3[%multiple_of3A] : memref<100000xi32, #tpu.memory_space<hbm>> -> memref<128xi32, #tpu.memory_space<hbm>>
      %dma_wait3A_372 = tpu.memref_slice %arg3[%multiple_of3A] : memref<100000xi32, #tpu.memory_space<hbm>> -> memref<128xi32, #tpu.memory_space<hbm>>
      tpu.wait_dma2 semaphore(%arg23 : memref<!tpu.dma_semaphore, #tpu.memory_space<semaphore_mem>>) src(%dma_wait3A_372 : memref<128xi32, #tpu.memory_space<hbm>>) dst(%arg13 : memref<128xi32, #tpu.memory_space<vmem>>)
      %dma_wait3A_373 = arith.constant 0 : i32
      %dma_wait3A_374 = tpu.memref_slice %arg2[%multiple_of3A, %dma_wait3A_373] : memref<100000x64xf32, #tpu.memory_space<hbm>> -> memref<128x64xf32, #tpu.memory_space<hbm>>
      %dma_wait3A_375 = arith.constant 0 : i32
      %dma_wait3A_376 = tpu.memref_slice %arg2[%multiple_of3A, %dma_wait3A_375] : memref<100000x64xf32, #tpu.memory_space<hbm>> -> memref<128x64xf32, #tpu.memory_space<hbm>>
      tpu.wait_dma2 semaphore(%arg21 : memref<!tpu.dma_semaphore, #tpu.memory_space<semaphore_mem>>) src(%dma_wait3A_376 : memref<128x64xf32, #tpu.memory_space<hbm>>) dst(%arg11 : memref<128x64xf32, #tpu.memory_space<vmem>>)
      "tpu.region"() ({
        %run_scoped3A = tpu.sem_alloc : memref<!tpu.dma_semaphore, #tpu.memory_space<semaphore_mem>>
        %dma_start3A_377 = arith.constant 0 : i32
        %dma_start3A_378 = arith.constant 0 : i32
        %dma_start3A_379 = tpu.memref_slice %arg25[%dma_start3A_377, %dma_start3A_378] : memref<512x64xf32, #tpu.memory_space<vmem_shared>> -> memref<512x64xf32, #tpu.memory_space<vmem_shared>>
        tpu.enqueue_indirect_dma source(%arg11 : memref<128x64xf32, #tpu.memory_space<vmem>>) target(%dma_start3A_379 : memref<512x64xf32, #tpu.memory_space<vmem_shared>>) offsets(%arg13 : memref<128xi32, #tpu.memory_space<vmem>>) semaphore(%run_scoped3A : memref<!tpu.dma_semaphore, #tpu.memory_space<semaphore_mem>>) {add = true}
        %dma_wait3A_380 = arith.constant 0 : i32
        %dma_wait3A_381 = arith.constant 0 : i32
        %dma_wait3A_382 = tpu.memref_slice %arg25[%dma_wait3A_380, %dma_wait3A_381] : memref<512x64xf32, #tpu.memory_space<vmem_shared>> -> memref<512x64xf32, #tpu.memory_space<vmem_shared>>
        tpu.wait_indirect_dma semaphore(%run_scoped3A : memref<!tpu.dma_semaphore, #tpu.memory_space<semaphore_mem>>) src(%arg11 : memref<128x64xf32, #tpu.memory_space<vmem>>) dst(%dma_wait3A_382 : memref<512x64xf32, #tpu.memory_space<vmem_shared>>)
        tpu.yield
      }) : () -> ()
      "tpu.region"() ({
        %run_scoped3A = tpu.sem_alloc : memref<!tpu.dma_semaphore, #tpu.memory_space<semaphore_mem>>
        %dma_start3A_377 = arith.constant 0 : i32
        %dma_start3A_378 = arith.constant 0 : i32
        %dma_start3A_379 = tpu.memref_slice %arg26[%dma_start3A_377, %dma_start3A_378] : memref<512x16xf32, #tpu.memory_space<vmem_shared>> -> memref<512x16xf32, #tpu.memory_space<vmem_shared>>
        tpu.enqueue_indirect_dma source(%arg17 : memref<128x16xf32, #tpu.memory_space<vmem>>) target(%dma_start3A_379 : memref<512x16xf32, #tpu.memory_space<vmem_shared>>) offsets(%arg13 : memref<128xi32, #tpu.memory_space<vmem>>) semaphore(%run_scoped3A : memref<!tpu.dma_semaphore, #tpu.memory_space<semaphore_mem>>) {add = true}
        %dma_wait3A_380 = arith.constant 0 : i32
        %dma_wait3A_381 = arith.constant 0 : i32
        %dma_wait3A_382 = tpu.memref_slice %arg26[%dma_wait3A_380, %dma_wait3A_381] : memref<512x16xf32, #tpu.memory_space<vmem_shared>> -> memref<512x16xf32, #tpu.memory_space<vmem_shared>>
        tpu.wait_indirect_dma semaphore(%run_scoped3A : memref<!tpu.dma_semaphore, #tpu.memory_space<semaphore_mem>>) src(%arg17 : memref<128x16xf32, #tpu.memory_space<vmem>>) dst(%dma_wait3A_382 : memref<512x16xf32, #tpu.memory_space<vmem_shared>>)
        tpu.yield
      }) : () -> ()
    } else {
    }
    %add3A_51 = arith.constant 128 : i32
    %add3A_52 = arith.addi %add3A_51, %add3A : i32
    %lt3A_53 = arith.constant 781 : i32
    %lt3A_54 = arith.cmpi slt, %add3A_52, %lt3A_53 : i32
    %convert_element_type3A_55 = arith.extui %lt3A_54 : i1 to i32
    %cond3A_56 = arith.constant 0 : i32
    %cond3A_57 = arith.cmpi ne, %convert_element_type3A_55, %cond3A_56 : i32
    scf.if %cond3A_57 {
      %mul3A_369 = arith.constant 128 : i32
      %mul3A_370 = arith.muli %add3A_52, %mul3A_369 : i32
      %multiple_of3A = tpu.assume_multiple %mul3A_370, 128 : i32
      %dma_start3A_371 = tpu.memref_slice %arg3[%multiple_of3A] : memref<100000xi32, #tpu.memory_space<hbm>> -> memref<128xi32, #tpu.memory_space<hbm>>
      %dma_start3A_372 = tpu.memref_slice %arg3[%multiple_of3A] : memref<100000xi32, #tpu.memory_space<hbm>> -> memref<128xi32, #tpu.memory_space<hbm>>
      tpu.enqueue_dma source(%dma_start3A_372 : memref<128xi32, #tpu.memory_space<hbm>>) target(%arg13 : memref<128xi32, #tpu.memory_space<vmem>>) target_semaphore(%arg23 : memref<!tpu.dma_semaphore, #tpu.memory_space<semaphore_mem>>)
      %dma_start3A_373 = arith.constant 0 : i32
      %dma_start3A_374 = tpu.memref_slice %arg2[%multiple_of3A, %dma_start3A_373] : memref<100000x64xf32, #tpu.memory_space<hbm>> -> memref<128x64xf32, #tpu.memory_space<hbm>>
      %dma_start3A_375 = arith.constant 0 : i32
      %dma_start3A_376 = tpu.memref_slice %arg2[%multiple_of3A, %dma_start3A_375] : memref<100000x64xf32, #tpu.memory_space<hbm>> -> memref<128x64xf32, #tpu.memory_space<hbm>>
      tpu.enqueue_dma source(%dma_start3A_376 : memref<128x64xf32, #tpu.memory_space<hbm>>) target(%arg11 : memref<128x64xf32, #tpu.memory_space<vmem>>) target_semaphore(%arg21 : memref<!tpu.dma_semaphore, #tpu.memory_space<semaphore_mem>>)
    } else {
    }
    %add3A_58 = arith.constant 96 : i32
    %add3A_59 = arith.addi %add3A_58, %add3A : i32
    %lt3A_60 = arith.constant 781 : i32
    %lt3A_61 = arith.cmpi slt, %add3A_59, %lt3A_60 : i32
    %convert_element_type3A_62 = arith.extui %lt3A_61 : i1 to i32
    %cond3A_63 = arith.constant 0 : i32
    %cond3A_64 = arith.cmpi ne, %convert_element_type3A_62, %cond3A_63 : i32
    scf.if %cond3A_64 {
      %mul3A_369 = arith.constant 128 : i32
      %mul3A_370 = arith.muli %add3A_59, %mul3A_369 : i32
      %multiple_of3A = tpu.assume_multiple %mul3A_370, 128 : i32
      %dma_wait3A_371 = tpu.memref_slice %arg3[%multiple_of3A] : memref<100000xi32, #tpu.memory_space<hbm>> -> memref<128xi32, #tpu.memory_space<hbm>>
      %dma_wait3A_372 = tpu.memref_slice %arg3[%multiple_of3A] : memref<100000xi32, #tpu.memory_space<hbm>> -> memref<128xi32, #tpu.memory_space<hbm>>
      tpu.wait_dma2 semaphore(%arg24 : memref<!tpu.dma_semaphore, #tpu.memory_space<semaphore_mem>>) src(%dma_wait3A_372 : memref<128xi32, #tpu.memory_space<hbm>>) dst(%arg14 : memref<128xi32, #tpu.memory_space<vmem>>)
      %dma_wait3A_373 = arith.constant 0 : i32
      %dma_wait3A_374 = tpu.memref_slice %arg2[%multiple_of3A, %dma_wait3A_373] : memref<100000x64xf32, #tpu.memory_space<hbm>> -> memref<128x64xf32, #tpu.memory_space<hbm>>
      %dma_wait3A_375 = arith.constant 0 : i32
      %dma_wait3A_376 = tpu.memref_slice %arg2[%multiple_of3A, %dma_wait3A_375] : memref<100000x64xf32, #tpu.memory_space<hbm>> -> memref<128x64xf32, #tpu.memory_space<hbm>>
      tpu.wait_dma2 semaphore(%arg22 : memref<!tpu.dma_semaphore, #tpu.memory_space<semaphore_mem>>) src(%dma_wait3A_376 : memref<128x64xf32, #tpu.memory_space<hbm>>) dst(%arg12 : memref<128x64xf32, #tpu.memory_space<vmem>>)
      "tpu.region"() ({
        %run_scoped3A = tpu.sem_alloc : memref<!tpu.dma_semaphore, #tpu.memory_space<semaphore_mem>>
        %dma_start3A_377 = arith.constant 0 : i32
        %dma_start3A_378 = arith.constant 0 : i32
        %dma_start3A_379 = tpu.memref_slice %arg25[%dma_start3A_377, %dma_start3A_378] : memref<512x64xf32, #tpu.memory_space<vmem_shared>> -> memref<512x64xf32, #tpu.memory_space<vmem_shared>>
        tpu.enqueue_indirect_dma source(%arg12 : memref<128x64xf32, #tpu.memory_space<vmem>>) target(%dma_start3A_379 : memref<512x64xf32, #tpu.memory_space<vmem_shared>>) offsets(%arg14 : memref<128xi32, #tpu.memory_space<vmem>>) semaphore(%run_scoped3A : memref<!tpu.dma_semaphore, #tpu.memory_space<semaphore_mem>>) {add = true}
        %dma_wait3A_380 = arith.constant 0 : i32
        %dma_wait3A_381 = arith.constant 0 : i32
        %dma_wait3A_382 = tpu.memref_slice %arg25[%dma_wait3A_380, %dma_wait3A_381] : memref<512x64xf32, #tpu.memory_space<vmem_shared>> -> memref<512x64xf32, #tpu.memory_space<vmem_shared>>
        tpu.wait_indirect_dma semaphore(%run_scoped3A : memref<!tpu.dma_semaphore, #tpu.memory_space<semaphore_mem>>) src(%arg12 : memref<128x64xf32, #tpu.memory_space<vmem>>) dst(%dma_wait3A_382 : memref<512x64xf32, #tpu.memory_space<vmem_shared>>)
        tpu.yield
      }) : () -> ()
      "tpu.region"() ({
        %run_scoped3A = tpu.sem_alloc : memref<!tpu.dma_semaphore, #tpu.memory_space<semaphore_mem>>
        %dma_start3A_377 = arith.constant 0 : i32
        %dma_start3A_378 = arith.constant 0 : i32
        %dma_start3A_379 = tpu.memref_slice %arg26[%dma_start3A_377, %dma_start3A_378] : memref<512x16xf32, #tpu.memory_space<vmem_shared>> -> memref<512x16xf32, #tpu.memory_space<vmem_shared>>
        tpu.enqueue_indirect_dma source(%arg17 : memref<128x16xf32, #tpu.memory_space<vmem>>) target(%dma_start3A_379 : memref<512x16xf32, #tpu.memory_space<vmem_shared>>) offsets(%arg14 : memref<128xi32, #tpu.memory_space<vmem>>) semaphore(%run_scoped3A : memref<!tpu.dma_semaphore, #tpu.memory_space<semaphore_mem>>) {add = true}
        %dma_wait3A_380 = arith.constant 0 : i32
        %dma_wait3A_381 = arith.constant 0 : i32
        %dma_wait3A_382 = tpu.memref_slice %arg26[%dma_wait3A_380, %dma_wait3A_381] : memref<512x16xf32, #tpu.memory_space<vmem_shared>> -> memref<512x16xf32, #tpu.memory_space<vmem_shared>>
        tpu.wait_indirect_dma semaphore(%run_scoped3A : memref<!tpu.dma_semaphore, #tpu.memory_space<semaphore_mem>>) src(%arg17 : memref<128x16xf32, #tpu.memory_space<vmem>>) dst(%dma_wait3A_382 : memref<512x16xf32, #tpu.memory_space<vmem_shared>>)
        tpu.yield
      }) : () -> ()
    } else {
    }
    %add3A_65 = arith.constant 160 : i32
    %add3A_66 = arith.addi %add3A_65, %add3A : i32
    %lt3A_67 = arith.constant 781 : i32
    %lt3A_68 = arith.cmpi slt, %add3A_66, %lt3A_67 : i32
    %convert_element_type3A_69 = arith.extui %lt3A_68 : i1 to i32
    %cond3A_70 = arith.constant 0 : i32
    %cond3A_71 = arith.cmpi ne, %convert_element_type3A_69, %cond3A_70 : i32
    scf.if %cond3A_71 {
      %mul3A_369 = arith.constant 128 : i32
      %mul3A_370 = arith.muli %add3A_66, %mul3A_369 : i32
      %multiple_of3A = tpu.assume_multiple %mul3A_370, 128 : i32
      %dma_start3A_371 = tpu.memref_slice %arg3[%multiple_of3A] : memref<100000xi32, #tpu.memory_space<hbm>> -> memref<128xi32, #tpu.memory_space<hbm>>
      %dma_start3A_372 = tpu.memref_slice %arg3[%multiple_of3A] : memref<100000xi32, #tpu.memory_space<hbm>> -> memref<128xi32, #tpu.memory_space<hbm>>
      tpu.enqueue_dma source(%dma_start3A_372 : memref<128xi32, #tpu.memory_space<hbm>>) target(%arg14 : memref<128xi32, #tpu.memory_space<vmem>>) target_semaphore(%arg24 : memref<!tpu.dma_semaphore, #tpu.memory_space<semaphore_mem>>)
      %dma_start3A_373 = arith.constant 0 : i32
      %dma_start3A_374 = tpu.memref_slice %arg2[%multiple_of3A, %dma_start3A_373] : memref<100000x64xf32, #tpu.memory_space<hbm>> -> memref<128x64xf32, #tpu.memory_space<hbm>>
      %dma_start3A_375 = arith.constant 0 : i32
      %dma_start3A_376 = tpu.memref_slice %arg2[%multiple_of3A, %dma_start3A_375] : memref<100000x64xf32, #tpu.memory_space<hbm>> -> memref<128x64xf32, #tpu.memory_space<hbm>>
      tpu.enqueue_dma source(%dma_start3A_376 : memref<128x64xf32, #tpu.memory_space<hbm>>) target(%arg12 : memref<128x64xf32, #tpu.memory_space<vmem>>) target_semaphore(%arg22 : memref<!tpu.dma_semaphore, #tpu.memory_space<semaphore_mem>>)
    } else {
    }
    %add3A_72 = arith.constant 128 : i32
    %add3A_73 = arith.addi %add3A_72, %add3A : i32
    %lt3A_74 = arith.constant 781 : i32
    %lt3A_75 = arith.cmpi slt, %add3A_73, %lt3A_74 : i32
    %convert_element_type3A_76 = arith.extui %lt3A_75 : i1 to i32
    %cond3A_77 = arith.constant 0 : i32
    %cond3A_78 = arith.cmpi ne, %convert_element_type3A_76, %cond3A_77 : i32
    scf.if %cond3A_78 {
      %mul3A_369 = arith.constant 128 : i32
      %mul3A_370 = arith.muli %add3A_73, %mul3A_369 : i32
      %multiple_of3A = tpu.assume_multiple %mul3A_370, 128 : i32
      %dma_wait3A_371 = tpu.memref_slice %arg3[%multiple_of3A] : memref<100000xi32, #tpu.memory_space<hbm>> -> memref<128xi32, #tpu.memory_space<hbm>>
      %dma_wait3A_372 = tpu.memref_slice %arg3[%multiple_of3A] : memref<100000xi32, #tpu.memory_space<hbm>> -> memref<128xi32, #tpu.memory_space<hbm>>
      tpu.wait_dma2 semaphore(%arg23 : memref<!tpu.dma_semaphore, #tpu.memory_space<semaphore_mem>>) src(%dma_wait3A_372 : memref<128xi32, #tpu.memory_space<hbm>>) dst(%arg13 : memref<128xi32, #tpu.memory_space<vmem>>)
      %dma_wait3A_373 = arith.constant 0 : i32
      %dma_wait3A_374 = tpu.memref_slice %arg2[%multiple_of3A, %dma_wait3A_373] : memref<100000x64xf32, #tpu.memory_space<hbm>> -> memref<128x64xf32, #tpu.memory_space<hbm>>
      %dma_wait3A_375 = arith.constant 0 : i32
      %dma_wait3A_376 = tpu.memref_slice %arg2[%multiple_of3A, %dma_wait3A_375] : memref<100000x64xf32, #tpu.memory_space<hbm>> -> memref<128x64xf32, #tpu.memory_space<hbm>>
      tpu.wait_dma2 semaphore(%arg21 : memref<!tpu.dma_semaphore, #tpu.memory_space<semaphore_mem>>) src(%dma_wait3A_376 : memref<128x64xf32, #tpu.memory_space<hbm>>) dst(%arg11 : memref<128x64xf32, #tpu.memory_space<vmem>>)
      "tpu.region"() ({
        %run_scoped3A = tpu.sem_alloc : memref<!tpu.dma_semaphore, #tpu.memory_space<semaphore_mem>>
        %dma_start3A_377 = arith.constant 0 : i32
        %dma_start3A_378 = arith.constant 0 : i32
        %dma_start3A_379 = tpu.memref_slice %arg25[%dma_start3A_377, %dma_start3A_378] : memref<512x64xf32, #tpu.memory_space<vmem_shared>> -> memref<512x64xf32, #tpu.memory_space<vmem_shared>>
        tpu.enqueue_indirect_dma source(%arg11 : memref<128x64xf32, #tpu.memory_space<vmem>>) target(%dma_start3A_379 : memref<512x64xf32, #tpu.memory_space<vmem_shared>>) offsets(%arg13 : memref<128xi32, #tpu.memory_space<vmem>>) semaphore(%run_scoped3A : memref<!tpu.dma_semaphore, #tpu.memory_space<semaphore_mem>>) {add = true}
        %dma_wait3A_380 = arith.constant 0 : i32
        %dma_wait3A_381 = arith.constant 0 : i32
        %dma_wait3A_382 = tpu.memref_slice %arg25[%dma_wait3A_380, %dma_wait3A_381] : memref<512x64xf32, #tpu.memory_space<vmem_shared>> -> memref<512x64xf32, #tpu.memory_space<vmem_shared>>
        tpu.wait_indirect_dma semaphore(%run_scoped3A : memref<!tpu.dma_semaphore, #tpu.memory_space<semaphore_mem>>) src(%arg11 : memref<128x64xf32, #tpu.memory_space<vmem>>) dst(%dma_wait3A_382 : memref<512x64xf32, #tpu.memory_space<vmem_shared>>)
        tpu.yield
      }) : () -> ()
      "tpu.region"() ({
        %run_scoped3A = tpu.sem_alloc : memref<!tpu.dma_semaphore, #tpu.memory_space<semaphore_mem>>
        %dma_start3A_377 = arith.constant 0 : i32
        %dma_start3A_378 = arith.constant 0 : i32
        %dma_start3A_379 = tpu.memref_slice %arg26[%dma_start3A_377, %dma_start3A_378] : memref<512x16xf32, #tpu.memory_space<vmem_shared>> -> memref<512x16xf32, #tpu.memory_space<vmem_shared>>
        tpu.enqueue_indirect_dma source(%arg17 : memref<128x16xf32, #tpu.memory_space<vmem>>) target(%dma_start3A_379 : memref<512x16xf32, #tpu.memory_space<vmem_shared>>) offsets(%arg13 : memref<128xi32, #tpu.memory_space<vmem>>) semaphore(%run_scoped3A : memref<!tpu.dma_semaphore, #tpu.memory_space<semaphore_mem>>) {add = true}
        %dma_wait3A_380 = arith.constant 0 : i32
        %dma_wait3A_381 = arith.constant 0 : i32
        %dma_wait3A_382 = tpu.memref_slice %arg26[%dma_wait3A_380, %dma_wait3A_381] : memref<512x16xf32, #tpu.memory_space<vmem_shared>> -> memref<512x16xf32, #tpu.memory_space<vmem_shared>>
        tpu.wait_indirect_dma semaphore(%run_scoped3A : memref<!tpu.dma_semaphore, #tpu.memory_space<semaphore_mem>>) src(%arg17 : memref<128x16xf32, #tpu.memory_space<vmem>>) dst(%dma_wait3A_382 : memref<512x16xf32, #tpu.memory_space<vmem_shared>>)
        tpu.yield
      }) : () -> ()
    } else {
    }
    %add3A_79 = arith.constant 192 : i32
    %add3A_80 = arith.addi %add3A_79, %add3A : i32
    %lt3A_81 = arith.constant 781 : i32
    %lt3A_82 = arith.cmpi slt, %add3A_80, %lt3A_81 : i32
    %convert_element_type3A_83 = arith.extui %lt3A_82 : i1 to i32
    %cond3A_84 = arith.constant 0 : i32
    %cond3A_85 = arith.cmpi ne, %convert_element_type3A_83, %cond3A_84 : i32
    scf.if %cond3A_85 {
      %mul3A_369 = arith.constant 128 : i32
      %mul3A_370 = arith.muli %add3A_80, %mul3A_369 : i32
      %multiple_of3A = tpu.assume_multiple %mul3A_370, 128 : i32
      %dma_start3A_371 = tpu.memref_slice %arg3[%multiple_of3A] : memref<100000xi32, #tpu.memory_space<hbm>> -> memref<128xi32, #tpu.memory_space<hbm>>
      %dma_start3A_372 = tpu.memref_slice %arg3[%multiple_of3A] : memref<100000xi32, #tpu.memory_space<hbm>> -> memref<128xi32, #tpu.memory_space<hbm>>
      tpu.enqueue_dma source(%dma_start3A_372 : memref<128xi32, #tpu.memory_space<hbm>>) target(%arg13 : memref<128xi32, #tpu.memory_space<vmem>>) target_semaphore(%arg23 : memref<!tpu.dma_semaphore, #tpu.memory_space<semaphore_mem>>)
      %dma_start3A_373 = arith.constant 0 : i32
      %dma_start3A_374 = tpu.memref_slice %arg2[%multiple_of3A, %dma_start3A_373] : memref<100000x64xf32, #tpu.memory_space<hbm>> -> memref<128x64xf32, #tpu.memory_space<hbm>>
      %dma_start3A_375 = arith.constant 0 : i32
      %dma_start3A_376 = tpu.memref_slice %arg2[%multiple_of3A, %dma_start3A_375] : memref<100000x64xf32, #tpu.memory_space<hbm>> -> memref<128x64xf32, #tpu.memory_space<hbm>>
      tpu.enqueue_dma source(%dma_start3A_376 : memref<128x64xf32, #tpu.memory_space<hbm>>) target(%arg11 : memref<128x64xf32, #tpu.memory_space<vmem>>) target_semaphore(%arg21 : memref<!tpu.dma_semaphore, #tpu.memory_space<semaphore_mem>>)
    } else {
    }
    %add3A_86 = arith.constant 160 : i32
    %add3A_87 = arith.addi %add3A_86, %add3A : i32
    %lt3A_88 = arith.constant 781 : i32
    %lt3A_89 = arith.cmpi slt, %add3A_87, %lt3A_88 : i32
    %convert_element_type3A_90 = arith.extui %lt3A_89 : i1 to i32
    %cond3A_91 = arith.constant 0 : i32
    %cond3A_92 = arith.cmpi ne, %convert_element_type3A_90, %cond3A_91 : i32
    scf.if %cond3A_92 {
      %mul3A_369 = arith.constant 128 : i32
      %mul3A_370 = arith.muli %add3A_87, %mul3A_369 : i32
      %multiple_of3A = tpu.assume_multiple %mul3A_370, 128 : i32
      %dma_wait3A_371 = tpu.memref_slice %arg3[%multiple_of3A] : memref<100000xi32, #tpu.memory_space<hbm>> -> memref<128xi32, #tpu.memory_space<hbm>>
      %dma_wait3A_372 = tpu.memref_slice %arg3[%multiple_of3A] : memref<100000xi32, #tpu.memory_space<hbm>> -> memref<128xi32, #tpu.memory_space<hbm>>
      tpu.wait_dma2 semaphore(%arg24 : memref<!tpu.dma_semaphore, #tpu.memory_space<semaphore_mem>>) src(%dma_wait3A_372 : memref<128xi32, #tpu.memory_space<hbm>>) dst(%arg14 : memref<128xi32, #tpu.memory_space<vmem>>)
      %dma_wait3A_373 = arith.constant 0 : i32
      %dma_wait3A_374 = tpu.memref_slice %arg2[%multiple_of3A, %dma_wait3A_373] : memref<100000x64xf32, #tpu.memory_space<hbm>> -> memref<128x64xf32, #tpu.memory_space<hbm>>
      %dma_wait3A_375 = arith.constant 0 : i32
      %dma_wait3A_376 = tpu.memref_slice %arg2[%multiple_of3A, %dma_wait3A_375] : memref<100000x64xf32, #tpu.memory_space<hbm>> -> memref<128x64xf32, #tpu.memory_space<hbm>>
      tpu.wait_dma2 semaphore(%arg22 : memref<!tpu.dma_semaphore, #tpu.memory_space<semaphore_mem>>) src(%dma_wait3A_376 : memref<128x64xf32, #tpu.memory_space<hbm>>) dst(%arg12 : memref<128x64xf32, #tpu.memory_space<vmem>>)
      "tpu.region"() ({
        %run_scoped3A = tpu.sem_alloc : memref<!tpu.dma_semaphore, #tpu.memory_space<semaphore_mem>>
        %dma_start3A_377 = arith.constant 0 : i32
        %dma_start3A_378 = arith.constant 0 : i32
        %dma_start3A_379 = tpu.memref_slice %arg25[%dma_start3A_377, %dma_start3A_378] : memref<512x64xf32, #tpu.memory_space<vmem_shared>> -> memref<512x64xf32, #tpu.memory_space<vmem_shared>>
        tpu.enqueue_indirect_dma source(%arg12 : memref<128x64xf32, #tpu.memory_space<vmem>>) target(%dma_start3A_379 : memref<512x64xf32, #tpu.memory_space<vmem_shared>>) offsets(%arg14 : memref<128xi32, #tpu.memory_space<vmem>>) semaphore(%run_scoped3A : memref<!tpu.dma_semaphore, #tpu.memory_space<semaphore_mem>>) {add = true}
        %dma_wait3A_380 = arith.constant 0 : i32
        %dma_wait3A_381 = arith.constant 0 : i32
        %dma_wait3A_382 = tpu.memref_slice %arg25[%dma_wait3A_380, %dma_wait3A_381] : memref<512x64xf32, #tpu.memory_space<vmem_shared>> -> memref<512x64xf32, #tpu.memory_space<vmem_shared>>
        tpu.wait_indirect_dma semaphore(%run_scoped3A : memref<!tpu.dma_semaphore, #tpu.memory_space<semaphore_mem>>) src(%arg12 : memref<128x64xf32, #tpu.memory_space<vmem>>) dst(%dma_wait3A_382 : memref<512x64xf32, #tpu.memory_space<vmem_shared>>)
        tpu.yield
      }) : () -> ()
      "tpu.region"() ({
        %run_scoped3A = tpu.sem_alloc : memref<!tpu.dma_semaphore, #tpu.memory_space<semaphore_mem>>
        %dma_start3A_377 = arith.constant 0 : i32
        %dma_start3A_378 = arith.constant 0 : i32
        %dma_start3A_379 = tpu.memref_slice %arg26[%dma_start3A_377, %dma_start3A_378] : memref<512x16xf32, #tpu.memory_space<vmem_shared>> -> memref<512x16xf32, #tpu.memory_space<vmem_shared>>
        tpu.enqueue_indirect_dma source(%arg17 : memref<128x16xf32, #tpu.memory_space<vmem>>) target(%dma_start3A_379 : memref<512x16xf32, #tpu.memory_space<vmem_shared>>) offsets(%arg14 : memref<128xi32, #tpu.memory_space<vmem>>) semaphore(%run_scoped3A : memref<!tpu.dma_semaphore, #tpu.memory_space<semaphore_mem>>) {add = true}
        %dma_wait3A_380 = arith.constant 0 : i32
        %dma_wait3A_381 = arith.constant 0 : i32
        %dma_wait3A_382 = tpu.memref_slice %arg26[%dma_wait3A_380, %dma_wait3A_381] : memref<512x16xf32, #tpu.memory_space<vmem_shared>> -> memref<512x16xf32, #tpu.memory_space<vmem_shared>>
        tpu.wait_indirect_dma semaphore(%run_scoped3A : memref<!tpu.dma_semaphore, #tpu.memory_space<semaphore_mem>>) src(%arg17 : memref<128x16xf32, #tpu.memory_space<vmem>>) dst(%dma_wait3A_382 : memref<512x16xf32, #tpu.memory_space<vmem_shared>>)
        tpu.yield
      }) : () -> ()
    } else {
    }
    %add3A_93 = arith.constant 224 : i32
    %add3A_94 = arith.addi %add3A_93, %add3A : i32
    %lt3A_95 = arith.constant 781 : i32
    %lt3A_96 = arith.cmpi slt, %add3A_94, %lt3A_95 : i32
    %convert_element_type3A_97 = arith.extui %lt3A_96 : i1 to i32
    %cond3A_98 = arith.constant 0 : i32
    %cond3A_99 = arith.cmpi ne, %convert_element_type3A_97, %cond3A_98 : i32
    scf.if %cond3A_99 {
      %mul3A_369 = arith.constant 128 : i32
      %mul3A_370 = arith.muli %add3A_94, %mul3A_369 : i32
      %multiple_of3A = tpu.assume_multiple %mul3A_370, 128 : i32
      %dma_start3A_371 = tpu.memref_slice %arg3[%multiple_of3A] : memref<100000xi32, #tpu.memory_space<hbm>> -> memref<128xi32, #tpu.memory_space<hbm>>
      %dma_start3A_372 = tpu.memref_slice %arg3[%multiple_of3A] : memref<100000xi32, #tpu.memory_space<hbm>> -> memref<128xi32, #tpu.memory_space<hbm>>
      tpu.enqueue_dma source(%dma_start3A_372 : memref<128xi32, #tpu.memory_space<hbm>>) target(%arg14 : memref<128xi32, #tpu.memory_space<vmem>>) target_semaphore(%arg24 : memref<!tpu.dma_semaphore, #tpu.memory_space<semaphore_mem>>)
      %dma_start3A_373 = arith.constant 0 : i32
      %dma_start3A_374 = tpu.memref_slice %arg2[%multiple_of3A, %dma_start3A_373] : memref<100000x64xf32, #tpu.memory_space<hbm>> -> memref<128x64xf32, #tpu.memory_space<hbm>>
      %dma_start3A_375 = arith.constant 0 : i32
      %dma_start3A_376 = tpu.memref_slice %arg2[%multiple_of3A, %dma_start3A_375] : memref<100000x64xf32, #tpu.memory_space<hbm>> -> memref<128x64xf32, #tpu.memory_space<hbm>>
      tpu.enqueue_dma source(%dma_start3A_376 : memref<128x64xf32, #tpu.memory_space<hbm>>) target(%arg12 : memref<128x64xf32, #tpu.memory_space<vmem>>) target_semaphore(%arg22 : memref<!tpu.dma_semaphore, #tpu.memory_space<semaphore_mem>>)
    } else {
    }
    %add3A_100 = arith.constant 192 : i32
    %add3A_101 = arith.addi %add3A_100, %add3A : i32
    %lt3A_102 = arith.constant 781 : i32
    %lt3A_103 = arith.cmpi slt, %add3A_101, %lt3A_102 : i32
    %convert_element_type3A_104 = arith.extui %lt3A_103 : i1 to i32
    %cond3A_105 = arith.constant 0 : i32
    %cond3A_106 = arith.cmpi ne, %convert_element_type3A_104, %cond3A_105 : i32
    scf.if %cond3A_106 {
      %mul3A_369 = arith.constant 128 : i32
      %mul3A_370 = arith.muli %add3A_101, %mul3A_369 : i32
      %multiple_of3A = tpu.assume_multiple %mul3A_370, 128 : i32
      %dma_wait3A_371 = tpu.memref_slice %arg3[%multiple_of3A] : memref<100000xi32, #tpu.memory_space<hbm>> -> memref<128xi32, #tpu.memory_space<hbm>>
      %dma_wait3A_372 = tpu.memref_slice %arg3[%multiple_of3A] : memref<100000xi32, #tpu.memory_space<hbm>> -> memref<128xi32, #tpu.memory_space<hbm>>
      tpu.wait_dma2 semaphore(%arg23 : memref<!tpu.dma_semaphore, #tpu.memory_space<semaphore_mem>>) src(%dma_wait3A_372 : memref<128xi32, #tpu.memory_space<hbm>>) dst(%arg13 : memref<128xi32, #tpu.memory_space<vmem>>)
      %dma_wait3A_373 = arith.constant 0 : i32
      %dma_wait3A_374 = tpu.memref_slice %arg2[%multiple_of3A, %dma_wait3A_373] : memref<100000x64xf32, #tpu.memory_space<hbm>> -> memref<128x64xf32, #tpu.memory_space<hbm>>
      %dma_wait3A_375 = arith.constant 0 : i32
      %dma_wait3A_376 = tpu.memref_slice %arg2[%multiple_of3A, %dma_wait3A_375] : memref<100000x64xf32, #tpu.memory_space<hbm>> -> memref<128x64xf32, #tpu.memory_space<hbm>>
      tpu.wait_dma2 semaphore(%arg21 : memref<!tpu.dma_semaphore, #tpu.memory_space<semaphore_mem>>) src(%dma_wait3A_376 : memref<128x64xf32, #tpu.memory_space<hbm>>) dst(%arg11 : memref<128x64xf32, #tpu.memory_space<vmem>>)
      "tpu.region"() ({
        %run_scoped3A = tpu.sem_alloc : memref<!tpu.dma_semaphore, #tpu.memory_space<semaphore_mem>>
        %dma_start3A_377 = arith.constant 0 : i32
        %dma_start3A_378 = arith.constant 0 : i32
        %dma_start3A_379 = tpu.memref_slice %arg25[%dma_start3A_377, %dma_start3A_378] : memref<512x64xf32, #tpu.memory_space<vmem_shared>> -> memref<512x64xf32, #tpu.memory_space<vmem_shared>>
        tpu.enqueue_indirect_dma source(%arg11 : memref<128x64xf32, #tpu.memory_space<vmem>>) target(%dma_start3A_379 : memref<512x64xf32, #tpu.memory_space<vmem_shared>>) offsets(%arg13 : memref<128xi32, #tpu.memory_space<vmem>>) semaphore(%run_scoped3A : memref<!tpu.dma_semaphore, #tpu.memory_space<semaphore_mem>>) {add = true}
        %dma_wait3A_380 = arith.constant 0 : i32
        %dma_wait3A_381 = arith.constant 0 : i32
        %dma_wait3A_382 = tpu.memref_slice %arg25[%dma_wait3A_380, %dma_wait3A_381] : memref<512x64xf32, #tpu.memory_space<vmem_shared>> -> memref<512x64xf32, #tpu.memory_space<vmem_shared>>
        tpu.wait_indirect_dma semaphore(%run_scoped3A : memref<!tpu.dma_semaphore, #tpu.memory_space<semaphore_mem>>) src(%arg11 : memref<128x64xf32, #tpu.memory_space<vmem>>) dst(%dma_wait3A_382 : memref<512x64xf32, #tpu.memory_space<vmem_shared>>)
        tpu.yield
      }) : () -> ()
      "tpu.region"() ({
        %run_scoped3A = tpu.sem_alloc : memref<!tpu.dma_semaphore, #tpu.memory_space<semaphore_mem>>
        %dma_start3A_377 = arith.constant 0 : i32
        %dma_start3A_378 = arith.constant 0 : i32
        %dma_start3A_379 = tpu.memref_slice %arg26[%dma_start3A_377, %dma_start3A_378] : memref<512x16xf32, #tpu.memory_space<vmem_shared>> -> memref<512x16xf32, #tpu.memory_space<vmem_shared>>
        tpu.enqueue_indirect_dma source(%arg17 : memref<128x16xf32, #tpu.memory_space<vmem>>) target(%dma_start3A_379 : memref<512x16xf32, #tpu.memory_space<vmem_shared>>) offsets(%arg13 : memref<128xi32, #tpu.memory_space<vmem>>) semaphore(%run_scoped3A : memref<!tpu.dma_semaphore, #tpu.memory_space<semaphore_mem>>) {add = true}
        %dma_wait3A_380 = arith.constant 0 : i32
        %dma_wait3A_381 = arith.constant 0 : i32
        %dma_wait3A_382 = tpu.memref_slice %arg26[%dma_wait3A_380, %dma_wait3A_381] : memref<512x16xf32, #tpu.memory_space<vmem_shared>> -> memref<512x16xf32, #tpu.memory_space<vmem_shared>>
        tpu.wait_indirect_dma semaphore(%run_scoped3A : memref<!tpu.dma_semaphore, #tpu.memory_space<semaphore_mem>>) src(%arg17 : memref<128x16xf32, #tpu.memory_space<vmem>>) dst(%dma_wait3A_382 : memref<512x16xf32, #tpu.memory_space<vmem_shared>>)
        tpu.yield
      }) : () -> ()
    } else {
    }
    %add3A_107 = arith.constant 256 : i32
    %add3A_108 = arith.addi %add3A_107, %add3A : i32
    %lt3A_109 = arith.constant 781 : i32
    %lt3A_110 = arith.cmpi slt, %add3A_108, %lt3A_109 : i32
    %convert_element_type3A_111 = arith.extui %lt3A_110 : i1 to i32
    %cond3A_112 = arith.constant 0 : i32
    %cond3A_113 = arith.cmpi ne, %convert_element_type3A_111, %cond3A_112 : i32
    scf.if %cond3A_113 {
      %mul3A_369 = arith.constant 128 : i32
      %mul3A_370 = arith.muli %add3A_108, %mul3A_369 : i32
      %multiple_of3A = tpu.assume_multiple %mul3A_370, 128 : i32
      %dma_start3A_371 = tpu.memref_slice %arg3[%multiple_of3A] : memref<100000xi32, #tpu.memory_space<hbm>> -> memref<128xi32, #tpu.memory_space<hbm>>
      %dma_start3A_372 = tpu.memref_slice %arg3[%multiple_of3A] : memref<100000xi32, #tpu.memory_space<hbm>> -> memref<128xi32, #tpu.memory_space<hbm>>
      tpu.enqueue_dma source(%dma_start3A_372 : memref<128xi32, #tpu.memory_space<hbm>>) target(%arg13 : memref<128xi32, #tpu.memory_space<vmem>>) target_semaphore(%arg23 : memref<!tpu.dma_semaphore, #tpu.memory_space<semaphore_mem>>)
      %dma_start3A_373 = arith.constant 0 : i32
      %dma_start3A_374 = tpu.memref_slice %arg2[%multiple_of3A, %dma_start3A_373] : memref<100000x64xf32, #tpu.memory_space<hbm>> -> memref<128x64xf32, #tpu.memory_space<hbm>>
      %dma_start3A_375 = arith.constant 0 : i32
      %dma_start3A_376 = tpu.memref_slice %arg2[%multiple_of3A, %dma_start3A_375] : memref<100000x64xf32, #tpu.memory_space<hbm>> -> memref<128x64xf32, #tpu.memory_space<hbm>>
      tpu.enqueue_dma source(%dma_start3A_376 : memref<128x64xf32, #tpu.memory_space<hbm>>) target(%arg11 : memref<128x64xf32, #tpu.memory_space<vmem>>) target_semaphore(%arg21 : memref<!tpu.dma_semaphore, #tpu.memory_space<semaphore_mem>>)
    } else {
    }
    %add3A_114 = arith.constant 224 : i32
    %add3A_115 = arith.addi %add3A_114, %add3A : i32
    %lt3A_116 = arith.constant 781 : i32
    %lt3A_117 = arith.cmpi slt, %add3A_115, %lt3A_116 : i32
    %convert_element_type3A_118 = arith.extui %lt3A_117 : i1 to i32
    %cond3A_119 = arith.constant 0 : i32
    %cond3A_120 = arith.cmpi ne, %convert_element_type3A_118, %cond3A_119 : i32
    scf.if %cond3A_120 {
      %mul3A_369 = arith.constant 128 : i32
      %mul3A_370 = arith.muli %add3A_115, %mul3A_369 : i32
      %multiple_of3A = tpu.assume_multiple %mul3A_370, 128 : i32
      %dma_wait3A_371 = tpu.memref_slice %arg3[%multiple_of3A] : memref<100000xi32, #tpu.memory_space<hbm>> -> memref<128xi32, #tpu.memory_space<hbm>>
      %dma_wait3A_372 = tpu.memref_slice %arg3[%multiple_of3A] : memref<100000xi32, #tpu.memory_space<hbm>> -> memref<128xi32, #tpu.memory_space<hbm>>
      tpu.wait_dma2 semaphore(%arg24 : memref<!tpu.dma_semaphore, #tpu.memory_space<semaphore_mem>>) src(%dma_wait3A_372 : memref<128xi32, #tpu.memory_space<hbm>>) dst(%arg14 : memref<128xi32, #tpu.memory_space<vmem>>)
      %dma_wait3A_373 = arith.constant 0 : i32
      %dma_wait3A_374 = tpu.memref_slice %arg2[%multiple_of3A, %dma_wait3A_373] : memref<100000x64xf32, #tpu.memory_space<hbm>> -> memref<128x64xf32, #tpu.memory_space<hbm>>
      %dma_wait3A_375 = arith.constant 0 : i32
      %dma_wait3A_376 = tpu.memref_slice %arg2[%multiple_of3A, %dma_wait3A_375] : memref<100000x64xf32, #tpu.memory_space<hbm>> -> memref<128x64xf32, #tpu.memory_space<hbm>>
      tpu.wait_dma2 semaphore(%arg22 : memref<!tpu.dma_semaphore, #tpu.memory_space<semaphore_mem>>) src(%dma_wait3A_376 : memref<128x64xf32, #tpu.memory_space<hbm>>) dst(%arg12 : memref<128x64xf32, #tpu.memory_space<vmem>>)
      "tpu.region"() ({
        %run_scoped3A = tpu.sem_alloc : memref<!tpu.dma_semaphore, #tpu.memory_space<semaphore_mem>>
        %dma_start3A_377 = arith.constant 0 : i32
        %dma_start3A_378 = arith.constant 0 : i32
        %dma_start3A_379 = tpu.memref_slice %arg25[%dma_start3A_377, %dma_start3A_378] : memref<512x64xf32, #tpu.memory_space<vmem_shared>> -> memref<512x64xf32, #tpu.memory_space<vmem_shared>>
        tpu.enqueue_indirect_dma source(%arg12 : memref<128x64xf32, #tpu.memory_space<vmem>>) target(%dma_start3A_379 : memref<512x64xf32, #tpu.memory_space<vmem_shared>>) offsets(%arg14 : memref<128xi32, #tpu.memory_space<vmem>>) semaphore(%run_scoped3A : memref<!tpu.dma_semaphore, #tpu.memory_space<semaphore_mem>>) {add = true}
        %dma_wait3A_380 = arith.constant 0 : i32
        %dma_wait3A_381 = arith.constant 0 : i32
        %dma_wait3A_382 = tpu.memref_slice %arg25[%dma_wait3A_380, %dma_wait3A_381] : memref<512x64xf32, #tpu.memory_space<vmem_shared>> -> memref<512x64xf32, #tpu.memory_space<vmem_shared>>
        tpu.wait_indirect_dma semaphore(%run_scoped3A : memref<!tpu.dma_semaphore, #tpu.memory_space<semaphore_mem>>) src(%arg12 : memref<128x64xf32, #tpu.memory_space<vmem>>) dst(%dma_wait3A_382 : memref<512x64xf32, #tpu.memory_space<vmem_shared>>)
        tpu.yield
      }) : () -> ()
      "tpu.region"() ({
        %run_scoped3A = tpu.sem_alloc : memref<!tpu.dma_semaphore, #tpu.memory_space<semaphore_mem>>
        %dma_start3A_377 = arith.constant 0 : i32
        %dma_start3A_378 = arith.constant 0 : i32
        %dma_start3A_379 = tpu.memref_slice %arg26[%dma_start3A_377, %dma_start3A_378] : memref<512x16xf32, #tpu.memory_space<vmem_shared>> -> memref<512x16xf32, #tpu.memory_space<vmem_shared>>
        tpu.enqueue_indirect_dma source(%arg17 : memref<128x16xf32, #tpu.memory_space<vmem>>) target(%dma_start3A_379 : memref<512x16xf32, #tpu.memory_space<vmem_shared>>) offsets(%arg14 : memref<128xi32, #tpu.memory_space<vmem>>) semaphore(%run_scoped3A : memref<!tpu.dma_semaphore, #tpu.memory_space<semaphore_mem>>) {add = true}
        %dma_wait3A_380 = arith.constant 0 : i32
        %dma_wait3A_381 = arith.constant 0 : i32
        %dma_wait3A_382 = tpu.memref_slice %arg26[%dma_wait3A_380, %dma_wait3A_381] : memref<512x16xf32, #tpu.memory_space<vmem_shared>> -> memref<512x16xf32, #tpu.memory_space<vmem_shared>>
        tpu.wait_indirect_dma semaphore(%run_scoped3A : memref<!tpu.dma_semaphore, #tpu.memory_space<semaphore_mem>>) src(%arg17 : memref<128x16xf32, #tpu.memory_space<vmem>>) dst(%dma_wait3A_382 : memref<512x16xf32, #tpu.memory_space<vmem_shared>>)
        tpu.yield
      }) : () -> ()
    } else {
    }
    %add3A_121 = arith.constant 288 : i32
    %add3A_122 = arith.addi %add3A_121, %add3A : i32
    %lt3A_123 = arith.constant 781 : i32
    %lt3A_124 = arith.cmpi slt, %add3A_122, %lt3A_123 : i32
    %convert_element_type3A_125 = arith.extui %lt3A_124 : i1 to i32
    %cond3A_126 = arith.constant 0 : i32
    %cond3A_127 = arith.cmpi ne, %convert_element_type3A_125, %cond3A_126 : i32
    scf.if %cond3A_127 {
      %mul3A_369 = arith.constant 128 : i32
      %mul3A_370 = arith.muli %add3A_122, %mul3A_369 : i32
      %multiple_of3A = tpu.assume_multiple %mul3A_370, 128 : i32
      %dma_start3A_371 = tpu.memref_slice %arg3[%multiple_of3A] : memref<100000xi32, #tpu.memory_space<hbm>> -> memref<128xi32, #tpu.memory_space<hbm>>
      %dma_start3A_372 = tpu.memref_slice %arg3[%multiple_of3A] : memref<100000xi32, #tpu.memory_space<hbm>> -> memref<128xi32, #tpu.memory_space<hbm>>
      tpu.enqueue_dma source(%dma_start3A_372 : memref<128xi32, #tpu.memory_space<hbm>>) target(%arg14 : memref<128xi32, #tpu.memory_space<vmem>>) target_semaphore(%arg24 : memref<!tpu.dma_semaphore, #tpu.memory_space<semaphore_mem>>)
      %dma_start3A_373 = arith.constant 0 : i32
      %dma_start3A_374 = tpu.memref_slice %arg2[%multiple_of3A, %dma_start3A_373] : memref<100000x64xf32, #tpu.memory_space<hbm>> -> memref<128x64xf32, #tpu.memory_space<hbm>>
      %dma_start3A_375 = arith.constant 0 : i32
      %dma_start3A_376 = tpu.memref_slice %arg2[%multiple_of3A, %dma_start3A_375] : memref<100000x64xf32, #tpu.memory_space<hbm>> -> memref<128x64xf32, #tpu.memory_space<hbm>>
      tpu.enqueue_dma source(%dma_start3A_376 : memref<128x64xf32, #tpu.memory_space<hbm>>) target(%arg12 : memref<128x64xf32, #tpu.memory_space<vmem>>) target_semaphore(%arg22 : memref<!tpu.dma_semaphore, #tpu.memory_space<semaphore_mem>>)
    } else {
    }
    %add3A_128 = arith.constant 256 : i32
    %add3A_129 = arith.addi %add3A_128, %add3A : i32
    %lt3A_130 = arith.constant 781 : i32
    %lt3A_131 = arith.cmpi slt, %add3A_129, %lt3A_130 : i32
    %convert_element_type3A_132 = arith.extui %lt3A_131 : i1 to i32
    %cond3A_133 = arith.constant 0 : i32
    %cond3A_134 = arith.cmpi ne, %convert_element_type3A_132, %cond3A_133 : i32
    scf.if %cond3A_134 {
      %mul3A_369 = arith.constant 128 : i32
      %mul3A_370 = arith.muli %add3A_129, %mul3A_369 : i32
      %multiple_of3A = tpu.assume_multiple %mul3A_370, 128 : i32
      %dma_wait3A_371 = tpu.memref_slice %arg3[%multiple_of3A] : memref<100000xi32, #tpu.memory_space<hbm>> -> memref<128xi32, #tpu.memory_space<hbm>>
      %dma_wait3A_372 = tpu.memref_slice %arg3[%multiple_of3A] : memref<100000xi32, #tpu.memory_space<hbm>> -> memref<128xi32, #tpu.memory_space<hbm>>
      tpu.wait_dma2 semaphore(%arg23 : memref<!tpu.dma_semaphore, #tpu.memory_space<semaphore_mem>>) src(%dma_wait3A_372 : memref<128xi32, #tpu.memory_space<hbm>>) dst(%arg13 : memref<128xi32, #tpu.memory_space<vmem>>)
      %dma_wait3A_373 = arith.constant 0 : i32
      %dma_wait3A_374 = tpu.memref_slice %arg2[%multiple_of3A, %dma_wait3A_373] : memref<100000x64xf32, #tpu.memory_space<hbm>> -> memref<128x64xf32, #tpu.memory_space<hbm>>
      %dma_wait3A_375 = arith.constant 0 : i32
      %dma_wait3A_376 = tpu.memref_slice %arg2[%multiple_of3A, %dma_wait3A_375] : memref<100000x64xf32, #tpu.memory_space<hbm>> -> memref<128x64xf32, #tpu.memory_space<hbm>>
      tpu.wait_dma2 semaphore(%arg21 : memref<!tpu.dma_semaphore, #tpu.memory_space<semaphore_mem>>) src(%dma_wait3A_376 : memref<128x64xf32, #tpu.memory_space<hbm>>) dst(%arg11 : memref<128x64xf32, #tpu.memory_space<vmem>>)
      "tpu.region"() ({
        %run_scoped3A = tpu.sem_alloc : memref<!tpu.dma_semaphore, #tpu.memory_space<semaphore_mem>>
        %dma_start3A_377 = arith.constant 0 : i32
        %dma_start3A_378 = arith.constant 0 : i32
        %dma_start3A_379 = tpu.memref_slice %arg25[%dma_start3A_377, %dma_start3A_378] : memref<512x64xf32, #tpu.memory_space<vmem_shared>> -> memref<512x64xf32, #tpu.memory_space<vmem_shared>>
        tpu.enqueue_indirect_dma source(%arg11 : memref<128x64xf32, #tpu.memory_space<vmem>>) target(%dma_start3A_379 : memref<512x64xf32, #tpu.memory_space<vmem_shared>>) offsets(%arg13 : memref<128xi32, #tpu.memory_space<vmem>>) semaphore(%run_scoped3A : memref<!tpu.dma_semaphore, #tpu.memory_space<semaphore_mem>>) {add = true}
        %dma_wait3A_380 = arith.constant 0 : i32
        %dma_wait3A_381 = arith.constant 0 : i32
        %dma_wait3A_382 = tpu.memref_slice %arg25[%dma_wait3A_380, %dma_wait3A_381] : memref<512x64xf32, #tpu.memory_space<vmem_shared>> -> memref<512x64xf32, #tpu.memory_space<vmem_shared>>
        tpu.wait_indirect_dma semaphore(%run_scoped3A : memref<!tpu.dma_semaphore, #tpu.memory_space<semaphore_mem>>) src(%arg11 : memref<128x64xf32, #tpu.memory_space<vmem>>) dst(%dma_wait3A_382 : memref<512x64xf32, #tpu.memory_space<vmem_shared>>)
        tpu.yield
      }) : () -> ()
      "tpu.region"() ({
        %run_scoped3A = tpu.sem_alloc : memref<!tpu.dma_semaphore, #tpu.memory_space<semaphore_mem>>
        %dma_start3A_377 = arith.constant 0 : i32
        %dma_start3A_378 = arith.constant 0 : i32
        %dma_start3A_379 = tpu.memref_slice %arg26[%dma_start3A_377, %dma_start3A_378] : memref<512x16xf32, #tpu.memory_space<vmem_shared>> -> memref<512x16xf32, #tpu.memory_space<vmem_shared>>
        tpu.enqueue_indirect_dma source(%arg17 : memref<128x16xf32, #tpu.memory_space<vmem>>) target(%dma_start3A_379 : memref<512x16xf32, #tpu.memory_space<vmem_shared>>) offsets(%arg13 : memref<128xi32, #tpu.memory_space<vmem>>) semaphore(%run_scoped3A : memref<!tpu.dma_semaphore, #tpu.memory_space<semaphore_mem>>) {add = true}
        %dma_wait3A_380 = arith.constant 0 : i32
        %dma_wait3A_381 = arith.constant 0 : i32
        %dma_wait3A_382 = tpu.memref_slice %arg26[%dma_wait3A_380, %dma_wait3A_381] : memref<512x16xf32, #tpu.memory_space<vmem_shared>> -> memref<512x16xf32, #tpu.memory_space<vmem_shared>>
        tpu.wait_indirect_dma semaphore(%run_scoped3A : memref<!tpu.dma_semaphore, #tpu.memory_space<semaphore_mem>>) src(%arg17 : memref<128x16xf32, #tpu.memory_space<vmem>>) dst(%dma_wait3A_382 : memref<512x16xf32, #tpu.memory_space<vmem_shared>>)
        tpu.yield
      }) : () -> ()
    } else {
    }
    %add3A_135 = arith.constant 320 : i32
    %add3A_136 = arith.addi %add3A_135, %add3A : i32
    %lt3A_137 = arith.constant 781 : i32
    %lt3A_138 = arith.cmpi slt, %add3A_136, %lt3A_137 : i32
    %convert_element_type3A_139 = arith.extui %lt3A_138 : i1 to i32
    %cond3A_140 = arith.constant 0 : i32
    %cond3A_141 = arith.cmpi ne, %convert_element_type3A_139, %cond3A_140 : i32
    scf.if %cond3A_141 {
      %mul3A_369 = arith.constant 128 : i32
      %mul3A_370 = arith.muli %add3A_136, %mul3A_369 : i32
      %multiple_of3A = tpu.assume_multiple %mul3A_370, 128 : i32
      %dma_start3A_371 = tpu.memref_slice %arg3[%multiple_of3A] : memref<100000xi32, #tpu.memory_space<hbm>> -> memref<128xi32, #tpu.memory_space<hbm>>
      %dma_start3A_372 = tpu.memref_slice %arg3[%multiple_of3A] : memref<100000xi32, #tpu.memory_space<hbm>> -> memref<128xi32, #tpu.memory_space<hbm>>
      tpu.enqueue_dma source(%dma_start3A_372 : memref<128xi32, #tpu.memory_space<hbm>>) target(%arg13 : memref<128xi32, #tpu.memory_space<vmem>>) target_semaphore(%arg23 : memref<!tpu.dma_semaphore, #tpu.memory_space<semaphore_mem>>)
      %dma_start3A_373 = arith.constant 0 : i32
      %dma_start3A_374 = tpu.memref_slice %arg2[%multiple_of3A, %dma_start3A_373] : memref<100000x64xf32, #tpu.memory_space<hbm>> -> memref<128x64xf32, #tpu.memory_space<hbm>>
      %dma_start3A_375 = arith.constant 0 : i32
      %dma_start3A_376 = tpu.memref_slice %arg2[%multiple_of3A, %dma_start3A_375] : memref<100000x64xf32, #tpu.memory_space<hbm>> -> memref<128x64xf32, #tpu.memory_space<hbm>>
      tpu.enqueue_dma source(%dma_start3A_376 : memref<128x64xf32, #tpu.memory_space<hbm>>) target(%arg11 : memref<128x64xf32, #tpu.memory_space<vmem>>) target_semaphore(%arg21 : memref<!tpu.dma_semaphore, #tpu.memory_space<semaphore_mem>>)
    } else {
    }
    %add3A_142 = arith.constant 288 : i32
    %add3A_143 = arith.addi %add3A_142, %add3A : i32
    %lt3A_144 = arith.constant 781 : i32
    %lt3A_145 = arith.cmpi slt, %add3A_143, %lt3A_144 : i32
    %convert_element_type3A_146 = arith.extui %lt3A_145 : i1 to i32
    %cond3A_147 = arith.constant 0 : i32
    %cond3A_148 = arith.cmpi ne, %convert_element_type3A_146, %cond3A_147 : i32
    scf.if %cond3A_148 {
      %mul3A_369 = arith.constant 128 : i32
      %mul3A_370 = arith.muli %add3A_143, %mul3A_369 : i32
      %multiple_of3A = tpu.assume_multiple %mul3A_370, 128 : i32
      %dma_wait3A_371 = tpu.memref_slice %arg3[%multiple_of3A] : memref<100000xi32, #tpu.memory_space<hbm>> -> memref<128xi32, #tpu.memory_space<hbm>>
      %dma_wait3A_372 = tpu.memref_slice %arg3[%multiple_of3A] : memref<100000xi32, #tpu.memory_space<hbm>> -> memref<128xi32, #tpu.memory_space<hbm>>
      tpu.wait_dma2 semaphore(%arg24 : memref<!tpu.dma_semaphore, #tpu.memory_space<semaphore_mem>>) src(%dma_wait3A_372 : memref<128xi32, #tpu.memory_space<hbm>>) dst(%arg14 : memref<128xi32, #tpu.memory_space<vmem>>)
      %dma_wait3A_373 = arith.constant 0 : i32
      %dma_wait3A_374 = tpu.memref_slice %arg2[%multiple_of3A, %dma_wait3A_373] : memref<100000x64xf32, #tpu.memory_space<hbm>> -> memref<128x64xf32, #tpu.memory_space<hbm>>
      %dma_wait3A_375 = arith.constant 0 : i32
      %dma_wait3A_376 = tpu.memref_slice %arg2[%multiple_of3A, %dma_wait3A_375] : memref<100000x64xf32, #tpu.memory_space<hbm>> -> memref<128x64xf32, #tpu.memory_space<hbm>>
      tpu.wait_dma2 semaphore(%arg22 : memref<!tpu.dma_semaphore, #tpu.memory_space<semaphore_mem>>) src(%dma_wait3A_376 : memref<128x64xf32, #tpu.memory_space<hbm>>) dst(%arg12 : memref<128x64xf32, #tpu.memory_space<vmem>>)
      "tpu.region"() ({
        %run_scoped3A = tpu.sem_alloc : memref<!tpu.dma_semaphore, #tpu.memory_space<semaphore_mem>>
        %dma_start3A_377 = arith.constant 0 : i32
        %dma_start3A_378 = arith.constant 0 : i32
        %dma_start3A_379 = tpu.memref_slice %arg25[%dma_start3A_377, %dma_start3A_378] : memref<512x64xf32, #tpu.memory_space<vmem_shared>> -> memref<512x64xf32, #tpu.memory_space<vmem_shared>>
        tpu.enqueue_indirect_dma source(%arg12 : memref<128x64xf32, #tpu.memory_space<vmem>>) target(%dma_start3A_379 : memref<512x64xf32, #tpu.memory_space<vmem_shared>>) offsets(%arg14 : memref<128xi32, #tpu.memory_space<vmem>>) semaphore(%run_scoped3A : memref<!tpu.dma_semaphore, #tpu.memory_space<semaphore_mem>>) {add = true}
        %dma_wait3A_380 = arith.constant 0 : i32
        %dma_wait3A_381 = arith.constant 0 : i32
        %dma_wait3A_382 = tpu.memref_slice %arg25[%dma_wait3A_380, %dma_wait3A_381] : memref<512x64xf32, #tpu.memory_space<vmem_shared>> -> memref<512x64xf32, #tpu.memory_space<vmem_shared>>
        tpu.wait_indirect_dma semaphore(%run_scoped3A : memref<!tpu.dma_semaphore, #tpu.memory_space<semaphore_mem>>) src(%arg12 : memref<128x64xf32, #tpu.memory_space<vmem>>) dst(%dma_wait3A_382 : memref<512x64xf32, #tpu.memory_space<vmem_shared>>)
        tpu.yield
      }) : () -> ()
      "tpu.region"() ({
        %run_scoped3A = tpu.sem_alloc : memref<!tpu.dma_semaphore, #tpu.memory_space<semaphore_mem>>
        %dma_start3A_377 = arith.constant 0 : i32
        %dma_start3A_378 = arith.constant 0 : i32
        %dma_start3A_379 = tpu.memref_slice %arg26[%dma_start3A_377, %dma_start3A_378] : memref<512x16xf32, #tpu.memory_space<vmem_shared>> -> memref<512x16xf32, #tpu.memory_space<vmem_shared>>
        tpu.enqueue_indirect_dma source(%arg17 : memref<128x16xf32, #tpu.memory_space<vmem>>) target(%dma_start3A_379 : memref<512x16xf32, #tpu.memory_space<vmem_shared>>) offsets(%arg14 : memref<128xi32, #tpu.memory_space<vmem>>) semaphore(%run_scoped3A : memref<!tpu.dma_semaphore, #tpu.memory_space<semaphore_mem>>) {add = true}
        %dma_wait3A_380 = arith.constant 0 : i32
        %dma_wait3A_381 = arith.constant 0 : i32
        %dma_wait3A_382 = tpu.memref_slice %arg26[%dma_wait3A_380, %dma_wait3A_381] : memref<512x16xf32, #tpu.memory_space<vmem_shared>> -> memref<512x16xf32, #tpu.memory_space<vmem_shared>>
        tpu.wait_indirect_dma semaphore(%run_scoped3A : memref<!tpu.dma_semaphore, #tpu.memory_space<semaphore_mem>>) src(%arg17 : memref<128x16xf32, #tpu.memory_space<vmem>>) dst(%dma_wait3A_382 : memref<512x16xf32, #tpu.memory_space<vmem_shared>>)
        tpu.yield
      }) : () -> ()
    } else {
    }
    %add3A_149 = arith.constant 352 : i32
    %add3A_150 = arith.addi %add3A_149, %add3A : i32
    %lt3A_151 = arith.constant 781 : i32
    %lt3A_152 = arith.cmpi slt, %add3A_150, %lt3A_151 : i32
    %convert_element_type3A_153 = arith.extui %lt3A_152 : i1 to i32
    %cond3A_154 = arith.constant 0 : i32
    %cond3A_155 = arith.cmpi ne, %convert_element_type3A_153, %cond3A_154 : i32
    scf.if %cond3A_155 {
      %mul3A_369 = arith.constant 128 : i32
      %mul3A_370 = arith.muli %add3A_150, %mul3A_369 : i32
      %multiple_of3A = tpu.assume_multiple %mul3A_370, 128 : i32
      %dma_start3A_371 = tpu.memref_slice %arg3[%multiple_of3A] : memref<100000xi32, #tpu.memory_space<hbm>> -> memref<128xi32, #tpu.memory_space<hbm>>
      %dma_start3A_372 = tpu.memref_slice %arg3[%multiple_of3A] : memref<100000xi32, #tpu.memory_space<hbm>> -> memref<128xi32, #tpu.memory_space<hbm>>
      tpu.enqueue_dma source(%dma_start3A_372 : memref<128xi32, #tpu.memory_space<hbm>>) target(%arg14 : memref<128xi32, #tpu.memory_space<vmem>>) target_semaphore(%arg24 : memref<!tpu.dma_semaphore, #tpu.memory_space<semaphore_mem>>)
      %dma_start3A_373 = arith.constant 0 : i32
      %dma_start3A_374 = tpu.memref_slice %arg2[%multiple_of3A, %dma_start3A_373] : memref<100000x64xf32, #tpu.memory_space<hbm>> -> memref<128x64xf32, #tpu.memory_space<hbm>>
      %dma_start3A_375 = arith.constant 0 : i32
      %dma_start3A_376 = tpu.memref_slice %arg2[%multiple_of3A, %dma_start3A_375] : memref<100000x64xf32, #tpu.memory_space<hbm>> -> memref<128x64xf32, #tpu.memory_space<hbm>>
      tpu.enqueue_dma source(%dma_start3A_376 : memref<128x64xf32, #tpu.memory_space<hbm>>) target(%arg12 : memref<128x64xf32, #tpu.memory_space<vmem>>) target_semaphore(%arg22 : memref<!tpu.dma_semaphore, #tpu.memory_space<semaphore_mem>>)
    } else {
    }
    %add3A_156 = arith.constant 320 : i32
    %add3A_157 = arith.addi %add3A_156, %add3A : i32
    %lt3A_158 = arith.constant 781 : i32
    %lt3A_159 = arith.cmpi slt, %add3A_157, %lt3A_158 : i32
    %convert_element_type3A_160 = arith.extui %lt3A_159 : i1 to i32
    %cond3A_161 = arith.constant 0 : i32
    %cond3A_162 = arith.cmpi ne, %convert_element_type3A_160, %cond3A_161 : i32
    scf.if %cond3A_162 {
      %mul3A_369 = arith.constant 128 : i32
      %mul3A_370 = arith.muli %add3A_157, %mul3A_369 : i32
      %multiple_of3A = tpu.assume_multiple %mul3A_370, 128 : i32
      %dma_wait3A_371 = tpu.memref_slice %arg3[%multiple_of3A] : memref<100000xi32, #tpu.memory_space<hbm>> -> memref<128xi32, #tpu.memory_space<hbm>>
      %dma_wait3A_372 = tpu.memref_slice %arg3[%multiple_of3A] : memref<100000xi32, #tpu.memory_space<hbm>> -> memref<128xi32, #tpu.memory_space<hbm>>
      tpu.wait_dma2 semaphore(%arg23 : memref<!tpu.dma_semaphore, #tpu.memory_space<semaphore_mem>>) src(%dma_wait3A_372 : memref<128xi32, #tpu.memory_space<hbm>>) dst(%arg13 : memref<128xi32, #tpu.memory_space<vmem>>)
      %dma_wait3A_373 = arith.constant 0 : i32
      %dma_wait3A_374 = tpu.memref_slice %arg2[%multiple_of3A, %dma_wait3A_373] : memref<100000x64xf32, #tpu.memory_space<hbm>> -> memref<128x64xf32, #tpu.memory_space<hbm>>
      %dma_wait3A_375 = arith.constant 0 : i32
      %dma_wait3A_376 = tpu.memref_slice %arg2[%multiple_of3A, %dma_wait3A_375] : memref<100000x64xf32, #tpu.memory_space<hbm>> -> memref<128x64xf32, #tpu.memory_space<hbm>>
      tpu.wait_dma2 semaphore(%arg21 : memref<!tpu.dma_semaphore, #tpu.memory_space<semaphore_mem>>) src(%dma_wait3A_376 : memref<128x64xf32, #tpu.memory_space<hbm>>) dst(%arg11 : memref<128x64xf32, #tpu.memory_space<vmem>>)
      "tpu.region"() ({
        %run_scoped3A = tpu.sem_alloc : memref<!tpu.dma_semaphore, #tpu.memory_space<semaphore_mem>>
        %dma_start3A_377 = arith.constant 0 : i32
        %dma_start3A_378 = arith.constant 0 : i32
        %dma_start3A_379 = tpu.memref_slice %arg25[%dma_start3A_377, %dma_start3A_378] : memref<512x64xf32, #tpu.memory_space<vmem_shared>> -> memref<512x64xf32, #tpu.memory_space<vmem_shared>>
        tpu.enqueue_indirect_dma source(%arg11 : memref<128x64xf32, #tpu.memory_space<vmem>>) target(%dma_start3A_379 : memref<512x64xf32, #tpu.memory_space<vmem_shared>>) offsets(%arg13 : memref<128xi32, #tpu.memory_space<vmem>>) semaphore(%run_scoped3A : memref<!tpu.dma_semaphore, #tpu.memory_space<semaphore_mem>>) {add = true}
        %dma_wait3A_380 = arith.constant 0 : i32
        %dma_wait3A_381 = arith.constant 0 : i32
        %dma_wait3A_382 = tpu.memref_slice %arg25[%dma_wait3A_380, %dma_wait3A_381] : memref<512x64xf32, #tpu.memory_space<vmem_shared>> -> memref<512x64xf32, #tpu.memory_space<vmem_shared>>
        tpu.wait_indirect_dma semaphore(%run_scoped3A : memref<!tpu.dma_semaphore, #tpu.memory_space<semaphore_mem>>) src(%arg11 : memref<128x64xf32, #tpu.memory_space<vmem>>) dst(%dma_wait3A_382 : memref<512x64xf32, #tpu.memory_space<vmem_shared>>)
        tpu.yield
      }) : () -> ()
      "tpu.region"() ({
        %run_scoped3A = tpu.sem_alloc : memref<!tpu.dma_semaphore, #tpu.memory_space<semaphore_mem>>
        %dma_start3A_377 = arith.constant 0 : i32
        %dma_start3A_378 = arith.constant 0 : i32
        %dma_start3A_379 = tpu.memref_slice %arg26[%dma_start3A_377, %dma_start3A_378] : memref<512x16xf32, #tpu.memory_space<vmem_shared>> -> memref<512x16xf32, #tpu.memory_space<vmem_shared>>
        tpu.enqueue_indirect_dma source(%arg17 : memref<128x16xf32, #tpu.memory_space<vmem>>) target(%dma_start3A_379 : memref<512x16xf32, #tpu.memory_space<vmem_shared>>) offsets(%arg13 : memref<128xi32, #tpu.memory_space<vmem>>) semaphore(%run_scoped3A : memref<!tpu.dma_semaphore, #tpu.memory_space<semaphore_mem>>) {add = true}
        %dma_wait3A_380 = arith.constant 0 : i32
        %dma_wait3A_381 = arith.constant 0 : i32
        %dma_wait3A_382 = tpu.memref_slice %arg26[%dma_wait3A_380, %dma_wait3A_381] : memref<512x16xf32, #tpu.memory_space<vmem_shared>> -> memref<512x16xf32, #tpu.memory_space<vmem_shared>>
        tpu.wait_indirect_dma semaphore(%run_scoped3A : memref<!tpu.dma_semaphore, #tpu.memory_space<semaphore_mem>>) src(%arg17 : memref<128x16xf32, #tpu.memory_space<vmem>>) dst(%dma_wait3A_382 : memref<512x16xf32, #tpu.memory_space<vmem_shared>>)
        tpu.yield
      }) : () -> ()
    } else {
    }
    %add3A_163 = arith.constant 384 : i32
    %add3A_164 = arith.addi %add3A_163, %add3A : i32
    %lt3A_165 = arith.constant 781 : i32
    %lt3A_166 = arith.cmpi slt, %add3A_164, %lt3A_165 : i32
    %convert_element_type3A_167 = arith.extui %lt3A_166 : i1 to i32
    %cond3A_168 = arith.constant 0 : i32
    %cond3A_169 = arith.cmpi ne, %convert_element_type3A_167, %cond3A_168 : i32
    scf.if %cond3A_169 {
      %mul3A_369 = arith.constant 128 : i32
      %mul3A_370 = arith.muli %add3A_164, %mul3A_369 : i32
      %multiple_of3A = tpu.assume_multiple %mul3A_370, 128 : i32
      %dma_start3A_371 = tpu.memref_slice %arg3[%multiple_of3A] : memref<100000xi32, #tpu.memory_space<hbm>> -> memref<128xi32, #tpu.memory_space<hbm>>
      %dma_start3A_372 = tpu.memref_slice %arg3[%multiple_of3A] : memref<100000xi32, #tpu.memory_space<hbm>> -> memref<128xi32, #tpu.memory_space<hbm>>
      tpu.enqueue_dma source(%dma_start3A_372 : memref<128xi32, #tpu.memory_space<hbm>>) target(%arg13 : memref<128xi32, #tpu.memory_space<vmem>>) target_semaphore(%arg23 : memref<!tpu.dma_semaphore, #tpu.memory_space<semaphore_mem>>)
      %dma_start3A_373 = arith.constant 0 : i32
      %dma_start3A_374 = tpu.memref_slice %arg2[%multiple_of3A, %dma_start3A_373] : memref<100000x64xf32, #tpu.memory_space<hbm>> -> memref<128x64xf32, #tpu.memory_space<hbm>>
      %dma_start3A_375 = arith.constant 0 : i32
      %dma_start3A_376 = tpu.memref_slice %arg2[%multiple_of3A, %dma_start3A_375] : memref<100000x64xf32, #tpu.memory_space<hbm>> -> memref<128x64xf32, #tpu.memory_space<hbm>>
      tpu.enqueue_dma source(%dma_start3A_376 : memref<128x64xf32, #tpu.memory_space<hbm>>) target(%arg11 : memref<128x64xf32, #tpu.memory_space<vmem>>) target_semaphore(%arg21 : memref<!tpu.dma_semaphore, #tpu.memory_space<semaphore_mem>>)
    } else {
    }
    %add3A_170 = arith.constant 352 : i32
    %add3A_171 = arith.addi %add3A_170, %add3A : i32
    %lt3A_172 = arith.constant 781 : i32
    %lt3A_173 = arith.cmpi slt, %add3A_171, %lt3A_172 : i32
    %convert_element_type3A_174 = arith.extui %lt3A_173 : i1 to i32
    %cond3A_175 = arith.constant 0 : i32
    %cond3A_176 = arith.cmpi ne, %convert_element_type3A_174, %cond3A_175 : i32
    scf.if %cond3A_176 {
      %mul3A_369 = arith.constant 128 : i32
      %mul3A_370 = arith.muli %add3A_171, %mul3A_369 : i32
      %multiple_of3A = tpu.assume_multiple %mul3A_370, 128 : i32
      %dma_wait3A_371 = tpu.memref_slice %arg3[%multiple_of3A] : memref<100000xi32, #tpu.memory_space<hbm>> -> memref<128xi32, #tpu.memory_space<hbm>>
      %dma_wait3A_372 = tpu.memref_slice %arg3[%multiple_of3A] : memref<100000xi32, #tpu.memory_space<hbm>> -> memref<128xi32, #tpu.memory_space<hbm>>
      tpu.wait_dma2 semaphore(%arg24 : memref<!tpu.dma_semaphore, #tpu.memory_space<semaphore_mem>>) src(%dma_wait3A_372 : memref<128xi32, #tpu.memory_space<hbm>>) dst(%arg14 : memref<128xi32, #tpu.memory_space<vmem>>)
      %dma_wait3A_373 = arith.constant 0 : i32
      %dma_wait3A_374 = tpu.memref_slice %arg2[%multiple_of3A, %dma_wait3A_373] : memref<100000x64xf32, #tpu.memory_space<hbm>> -> memref<128x64xf32, #tpu.memory_space<hbm>>
      %dma_wait3A_375 = arith.constant 0 : i32
      %dma_wait3A_376 = tpu.memref_slice %arg2[%multiple_of3A, %dma_wait3A_375] : memref<100000x64xf32, #tpu.memory_space<hbm>> -> memref<128x64xf32, #tpu.memory_space<hbm>>
      tpu.wait_dma2 semaphore(%arg22 : memref<!tpu.dma_semaphore, #tpu.memory_space<semaphore_mem>>) src(%dma_wait3A_376 : memref<128x64xf32, #tpu.memory_space<hbm>>) dst(%arg12 : memref<128x64xf32, #tpu.memory_space<vmem>>)
      "tpu.region"() ({
        %run_scoped3A = tpu.sem_alloc : memref<!tpu.dma_semaphore, #tpu.memory_space<semaphore_mem>>
        %dma_start3A_377 = arith.constant 0 : i32
        %dma_start3A_378 = arith.constant 0 : i32
        %dma_start3A_379 = tpu.memref_slice %arg25[%dma_start3A_377, %dma_start3A_378] : memref<512x64xf32, #tpu.memory_space<vmem_shared>> -> memref<512x64xf32, #tpu.memory_space<vmem_shared>>
        tpu.enqueue_indirect_dma source(%arg12 : memref<128x64xf32, #tpu.memory_space<vmem>>) target(%dma_start3A_379 : memref<512x64xf32, #tpu.memory_space<vmem_shared>>) offsets(%arg14 : memref<128xi32, #tpu.memory_space<vmem>>) semaphore(%run_scoped3A : memref<!tpu.dma_semaphore, #tpu.memory_space<semaphore_mem>>) {add = true}
        %dma_wait3A_380 = arith.constant 0 : i32
        %dma_wait3A_381 = arith.constant 0 : i32
        %dma_wait3A_382 = tpu.memref_slice %arg25[%dma_wait3A_380, %dma_wait3A_381] : memref<512x64xf32, #tpu.memory_space<vmem_shared>> -> memref<512x64xf32, #tpu.memory_space<vmem_shared>>
        tpu.wait_indirect_dma semaphore(%run_scoped3A : memref<!tpu.dma_semaphore, #tpu.memory_space<semaphore_mem>>) src(%arg12 : memref<128x64xf32, #tpu.memory_space<vmem>>) dst(%dma_wait3A_382 : memref<512x64xf32, #tpu.memory_space<vmem_shared>>)
        tpu.yield
      }) : () -> ()
      "tpu.region"() ({
        %run_scoped3A = tpu.sem_alloc : memref<!tpu.dma_semaphore, #tpu.memory_space<semaphore_mem>>
        %dma_start3A_377 = arith.constant 0 : i32
        %dma_start3A_378 = arith.constant 0 : i32
        %dma_start3A_379 = tpu.memref_slice %arg26[%dma_start3A_377, %dma_start3A_378] : memref<512x16xf32, #tpu.memory_space<vmem_shared>> -> memref<512x16xf32, #tpu.memory_space<vmem_shared>>
        tpu.enqueue_indirect_dma source(%arg17 : memref<128x16xf32, #tpu.memory_space<vmem>>) target(%dma_start3A_379 : memref<512x16xf32, #tpu.memory_space<vmem_shared>>) offsets(%arg14 : memref<128xi32, #tpu.memory_space<vmem>>) semaphore(%run_scoped3A : memref<!tpu.dma_semaphore, #tpu.memory_space<semaphore_mem>>) {add = true}
        %dma_wait3A_380 = arith.constant 0 : i32
        %dma_wait3A_381 = arith.constant 0 : i32
        %dma_wait3A_382 = tpu.memref_slice %arg26[%dma_wait3A_380, %dma_wait3A_381] : memref<512x16xf32, #tpu.memory_space<vmem_shared>> -> memref<512x16xf32, #tpu.memory_space<vmem_shared>>
        tpu.wait_indirect_dma semaphore(%run_scoped3A : memref<!tpu.dma_semaphore, #tpu.memory_space<semaphore_mem>>) src(%arg17 : memref<128x16xf32, #tpu.memory_space<vmem>>) dst(%dma_wait3A_382 : memref<512x16xf32, #tpu.memory_space<vmem_shared>>)
        tpu.yield
      }) : () -> ()
    } else {
    }
    %add3A_177 = arith.constant 416 : i32
    %add3A_178 = arith.addi %add3A_177, %add3A : i32
    %lt3A_179 = arith.constant 781 : i32
    %lt3A_180 = arith.cmpi slt, %add3A_178, %lt3A_179 : i32
    %convert_element_type3A_181 = arith.extui %lt3A_180 : i1 to i32
    %cond3A_182 = arith.constant 0 : i32
    %cond3A_183 = arith.cmpi ne, %convert_element_type3A_181, %cond3A_182 : i32
    scf.if %cond3A_183 {
      %mul3A_369 = arith.constant 128 : i32
      %mul3A_370 = arith.muli %add3A_178, %mul3A_369 : i32
      %multiple_of3A = tpu.assume_multiple %mul3A_370, 128 : i32
      %dma_start3A_371 = tpu.memref_slice %arg3[%multiple_of3A] : memref<100000xi32, #tpu.memory_space<hbm>> -> memref<128xi32, #tpu.memory_space<hbm>>
      %dma_start3A_372 = tpu.memref_slice %arg3[%multiple_of3A] : memref<100000xi32, #tpu.memory_space<hbm>> -> memref<128xi32, #tpu.memory_space<hbm>>
      tpu.enqueue_dma source(%dma_start3A_372 : memref<128xi32, #tpu.memory_space<hbm>>) target(%arg14 : memref<128xi32, #tpu.memory_space<vmem>>) target_semaphore(%arg24 : memref<!tpu.dma_semaphore, #tpu.memory_space<semaphore_mem>>)
      %dma_start3A_373 = arith.constant 0 : i32
      %dma_start3A_374 = tpu.memref_slice %arg2[%multiple_of3A, %dma_start3A_373] : memref<100000x64xf32, #tpu.memory_space<hbm>> -> memref<128x64xf32, #tpu.memory_space<hbm>>
      %dma_start3A_375 = arith.constant 0 : i32
      %dma_start3A_376 = tpu.memref_slice %arg2[%multiple_of3A, %dma_start3A_375] : memref<100000x64xf32, #tpu.memory_space<hbm>> -> memref<128x64xf32, #tpu.memory_space<hbm>>
      tpu.enqueue_dma source(%dma_start3A_376 : memref<128x64xf32, #tpu.memory_space<hbm>>) target(%arg12 : memref<128x64xf32, #tpu.memory_space<vmem>>) target_semaphore(%arg22 : memref<!tpu.dma_semaphore, #tpu.memory_space<semaphore_mem>>)
    } else {
    }
    %add3A_184 = arith.constant 384 : i32
    %add3A_185 = arith.addi %add3A_184, %add3A : i32
    %lt3A_186 = arith.constant 781 : i32
    %lt3A_187 = arith.cmpi slt, %add3A_185, %lt3A_186 : i32
    %convert_element_type3A_188 = arith.extui %lt3A_187 : i1 to i32
    %cond3A_189 = arith.constant 0 : i32
    %cond3A_190 = arith.cmpi ne, %convert_element_type3A_188, %cond3A_189 : i32
    scf.if %cond3A_190 {
      %mul3A_369 = arith.constant 128 : i32
      %mul3A_370 = arith.muli %add3A_185, %mul3A_369 : i32
      %multiple_of3A = tpu.assume_multiple %mul3A_370, 128 : i32
      %dma_wait3A_371 = tpu.memref_slice %arg3[%multiple_of3A] : memref<100000xi32, #tpu.memory_space<hbm>> -> memref<128xi32, #tpu.memory_space<hbm>>
      %dma_wait3A_372 = tpu.memref_slice %arg3[%multiple_of3A] : memref<100000xi32, #tpu.memory_space<hbm>> -> memref<128xi32, #tpu.memory_space<hbm>>
      tpu.wait_dma2 semaphore(%arg23 : memref<!tpu.dma_semaphore, #tpu.memory_space<semaphore_mem>>) src(%dma_wait3A_372 : memref<128xi32, #tpu.memory_space<hbm>>) dst(%arg13 : memref<128xi32, #tpu.memory_space<vmem>>)
      %dma_wait3A_373 = arith.constant 0 : i32
      %dma_wait3A_374 = tpu.memref_slice %arg2[%multiple_of3A, %dma_wait3A_373] : memref<100000x64xf32, #tpu.memory_space<hbm>> -> memref<128x64xf32, #tpu.memory_space<hbm>>
      %dma_wait3A_375 = arith.constant 0 : i32
      %dma_wait3A_376 = tpu.memref_slice %arg2[%multiple_of3A, %dma_wait3A_375] : memref<100000x64xf32, #tpu.memory_space<hbm>> -> memref<128x64xf32, #tpu.memory_space<hbm>>
      tpu.wait_dma2 semaphore(%arg21 : memref<!tpu.dma_semaphore, #tpu.memory_space<semaphore_mem>>) src(%dma_wait3A_376 : memref<128x64xf32, #tpu.memory_space<hbm>>) dst(%arg11 : memref<128x64xf32, #tpu.memory_space<vmem>>)
      "tpu.region"() ({
        %run_scoped3A = tpu.sem_alloc : memref<!tpu.dma_semaphore, #tpu.memory_space<semaphore_mem>>
        %dma_start3A_377 = arith.constant 0 : i32
        %dma_start3A_378 = arith.constant 0 : i32
        %dma_start3A_379 = tpu.memref_slice %arg25[%dma_start3A_377, %dma_start3A_378] : memref<512x64xf32, #tpu.memory_space<vmem_shared>> -> memref<512x64xf32, #tpu.memory_space<vmem_shared>>
        tpu.enqueue_indirect_dma source(%arg11 : memref<128x64xf32, #tpu.memory_space<vmem>>) target(%dma_start3A_379 : memref<512x64xf32, #tpu.memory_space<vmem_shared>>) offsets(%arg13 : memref<128xi32, #tpu.memory_space<vmem>>) semaphore(%run_scoped3A : memref<!tpu.dma_semaphore, #tpu.memory_space<semaphore_mem>>) {add = true}
        %dma_wait3A_380 = arith.constant 0 : i32
        %dma_wait3A_381 = arith.constant 0 : i32
        %dma_wait3A_382 = tpu.memref_slice %arg25[%dma_wait3A_380, %dma_wait3A_381] : memref<512x64xf32, #tpu.memory_space<vmem_shared>> -> memref<512x64xf32, #tpu.memory_space<vmem_shared>>
        tpu.wait_indirect_dma semaphore(%run_scoped3A : memref<!tpu.dma_semaphore, #tpu.memory_space<semaphore_mem>>) src(%arg11 : memref<128x64xf32, #tpu.memory_space<vmem>>) dst(%dma_wait3A_382 : memref<512x64xf32, #tpu.memory_space<vmem_shared>>)
        tpu.yield
      }) : () -> ()
      "tpu.region"() ({
        %run_scoped3A = tpu.sem_alloc : memref<!tpu.dma_semaphore, #tpu.memory_space<semaphore_mem>>
        %dma_start3A_377 = arith.constant 0 : i32
        %dma_start3A_378 = arith.constant 0 : i32
        %dma_start3A_379 = tpu.memref_slice %arg26[%dma_start3A_377, %dma_start3A_378] : memref<512x16xf32, #tpu.memory_space<vmem_shared>> -> memref<512x16xf32, #tpu.memory_space<vmem_shared>>
        tpu.enqueue_indirect_dma source(%arg17 : memref<128x16xf32, #tpu.memory_space<vmem>>) target(%dma_start3A_379 : memref<512x16xf32, #tpu.memory_space<vmem_shared>>) offsets(%arg13 : memref<128xi32, #tpu.memory_space<vmem>>) semaphore(%run_scoped3A : memref<!tpu.dma_semaphore, #tpu.memory_space<semaphore_mem>>) {add = true}
        %dma_wait3A_380 = arith.constant 0 : i32
        %dma_wait3A_381 = arith.constant 0 : i32
        %dma_wait3A_382 = tpu.memref_slice %arg26[%dma_wait3A_380, %dma_wait3A_381] : memref<512x16xf32, #tpu.memory_space<vmem_shared>> -> memref<512x16xf32, #tpu.memory_space<vmem_shared>>
        tpu.wait_indirect_dma semaphore(%run_scoped3A : memref<!tpu.dma_semaphore, #tpu.memory_space<semaphore_mem>>) src(%arg17 : memref<128x16xf32, #tpu.memory_space<vmem>>) dst(%dma_wait3A_382 : memref<512x16xf32, #tpu.memory_space<vmem_shared>>)
        tpu.yield
      }) : () -> ()
    } else {
    }
    %add3A_191 = arith.constant 448 : i32
    %add3A_192 = arith.addi %add3A_191, %add3A : i32
    %lt3A_193 = arith.constant 781 : i32
    %lt3A_194 = arith.cmpi slt, %add3A_192, %lt3A_193 : i32
    %convert_element_type3A_195 = arith.extui %lt3A_194 : i1 to i32
    %cond3A_196 = arith.constant 0 : i32
    %cond3A_197 = arith.cmpi ne, %convert_element_type3A_195, %cond3A_196 : i32
    scf.if %cond3A_197 {
      %mul3A_369 = arith.constant 128 : i32
      %mul3A_370 = arith.muli %add3A_192, %mul3A_369 : i32
      %multiple_of3A = tpu.assume_multiple %mul3A_370, 128 : i32
      %dma_start3A_371 = tpu.memref_slice %arg3[%multiple_of3A] : memref<100000xi32, #tpu.memory_space<hbm>> -> memref<128xi32, #tpu.memory_space<hbm>>
      %dma_start3A_372 = tpu.memref_slice %arg3[%multiple_of3A] : memref<100000xi32, #tpu.memory_space<hbm>> -> memref<128xi32, #tpu.memory_space<hbm>>
      tpu.enqueue_dma source(%dma_start3A_372 : memref<128xi32, #tpu.memory_space<hbm>>) target(%arg13 : memref<128xi32, #tpu.memory_space<vmem>>) target_semaphore(%arg23 : memref<!tpu.dma_semaphore, #tpu.memory_space<semaphore_mem>>)
      %dma_start3A_373 = arith.constant 0 : i32
      %dma_start3A_374 = tpu.memref_slice %arg2[%multiple_of3A, %dma_start3A_373] : memref<100000x64xf32, #tpu.memory_space<hbm>> -> memref<128x64xf32, #tpu.memory_space<hbm>>
      %dma_start3A_375 = arith.constant 0 : i32
      %dma_start3A_376 = tpu.memref_slice %arg2[%multiple_of3A, %dma_start3A_375] : memref<100000x64xf32, #tpu.memory_space<hbm>> -> memref<128x64xf32, #tpu.memory_space<hbm>>
      tpu.enqueue_dma source(%dma_start3A_376 : memref<128x64xf32, #tpu.memory_space<hbm>>) target(%arg11 : memref<128x64xf32, #tpu.memory_space<vmem>>) target_semaphore(%arg21 : memref<!tpu.dma_semaphore, #tpu.memory_space<semaphore_mem>>)
    } else {
    }
    %add3A_198 = arith.constant 416 : i32
    %add3A_199 = arith.addi %add3A_198, %add3A : i32
    %lt3A_200 = arith.constant 781 : i32
    %lt3A_201 = arith.cmpi slt, %add3A_199, %lt3A_200 : i32
    %convert_element_type3A_202 = arith.extui %lt3A_201 : i1 to i32
    %cond3A_203 = arith.constant 0 : i32
    %cond3A_204 = arith.cmpi ne, %convert_element_type3A_202, %cond3A_203 : i32
    scf.if %cond3A_204 {
      %mul3A_369 = arith.constant 128 : i32
      %mul3A_370 = arith.muli %add3A_199, %mul3A_369 : i32
      %multiple_of3A = tpu.assume_multiple %mul3A_370, 128 : i32
      %dma_wait3A_371 = tpu.memref_slice %arg3[%multiple_of3A] : memref<100000xi32, #tpu.memory_space<hbm>> -> memref<128xi32, #tpu.memory_space<hbm>>
      %dma_wait3A_372 = tpu.memref_slice %arg3[%multiple_of3A] : memref<100000xi32, #tpu.memory_space<hbm>> -> memref<128xi32, #tpu.memory_space<hbm>>
      tpu.wait_dma2 semaphore(%arg24 : memref<!tpu.dma_semaphore, #tpu.memory_space<semaphore_mem>>) src(%dma_wait3A_372 : memref<128xi32, #tpu.memory_space<hbm>>) dst(%arg14 : memref<128xi32, #tpu.memory_space<vmem>>)
      %dma_wait3A_373 = arith.constant 0 : i32
      %dma_wait3A_374 = tpu.memref_slice %arg2[%multiple_of3A, %dma_wait3A_373] : memref<100000x64xf32, #tpu.memory_space<hbm>> -> memref<128x64xf32, #tpu.memory_space<hbm>>
      %dma_wait3A_375 = arith.constant 0 : i32
      %dma_wait3A_376 = tpu.memref_slice %arg2[%multiple_of3A, %dma_wait3A_375] : memref<100000x64xf32, #tpu.memory_space<hbm>> -> memref<128x64xf32, #tpu.memory_space<hbm>>
      tpu.wait_dma2 semaphore(%arg22 : memref<!tpu.dma_semaphore, #tpu.memory_space<semaphore_mem>>) src(%dma_wait3A_376 : memref<128x64xf32, #tpu.memory_space<hbm>>) dst(%arg12 : memref<128x64xf32, #tpu.memory_space<vmem>>)
      "tpu.region"() ({
        %run_scoped3A = tpu.sem_alloc : memref<!tpu.dma_semaphore, #tpu.memory_space<semaphore_mem>>
        %dma_start3A_377 = arith.constant 0 : i32
        %dma_start3A_378 = arith.constant 0 : i32
        %dma_start3A_379 = tpu.memref_slice %arg25[%dma_start3A_377, %dma_start3A_378] : memref<512x64xf32, #tpu.memory_space<vmem_shared>> -> memref<512x64xf32, #tpu.memory_space<vmem_shared>>
        tpu.enqueue_indirect_dma source(%arg12 : memref<128x64xf32, #tpu.memory_space<vmem>>) target(%dma_start3A_379 : memref<512x64xf32, #tpu.memory_space<vmem_shared>>) offsets(%arg14 : memref<128xi32, #tpu.memory_space<vmem>>) semaphore(%run_scoped3A : memref<!tpu.dma_semaphore, #tpu.memory_space<semaphore_mem>>) {add = true}
        %dma_wait3A_380 = arith.constant 0 : i32
        %dma_wait3A_381 = arith.constant 0 : i32
        %dma_wait3A_382 = tpu.memref_slice %arg25[%dma_wait3A_380, %dma_wait3A_381] : memref<512x64xf32, #tpu.memory_space<vmem_shared>> -> memref<512x64xf32, #tpu.memory_space<vmem_shared>>
        tpu.wait_indirect_dma semaphore(%run_scoped3A : memref<!tpu.dma_semaphore, #tpu.memory_space<semaphore_mem>>) src(%arg12 : memref<128x64xf32, #tpu.memory_space<vmem>>) dst(%dma_wait3A_382 : memref<512x64xf32, #tpu.memory_space<vmem_shared>>)
        tpu.yield
      }) : () -> ()
      "tpu.region"() ({
        %run_scoped3A = tpu.sem_alloc : memref<!tpu.dma_semaphore, #tpu.memory_space<semaphore_mem>>
        %dma_start3A_377 = arith.constant 0 : i32
        %dma_start3A_378 = arith.constant 0 : i32
        %dma_start3A_379 = tpu.memref_slice %arg26[%dma_start3A_377, %dma_start3A_378] : memref<512x16xf32, #tpu.memory_space<vmem_shared>> -> memref<512x16xf32, #tpu.memory_space<vmem_shared>>
        tpu.enqueue_indirect_dma source(%arg17 : memref<128x16xf32, #tpu.memory_space<vmem>>) target(%dma_start3A_379 : memref<512x16xf32, #tpu.memory_space<vmem_shared>>) offsets(%arg14 : memref<128xi32, #tpu.memory_space<vmem>>) semaphore(%run_scoped3A : memref<!tpu.dma_semaphore, #tpu.memory_space<semaphore_mem>>) {add = true}
        %dma_wait3A_380 = arith.constant 0 : i32
        %dma_wait3A_381 = arith.constant 0 : i32
        %dma_wait3A_382 = tpu.memref_slice %arg26[%dma_wait3A_380, %dma_wait3A_381] : memref<512x16xf32, #tpu.memory_space<vmem_shared>> -> memref<512x16xf32, #tpu.memory_space<vmem_shared>>
        tpu.wait_indirect_dma semaphore(%run_scoped3A : memref<!tpu.dma_semaphore, #tpu.memory_space<semaphore_mem>>) src(%arg17 : memref<128x16xf32, #tpu.memory_space<vmem>>) dst(%dma_wait3A_382 : memref<512x16xf32, #tpu.memory_space<vmem_shared>>)
        tpu.yield
      }) : () -> ()
    } else {
    }
    %add3A_205 = arith.constant 480 : i32
    %add3A_206 = arith.addi %add3A_205, %add3A : i32
    %lt3A_207 = arith.constant 781 : i32
    %lt3A_208 = arith.cmpi slt, %add3A_206, %lt3A_207 : i32
    %convert_element_type3A_209 = arith.extui %lt3A_208 : i1 to i32
    %cond3A_210 = arith.constant 0 : i32
    %cond3A_211 = arith.cmpi ne, %convert_element_type3A_209, %cond3A_210 : i32
    scf.if %cond3A_211 {
      %mul3A_369 = arith.constant 128 : i32
      %mul3A_370 = arith.muli %add3A_206, %mul3A_369 : i32
      %multiple_of3A = tpu.assume_multiple %mul3A_370, 128 : i32
      %dma_start3A_371 = tpu.memref_slice %arg3[%multiple_of3A] : memref<100000xi32, #tpu.memory_space<hbm>> -> memref<128xi32, #tpu.memory_space<hbm>>
      %dma_start3A_372 = tpu.memref_slice %arg3[%multiple_of3A] : memref<100000xi32, #tpu.memory_space<hbm>> -> memref<128xi32, #tpu.memory_space<hbm>>
      tpu.enqueue_dma source(%dma_start3A_372 : memref<128xi32, #tpu.memory_space<hbm>>) target(%arg14 : memref<128xi32, #tpu.memory_space<vmem>>) target_semaphore(%arg24 : memref<!tpu.dma_semaphore, #tpu.memory_space<semaphore_mem>>)
      %dma_start3A_373 = arith.constant 0 : i32
      %dma_start3A_374 = tpu.memref_slice %arg2[%multiple_of3A, %dma_start3A_373] : memref<100000x64xf32, #tpu.memory_space<hbm>> -> memref<128x64xf32, #tpu.memory_space<hbm>>
      %dma_start3A_375 = arith.constant 0 : i32
      %dma_start3A_376 = tpu.memref_slice %arg2[%multiple_of3A, %dma_start3A_375] : memref<100000x64xf32, #tpu.memory_space<hbm>> -> memref<128x64xf32, #tpu.memory_space<hbm>>
      tpu.enqueue_dma source(%dma_start3A_376 : memref<128x64xf32, #tpu.memory_space<hbm>>) target(%arg12 : memref<128x64xf32, #tpu.memory_space<vmem>>) target_semaphore(%arg22 : memref<!tpu.dma_semaphore, #tpu.memory_space<semaphore_mem>>)
    } else {
    }
    %add3A_212 = arith.constant 448 : i32
    %add3A_213 = arith.addi %add3A_212, %add3A : i32
    %lt3A_214 = arith.constant 781 : i32
    %lt3A_215 = arith.cmpi slt, %add3A_213, %lt3A_214 : i32
    %convert_element_type3A_216 = arith.extui %lt3A_215 : i1 to i32
    %cond3A_217 = arith.constant 0 : i32
    %cond3A_218 = arith.cmpi ne, %convert_element_type3A_216, %cond3A_217 : i32
    scf.if %cond3A_218 {
      %mul3A_369 = arith.constant 128 : i32
      %mul3A_370 = arith.muli %add3A_213, %mul3A_369 : i32
      %multiple_of3A = tpu.assume_multiple %mul3A_370, 128 : i32
      %dma_wait3A_371 = tpu.memref_slice %arg3[%multiple_of3A] : memref<100000xi32, #tpu.memory_space<hbm>> -> memref<128xi32, #tpu.memory_space<hbm>>
      %dma_wait3A_372 = tpu.memref_slice %arg3[%multiple_of3A] : memref<100000xi32, #tpu.memory_space<hbm>> -> memref<128xi32, #tpu.memory_space<hbm>>
      tpu.wait_dma2 semaphore(%arg23 : memref<!tpu.dma_semaphore, #tpu.memory_space<semaphore_mem>>) src(%dma_wait3A_372 : memref<128xi32, #tpu.memory_space<hbm>>) dst(%arg13 : memref<128xi32, #tpu.memory_space<vmem>>)
      %dma_wait3A_373 = arith.constant 0 : i32
      %dma_wait3A_374 = tpu.memref_slice %arg2[%multiple_of3A, %dma_wait3A_373] : memref<100000x64xf32, #tpu.memory_space<hbm>> -> memref<128x64xf32, #tpu.memory_space<hbm>>
      %dma_wait3A_375 = arith.constant 0 : i32
      %dma_wait3A_376 = tpu.memref_slice %arg2[%multiple_of3A, %dma_wait3A_375] : memref<100000x64xf32, #tpu.memory_space<hbm>> -> memref<128x64xf32, #tpu.memory_space<hbm>>
      tpu.wait_dma2 semaphore(%arg21 : memref<!tpu.dma_semaphore, #tpu.memory_space<semaphore_mem>>) src(%dma_wait3A_376 : memref<128x64xf32, #tpu.memory_space<hbm>>) dst(%arg11 : memref<128x64xf32, #tpu.memory_space<vmem>>)
      "tpu.region"() ({
        %run_scoped3A = tpu.sem_alloc : memref<!tpu.dma_semaphore, #tpu.memory_space<semaphore_mem>>
        %dma_start3A_377 = arith.constant 0 : i32
        %dma_start3A_378 = arith.constant 0 : i32
        %dma_start3A_379 = tpu.memref_slice %arg25[%dma_start3A_377, %dma_start3A_378] : memref<512x64xf32, #tpu.memory_space<vmem_shared>> -> memref<512x64xf32, #tpu.memory_space<vmem_shared>>
        tpu.enqueue_indirect_dma source(%arg11 : memref<128x64xf32, #tpu.memory_space<vmem>>) target(%dma_start3A_379 : memref<512x64xf32, #tpu.memory_space<vmem_shared>>) offsets(%arg13 : memref<128xi32, #tpu.memory_space<vmem>>) semaphore(%run_scoped3A : memref<!tpu.dma_semaphore, #tpu.memory_space<semaphore_mem>>) {add = true}
        %dma_wait3A_380 = arith.constant 0 : i32
        %dma_wait3A_381 = arith.constant 0 : i32
        %dma_wait3A_382 = tpu.memref_slice %arg25[%dma_wait3A_380, %dma_wait3A_381] : memref<512x64xf32, #tpu.memory_space<vmem_shared>> -> memref<512x64xf32, #tpu.memory_space<vmem_shared>>
        tpu.wait_indirect_dma semaphore(%run_scoped3A : memref<!tpu.dma_semaphore, #tpu.memory_space<semaphore_mem>>) src(%arg11 : memref<128x64xf32, #tpu.memory_space<vmem>>) dst(%dma_wait3A_382 : memref<512x64xf32, #tpu.memory_space<vmem_shared>>)
        tpu.yield
      }) : () -> ()
      "tpu.region"() ({
        %run_scoped3A = tpu.sem_alloc : memref<!tpu.dma_semaphore, #tpu.memory_space<semaphore_mem>>
        %dma_start3A_377 = arith.constant 0 : i32
        %dma_start3A_378 = arith.constant 0 : i32
        %dma_start3A_379 = tpu.memref_slice %arg26[%dma_start3A_377, %dma_start3A_378] : memref<512x16xf32, #tpu.memory_space<vmem_shared>> -> memref<512x16xf32, #tpu.memory_space<vmem_shared>>
        tpu.enqueue_indirect_dma source(%arg17 : memref<128x16xf32, #tpu.memory_space<vmem>>) target(%dma_start3A_379 : memref<512x16xf32, #tpu.memory_space<vmem_shared>>) offsets(%arg13 : memref<128xi32, #tpu.memory_space<vmem>>) semaphore(%run_scoped3A : memref<!tpu.dma_semaphore, #tpu.memory_space<semaphore_mem>>) {add = true}
        %dma_wait3A_380 = arith.constant 0 : i32
        %dma_wait3A_381 = arith.constant 0 : i32
        %dma_wait3A_382 = tpu.memref_slice %arg26[%dma_wait3A_380, %dma_wait3A_381] : memref<512x16xf32, #tpu.memory_space<vmem_shared>> -> memref<512x16xf32, #tpu.memory_space<vmem_shared>>
        tpu.wait_indirect_dma semaphore(%run_scoped3A : memref<!tpu.dma_semaphore, #tpu.memory_space<semaphore_mem>>) src(%arg17 : memref<128x16xf32, #tpu.memory_space<vmem>>) dst(%dma_wait3A_382 : memref<512x16xf32, #tpu.memory_space<vmem_shared>>)
        tpu.yield
      }) : () -> ()
    } else {
    }
    %add3A_219 = arith.constant 512 : i32
    %add3A_220 = arith.addi %add3A_219, %add3A : i32
    %lt3A_221 = arith.constant 781 : i32
    %lt3A_222 = arith.cmpi slt, %add3A_220, %lt3A_221 : i32
    %convert_element_type3A_223 = arith.extui %lt3A_222 : i1 to i32
    %cond3A_224 = arith.constant 0 : i32
    %cond3A_225 = arith.cmpi ne, %convert_element_type3A_223, %cond3A_224 : i32
    scf.if %cond3A_225 {
      %mul3A_369 = arith.constant 128 : i32
      %mul3A_370 = arith.muli %add3A_220, %mul3A_369 : i32
      %multiple_of3A = tpu.assume_multiple %mul3A_370, 128 : i32
      %dma_start3A_371 = tpu.memref_slice %arg3[%multiple_of3A] : memref<100000xi32, #tpu.memory_space<hbm>> -> memref<128xi32, #tpu.memory_space<hbm>>
      %dma_start3A_372 = tpu.memref_slice %arg3[%multiple_of3A] : memref<100000xi32, #tpu.memory_space<hbm>> -> memref<128xi32, #tpu.memory_space<hbm>>
      tpu.enqueue_dma source(%dma_start3A_372 : memref<128xi32, #tpu.memory_space<hbm>>) target(%arg13 : memref<128xi32, #tpu.memory_space<vmem>>) target_semaphore(%arg23 : memref<!tpu.dma_semaphore, #tpu.memory_space<semaphore_mem>>)
      %dma_start3A_373 = arith.constant 0 : i32
      %dma_start3A_374 = tpu.memref_slice %arg2[%multiple_of3A, %dma_start3A_373] : memref<100000x64xf32, #tpu.memory_space<hbm>> -> memref<128x64xf32, #tpu.memory_space<hbm>>
      %dma_start3A_375 = arith.constant 0 : i32
      %dma_start3A_376 = tpu.memref_slice %arg2[%multiple_of3A, %dma_start3A_375] : memref<100000x64xf32, #tpu.memory_space<hbm>> -> memref<128x64xf32, #tpu.memory_space<hbm>>
      tpu.enqueue_dma source(%dma_start3A_376 : memref<128x64xf32, #tpu.memory_space<hbm>>) target(%arg11 : memref<128x64xf32, #tpu.memory_space<vmem>>) target_semaphore(%arg21 : memref<!tpu.dma_semaphore, #tpu.memory_space<semaphore_mem>>)
    } else {
    }
    %add3A_226 = arith.constant 480 : i32
    %add3A_227 = arith.addi %add3A_226, %add3A : i32
    %lt3A_228 = arith.constant 781 : i32
    %lt3A_229 = arith.cmpi slt, %add3A_227, %lt3A_228 : i32
    %convert_element_type3A_230 = arith.extui %lt3A_229 : i1 to i32
    %cond3A_231 = arith.constant 0 : i32
    %cond3A_232 = arith.cmpi ne, %convert_element_type3A_230, %cond3A_231 : i32
    scf.if %cond3A_232 {
      %mul3A_369 = arith.constant 128 : i32
      %mul3A_370 = arith.muli %add3A_227, %mul3A_369 : i32
      %multiple_of3A = tpu.assume_multiple %mul3A_370, 128 : i32
      %dma_wait3A_371 = tpu.memref_slice %arg3[%multiple_of3A] : memref<100000xi32, #tpu.memory_space<hbm>> -> memref<128xi32, #tpu.memory_space<hbm>>
      %dma_wait3A_372 = tpu.memref_slice %arg3[%multiple_of3A] : memref<100000xi32, #tpu.memory_space<hbm>> -> memref<128xi32, #tpu.memory_space<hbm>>
      tpu.wait_dma2 semaphore(%arg24 : memref<!tpu.dma_semaphore, #tpu.memory_space<semaphore_mem>>) src(%dma_wait3A_372 : memref<128xi32, #tpu.memory_space<hbm>>) dst(%arg14 : memref<128xi32, #tpu.memory_space<vmem>>)
      %dma_wait3A_373 = arith.constant 0 : i32
      %dma_wait3A_374 = tpu.memref_slice %arg2[%multiple_of3A, %dma_wait3A_373] : memref<100000x64xf32, #tpu.memory_space<hbm>> -> memref<128x64xf32, #tpu.memory_space<hbm>>
      %dma_wait3A_375 = arith.constant 0 : i32
      %dma_wait3A_376 = tpu.memref_slice %arg2[%multiple_of3A, %dma_wait3A_375] : memref<100000x64xf32, #tpu.memory_space<hbm>> -> memref<128x64xf32, #tpu.memory_space<hbm>>
      tpu.wait_dma2 semaphore(%arg22 : memref<!tpu.dma_semaphore, #tpu.memory_space<semaphore_mem>>) src(%dma_wait3A_376 : memref<128x64xf32, #tpu.memory_space<hbm>>) dst(%arg12 : memref<128x64xf32, #tpu.memory_space<vmem>>)
      "tpu.region"() ({
        %run_scoped3A = tpu.sem_alloc : memref<!tpu.dma_semaphore, #tpu.memory_space<semaphore_mem>>
        %dma_start3A_377 = arith.constant 0 : i32
        %dma_start3A_378 = arith.constant 0 : i32
        %dma_start3A_379 = tpu.memref_slice %arg25[%dma_start3A_377, %dma_start3A_378] : memref<512x64xf32, #tpu.memory_space<vmem_shared>> -> memref<512x64xf32, #tpu.memory_space<vmem_shared>>
        tpu.enqueue_indirect_dma source(%arg12 : memref<128x64xf32, #tpu.memory_space<vmem>>) target(%dma_start3A_379 : memref<512x64xf32, #tpu.memory_space<vmem_shared>>) offsets(%arg14 : memref<128xi32, #tpu.memory_space<vmem>>) semaphore(%run_scoped3A : memref<!tpu.dma_semaphore, #tpu.memory_space<semaphore_mem>>) {add = true}
        %dma_wait3A_380 = arith.constant 0 : i32
        %dma_wait3A_381 = arith.constant 0 : i32
        %dma_wait3A_382 = tpu.memref_slice %arg25[%dma_wait3A_380, %dma_wait3A_381] : memref<512x64xf32, #tpu.memory_space<vmem_shared>> -> memref<512x64xf32, #tpu.memory_space<vmem_shared>>
        tpu.wait_indirect_dma semaphore(%run_scoped3A : memref<!tpu.dma_semaphore, #tpu.memory_space<semaphore_mem>>) src(%arg12 : memref<128x64xf32, #tpu.memory_space<vmem>>) dst(%dma_wait3A_382 : memref<512x64xf32, #tpu.memory_space<vmem_shared>>)
        tpu.yield
      }) : () -> ()
      "tpu.region"() ({
        %run_scoped3A = tpu.sem_alloc : memref<!tpu.dma_semaphore, #tpu.memory_space<semaphore_mem>>
        %dma_start3A_377 = arith.constant 0 : i32
        %dma_start3A_378 = arith.constant 0 : i32
        %dma_start3A_379 = tpu.memref_slice %arg26[%dma_start3A_377, %dma_start3A_378] : memref<512x16xf32, #tpu.memory_space<vmem_shared>> -> memref<512x16xf32, #tpu.memory_space<vmem_shared>>
        tpu.enqueue_indirect_dma source(%arg17 : memref<128x16xf32, #tpu.memory_space<vmem>>) target(%dma_start3A_379 : memref<512x16xf32, #tpu.memory_space<vmem_shared>>) offsets(%arg14 : memref<128xi32, #tpu.memory_space<vmem>>) semaphore(%run_scoped3A : memref<!tpu.dma_semaphore, #tpu.memory_space<semaphore_mem>>) {add = true}
        %dma_wait3A_380 = arith.constant 0 : i32
        %dma_wait3A_381 = arith.constant 0 : i32
        %dma_wait3A_382 = tpu.memref_slice %arg26[%dma_wait3A_380, %dma_wait3A_381] : memref<512x16xf32, #tpu.memory_space<vmem_shared>> -> memref<512x16xf32, #tpu.memory_space<vmem_shared>>
        tpu.wait_indirect_dma semaphore(%run_scoped3A : memref<!tpu.dma_semaphore, #tpu.memory_space<semaphore_mem>>) src(%arg17 : memref<128x16xf32, #tpu.memory_space<vmem>>) dst(%dma_wait3A_382 : memref<512x16xf32, #tpu.memory_space<vmem_shared>>)
        tpu.yield
      }) : () -> ()
    } else {
    }
    %add3A_233 = arith.constant 544 : i32
    %add3A_234 = arith.addi %add3A_233, %add3A : i32
    %lt3A_235 = arith.constant 781 : i32
    %lt3A_236 = arith.cmpi slt, %add3A_234, %lt3A_235 : i32
    %convert_element_type3A_237 = arith.extui %lt3A_236 : i1 to i32
    %cond3A_238 = arith.constant 0 : i32
    %cond3A_239 = arith.cmpi ne, %convert_element_type3A_237, %cond3A_238 : i32
    scf.if %cond3A_239 {
      %mul3A_369 = arith.constant 128 : i32
      %mul3A_370 = arith.muli %add3A_234, %mul3A_369 : i32
      %multiple_of3A = tpu.assume_multiple %mul3A_370, 128 : i32
      %dma_start3A_371 = tpu.memref_slice %arg3[%multiple_of3A] : memref<100000xi32, #tpu.memory_space<hbm>> -> memref<128xi32, #tpu.memory_space<hbm>>
      %dma_start3A_372 = tpu.memref_slice %arg3[%multiple_of3A] : memref<100000xi32, #tpu.memory_space<hbm>> -> memref<128xi32, #tpu.memory_space<hbm>>
      tpu.enqueue_dma source(%dma_start3A_372 : memref<128xi32, #tpu.memory_space<hbm>>) target(%arg14 : memref<128xi32, #tpu.memory_space<vmem>>) target_semaphore(%arg24 : memref<!tpu.dma_semaphore, #tpu.memory_space<semaphore_mem>>)
      %dma_start3A_373 = arith.constant 0 : i32
      %dma_start3A_374 = tpu.memref_slice %arg2[%multiple_of3A, %dma_start3A_373] : memref<100000x64xf32, #tpu.memory_space<hbm>> -> memref<128x64xf32, #tpu.memory_space<hbm>>
      %dma_start3A_375 = arith.constant 0 : i32
      %dma_start3A_376 = tpu.memref_slice %arg2[%multiple_of3A, %dma_start3A_375] : memref<100000x64xf32, #tpu.memory_space<hbm>> -> memref<128x64xf32, #tpu.memory_space<hbm>>
      tpu.enqueue_dma source(%dma_start3A_376 : memref<128x64xf32, #tpu.memory_space<hbm>>) target(%arg12 : memref<128x64xf32, #tpu.memory_space<vmem>>) target_semaphore(%arg22 : memref<!tpu.dma_semaphore, #tpu.memory_space<semaphore_mem>>)
    } else {
    }
    %add3A_240 = arith.constant 512 : i32
    %add3A_241 = arith.addi %add3A_240, %add3A : i32
    %lt3A_242 = arith.constant 781 : i32
    %lt3A_243 = arith.cmpi slt, %add3A_241, %lt3A_242 : i32
    %convert_element_type3A_244 = arith.extui %lt3A_243 : i1 to i32
    %cond3A_245 = arith.constant 0 : i32
    %cond3A_246 = arith.cmpi ne, %convert_element_type3A_244, %cond3A_245 : i32
    scf.if %cond3A_246 {
      %mul3A_369 = arith.constant 128 : i32
      %mul3A_370 = arith.muli %add3A_241, %mul3A_369 : i32
      %multiple_of3A = tpu.assume_multiple %mul3A_370, 128 : i32
      %dma_wait3A_371 = tpu.memref_slice %arg3[%multiple_of3A] : memref<100000xi32, #tpu.memory_space<hbm>> -> memref<128xi32, #tpu.memory_space<hbm>>
      %dma_wait3A_372 = tpu.memref_slice %arg3[%multiple_of3A] : memref<100000xi32, #tpu.memory_space<hbm>> -> memref<128xi32, #tpu.memory_space<hbm>>
      tpu.wait_dma2 semaphore(%arg23 : memref<!tpu.dma_semaphore, #tpu.memory_space<semaphore_mem>>) src(%dma_wait3A_372 : memref<128xi32, #tpu.memory_space<hbm>>) dst(%arg13 : memref<128xi32, #tpu.memory_space<vmem>>)
      %dma_wait3A_373 = arith.constant 0 : i32
      %dma_wait3A_374 = tpu.memref_slice %arg2[%multiple_of3A, %dma_wait3A_373] : memref<100000x64xf32, #tpu.memory_space<hbm>> -> memref<128x64xf32, #tpu.memory_space<hbm>>
      %dma_wait3A_375 = arith.constant 0 : i32
      %dma_wait3A_376 = tpu.memref_slice %arg2[%multiple_of3A, %dma_wait3A_375] : memref<100000x64xf32, #tpu.memory_space<hbm>> -> memref<128x64xf32, #tpu.memory_space<hbm>>
      tpu.wait_dma2 semaphore(%arg21 : memref<!tpu.dma_semaphore, #tpu.memory_space<semaphore_mem>>) src(%dma_wait3A_376 : memref<128x64xf32, #tpu.memory_space<hbm>>) dst(%arg11 : memref<128x64xf32, #tpu.memory_space<vmem>>)
      "tpu.region"() ({
        %run_scoped3A = tpu.sem_alloc : memref<!tpu.dma_semaphore, #tpu.memory_space<semaphore_mem>>
        %dma_start3A_377 = arith.constant 0 : i32
        %dma_start3A_378 = arith.constant 0 : i32
        %dma_start3A_379 = tpu.memref_slice %arg25[%dma_start3A_377, %dma_start3A_378] : memref<512x64xf32, #tpu.memory_space<vmem_shared>> -> memref<512x64xf32, #tpu.memory_space<vmem_shared>>
        tpu.enqueue_indirect_dma source(%arg11 : memref<128x64xf32, #tpu.memory_space<vmem>>) target(%dma_start3A_379 : memref<512x64xf32, #tpu.memory_space<vmem_shared>>) offsets(%arg13 : memref<128xi32, #tpu.memory_space<vmem>>) semaphore(%run_scoped3A : memref<!tpu.dma_semaphore, #tpu.memory_space<semaphore_mem>>) {add = true}
        %dma_wait3A_380 = arith.constant 0 : i32
        %dma_wait3A_381 = arith.constant 0 : i32
        %dma_wait3A_382 = tpu.memref_slice %arg25[%dma_wait3A_380, %dma_wait3A_381] : memref<512x64xf32, #tpu.memory_space<vmem_shared>> -> memref<512x64xf32, #tpu.memory_space<vmem_shared>>
        tpu.wait_indirect_dma semaphore(%run_scoped3A : memref<!tpu.dma_semaphore, #tpu.memory_space<semaphore_mem>>) src(%arg11 : memref<128x64xf32, #tpu.memory_space<vmem>>) dst(%dma_wait3A_382 : memref<512x64xf32, #tpu.memory_space<vmem_shared>>)
        tpu.yield
      }) : () -> ()
      "tpu.region"() ({
        %run_scoped3A = tpu.sem_alloc : memref<!tpu.dma_semaphore, #tpu.memory_space<semaphore_mem>>
        %dma_start3A_377 = arith.constant 0 : i32
        %dma_start3A_378 = arith.constant 0 : i32
        %dma_start3A_379 = tpu.memref_slice %arg26[%dma_start3A_377, %dma_start3A_378] : memref<512x16xf32, #tpu.memory_space<vmem_shared>> -> memref<512x16xf32, #tpu.memory_space<vmem_shared>>
        tpu.enqueue_indirect_dma source(%arg17 : memref<128x16xf32, #tpu.memory_space<vmem>>) target(%dma_start3A_379 : memref<512x16xf32, #tpu.memory_space<vmem_shared>>) offsets(%arg13 : memref<128xi32, #tpu.memory_space<vmem>>) semaphore(%run_scoped3A : memref<!tpu.dma_semaphore, #tpu.memory_space<semaphore_mem>>) {add = true}
        %dma_wait3A_380 = arith.constant 0 : i32
        %dma_wait3A_381 = arith.constant 0 : i32
        %dma_wait3A_382 = tpu.memref_slice %arg26[%dma_wait3A_380, %dma_wait3A_381] : memref<512x16xf32, #tpu.memory_space<vmem_shared>> -> memref<512x16xf32, #tpu.memory_space<vmem_shared>>
        tpu.wait_indirect_dma semaphore(%run_scoped3A : memref<!tpu.dma_semaphore, #tpu.memory_space<semaphore_mem>>) src(%arg17 : memref<128x16xf32, #tpu.memory_space<vmem>>) dst(%dma_wait3A_382 : memref<512x16xf32, #tpu.memory_space<vmem_shared>>)
        tpu.yield
      }) : () -> ()
    } else {
    }
    %add3A_247 = arith.constant 576 : i32
    %add3A_248 = arith.addi %add3A_247, %add3A : i32
    %lt3A_249 = arith.constant 781 : i32
    %lt3A_250 = arith.cmpi slt, %add3A_248, %lt3A_249 : i32
    %convert_element_type3A_251 = arith.extui %lt3A_250 : i1 to i32
    %cond3A_252 = arith.constant 0 : i32
    %cond3A_253 = arith.cmpi ne, %convert_element_type3A_251, %cond3A_252 : i32
    scf.if %cond3A_253 {
      %mul3A_369 = arith.constant 128 : i32
      %mul3A_370 = arith.muli %add3A_248, %mul3A_369 : i32
      %multiple_of3A = tpu.assume_multiple %mul3A_370, 128 : i32
      %dma_start3A_371 = tpu.memref_slice %arg3[%multiple_of3A] : memref<100000xi32, #tpu.memory_space<hbm>> -> memref<128xi32, #tpu.memory_space<hbm>>
      %dma_start3A_372 = tpu.memref_slice %arg3[%multiple_of3A] : memref<100000xi32, #tpu.memory_space<hbm>> -> memref<128xi32, #tpu.memory_space<hbm>>
      tpu.enqueue_dma source(%dma_start3A_372 : memref<128xi32, #tpu.memory_space<hbm>>) target(%arg13 : memref<128xi32, #tpu.memory_space<vmem>>) target_semaphore(%arg23 : memref<!tpu.dma_semaphore, #tpu.memory_space<semaphore_mem>>)
      %dma_start3A_373 = arith.constant 0 : i32
      %dma_start3A_374 = tpu.memref_slice %arg2[%multiple_of3A, %dma_start3A_373] : memref<100000x64xf32, #tpu.memory_space<hbm>> -> memref<128x64xf32, #tpu.memory_space<hbm>>
      %dma_start3A_375 = arith.constant 0 : i32
      %dma_start3A_376 = tpu.memref_slice %arg2[%multiple_of3A, %dma_start3A_375] : memref<100000x64xf32, #tpu.memory_space<hbm>> -> memref<128x64xf32, #tpu.memory_space<hbm>>
      tpu.enqueue_dma source(%dma_start3A_376 : memref<128x64xf32, #tpu.memory_space<hbm>>) target(%arg11 : memref<128x64xf32, #tpu.memory_space<vmem>>) target_semaphore(%arg21 : memref<!tpu.dma_semaphore, #tpu.memory_space<semaphore_mem>>)
    } else {
    }
    %add3A_254 = arith.constant 544 : i32
    %add3A_255 = arith.addi %add3A_254, %add3A : i32
    %lt3A_256 = arith.constant 781 : i32
    %lt3A_257 = arith.cmpi slt, %add3A_255, %lt3A_256 : i32
    %convert_element_type3A_258 = arith.extui %lt3A_257 : i1 to i32
    %cond3A_259 = arith.constant 0 : i32
    %cond3A_260 = arith.cmpi ne, %convert_element_type3A_258, %cond3A_259 : i32
    scf.if %cond3A_260 {
      %mul3A_369 = arith.constant 128 : i32
      %mul3A_370 = arith.muli %add3A_255, %mul3A_369 : i32
      %multiple_of3A = tpu.assume_multiple %mul3A_370, 128 : i32
      %dma_wait3A_371 = tpu.memref_slice %arg3[%multiple_of3A] : memref<100000xi32, #tpu.memory_space<hbm>> -> memref<128xi32, #tpu.memory_space<hbm>>
      %dma_wait3A_372 = tpu.memref_slice %arg3[%multiple_of3A] : memref<100000xi32, #tpu.memory_space<hbm>> -> memref<128xi32, #tpu.memory_space<hbm>>
      tpu.wait_dma2 semaphore(%arg24 : memref<!tpu.dma_semaphore, #tpu.memory_space<semaphore_mem>>) src(%dma_wait3A_372 : memref<128xi32, #tpu.memory_space<hbm>>) dst(%arg14 : memref<128xi32, #tpu.memory_space<vmem>>)
      %dma_wait3A_373 = arith.constant 0 : i32
      %dma_wait3A_374 = tpu.memref_slice %arg2[%multiple_of3A, %dma_wait3A_373] : memref<100000x64xf32, #tpu.memory_space<hbm>> -> memref<128x64xf32, #tpu.memory_space<hbm>>
      %dma_wait3A_375 = arith.constant 0 : i32
      %dma_wait3A_376 = tpu.memref_slice %arg2[%multiple_of3A, %dma_wait3A_375] : memref<100000x64xf32, #tpu.memory_space<hbm>> -> memref<128x64xf32, #tpu.memory_space<hbm>>
      tpu.wait_dma2 semaphore(%arg22 : memref<!tpu.dma_semaphore, #tpu.memory_space<semaphore_mem>>) src(%dma_wait3A_376 : memref<128x64xf32, #tpu.memory_space<hbm>>) dst(%arg12 : memref<128x64xf32, #tpu.memory_space<vmem>>)
      "tpu.region"() ({
        %run_scoped3A = tpu.sem_alloc : memref<!tpu.dma_semaphore, #tpu.memory_space<semaphore_mem>>
        %dma_start3A_377 = arith.constant 0 : i32
        %dma_start3A_378 = arith.constant 0 : i32
        %dma_start3A_379 = tpu.memref_slice %arg25[%dma_start3A_377, %dma_start3A_378] : memref<512x64xf32, #tpu.memory_space<vmem_shared>> -> memref<512x64xf32, #tpu.memory_space<vmem_shared>>
        tpu.enqueue_indirect_dma source(%arg12 : memref<128x64xf32, #tpu.memory_space<vmem>>) target(%dma_start3A_379 : memref<512x64xf32, #tpu.memory_space<vmem_shared>>) offsets(%arg14 : memref<128xi32, #tpu.memory_space<vmem>>) semaphore(%run_scoped3A : memref<!tpu.dma_semaphore, #tpu.memory_space<semaphore_mem>>) {add = true}
        %dma_wait3A_380 = arith.constant 0 : i32
        %dma_wait3A_381 = arith.constant 0 : i32
        %dma_wait3A_382 = tpu.memref_slice %arg25[%dma_wait3A_380, %dma_wait3A_381] : memref<512x64xf32, #tpu.memory_space<vmem_shared>> -> memref<512x64xf32, #tpu.memory_space<vmem_shared>>
        tpu.wait_indirect_dma semaphore(%run_scoped3A : memref<!tpu.dma_semaphore, #tpu.memory_space<semaphore_mem>>) src(%arg12 : memref<128x64xf32, #tpu.memory_space<vmem>>) dst(%dma_wait3A_382 : memref<512x64xf32, #tpu.memory_space<vmem_shared>>)
        tpu.yield
      }) : () -> ()
      "tpu.region"() ({
        %run_scoped3A = tpu.sem_alloc : memref<!tpu.dma_semaphore, #tpu.memory_space<semaphore_mem>>
        %dma_start3A_377 = arith.constant 0 : i32
        %dma_start3A_378 = arith.constant 0 : i32
        %dma_start3A_379 = tpu.memref_slice %arg26[%dma_start3A_377, %dma_start3A_378] : memref<512x16xf32, #tpu.memory_space<vmem_shared>> -> memref<512x16xf32, #tpu.memory_space<vmem_shared>>
        tpu.enqueue_indirect_dma source(%arg17 : memref<128x16xf32, #tpu.memory_space<vmem>>) target(%dma_start3A_379 : memref<512x16xf32, #tpu.memory_space<vmem_shared>>) offsets(%arg14 : memref<128xi32, #tpu.memory_space<vmem>>) semaphore(%run_scoped3A : memref<!tpu.dma_semaphore, #tpu.memory_space<semaphore_mem>>) {add = true}
        %dma_wait3A_380 = arith.constant 0 : i32
        %dma_wait3A_381 = arith.constant 0 : i32
        %dma_wait3A_382 = tpu.memref_slice %arg26[%dma_wait3A_380, %dma_wait3A_381] : memref<512x16xf32, #tpu.memory_space<vmem_shared>> -> memref<512x16xf32, #tpu.memory_space<vmem_shared>>
        tpu.wait_indirect_dma semaphore(%run_scoped3A : memref<!tpu.dma_semaphore, #tpu.memory_space<semaphore_mem>>) src(%arg17 : memref<128x16xf32, #tpu.memory_space<vmem>>) dst(%dma_wait3A_382 : memref<512x16xf32, #tpu.memory_space<vmem_shared>>)
        tpu.yield
      }) : () -> ()
    } else {
    }
    %add3A_261 = arith.constant 608 : i32
    %add3A_262 = arith.addi %add3A_261, %add3A : i32
    %lt3A_263 = arith.constant 781 : i32
    %lt3A_264 = arith.cmpi slt, %add3A_262, %lt3A_263 : i32
    %convert_element_type3A_265 = arith.extui %lt3A_264 : i1 to i32
    %cond3A_266 = arith.constant 0 : i32
    %cond3A_267 = arith.cmpi ne, %convert_element_type3A_265, %cond3A_266 : i32
    scf.if %cond3A_267 {
      %mul3A_369 = arith.constant 128 : i32
      %mul3A_370 = arith.muli %add3A_262, %mul3A_369 : i32
      %multiple_of3A = tpu.assume_multiple %mul3A_370, 128 : i32
      %dma_start3A_371 = tpu.memref_slice %arg3[%multiple_of3A] : memref<100000xi32, #tpu.memory_space<hbm>> -> memref<128xi32, #tpu.memory_space<hbm>>
      %dma_start3A_372 = tpu.memref_slice %arg3[%multiple_of3A] : memref<100000xi32, #tpu.memory_space<hbm>> -> memref<128xi32, #tpu.memory_space<hbm>>
      tpu.enqueue_dma source(%dma_start3A_372 : memref<128xi32, #tpu.memory_space<hbm>>) target(%arg14 : memref<128xi32, #tpu.memory_space<vmem>>) target_semaphore(%arg24 : memref<!tpu.dma_semaphore, #tpu.memory_space<semaphore_mem>>)
      %dma_start3A_373 = arith.constant 0 : i32
      %dma_start3A_374 = tpu.memref_slice %arg2[%multiple_of3A, %dma_start3A_373] : memref<100000x64xf32, #tpu.memory_space<hbm>> -> memref<128x64xf32, #tpu.memory_space<hbm>>
      %dma_start3A_375 = arith.constant 0 : i32
      %dma_start3A_376 = tpu.memref_slice %arg2[%multiple_of3A, %dma_start3A_375] : memref<100000x64xf32, #tpu.memory_space<hbm>> -> memref<128x64xf32, #tpu.memory_space<hbm>>
      tpu.enqueue_dma source(%dma_start3A_376 : memref<128x64xf32, #tpu.memory_space<hbm>>) target(%arg12 : memref<128x64xf32, #tpu.memory_space<vmem>>) target_semaphore(%arg22 : memref<!tpu.dma_semaphore, #tpu.memory_space<semaphore_mem>>)
    } else {
    }
    %add3A_268 = arith.constant 576 : i32
    %add3A_269 = arith.addi %add3A_268, %add3A : i32
    %lt3A_270 = arith.constant 781 : i32
    %lt3A_271 = arith.cmpi slt, %add3A_269, %lt3A_270 : i32
    %convert_element_type3A_272 = arith.extui %lt3A_271 : i1 to i32
    %cond3A_273 = arith.constant 0 : i32
    %cond3A_274 = arith.cmpi ne, %convert_element_type3A_272, %cond3A_273 : i32
    scf.if %cond3A_274 {
      %mul3A_369 = arith.constant 128 : i32
      %mul3A_370 = arith.muli %add3A_269, %mul3A_369 : i32
      %multiple_of3A = tpu.assume_multiple %mul3A_370, 128 : i32
      %dma_wait3A_371 = tpu.memref_slice %arg3[%multiple_of3A] : memref<100000xi32, #tpu.memory_space<hbm>> -> memref<128xi32, #tpu.memory_space<hbm>>
      %dma_wait3A_372 = tpu.memref_slice %arg3[%multiple_of3A] : memref<100000xi32, #tpu.memory_space<hbm>> -> memref<128xi32, #tpu.memory_space<hbm>>
      tpu.wait_dma2 semaphore(%arg23 : memref<!tpu.dma_semaphore, #tpu.memory_space<semaphore_mem>>) src(%dma_wait3A_372 : memref<128xi32, #tpu.memory_space<hbm>>) dst(%arg13 : memref<128xi32, #tpu.memory_space<vmem>>)
      %dma_wait3A_373 = arith.constant 0 : i32
      %dma_wait3A_374 = tpu.memref_slice %arg2[%multiple_of3A, %dma_wait3A_373] : memref<100000x64xf32, #tpu.memory_space<hbm>> -> memref<128x64xf32, #tpu.memory_space<hbm>>
      %dma_wait3A_375 = arith.constant 0 : i32
      %dma_wait3A_376 = tpu.memref_slice %arg2[%multiple_of3A, %dma_wait3A_375] : memref<100000x64xf32, #tpu.memory_space<hbm>> -> memref<128x64xf32, #tpu.memory_space<hbm>>
      tpu.wait_dma2 semaphore(%arg21 : memref<!tpu.dma_semaphore, #tpu.memory_space<semaphore_mem>>) src(%dma_wait3A_376 : memref<128x64xf32, #tpu.memory_space<hbm>>) dst(%arg11 : memref<128x64xf32, #tpu.memory_space<vmem>>)
      "tpu.region"() ({
        %run_scoped3A = tpu.sem_alloc : memref<!tpu.dma_semaphore, #tpu.memory_space<semaphore_mem>>
        %dma_start3A_377 = arith.constant 0 : i32
        %dma_start3A_378 = arith.constant 0 : i32
        %dma_start3A_379 = tpu.memref_slice %arg25[%dma_start3A_377, %dma_start3A_378] : memref<512x64xf32, #tpu.memory_space<vmem_shared>> -> memref<512x64xf32, #tpu.memory_space<vmem_shared>>
        tpu.enqueue_indirect_dma source(%arg11 : memref<128x64xf32, #tpu.memory_space<vmem>>) target(%dma_start3A_379 : memref<512x64xf32, #tpu.memory_space<vmem_shared>>) offsets(%arg13 : memref<128xi32, #tpu.memory_space<vmem>>) semaphore(%run_scoped3A : memref<!tpu.dma_semaphore, #tpu.memory_space<semaphore_mem>>) {add = true}
        %dma_wait3A_380 = arith.constant 0 : i32
        %dma_wait3A_381 = arith.constant 0 : i32
        %dma_wait3A_382 = tpu.memref_slice %arg25[%dma_wait3A_380, %dma_wait3A_381] : memref<512x64xf32, #tpu.memory_space<vmem_shared>> -> memref<512x64xf32, #tpu.memory_space<vmem_shared>>
        tpu.wait_indirect_dma semaphore(%run_scoped3A : memref<!tpu.dma_semaphore, #tpu.memory_space<semaphore_mem>>) src(%arg11 : memref<128x64xf32, #tpu.memory_space<vmem>>) dst(%dma_wait3A_382 : memref<512x64xf32, #tpu.memory_space<vmem_shared>>)
        tpu.yield
      }) : () -> ()
      "tpu.region"() ({
        %run_scoped3A = tpu.sem_alloc : memref<!tpu.dma_semaphore, #tpu.memory_space<semaphore_mem>>
        %dma_start3A_377 = arith.constant 0 : i32
        %dma_start3A_378 = arith.constant 0 : i32
        %dma_start3A_379 = tpu.memref_slice %arg26[%dma_start3A_377, %dma_start3A_378] : memref<512x16xf32, #tpu.memory_space<vmem_shared>> -> memref<512x16xf32, #tpu.memory_space<vmem_shared>>
        tpu.enqueue_indirect_dma source(%arg17 : memref<128x16xf32, #tpu.memory_space<vmem>>) target(%dma_start3A_379 : memref<512x16xf32, #tpu.memory_space<vmem_shared>>) offsets(%arg13 : memref<128xi32, #tpu.memory_space<vmem>>) semaphore(%run_scoped3A : memref<!tpu.dma_semaphore, #tpu.memory_space<semaphore_mem>>) {add = true}
        %dma_wait3A_380 = arith.constant 0 : i32
        %dma_wait3A_381 = arith.constant 0 : i32
        %dma_wait3A_382 = tpu.memref_slice %arg26[%dma_wait3A_380, %dma_wait3A_381] : memref<512x16xf32, #tpu.memory_space<vmem_shared>> -> memref<512x16xf32, #tpu.memory_space<vmem_shared>>
        tpu.wait_indirect_dma semaphore(%run_scoped3A : memref<!tpu.dma_semaphore, #tpu.memory_space<semaphore_mem>>) src(%arg17 : memref<128x16xf32, #tpu.memory_space<vmem>>) dst(%dma_wait3A_382 : memref<512x16xf32, #tpu.memory_space<vmem_shared>>)
        tpu.yield
      }) : () -> ()
    } else {
    }
    %add3A_275 = arith.constant 640 : i32
    %add3A_276 = arith.addi %add3A_275, %add3A : i32
    %lt3A_277 = arith.constant 781 : i32
    %lt3A_278 = arith.cmpi slt, %add3A_276, %lt3A_277 : i32
    %convert_element_type3A_279 = arith.extui %lt3A_278 : i1 to i32
    %cond3A_280 = arith.constant 0 : i32
    %cond3A_281 = arith.cmpi ne, %convert_element_type3A_279, %cond3A_280 : i32
    scf.if %cond3A_281 {
      %mul3A_369 = arith.constant 128 : i32
      %mul3A_370 = arith.muli %add3A_276, %mul3A_369 : i32
      %multiple_of3A = tpu.assume_multiple %mul3A_370, 128 : i32
      %dma_start3A_371 = tpu.memref_slice %arg3[%multiple_of3A] : memref<100000xi32, #tpu.memory_space<hbm>> -> memref<128xi32, #tpu.memory_space<hbm>>
      %dma_start3A_372 = tpu.memref_slice %arg3[%multiple_of3A] : memref<100000xi32, #tpu.memory_space<hbm>> -> memref<128xi32, #tpu.memory_space<hbm>>
      tpu.enqueue_dma source(%dma_start3A_372 : memref<128xi32, #tpu.memory_space<hbm>>) target(%arg13 : memref<128xi32, #tpu.memory_space<vmem>>) target_semaphore(%arg23 : memref<!tpu.dma_semaphore, #tpu.memory_space<semaphore_mem>>)
      %dma_start3A_373 = arith.constant 0 : i32
      %dma_start3A_374 = tpu.memref_slice %arg2[%multiple_of3A, %dma_start3A_373] : memref<100000x64xf32, #tpu.memory_space<hbm>> -> memref<128x64xf32, #tpu.memory_space<hbm>>
      %dma_start3A_375 = arith.constant 0 : i32
      %dma_start3A_376 = tpu.memref_slice %arg2[%multiple_of3A, %dma_start3A_375] : memref<100000x64xf32, #tpu.memory_space<hbm>> -> memref<128x64xf32, #tpu.memory_space<hbm>>
      tpu.enqueue_dma source(%dma_start3A_376 : memref<128x64xf32, #tpu.memory_space<hbm>>) target(%arg11 : memref<128x64xf32, #tpu.memory_space<vmem>>) target_semaphore(%arg21 : memref<!tpu.dma_semaphore, #tpu.memory_space<semaphore_mem>>)
    } else {
    }
    %add3A_282 = arith.constant 608 : i32
    %add3A_283 = arith.addi %add3A_282, %add3A : i32
    %lt3A_284 = arith.constant 781 : i32
    %lt3A_285 = arith.cmpi slt, %add3A_283, %lt3A_284 : i32
    %convert_element_type3A_286 = arith.extui %lt3A_285 : i1 to i32
    %cond3A_287 = arith.constant 0 : i32
    %cond3A_288 = arith.cmpi ne, %convert_element_type3A_286, %cond3A_287 : i32
    scf.if %cond3A_288 {
      %mul3A_369 = arith.constant 128 : i32
      %mul3A_370 = arith.muli %add3A_283, %mul3A_369 : i32
      %multiple_of3A = tpu.assume_multiple %mul3A_370, 128 : i32
      %dma_wait3A_371 = tpu.memref_slice %arg3[%multiple_of3A] : memref<100000xi32, #tpu.memory_space<hbm>> -> memref<128xi32, #tpu.memory_space<hbm>>
      %dma_wait3A_372 = tpu.memref_slice %arg3[%multiple_of3A] : memref<100000xi32, #tpu.memory_space<hbm>> -> memref<128xi32, #tpu.memory_space<hbm>>
      tpu.wait_dma2 semaphore(%arg24 : memref<!tpu.dma_semaphore, #tpu.memory_space<semaphore_mem>>) src(%dma_wait3A_372 : memref<128xi32, #tpu.memory_space<hbm>>) dst(%arg14 : memref<128xi32, #tpu.memory_space<vmem>>)
      %dma_wait3A_373 = arith.constant 0 : i32
      %dma_wait3A_374 = tpu.memref_slice %arg2[%multiple_of3A, %dma_wait3A_373] : memref<100000x64xf32, #tpu.memory_space<hbm>> -> memref<128x64xf32, #tpu.memory_space<hbm>>
      %dma_wait3A_375 = arith.constant 0 : i32
      %dma_wait3A_376 = tpu.memref_slice %arg2[%multiple_of3A, %dma_wait3A_375] : memref<100000x64xf32, #tpu.memory_space<hbm>> -> memref<128x64xf32, #tpu.memory_space<hbm>>
      tpu.wait_dma2 semaphore(%arg22 : memref<!tpu.dma_semaphore, #tpu.memory_space<semaphore_mem>>) src(%dma_wait3A_376 : memref<128x64xf32, #tpu.memory_space<hbm>>) dst(%arg12 : memref<128x64xf32, #tpu.memory_space<vmem>>)
      "tpu.region"() ({
        %run_scoped3A = tpu.sem_alloc : memref<!tpu.dma_semaphore, #tpu.memory_space<semaphore_mem>>
        %dma_start3A_377 = arith.constant 0 : i32
        %dma_start3A_378 = arith.constant 0 : i32
        %dma_start3A_379 = tpu.memref_slice %arg25[%dma_start3A_377, %dma_start3A_378] : memref<512x64xf32, #tpu.memory_space<vmem_shared>> -> memref<512x64xf32, #tpu.memory_space<vmem_shared>>
        tpu.enqueue_indirect_dma source(%arg12 : memref<128x64xf32, #tpu.memory_space<vmem>>) target(%dma_start3A_379 : memref<512x64xf32, #tpu.memory_space<vmem_shared>>) offsets(%arg14 : memref<128xi32, #tpu.memory_space<vmem>>) semaphore(%run_scoped3A : memref<!tpu.dma_semaphore, #tpu.memory_space<semaphore_mem>>) {add = true}
        %dma_wait3A_380 = arith.constant 0 : i32
        %dma_wait3A_381 = arith.constant 0 : i32
        %dma_wait3A_382 = tpu.memref_slice %arg25[%dma_wait3A_380, %dma_wait3A_381] : memref<512x64xf32, #tpu.memory_space<vmem_shared>> -> memref<512x64xf32, #tpu.memory_space<vmem_shared>>
        tpu.wait_indirect_dma semaphore(%run_scoped3A : memref<!tpu.dma_semaphore, #tpu.memory_space<semaphore_mem>>) src(%arg12 : memref<128x64xf32, #tpu.memory_space<vmem>>) dst(%dma_wait3A_382 : memref<512x64xf32, #tpu.memory_space<vmem_shared>>)
        tpu.yield
      }) : () -> ()
      "tpu.region"() ({
        %run_scoped3A = tpu.sem_alloc : memref<!tpu.dma_semaphore, #tpu.memory_space<semaphore_mem>>
        %dma_start3A_377 = arith.constant 0 : i32
        %dma_start3A_378 = arith.constant 0 : i32
        %dma_start3A_379 = tpu.memref_slice %arg26[%dma_start3A_377, %dma_start3A_378] : memref<512x16xf32, #tpu.memory_space<vmem_shared>> -> memref<512x16xf32, #tpu.memory_space<vmem_shared>>
        tpu.enqueue_indirect_dma source(%arg17 : memref<128x16xf32, #tpu.memory_space<vmem>>) target(%dma_start3A_379 : memref<512x16xf32, #tpu.memory_space<vmem_shared>>) offsets(%arg14 : memref<128xi32, #tpu.memory_space<vmem>>) semaphore(%run_scoped3A : memref<!tpu.dma_semaphore, #tpu.memory_space<semaphore_mem>>) {add = true}
        %dma_wait3A_380 = arith.constant 0 : i32
        %dma_wait3A_381 = arith.constant 0 : i32
        %dma_wait3A_382 = tpu.memref_slice %arg26[%dma_wait3A_380, %dma_wait3A_381] : memref<512x16xf32, #tpu.memory_space<vmem_shared>> -> memref<512x16xf32, #tpu.memory_space<vmem_shared>>
        tpu.wait_indirect_dma semaphore(%run_scoped3A : memref<!tpu.dma_semaphore, #tpu.memory_space<semaphore_mem>>) src(%arg17 : memref<128x16xf32, #tpu.memory_space<vmem>>) dst(%dma_wait3A_382 : memref<512x16xf32, #tpu.memory_space<vmem_shared>>)
        tpu.yield
      }) : () -> ()
    } else {
    }
    %add3A_289 = arith.constant 672 : i32
    %add3A_290 = arith.addi %add3A_289, %add3A : i32
    %lt3A_291 = arith.constant 781 : i32
    %lt3A_292 = arith.cmpi slt, %add3A_290, %lt3A_291 : i32
    %convert_element_type3A_293 = arith.extui %lt3A_292 : i1 to i32
    %cond3A_294 = arith.constant 0 : i32
    %cond3A_295 = arith.cmpi ne, %convert_element_type3A_293, %cond3A_294 : i32
    scf.if %cond3A_295 {
      %mul3A_369 = arith.constant 128 : i32
      %mul3A_370 = arith.muli %add3A_290, %mul3A_369 : i32
      %multiple_of3A = tpu.assume_multiple %mul3A_370, 128 : i32
      %dma_start3A_371 = tpu.memref_slice %arg3[%multiple_of3A] : memref<100000xi32, #tpu.memory_space<hbm>> -> memref<128xi32, #tpu.memory_space<hbm>>
      %dma_start3A_372 = tpu.memref_slice %arg3[%multiple_of3A] : memref<100000xi32, #tpu.memory_space<hbm>> -> memref<128xi32, #tpu.memory_space<hbm>>
      tpu.enqueue_dma source(%dma_start3A_372 : memref<128xi32, #tpu.memory_space<hbm>>) target(%arg14 : memref<128xi32, #tpu.memory_space<vmem>>) target_semaphore(%arg24 : memref<!tpu.dma_semaphore, #tpu.memory_space<semaphore_mem>>)
      %dma_start3A_373 = arith.constant 0 : i32
      %dma_start3A_374 = tpu.memref_slice %arg2[%multiple_of3A, %dma_start3A_373] : memref<100000x64xf32, #tpu.memory_space<hbm>> -> memref<128x64xf32, #tpu.memory_space<hbm>>
      %dma_start3A_375 = arith.constant 0 : i32
      %dma_start3A_376 = tpu.memref_slice %arg2[%multiple_of3A, %dma_start3A_375] : memref<100000x64xf32, #tpu.memory_space<hbm>> -> memref<128x64xf32, #tpu.memory_space<hbm>>
      tpu.enqueue_dma source(%dma_start3A_376 : memref<128x64xf32, #tpu.memory_space<hbm>>) target(%arg12 : memref<128x64xf32, #tpu.memory_space<vmem>>) target_semaphore(%arg22 : memref<!tpu.dma_semaphore, #tpu.memory_space<semaphore_mem>>)
    } else {
    }
    %add3A_296 = arith.constant 640 : i32
    %add3A_297 = arith.addi %add3A_296, %add3A : i32
    %lt3A_298 = arith.constant 781 : i32
    %lt3A_299 = arith.cmpi slt, %add3A_297, %lt3A_298 : i32
    %convert_element_type3A_300 = arith.extui %lt3A_299 : i1 to i32
    %cond3A_301 = arith.constant 0 : i32
    %cond3A_302 = arith.cmpi ne, %convert_element_type3A_300, %cond3A_301 : i32
    scf.if %cond3A_302 {
      %mul3A_369 = arith.constant 128 : i32
      %mul3A_370 = arith.muli %add3A_297, %mul3A_369 : i32
      %multiple_of3A = tpu.assume_multiple %mul3A_370, 128 : i32
      %dma_wait3A_371 = tpu.memref_slice %arg3[%multiple_of3A] : memref<100000xi32, #tpu.memory_space<hbm>> -> memref<128xi32, #tpu.memory_space<hbm>>
      %dma_wait3A_372 = tpu.memref_slice %arg3[%multiple_of3A] : memref<100000xi32, #tpu.memory_space<hbm>> -> memref<128xi32, #tpu.memory_space<hbm>>
      tpu.wait_dma2 semaphore(%arg23 : memref<!tpu.dma_semaphore, #tpu.memory_space<semaphore_mem>>) src(%dma_wait3A_372 : memref<128xi32, #tpu.memory_space<hbm>>) dst(%arg13 : memref<128xi32, #tpu.memory_space<vmem>>)
      %dma_wait3A_373 = arith.constant 0 : i32
      %dma_wait3A_374 = tpu.memref_slice %arg2[%multiple_of3A, %dma_wait3A_373] : memref<100000x64xf32, #tpu.memory_space<hbm>> -> memref<128x64xf32, #tpu.memory_space<hbm>>
      %dma_wait3A_375 = arith.constant 0 : i32
      %dma_wait3A_376 = tpu.memref_slice %arg2[%multiple_of3A, %dma_wait3A_375] : memref<100000x64xf32, #tpu.memory_space<hbm>> -> memref<128x64xf32, #tpu.memory_space<hbm>>
      tpu.wait_dma2 semaphore(%arg21 : memref<!tpu.dma_semaphore, #tpu.memory_space<semaphore_mem>>) src(%dma_wait3A_376 : memref<128x64xf32, #tpu.memory_space<hbm>>) dst(%arg11 : memref<128x64xf32, #tpu.memory_space<vmem>>)
      "tpu.region"() ({
        %run_scoped3A = tpu.sem_alloc : memref<!tpu.dma_semaphore, #tpu.memory_space<semaphore_mem>>
        %dma_start3A_377 = arith.constant 0 : i32
        %dma_start3A_378 = arith.constant 0 : i32
        %dma_start3A_379 = tpu.memref_slice %arg25[%dma_start3A_377, %dma_start3A_378] : memref<512x64xf32, #tpu.memory_space<vmem_shared>> -> memref<512x64xf32, #tpu.memory_space<vmem_shared>>
        tpu.enqueue_indirect_dma source(%arg11 : memref<128x64xf32, #tpu.memory_space<vmem>>) target(%dma_start3A_379 : memref<512x64xf32, #tpu.memory_space<vmem_shared>>) offsets(%arg13 : memref<128xi32, #tpu.memory_space<vmem>>) semaphore(%run_scoped3A : memref<!tpu.dma_semaphore, #tpu.memory_space<semaphore_mem>>) {add = true}
        %dma_wait3A_380 = arith.constant 0 : i32
        %dma_wait3A_381 = arith.constant 0 : i32
        %dma_wait3A_382 = tpu.memref_slice %arg25[%dma_wait3A_380, %dma_wait3A_381] : memref<512x64xf32, #tpu.memory_space<vmem_shared>> -> memref<512x64xf32, #tpu.memory_space<vmem_shared>>
        tpu.wait_indirect_dma semaphore(%run_scoped3A : memref<!tpu.dma_semaphore, #tpu.memory_space<semaphore_mem>>) src(%arg11 : memref<128x64xf32, #tpu.memory_space<vmem>>) dst(%dma_wait3A_382 : memref<512x64xf32, #tpu.memory_space<vmem_shared>>)
        tpu.yield
      }) : () -> ()
      "tpu.region"() ({
        %run_scoped3A = tpu.sem_alloc : memref<!tpu.dma_semaphore, #tpu.memory_space<semaphore_mem>>
        %dma_start3A_377 = arith.constant 0 : i32
        %dma_start3A_378 = arith.constant 0 : i32
        %dma_start3A_379 = tpu.memref_slice %arg26[%dma_start3A_377, %dma_start3A_378] : memref<512x16xf32, #tpu.memory_space<vmem_shared>> -> memref<512x16xf32, #tpu.memory_space<vmem_shared>>
        tpu.enqueue_indirect_dma source(%arg17 : memref<128x16xf32, #tpu.memory_space<vmem>>) target(%dma_start3A_379 : memref<512x16xf32, #tpu.memory_space<vmem_shared>>) offsets(%arg13 : memref<128xi32, #tpu.memory_space<vmem>>) semaphore(%run_scoped3A : memref<!tpu.dma_semaphore, #tpu.memory_space<semaphore_mem>>) {add = true}
        %dma_wait3A_380 = arith.constant 0 : i32
        %dma_wait3A_381 = arith.constant 0 : i32
        %dma_wait3A_382 = tpu.memref_slice %arg26[%dma_wait3A_380, %dma_wait3A_381] : memref<512x16xf32, #tpu.memory_space<vmem_shared>> -> memref<512x16xf32, #tpu.memory_space<vmem_shared>>
        tpu.wait_indirect_dma semaphore(%run_scoped3A : memref<!tpu.dma_semaphore, #tpu.memory_space<semaphore_mem>>) src(%arg17 : memref<128x16xf32, #tpu.memory_space<vmem>>) dst(%dma_wait3A_382 : memref<512x16xf32, #tpu.memory_space<vmem_shared>>)
        tpu.yield
      }) : () -> ()
    } else {
    }
    %add3A_303 = arith.constant 704 : i32
    %add3A_304 = arith.addi %add3A_303, %add3A : i32
    %lt3A_305 = arith.constant 781 : i32
    %lt3A_306 = arith.cmpi slt, %add3A_304, %lt3A_305 : i32
    %convert_element_type3A_307 = arith.extui %lt3A_306 : i1 to i32
    %cond3A_308 = arith.constant 0 : i32
    %cond3A_309 = arith.cmpi ne, %convert_element_type3A_307, %cond3A_308 : i32
    scf.if %cond3A_309 {
      %mul3A_369 = arith.constant 128 : i32
      %mul3A_370 = arith.muli %add3A_304, %mul3A_369 : i32
      %multiple_of3A = tpu.assume_multiple %mul3A_370, 128 : i32
      %dma_start3A_371 = tpu.memref_slice %arg3[%multiple_of3A] : memref<100000xi32, #tpu.memory_space<hbm>> -> memref<128xi32, #tpu.memory_space<hbm>>
      %dma_start3A_372 = tpu.memref_slice %arg3[%multiple_of3A] : memref<100000xi32, #tpu.memory_space<hbm>> -> memref<128xi32, #tpu.memory_space<hbm>>
      tpu.enqueue_dma source(%dma_start3A_372 : memref<128xi32, #tpu.memory_space<hbm>>) target(%arg13 : memref<128xi32, #tpu.memory_space<vmem>>) target_semaphore(%arg23 : memref<!tpu.dma_semaphore, #tpu.memory_space<semaphore_mem>>)
      %dma_start3A_373 = arith.constant 0 : i32
      %dma_start3A_374 = tpu.memref_slice %arg2[%multiple_of3A, %dma_start3A_373] : memref<100000x64xf32, #tpu.memory_space<hbm>> -> memref<128x64xf32, #tpu.memory_space<hbm>>
      %dma_start3A_375 = arith.constant 0 : i32
      %dma_start3A_376 = tpu.memref_slice %arg2[%multiple_of3A, %dma_start3A_375] : memref<100000x64xf32, #tpu.memory_space<hbm>> -> memref<128x64xf32, #tpu.memory_space<hbm>>
      tpu.enqueue_dma source(%dma_start3A_376 : memref<128x64xf32, #tpu.memory_space<hbm>>) target(%arg11 : memref<128x64xf32, #tpu.memory_space<vmem>>) target_semaphore(%arg21 : memref<!tpu.dma_semaphore, #tpu.memory_space<semaphore_mem>>)
    } else {
    }
    %add3A_310 = arith.constant 672 : i32
    %add3A_311 = arith.addi %add3A_310, %add3A : i32
    %lt3A_312 = arith.constant 781 : i32
    %lt3A_313 = arith.cmpi slt, %add3A_311, %lt3A_312 : i32
    %convert_element_type3A_314 = arith.extui %lt3A_313 : i1 to i32
    %cond3A_315 = arith.constant 0 : i32
    %cond3A_316 = arith.cmpi ne, %convert_element_type3A_314, %cond3A_315 : i32
    scf.if %cond3A_316 {
      %mul3A_369 = arith.constant 128 : i32
      %mul3A_370 = arith.muli %add3A_311, %mul3A_369 : i32
      %multiple_of3A = tpu.assume_multiple %mul3A_370, 128 : i32
      %dma_wait3A_371 = tpu.memref_slice %arg3[%multiple_of3A] : memref<100000xi32, #tpu.memory_space<hbm>> -> memref<128xi32, #tpu.memory_space<hbm>>
      %dma_wait3A_372 = tpu.memref_slice %arg3[%multiple_of3A] : memref<100000xi32, #tpu.memory_space<hbm>> -> memref<128xi32, #tpu.memory_space<hbm>>
      tpu.wait_dma2 semaphore(%arg24 : memref<!tpu.dma_semaphore, #tpu.memory_space<semaphore_mem>>) src(%dma_wait3A_372 : memref<128xi32, #tpu.memory_space<hbm>>) dst(%arg14 : memref<128xi32, #tpu.memory_space<vmem>>)
      %dma_wait3A_373 = arith.constant 0 : i32
      %dma_wait3A_374 = tpu.memref_slice %arg2[%multiple_of3A, %dma_wait3A_373] : memref<100000x64xf32, #tpu.memory_space<hbm>> -> memref<128x64xf32, #tpu.memory_space<hbm>>
      %dma_wait3A_375 = arith.constant 0 : i32
      %dma_wait3A_376 = tpu.memref_slice %arg2[%multiple_of3A, %dma_wait3A_375] : memref<100000x64xf32, #tpu.memory_space<hbm>> -> memref<128x64xf32, #tpu.memory_space<hbm>>
      tpu.wait_dma2 semaphore(%arg22 : memref<!tpu.dma_semaphore, #tpu.memory_space<semaphore_mem>>) src(%dma_wait3A_376 : memref<128x64xf32, #tpu.memory_space<hbm>>) dst(%arg12 : memref<128x64xf32, #tpu.memory_space<vmem>>)
      "tpu.region"() ({
        %run_scoped3A = tpu.sem_alloc : memref<!tpu.dma_semaphore, #tpu.memory_space<semaphore_mem>>
        %dma_start3A_377 = arith.constant 0 : i32
        %dma_start3A_378 = arith.constant 0 : i32
        %dma_start3A_379 = tpu.memref_slice %arg25[%dma_start3A_377, %dma_start3A_378] : memref<512x64xf32, #tpu.memory_space<vmem_shared>> -> memref<512x64xf32, #tpu.memory_space<vmem_shared>>
        tpu.enqueue_indirect_dma source(%arg12 : memref<128x64xf32, #tpu.memory_space<vmem>>) target(%dma_start3A_379 : memref<512x64xf32, #tpu.memory_space<vmem_shared>>) offsets(%arg14 : memref<128xi32, #tpu.memory_space<vmem>>) semaphore(%run_scoped3A : memref<!tpu.dma_semaphore, #tpu.memory_space<semaphore_mem>>) {add = true}
        %dma_wait3A_380 = arith.constant 0 : i32
        %dma_wait3A_381 = arith.constant 0 : i32
        %dma_wait3A_382 = tpu.memref_slice %arg25[%dma_wait3A_380, %dma_wait3A_381] : memref<512x64xf32, #tpu.memory_space<vmem_shared>> -> memref<512x64xf32, #tpu.memory_space<vmem_shared>>
        tpu.wait_indirect_dma semaphore(%run_scoped3A : memref<!tpu.dma_semaphore, #tpu.memory_space<semaphore_mem>>) src(%arg12 : memref<128x64xf32, #tpu.memory_space<vmem>>) dst(%dma_wait3A_382 : memref<512x64xf32, #tpu.memory_space<vmem_shared>>)
        tpu.yield
      }) : () -> ()
      "tpu.region"() ({
        %run_scoped3A = tpu.sem_alloc : memref<!tpu.dma_semaphore, #tpu.memory_space<semaphore_mem>>
        %dma_start3A_377 = arith.constant 0 : i32
        %dma_start3A_378 = arith.constant 0 : i32
        %dma_start3A_379 = tpu.memref_slice %arg26[%dma_start3A_377, %dma_start3A_378] : memref<512x16xf32, #tpu.memory_space<vmem_shared>> -> memref<512x16xf32, #tpu.memory_space<vmem_shared>>
        tpu.enqueue_indirect_dma source(%arg17 : memref<128x16xf32, #tpu.memory_space<vmem>>) target(%dma_start3A_379 : memref<512x16xf32, #tpu.memory_space<vmem_shared>>) offsets(%arg14 : memref<128xi32, #tpu.memory_space<vmem>>) semaphore(%run_scoped3A : memref<!tpu.dma_semaphore, #tpu.memory_space<semaphore_mem>>) {add = true}
        %dma_wait3A_380 = arith.constant 0 : i32
        %dma_wait3A_381 = arith.constant 0 : i32
        %dma_wait3A_382 = tpu.memref_slice %arg26[%dma_wait3A_380, %dma_wait3A_381] : memref<512x16xf32, #tpu.memory_space<vmem_shared>> -> memref<512x16xf32, #tpu.memory_space<vmem_shared>>
        tpu.wait_indirect_dma semaphore(%run_scoped3A : memref<!tpu.dma_semaphore, #tpu.memory_space<semaphore_mem>>) src(%arg17 : memref<128x16xf32, #tpu.memory_space<vmem>>) dst(%dma_wait3A_382 : memref<512x16xf32, #tpu.memory_space<vmem_shared>>)
        tpu.yield
      }) : () -> ()
    } else {
    }
    %add3A_317 = arith.constant 736 : i32
    %add3A_318 = arith.addi %add3A_317, %add3A : i32
    %lt3A_319 = arith.constant 781 : i32
    %lt3A_320 = arith.cmpi slt, %add3A_318, %lt3A_319 : i32
    %convert_element_type3A_321 = arith.extui %lt3A_320 : i1 to i32
    %cond3A_322 = arith.constant 0 : i32
    %cond3A_323 = arith.cmpi ne, %convert_element_type3A_321, %cond3A_322 : i32
    scf.if %cond3A_323 {
      %mul3A_369 = arith.constant 128 : i32
      %mul3A_370 = arith.muli %add3A_318, %mul3A_369 : i32
      %multiple_of3A = tpu.assume_multiple %mul3A_370, 128 : i32
      %dma_start3A_371 = tpu.memref_slice %arg3[%multiple_of3A] : memref<100000xi32, #tpu.memory_space<hbm>> -> memref<128xi32, #tpu.memory_space<hbm>>
      %dma_start3A_372 = tpu.memref_slice %arg3[%multiple_of3A] : memref<100000xi32, #tpu.memory_space<hbm>> -> memref<128xi32, #tpu.memory_space<hbm>>
      tpu.enqueue_dma source(%dma_start3A_372 : memref<128xi32, #tpu.memory_space<hbm>>) target(%arg14 : memref<128xi32, #tpu.memory_space<vmem>>) target_semaphore(%arg24 : memref<!tpu.dma_semaphore, #tpu.memory_space<semaphore_mem>>)
      %dma_start3A_373 = arith.constant 0 : i32
      %dma_start3A_374 = tpu.memref_slice %arg2[%multiple_of3A, %dma_start3A_373] : memref<100000x64xf32, #tpu.memory_space<hbm>> -> memref<128x64xf32, #tpu.memory_space<hbm>>
      %dma_start3A_375 = arith.constant 0 : i32
      %dma_start3A_376 = tpu.memref_slice %arg2[%multiple_of3A, %dma_start3A_375] : memref<100000x64xf32, #tpu.memory_space<hbm>> -> memref<128x64xf32, #tpu.memory_space<hbm>>
      tpu.enqueue_dma source(%dma_start3A_376 : memref<128x64xf32, #tpu.memory_space<hbm>>) target(%arg12 : memref<128x64xf32, #tpu.memory_space<vmem>>) target_semaphore(%arg22 : memref<!tpu.dma_semaphore, #tpu.memory_space<semaphore_mem>>)
    } else {
    }
    %add3A_324 = arith.constant 704 : i32
    %add3A_325 = arith.addi %add3A_324, %add3A : i32
    %lt3A_326 = arith.constant 781 : i32
    %lt3A_327 = arith.cmpi slt, %add3A_325, %lt3A_326 : i32
    %convert_element_type3A_328 = arith.extui %lt3A_327 : i1 to i32
    %cond3A_329 = arith.constant 0 : i32
    %cond3A_330 = arith.cmpi ne, %convert_element_type3A_328, %cond3A_329 : i32
    scf.if %cond3A_330 {
      %mul3A_369 = arith.constant 128 : i32
      %mul3A_370 = arith.muli %add3A_325, %mul3A_369 : i32
      %multiple_of3A = tpu.assume_multiple %mul3A_370, 128 : i32
      %dma_wait3A_371 = tpu.memref_slice %arg3[%multiple_of3A] : memref<100000xi32, #tpu.memory_space<hbm>> -> memref<128xi32, #tpu.memory_space<hbm>>
      %dma_wait3A_372 = tpu.memref_slice %arg3[%multiple_of3A] : memref<100000xi32, #tpu.memory_space<hbm>> -> memref<128xi32, #tpu.memory_space<hbm>>
      tpu.wait_dma2 semaphore(%arg23 : memref<!tpu.dma_semaphore, #tpu.memory_space<semaphore_mem>>) src(%dma_wait3A_372 : memref<128xi32, #tpu.memory_space<hbm>>) dst(%arg13 : memref<128xi32, #tpu.memory_space<vmem>>)
      %dma_wait3A_373 = arith.constant 0 : i32
      %dma_wait3A_374 = tpu.memref_slice %arg2[%multiple_of3A, %dma_wait3A_373] : memref<100000x64xf32, #tpu.memory_space<hbm>> -> memref<128x64xf32, #tpu.memory_space<hbm>>
      %dma_wait3A_375 = arith.constant 0 : i32
      %dma_wait3A_376 = tpu.memref_slice %arg2[%multiple_of3A, %dma_wait3A_375] : memref<100000x64xf32, #tpu.memory_space<hbm>> -> memref<128x64xf32, #tpu.memory_space<hbm>>
      tpu.wait_dma2 semaphore(%arg21 : memref<!tpu.dma_semaphore, #tpu.memory_space<semaphore_mem>>) src(%dma_wait3A_376 : memref<128x64xf32, #tpu.memory_space<hbm>>) dst(%arg11 : memref<128x64xf32, #tpu.memory_space<vmem>>)
      "tpu.region"() ({
        %run_scoped3A = tpu.sem_alloc : memref<!tpu.dma_semaphore, #tpu.memory_space<semaphore_mem>>
        %dma_start3A_377 = arith.constant 0 : i32
        %dma_start3A_378 = arith.constant 0 : i32
        %dma_start3A_379 = tpu.memref_slice %arg25[%dma_start3A_377, %dma_start3A_378] : memref<512x64xf32, #tpu.memory_space<vmem_shared>> -> memref<512x64xf32, #tpu.memory_space<vmem_shared>>
        tpu.enqueue_indirect_dma source(%arg11 : memref<128x64xf32, #tpu.memory_space<vmem>>) target(%dma_start3A_379 : memref<512x64xf32, #tpu.memory_space<vmem_shared>>) offsets(%arg13 : memref<128xi32, #tpu.memory_space<vmem>>) semaphore(%run_scoped3A : memref<!tpu.dma_semaphore, #tpu.memory_space<semaphore_mem>>) {add = true}
        %dma_wait3A_380 = arith.constant 0 : i32
        %dma_wait3A_381 = arith.constant 0 : i32
        %dma_wait3A_382 = tpu.memref_slice %arg25[%dma_wait3A_380, %dma_wait3A_381] : memref<512x64xf32, #tpu.memory_space<vmem_shared>> -> memref<512x64xf32, #tpu.memory_space<vmem_shared>>
        tpu.wait_indirect_dma semaphore(%run_scoped3A : memref<!tpu.dma_semaphore, #tpu.memory_space<semaphore_mem>>) src(%arg11 : memref<128x64xf32, #tpu.memory_space<vmem>>) dst(%dma_wait3A_382 : memref<512x64xf32, #tpu.memory_space<vmem_shared>>)
        tpu.yield
      }) : () -> ()
      "tpu.region"() ({
        %run_scoped3A = tpu.sem_alloc : memref<!tpu.dma_semaphore, #tpu.memory_space<semaphore_mem>>
        %dma_start3A_377 = arith.constant 0 : i32
        %dma_start3A_378 = arith.constant 0 : i32
        %dma_start3A_379 = tpu.memref_slice %arg26[%dma_start3A_377, %dma_start3A_378] : memref<512x16xf32, #tpu.memory_space<vmem_shared>> -> memref<512x16xf32, #tpu.memory_space<vmem_shared>>
        tpu.enqueue_indirect_dma source(%arg17 : memref<128x16xf32, #tpu.memory_space<vmem>>) target(%dma_start3A_379 : memref<512x16xf32, #tpu.memory_space<vmem_shared>>) offsets(%arg13 : memref<128xi32, #tpu.memory_space<vmem>>) semaphore(%run_scoped3A : memref<!tpu.dma_semaphore, #tpu.memory_space<semaphore_mem>>) {add = true}
        %dma_wait3A_380 = arith.constant 0 : i32
        %dma_wait3A_381 = arith.constant 0 : i32
        %dma_wait3A_382 = tpu.memref_slice %arg26[%dma_wait3A_380, %dma_wait3A_381] : memref<512x16xf32, #tpu.memory_space<vmem_shared>> -> memref<512x16xf32, #tpu.memory_space<vmem_shared>>
        tpu.wait_indirect_dma semaphore(%run_scoped3A : memref<!tpu.dma_semaphore, #tpu.memory_space<semaphore_mem>>) src(%arg17 : memref<128x16xf32, #tpu.memory_space<vmem>>) dst(%dma_wait3A_382 : memref<512x16xf32, #tpu.memory_space<vmem_shared>>)
        tpu.yield
      }) : () -> ()
    } else {
    }
    %add3A_331 = arith.constant 768 : i32
    %add3A_332 = arith.addi %add3A_331, %add3A : i32
    %lt3A_333 = arith.constant 781 : i32
    %lt3A_334 = arith.cmpi slt, %add3A_332, %lt3A_333 : i32
    %convert_element_type3A_335 = arith.extui %lt3A_334 : i1 to i32
    %cond3A_336 = arith.constant 0 : i32
    %cond3A_337 = arith.cmpi ne, %convert_element_type3A_335, %cond3A_336 : i32
    scf.if %cond3A_337 {
      %mul3A_369 = arith.constant 128 : i32
      %mul3A_370 = arith.muli %add3A_332, %mul3A_369 : i32
      %multiple_of3A = tpu.assume_multiple %mul3A_370, 128 : i32
      %dma_start3A_371 = tpu.memref_slice %arg3[%multiple_of3A] : memref<100000xi32, #tpu.memory_space<hbm>> -> memref<128xi32, #tpu.memory_space<hbm>>
      %dma_start3A_372 = tpu.memref_slice %arg3[%multiple_of3A] : memref<100000xi32, #tpu.memory_space<hbm>> -> memref<128xi32, #tpu.memory_space<hbm>>
      tpu.enqueue_dma source(%dma_start3A_372 : memref<128xi32, #tpu.memory_space<hbm>>) target(%arg13 : memref<128xi32, #tpu.memory_space<vmem>>) target_semaphore(%arg23 : memref<!tpu.dma_semaphore, #tpu.memory_space<semaphore_mem>>)
      %dma_start3A_373 = arith.constant 0 : i32
      %dma_start3A_374 = tpu.memref_slice %arg2[%multiple_of3A, %dma_start3A_373] : memref<100000x64xf32, #tpu.memory_space<hbm>> -> memref<128x64xf32, #tpu.memory_space<hbm>>
      %dma_start3A_375 = arith.constant 0 : i32
      %dma_start3A_376 = tpu.memref_slice %arg2[%multiple_of3A, %dma_start3A_375] : memref<100000x64xf32, #tpu.memory_space<hbm>> -> memref<128x64xf32, #tpu.memory_space<hbm>>
      tpu.enqueue_dma source(%dma_start3A_376 : memref<128x64xf32, #tpu.memory_space<hbm>>) target(%arg11 : memref<128x64xf32, #tpu.memory_space<vmem>>) target_semaphore(%arg21 : memref<!tpu.dma_semaphore, #tpu.memory_space<semaphore_mem>>)
    } else {
    }
    %add3A_338 = arith.constant 736 : i32
    %add3A_339 = arith.addi %add3A_338, %add3A : i32
    %lt3A_340 = arith.constant 781 : i32
    %lt3A_341 = arith.cmpi slt, %add3A_339, %lt3A_340 : i32
    %convert_element_type3A_342 = arith.extui %lt3A_341 : i1 to i32
    %cond3A_343 = arith.constant 0 : i32
    %cond3A_344 = arith.cmpi ne, %convert_element_type3A_342, %cond3A_343 : i32
    scf.if %cond3A_344 {
      %mul3A_369 = arith.constant 128 : i32
      %mul3A_370 = arith.muli %add3A_339, %mul3A_369 : i32
      %multiple_of3A = tpu.assume_multiple %mul3A_370, 128 : i32
      %dma_wait3A_371 = tpu.memref_slice %arg3[%multiple_of3A] : memref<100000xi32, #tpu.memory_space<hbm>> -> memref<128xi32, #tpu.memory_space<hbm>>
      %dma_wait3A_372 = tpu.memref_slice %arg3[%multiple_of3A] : memref<100000xi32, #tpu.memory_space<hbm>> -> memref<128xi32, #tpu.memory_space<hbm>>
      tpu.wait_dma2 semaphore(%arg24 : memref<!tpu.dma_semaphore, #tpu.memory_space<semaphore_mem>>) src(%dma_wait3A_372 : memref<128xi32, #tpu.memory_space<hbm>>) dst(%arg14 : memref<128xi32, #tpu.memory_space<vmem>>)
      %dma_wait3A_373 = arith.constant 0 : i32
      %dma_wait3A_374 = tpu.memref_slice %arg2[%multiple_of3A, %dma_wait3A_373] : memref<100000x64xf32, #tpu.memory_space<hbm>> -> memref<128x64xf32, #tpu.memory_space<hbm>>
      %dma_wait3A_375 = arith.constant 0 : i32
      %dma_wait3A_376 = tpu.memref_slice %arg2[%multiple_of3A, %dma_wait3A_375] : memref<100000x64xf32, #tpu.memory_space<hbm>> -> memref<128x64xf32, #tpu.memory_space<hbm>>
      tpu.wait_dma2 semaphore(%arg22 : memref<!tpu.dma_semaphore, #tpu.memory_space<semaphore_mem>>) src(%dma_wait3A_376 : memref<128x64xf32, #tpu.memory_space<hbm>>) dst(%arg12 : memref<128x64xf32, #tpu.memory_space<vmem>>)
      "tpu.region"() ({
        %run_scoped3A = tpu.sem_alloc : memref<!tpu.dma_semaphore, #tpu.memory_space<semaphore_mem>>
        %dma_start3A_377 = arith.constant 0 : i32
        %dma_start3A_378 = arith.constant 0 : i32
        %dma_start3A_379 = tpu.memref_slice %arg25[%dma_start3A_377, %dma_start3A_378] : memref<512x64xf32, #tpu.memory_space<vmem_shared>> -> memref<512x64xf32, #tpu.memory_space<vmem_shared>>
        tpu.enqueue_indirect_dma source(%arg12 : memref<128x64xf32, #tpu.memory_space<vmem>>) target(%dma_start3A_379 : memref<512x64xf32, #tpu.memory_space<vmem_shared>>) offsets(%arg14 : memref<128xi32, #tpu.memory_space<vmem>>) semaphore(%run_scoped3A : memref<!tpu.dma_semaphore, #tpu.memory_space<semaphore_mem>>) {add = true}
        %dma_wait3A_380 = arith.constant 0 : i32
        %dma_wait3A_381 = arith.constant 0 : i32
        %dma_wait3A_382 = tpu.memref_slice %arg25[%dma_wait3A_380, %dma_wait3A_381] : memref<512x64xf32, #tpu.memory_space<vmem_shared>> -> memref<512x64xf32, #tpu.memory_space<vmem_shared>>
        tpu.wait_indirect_dma semaphore(%run_scoped3A : memref<!tpu.dma_semaphore, #tpu.memory_space<semaphore_mem>>) src(%arg12 : memref<128x64xf32, #tpu.memory_space<vmem>>) dst(%dma_wait3A_382 : memref<512x64xf32, #tpu.memory_space<vmem_shared>>)
        tpu.yield
      }) : () -> ()
      "tpu.region"() ({
        %run_scoped3A = tpu.sem_alloc : memref<!tpu.dma_semaphore, #tpu.memory_space<semaphore_mem>>
        %dma_start3A_377 = arith.constant 0 : i32
        %dma_start3A_378 = arith.constant 0 : i32
        %dma_start3A_379 = tpu.memref_slice %arg26[%dma_start3A_377, %dma_start3A_378] : memref<512x16xf32, #tpu.memory_space<vmem_shared>> -> memref<512x16xf32, #tpu.memory_space<vmem_shared>>
        tpu.enqueue_indirect_dma source(%arg17 : memref<128x16xf32, #tpu.memory_space<vmem>>) target(%dma_start3A_379 : memref<512x16xf32, #tpu.memory_space<vmem_shared>>) offsets(%arg14 : memref<128xi32, #tpu.memory_space<vmem>>) semaphore(%run_scoped3A : memref<!tpu.dma_semaphore, #tpu.memory_space<semaphore_mem>>) {add = true}
        %dma_wait3A_380 = arith.constant 0 : i32
        %dma_wait3A_381 = arith.constant 0 : i32
        %dma_wait3A_382 = tpu.memref_slice %arg26[%dma_wait3A_380, %dma_wait3A_381] : memref<512x16xf32, #tpu.memory_space<vmem_shared>> -> memref<512x16xf32, #tpu.memory_space<vmem_shared>>
        tpu.wait_indirect_dma semaphore(%run_scoped3A : memref<!tpu.dma_semaphore, #tpu.memory_space<semaphore_mem>>) src(%arg17 : memref<128x16xf32, #tpu.memory_space<vmem>>) dst(%dma_wait3A_382 : memref<512x16xf32, #tpu.memory_space<vmem_shared>>)
        tpu.yield
      }) : () -> ()
    } else {
    }
    %add3A_345 = arith.constant 768 : i32
    %add3A_346 = arith.addi %add3A_345, %add3A : i32
    %lt3A_347 = arith.constant 781 : i32
    %lt3A_348 = arith.cmpi slt, %add3A_346, %lt3A_347 : i32
    %convert_element_type3A_349 = arith.extui %lt3A_348 : i1 to i32
    %cond3A_350 = arith.constant 0 : i32
    %cond3A_351 = arith.cmpi ne, %convert_element_type3A_349, %cond3A_350 : i32
    scf.if %cond3A_351 {
      %mul3A_369 = arith.constant 128 : i32
      %mul3A_370 = arith.muli %add3A_346, %mul3A_369 : i32
      %multiple_of3A = tpu.assume_multiple %mul3A_370, 128 : i32
      %dma_wait3A_371 = tpu.memref_slice %arg3[%multiple_of3A] : memref<100000xi32, #tpu.memory_space<hbm>> -> memref<128xi32, #tpu.memory_space<hbm>>
      %dma_wait3A_372 = tpu.memref_slice %arg3[%multiple_of3A] : memref<100000xi32, #tpu.memory_space<hbm>> -> memref<128xi32, #tpu.memory_space<hbm>>
      tpu.wait_dma2 semaphore(%arg23 : memref<!tpu.dma_semaphore, #tpu.memory_space<semaphore_mem>>) src(%dma_wait3A_372 : memref<128xi32, #tpu.memory_space<hbm>>) dst(%arg13 : memref<128xi32, #tpu.memory_space<vmem>>)
      %dma_wait3A_373 = arith.constant 0 : i32
      %dma_wait3A_374 = tpu.memref_slice %arg2[%multiple_of3A, %dma_wait3A_373] : memref<100000x64xf32, #tpu.memory_space<hbm>> -> memref<128x64xf32, #tpu.memory_space<hbm>>
      %dma_wait3A_375 = arith.constant 0 : i32
      %dma_wait3A_376 = tpu.memref_slice %arg2[%multiple_of3A, %dma_wait3A_375] : memref<100000x64xf32, #tpu.memory_space<hbm>> -> memref<128x64xf32, #tpu.memory_space<hbm>>
      tpu.wait_dma2 semaphore(%arg21 : memref<!tpu.dma_semaphore, #tpu.memory_space<semaphore_mem>>) src(%dma_wait3A_376 : memref<128x64xf32, #tpu.memory_space<hbm>>) dst(%arg11 : memref<128x64xf32, #tpu.memory_space<vmem>>)
      "tpu.region"() ({
        %run_scoped3A = tpu.sem_alloc : memref<!tpu.dma_semaphore, #tpu.memory_space<semaphore_mem>>
        %dma_start3A_377 = arith.constant 0 : i32
        %dma_start3A_378 = arith.constant 0 : i32
        %dma_start3A_379 = tpu.memref_slice %arg25[%dma_start3A_377, %dma_start3A_378] : memref<512x64xf32, #tpu.memory_space<vmem_shared>> -> memref<512x64xf32, #tpu.memory_space<vmem_shared>>
        tpu.enqueue_indirect_dma source(%arg11 : memref<128x64xf32, #tpu.memory_space<vmem>>) target(%dma_start3A_379 : memref<512x64xf32, #tpu.memory_space<vmem_shared>>) offsets(%arg13 : memref<128xi32, #tpu.memory_space<vmem>>) semaphore(%run_scoped3A : memref<!tpu.dma_semaphore, #tpu.memory_space<semaphore_mem>>) {add = true}
        %dma_wait3A_380 = arith.constant 0 : i32
        %dma_wait3A_381 = arith.constant 0 : i32
        %dma_wait3A_382 = tpu.memref_slice %arg25[%dma_wait3A_380, %dma_wait3A_381] : memref<512x64xf32, #tpu.memory_space<vmem_shared>> -> memref<512x64xf32, #tpu.memory_space<vmem_shared>>
        tpu.wait_indirect_dma semaphore(%run_scoped3A : memref<!tpu.dma_semaphore, #tpu.memory_space<semaphore_mem>>) src(%arg11 : memref<128x64xf32, #tpu.memory_space<vmem>>) dst(%dma_wait3A_382 : memref<512x64xf32, #tpu.memory_space<vmem_shared>>)
        tpu.yield
      }) : () -> ()
      "tpu.region"() ({
        %run_scoped3A = tpu.sem_alloc : memref<!tpu.dma_semaphore, #tpu.memory_space<semaphore_mem>>
        %dma_start3A_377 = arith.constant 0 : i32
        %dma_start3A_378 = arith.constant 0 : i32
        %dma_start3A_379 = tpu.memref_slice %arg26[%dma_start3A_377, %dma_start3A_378] : memref<512x16xf32, #tpu.memory_space<vmem_shared>> -> memref<512x16xf32, #tpu.memory_space<vmem_shared>>
        tpu.enqueue_indirect_dma source(%arg17 : memref<128x16xf32, #tpu.memory_space<vmem>>) target(%dma_start3A_379 : memref<512x16xf32, #tpu.memory_space<vmem_shared>>) offsets(%arg13 : memref<128xi32, #tpu.memory_space<vmem>>) semaphore(%run_scoped3A : memref<!tpu.dma_semaphore, #tpu.memory_space<semaphore_mem>>) {add = true}
        %dma_wait3A_380 = arith.constant 0 : i32
        %dma_wait3A_381 = arith.constant 0 : i32
        %dma_wait3A_382 = tpu.memref_slice %arg26[%dma_wait3A_380, %dma_wait3A_381] : memref<512x16xf32, #tpu.memory_space<vmem_shared>> -> memref<512x16xf32, #tpu.memory_space<vmem_shared>>
        tpu.wait_indirect_dma semaphore(%run_scoped3A : memref<!tpu.dma_semaphore, #tpu.memory_space<semaphore_mem>>) src(%arg17 : memref<128x16xf32, #tpu.memory_space<vmem>>) dst(%dma_wait3A_382 : memref<512x16xf32, #tpu.memory_space<vmem_shared>>)
        tpu.yield
      }) : () -> ()
    } else {
    }
    %eq3A_352 = arith.constant 31 : i32
    %eq3A_353 = arith.cmpi eq, %add3A, %eq3A_352 : i32
    %convert_element_type3A_354 = arith.extui %eq3A_353 : i1 to i32
    %cond3A_355 = arith.constant 0 : i32
    %cond3A_356 = arith.cmpi ne, %convert_element_type3A_354, %cond3A_355 : i32
    scf.if %cond3A_356 {
      "tpu.region"() ({
        %run_scoped3A = tpu.sem_alloc : memref<!tpu.dma_semaphore, #tpu.memory_space<semaphore_mem>>
        %dma_start3A_369 = arith.constant 99968 : i32
        %dma_start3A_370 = tpu.memref_slice %arg3[%dma_start3A_369] : memref<100000xi32, #tpu.memory_space<hbm>> -> memref<32xi32, #tpu.memory_space<hbm>>
        %dma_start3A_371 = arith.constant 99968 : i32
        %dma_start3A_372 = tpu.memref_slice %arg3[%dma_start3A_371] : memref<100000xi32, #tpu.memory_space<hbm>> -> memref<32xi32, #tpu.memory_space<hbm>>
        tpu.enqueue_dma source(%dma_start3A_372 : memref<32xi32, #tpu.memory_space<hbm>>) target(%arg16 : memref<32xi32, #tpu.memory_space<vmem>>) target_semaphore(%run_scoped3A : memref<!tpu.dma_semaphore, #tpu.memory_space<semaphore_mem>>)
        %dma_wait3A_373 = arith.constant 99968 : i32
        %dma_wait3A_374 = tpu.memref_slice %arg3[%dma_wait3A_373] : memref<100000xi32, #tpu.memory_space<hbm>> -> memref<32xi32, #tpu.memory_space<hbm>>
        %dma_wait3A_375 = arith.constant 99968 : i32
        %dma_wait3A_376 = tpu.memref_slice %arg3[%dma_wait3A_375] : memref<100000xi32, #tpu.memory_space<hbm>> -> memref<32xi32, #tpu.memory_space<hbm>>
        tpu.wait_dma2 semaphore(%run_scoped3A : memref<!tpu.dma_semaphore, #tpu.memory_space<semaphore_mem>>) src(%dma_wait3A_376 : memref<32xi32, #tpu.memory_space<hbm>>) dst(%arg16 : memref<32xi32, #tpu.memory_space<vmem>>)
        tpu.yield
      }) : () -> ()
      "tpu.region"() ({
        %run_scoped3A = tpu.sem_alloc : memref<!tpu.dma_semaphore, #tpu.memory_space<semaphore_mem>>
        %dma_start3A_369 = arith.constant 99968 : i32
        %dma_start3A_370 = arith.constant 0 : i32
        %dma_start3A_371 = tpu.memref_slice %arg2[%dma_start3A_369, %dma_start3A_370] : memref<100000x64xf32, #tpu.memory_space<hbm>> -> memref<32x64xf32, #tpu.memory_space<hbm>>
        %dma_start3A_372 = arith.constant 99968 : i32
        %dma_start3A_373 = arith.constant 0 : i32
        %dma_start3A_374 = tpu.memref_slice %arg2[%dma_start3A_372, %dma_start3A_373] : memref<100000x64xf32, #tpu.memory_space<hbm>> -> memref<32x64xf32, #tpu.memory_space<hbm>>
        tpu.enqueue_dma source(%dma_start3A_374 : memref<32x64xf32, #tpu.memory_space<hbm>>) target(%arg15 : memref<32x64xf32, #tpu.memory_space<vmem>>) target_semaphore(%run_scoped3A : memref<!tpu.dma_semaphore, #tpu.memory_space<semaphore_mem>>)
        %dma_wait3A_375 = arith.constant 99968 : i32
        %dma_wait3A_376 = arith.constant 0 : i32
        %dma_wait3A_377 = tpu.memref_slice %arg2[%dma_wait3A_375, %dma_wait3A_376] : memref<100000x64xf32, #tpu.memory_space<hbm>> -> memref<32x64xf32, #tpu.memory_space<hbm>>
        %dma_wait3A_378 = arith.constant 99968 : i32
        %dma_wait3A_379 = arith.constant 0 : i32
        %dma_wait3A_380 = tpu.memref_slice %arg2[%dma_wait3A_378, %dma_wait3A_379] : memref<100000x64xf32, #tpu.memory_space<hbm>> -> memref<32x64xf32, #tpu.memory_space<hbm>>
        tpu.wait_dma2 semaphore(%run_scoped3A : memref<!tpu.dma_semaphore, #tpu.memory_space<semaphore_mem>>) src(%dma_wait3A_380 : memref<32x64xf32, #tpu.memory_space<hbm>>) dst(%arg15 : memref<32x64xf32, #tpu.memory_space<vmem>>)
        tpu.yield
      }) : () -> ()
      "tpu.region"() ({
        %run_scoped3A = tpu.sem_alloc : memref<!tpu.dma_semaphore, #tpu.memory_space<semaphore_mem>>
        %dma_start3A_369 = arith.constant 0 : i32
        %dma_start3A_370 = arith.constant 0 : i32
        %dma_start3A_371 = tpu.memref_slice %arg25[%dma_start3A_369, %dma_start3A_370] : memref<512x64xf32, #tpu.memory_space<vmem_shared>> -> memref<512x64xf32, #tpu.memory_space<vmem_shared>>
        tpu.enqueue_indirect_dma source(%arg15 : memref<32x64xf32, #tpu.memory_space<vmem>>) target(%dma_start3A_371 : memref<512x64xf32, #tpu.memory_space<vmem_shared>>) offsets(%arg16 : memref<32xi32, #tpu.memory_space<vmem>>) semaphore(%run_scoped3A : memref<!tpu.dma_semaphore, #tpu.memory_space<semaphore_mem>>) {add = true}
        %dma_wait3A_372 = arith.constant 0 : i32
        %dma_wait3A_373 = arith.constant 0 : i32
        %dma_wait3A_374 = tpu.memref_slice %arg25[%dma_wait3A_372, %dma_wait3A_373] : memref<512x64xf32, #tpu.memory_space<vmem_shared>> -> memref<512x64xf32, #tpu.memory_space<vmem_shared>>
        tpu.wait_indirect_dma semaphore(%run_scoped3A : memref<!tpu.dma_semaphore, #tpu.memory_space<semaphore_mem>>) src(%arg15 : memref<32x64xf32, #tpu.memory_space<vmem>>) dst(%dma_wait3A_374 : memref<512x64xf32, #tpu.memory_space<vmem_shared>>)
        tpu.yield
      }) : () -> ()
      "tpu.region"() ({
        %run_scoped3A = tpu.sem_alloc : memref<!tpu.dma_semaphore, #tpu.memory_space<semaphore_mem>>
        %dma_start3A_369 = arith.constant 0 : i32
        %dma_start3A_370 = arith.constant 0 : i32
        %dma_start3A_371 = tpu.memref_slice %arg17[%dma_start3A_369, %dma_start3A_370] : memref<128x16xf32, #tpu.memory_space<vmem>> -> memref<32x16xf32, #tpu.memory_space<vmem>>
        %dma_start3A_372 = arith.constant 0 : i32
        %dma_start3A_373 = arith.constant 0 : i32
        %dma_start3A_374 = tpu.memref_slice %arg26[%dma_start3A_372, %dma_start3A_373] : memref<512x16xf32, #tpu.memory_space<vmem_shared>> -> memref<512x16xf32, #tpu.memory_space<vmem_shared>>
        tpu.enqueue_indirect_dma source(%dma_start3A_371 : memref<32x16xf32, #tpu.memory_space<vmem>>) target(%dma_start3A_374 : memref<512x16xf32, #tpu.memory_space<vmem_shared>>) offsets(%arg16 : memref<32xi32, #tpu.memory_space<vmem>>) semaphore(%run_scoped3A : memref<!tpu.dma_semaphore, #tpu.memory_space<semaphore_mem>>) {add = true}
        %dma_wait3A_375 = arith.constant 0 : i32
        %dma_wait3A_376 = arith.constant 0 : i32
        %dma_wait3A_377 = tpu.memref_slice %arg17[%dma_wait3A_375, %dma_wait3A_376] : memref<128x16xf32, #tpu.memory_space<vmem>> -> memref<32x16xf32, #tpu.memory_space<vmem>>
        %dma_wait3A_378 = arith.constant 0 : i32
        %dma_wait3A_379 = arith.constant 0 : i32
        %dma_wait3A_380 = tpu.memref_slice %arg26[%dma_wait3A_378, %dma_wait3A_379] : memref<512x16xf32, #tpu.memory_space<vmem_shared>> -> memref<512x16xf32, #tpu.memory_space<vmem_shared>>
        tpu.wait_indirect_dma semaphore(%run_scoped3A : memref<!tpu.dma_semaphore, #tpu.memory_space<semaphore_mem>>) src(%dma_wait3A_377 : memref<32x16xf32, #tpu.memory_space<vmem>>) dst(%dma_wait3A_380 : memref<512x16xf32, #tpu.memory_space<vmem_shared>>)
        tpu.yield
      }) : () -> ()
    } else {
    }
    %mul3A_357 = arith.constant 32 : i32
    %mul3A_358 = arith.muli %add3A, %mul3A_357 : i32
    "tpu.region"() ({
      %run_scoped3A = tpu.sem_alloc : memref<!tpu.dma_semaphore, #tpu.memory_space<semaphore_mem>>
      %dma_start3A_369 = tpu.memref_slice %arg4[%mul3A_358] : memref<1024xi32, #tpu.memory_space<hbm>> -> memref<32xi32, #tpu.memory_space<hbm>>
      %dma_start3A_370 = tpu.memref_slice %arg4[%mul3A_358] : memref<1024xi32, #tpu.memory_space<hbm>> -> memref<32xi32, #tpu.memory_space<hbm>>
      tpu.enqueue_dma source(%dma_start3A_370 : memref<32xi32, #tpu.memory_space<hbm>>) target(%arg18 : memref<32xi32, #tpu.memory_space<vmem>>) target_semaphore(%run_scoped3A : memref<!tpu.dma_semaphore, #tpu.memory_space<semaphore_mem>>)
      %dma_wait3A_371 = tpu.memref_slice %arg4[%mul3A_358] : memref<1024xi32, #tpu.memory_space<hbm>> -> memref<32xi32, #tpu.memory_space<hbm>>
      %dma_wait3A_372 = tpu.memref_slice %arg4[%mul3A_358] : memref<1024xi32, #tpu.memory_space<hbm>> -> memref<32xi32, #tpu.memory_space<hbm>>
      tpu.wait_dma2 semaphore(%run_scoped3A : memref<!tpu.dma_semaphore, #tpu.memory_space<semaphore_mem>>) src(%dma_wait3A_372 : memref<32xi32, #tpu.memory_space<hbm>>) dst(%arg18 : memref<32xi32, #tpu.memory_space<vmem>>)
      tpu.yield
    }) : () -> ()
    %dma_start3A = arith.constant 0 : i32
    %dma_start3A_359 = tpu.memref_slice %arg3[%dma_start3A] : memref<100000xi32, #tpu.memory_space<hbm>> -> memref<100000xi32, #tpu.memory_space<hbm>>
    tpu.enqueue_indirect_dma source(%dma_start3A_359 : memref<100000xi32, #tpu.memory_space<hbm>>) target(%arg19 : memref<32xi32, #tpu.memory_space<vmem>>) offsets(%arg18 : memref<32xi32, #tpu.memory_space<vmem>>) semaphore(%arg20 : memref<!tpu.dma_semaphore, #tpu.memory_space<semaphore_mem>>)
    %dma_wait3A = arith.constant 0 : i32
    %dma_wait3A_360 = tpu.memref_slice %arg3[%dma_wait3A] : memref<100000xi32, #tpu.memory_space<hbm>> -> memref<100000xi32, #tpu.memory_space<hbm>>
    tpu.wait_indirect_dma semaphore(%arg20 : memref<!tpu.dma_semaphore, #tpu.memory_space<semaphore_mem>>) src(%dma_wait3A_360 : memref<100000xi32, #tpu.memory_space<hbm>>) dst(%arg19 : memref<32xi32, #tpu.memory_space<vmem>>)
    %mul3A_361 = arith.constant 32 : i32
    %mul3A_362 = arith.muli %add3A, %mul3A_361 : i32
    "tpu.region"() ({
      %run_scoped3A = tpu.sem_alloc : memref<!tpu.dma_semaphore, #tpu.memory_space<semaphore_mem>>
      %dma_start3A_369 = tpu.memref_slice %arg10[%mul3A_362] : memref<1024xi32, #tpu.memory_space<hbm>> -> memref<32xi32, #tpu.memory_space<hbm>>
      %dma_start3A_370 = tpu.memref_slice %arg10[%mul3A_362] : memref<1024xi32, #tpu.memory_space<hbm>> -> memref<32xi32, #tpu.memory_space<hbm>>
      tpu.enqueue_dma source(%arg19 : memref<32xi32, #tpu.memory_space<vmem>>) target(%dma_start3A_370 : memref<32xi32, #tpu.memory_space<hbm>>) target_semaphore(%run_scoped3A : memref<!tpu.dma_semaphore, #tpu.memory_space<semaphore_mem>>)
      %dma_wait3A_371 = tpu.memref_slice %arg10[%mul3A_362] : memref<1024xi32, #tpu.memory_space<hbm>> -> memref<32xi32, #tpu.memory_space<hbm>>
      %dma_wait3A_372 = tpu.memref_slice %arg10[%mul3A_362] : memref<1024xi32, #tpu.memory_space<hbm>> -> memref<32xi32, #tpu.memory_space<hbm>>
      tpu.wait_dma2 semaphore(%run_scoped3A : memref<!tpu.dma_semaphore, #tpu.memory_space<semaphore_mem>>) src(%arg19 : memref<32xi32, #tpu.memory_space<vmem>>) dst(%dma_wait3A_372 : memref<32xi32, #tpu.memory_space<hbm>>)
      tpu.yield
    }) : () -> ()
    %barrier3A_363 = arith.constant 0 : index
    tpu.barrier barrier_id(%barrier3A_363)
    %eq3A_364 = arith.constant 0 : i32
    %eq3A_365 = arith.cmpi eq, %arg1, %eq3A_364 : i32
    %convert_element_type3A_366 = arith.extui %eq3A_365 : i1 to i32
    %cond3A_367 = arith.constant 0 : i32
    %cond3A_368 = arith.cmpi ne, %convert_element_type3A_366, %cond3A_367 : i32
    scf.if %cond3A_368 {
      "tpu.region"() ({
        %run_scoped3A = tpu.sem_alloc : memref<!tpu.dma_semaphore, #tpu.memory_space<semaphore_mem>>
        %dma_start3A_369 = arith.constant 0 : i32
        %dma_start3A_370 = arith.constant 0 : i32
        %dma_start3A_371 = tpu.memref_slice %arg8[%arg0, %dma_start3A_369, %dma_start3A_370] : memref<2x512x64xf32, #tpu.memory_space<hbm>> -> memref<1x512x64xf32, #tpu.memory_space<hbm>>
        %dma_start3A_372 = tpu.memref_squeeze %dma_start3A_371 : memref<1x512x64xf32, #tpu.memory_space<hbm>> -> memref<512x64xf32, #tpu.memory_space<hbm>>
        tpu.enqueue_dma source(%arg25 : memref<512x64xf32, #tpu.memory_space<vmem_shared>>) target(%dma_start3A_372 : memref<512x64xf32, #tpu.memory_space<hbm>>) target_semaphore(%run_scoped3A : memref<!tpu.dma_semaphore, #tpu.memory_space<semaphore_mem>>)
        %dma_wait3A_373 = arith.constant 0 : i32
        %dma_wait3A_374 = arith.constant 0 : i32
        %dma_wait3A_375 = tpu.memref_slice %arg8[%arg0, %dma_wait3A_373, %dma_wait3A_374] : memref<2x512x64xf32, #tpu.memory_space<hbm>> -> memref<1x512x64xf32, #tpu.memory_space<hbm>>
        %dma_wait3A_376 = tpu.memref_squeeze %dma_wait3A_375 : memref<1x512x64xf32, #tpu.memory_space<hbm>> -> memref<512x64xf32, #tpu.memory_space<hbm>>
        tpu.wait_dma2 semaphore(%run_scoped3A : memref<!tpu.dma_semaphore, #tpu.memory_space<semaphore_mem>>) src(%arg25 : memref<512x64xf32, #tpu.memory_space<vmem_shared>>) dst(%dma_wait3A_376 : memref<512x64xf32, #tpu.memory_space<hbm>>)
        tpu.yield
      }) : () -> ()
      "tpu.region"() ({
        %run_scoped3A = tpu.sem_alloc : memref<!tpu.dma_semaphore, #tpu.memory_space<semaphore_mem>>
        %dma_start3A_369 = arith.constant 0 : i32
        %dma_start3A_370 = arith.constant 0 : i32
        %dma_start3A_371 = tpu.memref_slice %arg9[%arg0, %dma_start3A_369, %dma_start3A_370] : memref<2x512x16xf32, #tpu.memory_space<hbm>> -> memref<1x512x16xf32, #tpu.memory_space<hbm>>
        %dma_start3A_372 = tpu.memref_squeeze %dma_start3A_371 : memref<1x512x16xf32, #tpu.memory_space<hbm>> -> memref<512x16xf32, #tpu.memory_space<hbm>>
        tpu.enqueue_dma source(%arg26 : memref<512x16xf32, #tpu.memory_space<vmem_shared>>) target(%dma_start3A_372 : memref<512x16xf32, #tpu.memory_space<hbm>>) target_semaphore(%run_scoped3A : memref<!tpu.dma_semaphore, #tpu.memory_space<semaphore_mem>>)
        %dma_wait3A_373 = arith.constant 0 : i32
        %dma_wait3A_374 = arith.constant 0 : i32
        %dma_wait3A_375 = tpu.memref_slice %arg9[%arg0, %dma_wait3A_373, %dma_wait3A_374] : memref<2x512x16xf32, #tpu.memory_space<hbm>> -> memref<1x512x16xf32, #tpu.memory_space<hbm>>
        %dma_wait3A_376 = tpu.memref_squeeze %dma_wait3A_375 : memref<1x512x16xf32, #tpu.memory_space<hbm>> -> memref<512x16xf32, #tpu.memory_space<hbm>>
        tpu.wait_dma2 semaphore(%run_scoped3A : memref<!tpu.dma_semaphore, #tpu.memory_space<semaphore_mem>>) src(%arg26 : memref<512x16xf32, #tpu.memory_space<vmem_shared>>) dst(%dma_wait3A_376 : memref<512x16xf32, #tpu.memory_space<hbm>>)
        tpu.yield
      }) : () -> ()
    } else {
    }
    return
  }
}

module attributes {stable_mosaic.version = 14 : i64} {
  func.func @body(%arg0: memref<1024x64xf32, #tpu.memory_space<vmem>>, %arg1: memref<2x512x64xf32, #tpu.memory_space<vmem>>, %arg2: memref<2x512x16xf32, #tpu.memory_space<vmem>>, %arg3: memref<1024x1xi32, #tpu.memory_space<vmem>>, %arg4: memref<1x1xf32, #tpu.memory_space<vmem>>) attributes {dimension_semantics = [], scalar_prefetch = 0 : i64, scratch_operands = 0 : i64, tpu.core_type = #tpu.core_type<tc>} {
    %get3A = arith.constant 0 : index
    %get3A_0 = arith.constant 0 : index
    %get3A_1 = vector.load %arg0[%get3A, %get3A_0] : memref<1024x64xf32, #tpu.memory_space<vmem>>, vector<1024x64xf32>
    %get3A_2 = arith.constant 0 : index
    %get3A_3 = arith.constant 0 : index
    %get3A_4 = arith.constant 0 : index
    %get3A_5 = vector.load %arg1[%get3A_2, %get3A_3, %get3A_4] : memref<2x512x64xf32, #tpu.memory_space<vmem>>, vector<1x512x64xf32>
    %get3A_6 = vector.shape_cast %get3A_5 : vector<1x512x64xf32> to vector<512x64xf32>
    %get3A_7 = arith.constant 1 : index
    %get3A_8 = arith.constant 0 : index
    %get3A_9 = arith.constant 0 : index
    %get3A_10 = vector.load %arg1[%get3A_7, %get3A_8, %get3A_9] : memref<2x512x64xf32, #tpu.memory_space<vmem>>, vector<1x512x64xf32>
    %get3A_11 = vector.shape_cast %get3A_10 : vector<1x512x64xf32> to vector<512x64xf32>
    %add3A = arith.addf %get3A_6, %get3A_11 : vector<512x64xf32>
    %get3A_12 = arith.constant 0 : index
    %get3A_13 = arith.constant 0 : index
    %get3A_14 = arith.constant 0 : index
    %get3A_15 = vector.load %arg2[%get3A_12, %get3A_13, %get3A_14] : memref<2x512x16xf32, #tpu.memory_space<vmem>>, vector<1x512x16xf32>
    %get3A_16 = vector.shape_cast %get3A_15 : vector<1x512x16xf32> to vector<512x16xf32>
    %get3A_17 = arith.constant 1 : index
    %get3A_18 = arith.constant 0 : index
    %get3A_19 = arith.constant 0 : index
    %get3A_20 = vector.load %arg2[%get3A_17, %get3A_18, %get3A_19] : memref<2x512x16xf32, #tpu.memory_space<vmem>>, vector<1x512x16xf32>
    %get3A_21 = vector.shape_cast %get3A_20 : vector<1x512x16xf32> to vector<512x16xf32>
    %add3A_22 = arith.addf %get3A_16, %get3A_21 : vector<512x16xf32>
    %slice3A = vector.extract_strided_slice %add3A_22 {offsets = [0, 0], sizes = [512, 1], strides = [1, 1]} : vector<512x16xf32> to vector<512x1xf32>
    %gt3A = arith.constant 0.000000e+00 : f32
    %gt3A_23 = vector.broadcast %gt3A : f32 to vector<512x1xf32>
    %gt3A_24 = arith.cmpf ogt, %slice3A, %gt3A_23 : vector<512x1xf32>
    %jit3A = arith.constant 1.000000e+00 : f32
    %broadcast_in_dim3A = vector.broadcast %jit3A : f32 to vector<512x1xf32>
    %select_n3A = arith.select %gt3A_24, %slice3A, %broadcast_in_dim3A : vector<512x1xi1>, vector<512x1xf32>
    %mul3A = arith.constant 5.000000e-02 : f32
    %mul3A_25 = vector.broadcast %mul3A : f32 to vector<512x1xf32>
    %mul3A_26 = arith.mulf %mul3A_25, %select_n3A : vector<512x1xf32>
    %div3A = vector.broadcast %mul3A_26 : vector<512x1xf32> to vector<512x64xf32>
    %div3A_27 = arith.divf %add3A, %div3A : vector<512x64xf32>
    %dot_general3A = arith.constant dense<0.000000e+00> : vector<1024x512xf32>
    %dot_general3A_28 = tpu.matmul %get3A_1, %div3A_27, %dot_general3A {dimension_numbers = #tpu.dot_dimension_numbers<[1], [1], [0], [0], [0, 0, 1, 0], [], []>, transpose_lhs_hint = false} : vector<1024x64xf32>, vector<512x64xf32>, vector<1024x512xf32> -> vector<1024x512xf32>
    %broadcast_in_dim3A_29 = arith.constant 1.000000e+00 : f32
    %broadcast_in_dim3A_30 = vector.broadcast %broadcast_in_dim3A_29 : f32 to vector<1x16xf32>
    %dot_general3A_31 = arith.constant dense<0.000000e+00> : vector<1x512xf32>
    %dot_general3A_32 = tpu.matmul %broadcast_in_dim3A_30, %add3A_22, %dot_general3A_31 {dimension_numbers = #tpu.dot_dimension_numbers<[1], [1], [0], [0], [0, 0, 1, 0], [], []>, transpose_lhs_hint = false} : vector<1x16xf32>, vector<512x16xf32>, vector<1x512xf32> -> vector<1x512xf32>
    %gt3A_33 = arith.constant 0.000000e+00 : f32
    %gt3A_34 = vector.broadcast %gt3A_33 : f32 to vector<1x512xf32>
    %gt3A_35 = arith.cmpf ogt, %dot_general3A_32, %gt3A_34 : vector<1x512xf32>
    %convert_element_type3A = arith.extui %gt3A_35 : vector<1x512xi1> to vector<1x512xi32>
    %convert_element_type3A_36 = arith.sitofp %convert_element_type3A : vector<1x512xi32> to vector<1x512xf32>
    %exp3A = math.exp %dot_general3A_28 : vector<1024x512xf32>
    %mul3A_37 = vector.broadcast %convert_element_type3A_36 : vector<1x512xf32> to vector<1024x512xf32>
    %mul3A_38 = arith.mulf %exp3A, %mul3A_37 : vector<1024x512xf32>
    %reduce_sum3A = arith.constant dense<0.000000e+00> : vector<1024xf32>
    %reduce_sum3A_39 = vector.multi_reduction <add>, %mul3A_38, %reduce_sum3A [1] : vector<1024x512xf32> to vector<1024xf32>
    %broadcast_in_dim3A_40 = vector.shape_cast %reduce_sum3A_39 : vector<1024xf32> to vector<1024x1xf32>
    %add3A_41 = arith.constant 9.99999997E-7 : f32
    %add3A_42 = vector.broadcast %add3A_41 : f32 to vector<1024x1xf32>
    %add3A_43 = arith.addf %broadcast_in_dim3A_40, %add3A_42 : vector<1024x1xf32>
    %div3A_44 = vector.broadcast %add3A_43 : vector<1024x1xf32> to vector<1024x512xf32>
    %div3A_45 = arith.divf %mul3A_38, %div3A_44 : vector<1024x512xf32>
    %add3A_46 = arith.constant 9.99999997E-7 : f32
    %add3A_47 = vector.broadcast %add3A_46 : f32 to vector<1024x512xf32>
    %add3A_48 = arith.addf %div3A_45, %add3A_47 : vector<1024x512xf32>
    %log3A = math.log %add3A_48 : vector<1024x512xf32>
    %get3A_49 = arith.constant 0 : index
    %get3A_50 = arith.constant 0 : index
    %get3A_51 = vector.load %arg3[%get3A_49, %get3A_50] : memref<1024x1xi32, #tpu.memory_space<vmem>>, vector<1024x1xi32>
    %iota3A = tpu.iota {dimensions = array<i32: 1>} : vector<1024x512xi32>
    %eq3A = vector.broadcast %get3A_51 : vector<1024x1xi32> to vector<1024x512xi32>
    %eq3A_52 = arith.cmpi eq, %iota3A, %eq3A : vector<1024x512xi32>
    %convert_element_type3A_53 = arith.extui %eq3A_52 : vector<1024x512xi1> to vector<1024x512xi32>
    %convert_element_type3A_54 = arith.sitofp %convert_element_type3A_53 : vector<1024x512xi32> to vector<1024x512xf32>
    %mul3A_55 = arith.mulf %convert_element_type3A_54, %log3A : vector<1024x512xf32>
    %reduce_sum3A_56 = vector.shape_cast %mul3A_55 : vector<1024x512xf32> to vector<1x1024x512xf32>
    %reduce_sum3A_57 = arith.constant dense<0.000000e+00> : vector<1xf32>
    %reduce_sum3A_58 = vector.multi_reduction <add>, %reduce_sum3A_56, %reduce_sum3A_57 [1, 2] : vector<1x1024x512xf32> to vector<1xf32>
    %reduce_sum3A_59 = vector.shape_cast %reduce_sum3A_58 : vector<1xf32> to vector<1x1x1xf32>
    %reduce_sum3A_60 = vector.extract %reduce_sum3A_59[0, 0, 0] : f32 from vector<1x1x1xf32>
    %neg3A = arith.constant 0.000000e+00 : f32
    %neg3A_61 = arith.subf %neg3A, %reduce_sum3A_60 : f32
    %mul3A_62 = arith.constant 9.765625E-4 : f32
    %mul3A_63 = arith.mulf %neg3A_61, %mul3A_62 : f32
    %reshape3A = vector.broadcast %mul3A_63 : f32 to vector<1x1xf32>
    %swap3A = arith.constant 0 : index
    %swap3A_64 = arith.constant 0 : index
    %swap3A_65 = vector.load %arg4[%swap3A, %swap3A_64] : memref<1x1xf32, #tpu.memory_space<vmem>>, vector<1x1xf32>
    tpu.vector_store %arg4[%swap3A, %swap3A_64], %reshape3A {strides = array<i32>} : memref<1x1xf32, #tpu.memory_space<vmem>>, vector<1x1xf32>,
    return
  }
}

</mosaic_0001>

<sc_bundles>
// kernel: kernel.4.cloned.1.call-start
scs
__scs_entry_jumppad:
0x0: {  	(pc) =	sbr.rel $0x88, $3  }
0x1: {  	(tag) =	ssettag $0x0;
	lr =	simm.s32 $0x1  }
0x2: {  	[smem:$0x3F9D] =	sst lr;
	_ =	strace $0xD0000000  }
0x3: {  	_ = 	snop  }
0x4: {  	_ = 	snop  }
0x5: {  	_ = 	snop  }
0x6: {  	_ = 	snop  }
0x7: {  	_ = 	snop  }
__scs_overlays_trampoline_lowered:
0x8: {  	[smem:$0x3FAC] =	sst s0  }
0x9: {  	[smem:$0x3FAD] =	sst s1  }
0xa: {  	[smem:$0x3FAE] =	sst s2  }
0xb: {  	[smem:$0x3FAF] =	sst s3  }
0xc: {  	[smem:$0x3FB0] =	sst s4  }
0xd: {  	[smem:$0x3FB1] =	sst s5  }
0xe: {  	[smem:$0x3FB2] =	sst s6  }
0xf: {  	[smem:$0x3FB3] =	sst s7  }
0x10: {  	[smem:$0x3FB4] =	sst s8  }
0x11: {  	[smem:$0x3FB5] =	sst s9;
	s0 =	simm.s32 @!p0 $0x0  }
0x12: {  	s1 =	sld [smem:$0x3F9B];
	s0 =	simm.s32 @p0 $0x1  }
0x13: {  	[smem:$0x3FB6] =	sst s0;
	s0 =	simm.s32 @!p1 $0x0  }
0x14: {  	s2 =	sld [smem:$0x3F9A];
	s0 =	simm.s32 @p1 $0x1  }
0x15: {  	[smem:$0x3FB7] =	sst s0;
	s0 =	simm.s32 @!p2 $0x0  }
0x16: {  	s3 =	sld [smem:$0x3FDB];
	s0 =	simm.s32 @p2 $0x1  }
0x17: {  	s4 =	simm.s32 $0x1BF5;
	[smem:$0x3FB9] =	sst s0  }
0x18: {  	s0 =	sld [smem:$0x3F9C];
	_ =	swait.ge [sflag:s4], $0x0  }
0x19: {  	s7 =	sld [smem:$0x3F9D]  }
0x1a: {  	s8 =	sadd.s32 $0xFFFFE003, lr  }
0x1b: {  	s9 =	sadd.s32 $0xFFFFFEF7, lr;
	s5 =	simm.s32 $0xFFFFFFFF;
	p2 =	slt.u32 s8, $0xFFFFF086  }
0x1c: {  	p1 =	slt.u32 s9, $0xF7A;
	s5 =	simm.s32 @!p2 $0x0  }
0x1d: {  	s5 =	simm.s32 @p1 $0x1;
	p0 =	seq.s32 s7, s2  }
0x1e: {  	s7 =	smul.u32 @!p0 $0xF7A, s2;
	p2 =	seq.s32 @!p0 s5, $0x0  }
0x1f: {  	s9 =	smul.u32 $0xF7A, s1;
	s8 =	simm.s32 @!p0 $0x1BF5;
	p2 =	por !p2, p0  }
0x20: {  	[sflag:s8] =	ssyncset.s32 @!p0 $0xFFFFF086;
	s6 =	sadd.s32 @!p0 s3, s7;
	s7 =	simm.s32 @!p0 $0x108  }
0x21: {  	s3 =	sadd.s32 s3, s9;
	s6 =	sadd.s32 @!p0 $0x88, s6;
	s7 =	simm.s32 @p2 $0x1082  }
0x22: {  	[simem:s7], [sflag:s8] =	dma.local @!p0 [hbm:s6], $0xF7A  }
0x23: {  	s9 =	sor.u32 $0xD0000000, s2;
	s6 =	simm.s32 $0x108;
	_ =	swait.ge @!p0 [sflag:s8], $0x0  }
0x24: {  	s3 =	sadd.s32 $0x88, s3;
	s6 =	simm.s32 @!p1 $0x1082;
	[sflag:s4] =	ssyncset.s32 $0xFFFFF086  }
0x25: {  	[simem:s6], [sflag:s4] =	dma.local [hbm:s3], $0xF7A  }
0x26: {  	[smem:$0x3F9D] =	sst s1;
	(tag) =	ssettag s2;
	_ =	strace s9  }
0x27: {  	s1 =	sld [smem:$0x3FAD]  }
0x28: {  	s2 =	sld [smem:$0x3FAE]  }
0x29: {  	s4 =	sld [smem:$0x3FB0]  }
0x2a: {  	p0 =	seq.s32 s5, $0x0;
	s5 =	sld [smem:$0x3FB1]  }
0x2b: {  	s6 =	sld [smem:$0x3FB2]  }
0x2c: {  	s7 =	sld [smem:$0x3FB3]  }
0x2d: {  	s3 =	simm.s32 $0x108;
	s8 =	sld [smem:$0x3FB4]  }
0x2e: {  	s3 =	simm.s32 @!p0 $0x1082;
	s9 =	sld [smem:$0x3FB5]  }
0x2f: {  	lr =	sadd.s32 s0, s3;
	s0 =	sld [smem:$0x3FAC]  }
0x30: {  	s3 =	sld [smem:$0x3FAF]  }
0x31: {  	[smem:$0x3FB8] =	sst s10  }
0x32: {  	s10 =	sld [smem:$0x3FB6];
	_ =	sdelay $0x3  }
0x33: {  	p0 =	seq.s32 s10, $0x1;
	s10 =	sld [smem:$0x3FB8];
	_ =	sdelay $0x3  }
0x34: {  	[smem:$0x3FB8] =	sst s10  }
0x35: {  	s10 =	sld [smem:$0x3FB7];
	_ =	sdelay $0x3  }
0x36: {  	p1 =	seq.s32 s10, $0x1;
	s10 =	sld [smem:$0x3FB8];
	_ =	sdelay $0x3  }
0x37: {  	[smem:$0x3FB8] =	sst s10  }
0x38: {  	s10 =	sld [smem:$0x3FB9]  }
0x39: {  	_ = 	snop;
	(pc) =	sbr.ind lr, $3  }
0x3a: {  	_ = 	snop  }
0x3b: {  	_ = 	snop  }
0x3c: {  	p2 =	seq.s32 s10, $0x1;
	s10 =	sld [smem:$0x3FB8]  }
0x3d: {  	_ =	shalt  }
0x3e: {  	_ =	shalt  }
0x3f: {  	_ =	shalt  }
0x40: {  	_ =	shalt  }
0x41: {  	_ =	shalt  }
0x42: {  	_ =	shalt  }
0x43: {  	_ =	shalt  }
0x44: {  	_ =	shalt  }
0x45: {  	_ =	shalt  }
0x46: {  	_ =	shalt  }
0x47: {  	_ =	shalt  }
0x48: {  	_ =	shalt  }
0x49: {  	_ =	shalt  }
0x4a: {  	_ =	shalt  }
0x4b: {  	_ =	shalt  }
0x4c: {  	_ =	shalt  }
0x4d: {  	_ =	shalt  }
0x4e: {  	_ =	shalt  }
0x4f: {  	_ =	shalt  }
0x50: {  	_ =	shalt  }
0x51: {  	_ =	shalt  }
0x52: {  	_ =	shalt  }
0x53: {  	_ =	shalt  }
0x54: {  	_ =	shalt  }
0x55: {  	_ =	shalt  }
0x56: {  	_ =	shalt  }
0x57: {  	_ =	shalt  }
0x58: {  	_ =	shalt  }
0x59: {  	_ =	shalt  }
0x5a: {  	_ =	shalt  }
0x5b: {  	_ =	shalt  }
0x5c: {  	_ =	shalt  }
0x5d: {  	_ =	shalt  }
0x5e: {  	_ =	shalt  }
0x5f: {  	_ =	shalt  }
0x60: {  	_ =	shalt  }
0x61: {  	_ =	shalt  }
0x62: {  	_ =	shalt  }
0x63: {  	_ =	shalt  }
0x64: {  	_ =	shalt  }
0x65: {  	_ =	shalt  }
0x66: {  	_ =	shalt  }
0x67: {  	_ =	shalt  }
0x68: {  	_ =	shalt  }
0x69: {  	_ =	shalt  }
0x6a: {  	_ =	shalt  }
0x6b: {  	_ =	shalt  }
0x6c: {  	_ =	shalt  }
0x6d: {  	_ =	shalt  }
0x6e: {  	_ =	shalt  }
0x6f: {  	_ =	shalt  }
0x70: {  	_ =	shalt  }
0x71: {  	_ =	shalt  }
0x72: {  	_ =	shalt  }
0x73: {  	_ =	shalt  }
0x74: {  	_ =	shalt  }
0x75: {  	_ =	shalt  }
0x76: {  	_ =	shalt  }
0x77: {  	_ =	shalt  }
0x78: {  	_ =	shalt  }
0x79: {  	_ =	shalt  }
0x7a: {  	_ =	shalt  }
0x7b: {  	_ =	shalt  }
0x7c: {  	_ =	shalt  }
0x7d: {  	_ =	shalt  }
0x7e: {  	_ =	shalt  }
0x7f: {  	_ =	shalt  }
0x80: {  	_ =	shalt  }
0x81: {  	_ =	shalt  }
0x82: {  	_ =	shalt  }
0x83: {  	_ =	shalt  }
0x84: {  	_ =	shalt  }
0x85: {  	_ =	shalt  }
0x86: {  	_ =	shalt  }
0x87: {  	_ =	shalt  }
.Lfunc_end0:
.L_simem_size_0:
called_computation_lowered:
.L_overlay_start_0:
0x88: {  	s2 =	sld [smem:$0x3FD9]  }
0x89: {  	s3 =	sld [smem:$0x3FFE];
	_ =	sdelay $0x1  }
0x8a: {  	s1 =	srdreg.scid  }
0x8b: {  	s0 =	sand.u32 $0x1, s1  }
0x8c: {  	s17 =	sshll.u32 s0, $0xA;
	s2 =	sadd.s32 s3, s2  }
0x8d: {  	s2 =	sadd.s32 s2, s17  }
0x8e: {  	[smem:$0x3FC4] =	sst s2  }
0x8f: {  	_ = 	snop  }
0x90: {  	s2 =	sld [smem:$0x3FC8]  }
0x91: {  	s18 =	sld [smem:$0x3FC6];
	(tm) =	ssettm $0x1  }
0x92: {  	s4 =	sld [smem:$0x3FFB];
	_ =	sdelay $0x3  }
0x93: {  	_ =	strace s4  }
0x94: {  	s4 =	sld [smem:$0x3FFC];
	_ =	sdelay $0x3  }
0x95: {  	_ =	strace s4  }
0x96: {  	s4 =	sld [smem:$0x3FFD];
	_ =	sdelay $0x3  }
0x97: {  	_ =	strace s4  }
0x98: {  	_ =	strace $0x8FFFFFFF  }
0x99: {  	s19 =	sld [smem:$0x3FDB];
	_ =	sdelay $0x1  }
0x9a: {  	s5 =	simm.s32 $_scs_section_size  }
0x9b: {  	s6 =	simm.s32 $_size__tile_overlayer_lowered;
	s7 =	simm.s32 $_tile_overlayer_lowered  }
0x9c: {  	s22 =	simm.s32 $0x1BFF;
	s21 =	sshll.u32 s7, $0x1;
	s4 =	sadd.s32 s5, s19  }
0x9d: {  	s8 =	simm.s32 $0x0;
	s20 =	sshll.u32 s6, $0x1;
	s6 =	sadd.s32 s21, s4  }
0x9e: {  	[timem:s8], [sflag:s22] =	dma.local [hbm:s6], s20  }
0x9f: {  	_ =	swait.ge [sflag:s22], s20  }
0xa0: {  	s5 =	ssub.s32 $0x0, s20;
	[sflag:s22] =	ssyncset.done $0x0  }
0xa1: {  	[sflag:s22] =	ssyncadd.s32 s5;
	_ =	sdelay $0x1  }
0xa2: {  	s23 =	simm.s32 $0x1B8B  }
0xa3: {  	_ =	swait.ge [sflag:s23], $0x1  }
0xa4: {  	[sflag:s23] =	ssyncset.done $0x0  }
0xa5: {  	s25 =	simm.s32 $0x1B8E;
	s24 =	sld [smem:$0x3FFE];
	[sflag:s23] =	ssyncadd.s32 $0xFFFFFFFF  }
0xa6: {  	s26 =	simm.s32 $execute0_lowered;
	[smem:$0x3FD2] =	sst s25  }
0xa7: {  	s6 =	sshll.u32 s26, $0x1;
	_ =	strace $0x80000046;
	[dreg:$0x1] =	wrdreg $0xFFFFFFFF  }
0xa8: {  	s28 =	simm.s32 $_size_execute0_lowered;
	s4 =	sadd.s32 s4, s6;
	[dreg:$0x0] =	wrdreg $0x0  }
0xa9: {  	s6 =	sshll.u32 s28, $0x1;
	[dreg:$0x2] =	wrdreg s4  }
0xaa: {  	[dreg:$0x3] =	wrdreg s6  }
0xab: {  	[dreg:$0x4] =	wrdreg $0xC0  }
0xac: {  	_ =	task [dreg:s8], $0x5FFFF  }
0xad: {  	[dreg:$0x1] =	wrdreg $0xFFFFFFFF  }
0xae: {  	[dreg:$0x0] =	wrdreg $0x60  }
0xaf: {  	[dreg:$0x2] =	wrdreg s24  }
0xb0: {  	[dreg:$0x3] =	wrdreg s18  }
0xb1: {  	[dreg:$0x4] =	wrdreg s2  }
0xb2: {  	[dreg:$0x5] =	wrdreg $0xD2800  }
0xb3: {  	[dreg:$0x6] =	wrdreg $0xDA800  }
0xb4: {  	[dreg:$0x7] =	wrdreg $0x9  }
0xb5: {  	_ =	task.clear_ibuf [dreg:s8], $0x8FFFF;
	_ =	strace $0x90000046  }
0xb6: {  	s29 =	simm.s32 $0x9;
	_ =	strace $0x80000048  }
0xb7: {  	_ =	swait.ge [sflag:s29], $0x1  }
0xb8: {  	[sflag:s29] =	ssyncadd.s32 $0xFFFFFFFF  }
0xb9: {  	_ =	strace $0x90000048  }
0xba: {  	_ =	sfence  }
0xbb: {  	s30 =	sld [smem:$0x0];
	_ =	sdelay $0x2  }
0xbc: {  	s31 =	sshll.u32 s1, $0xD;
	s1 =	sshrl.u32 s1, $0x2  }
0xbd: {  	s3 =	sand.u32 $0x4000, s31;
	s1 =	sadd.s32 s1, s30  }
0xbe: {  	s0 =	sor.u32 s3, s0;
	s1 =	sshll.u32 s1, $0x11  }
0xbf: {  	s0 =	sor.u32 s1, s0  }
0xc0: {  	s0 =	sadd.s32 $0x8F2B, s0  }
0xc1: {  	[sflag:s0] =	ssyncadd.remote.s32 $0x1  }
0xc2: {  	_ =	sfence.sel $0xFFFF  }
0xc3: {  	[dreg:$0x0] =	wrdreg $0xFFFFFFFF;
	(pc) =	sbr.abs _section_cstart, $3  }
0xc4: {  	[dreg:$0x1] =	wrdreg $0xFFFFFFFF  }
0xc5: {  	_ =	task.clear_ibuf [dreg:s8], $0x2FFFF;
	_ =	strace $0x9FFFFFFF  }
0xc6: {  	(tm) =	ssettm $0x7FFFFFFF  }
0xc7: {  	_ =	shalt  }
tec
execute0_lowered:
.L_overlay_start_1:
0x0: {  	(tag) =	ssettag $0x1  }
0x1: {  	s5 =	rddreg [dreg:$0x0]  }
0x2: {  	s22 =	rddreg [dreg:$0x1]  }
0x3: {  	s6 =	rddreg [dreg:$0x2]  }
0x4: {  	s4 =	rddreg [dreg:$0x3]  }
0x5: {  	s3 =	rddreg [dreg:$0x4]  }
0x6: {  	s21 =	rddreg [dreg:$0x5];
	s2 =	simm.s32 $0x0  }
0x7: {  	s0 =	srdreg.scid;
	s1 =	stileid.u32;
	s29 =	simm.s32 $0xD200  }
0x8: {  	p3 =	por $0x0, $0x0;
	[smem:$0x7FF] =	sst s2;
	s8 =	sadd.s32 $0xE00, s5  }
0x9: {  	s7 =	sand.u32 $0x1, s0;
	s18 =	sadd.s32 $0x187800, s5;
	s10 =	sadd.s32 $0x189800, s5  }
0xa: {  	_ =	strace $0x80000047;
	s9 =	sshll.u32 s7, $0x4;
	[dreg:$0x6] =	wrdreg s18  }
0xb: {  	s19 =	sadd.s32 $0x18B800, s5;
	[dreg:$0x7] =	wrdreg s10;
	s0 =	sor.u32 s1, s9  }
0xc: {  	p0 =	sne.s32 s1, $0x0;
	[dreg:$0x8] =	wrdreg s19;
	s20 =	sshll.u32 s0, $0x4  }
0xd: {  	s24 =	sshll.u32 s0, $0xB;
	s26 =	sor.u32 $0x20, s0;
	s11 =	sor.u32 $0x40, s0  }
0xe: {  	s15 =	sor.u32 $0x60, s0;
	s17 =	sor.u32 $0x80, s0;
	p1 =	sgt.u32 s0, $0xC  }
0xf: {  	s23 =	sadd.s32 s22, s20;
	s25 =	sadd.s32 s8, s24;
	s28 =	sshll.u32 s26, $0x4  }
0x10: {  	s10 =	sshll.u32 s26, $0xB;
	s31 =	sshll.u32 s11, $0x4;
	s13 =	sshll.u32 s11, $0xB  }
0x11: {  	s16 =	sshll.u32 s15, $0x4;
	s19 =	sshll.u32 s17, $0x4;
	[dreg:$0x9] =	wrdreg s23  }
0x12: {  	p2 =	sne.s32 @p1 s0, $0x1F;
	[dreg:$0xa] =	wrdreg s25;
	s9 =	sadd.s32 s22, s28  }
0x13: {  	s30 =	sadd.s32 s8, s10;
	s12 =	sadd.s32 s22, s31;
	s14 =	sadd.s32 s8, s13  }
0x14: {  	s10 =	sshll.u32 s15, $0xB;
	s20 =	sadd.s32 s22, s19;
	[dreg:$0xb] =	wrdreg s9  }
0x15: {  	s23 =	sshll.u32 s17, $0xB;
	s25 =	sor.u32 $0xA0, s0;
	[dreg:$0xc] =	wrdreg s30  }
0x16: {  	s28 =	sor.u32 $0xC0, s0;
	s15 =	sor.u32 $0xE0, s0;
	[dreg:$0xd] =	wrdreg s12  }
0x17: {  	s17 =	sor.u32 $0x100, s0;
	p2 =	por p2, !p1;
	[dreg:$0xe] =	wrdreg s14  }
0x18: {  	s9 =	sadd.s32 s22, s16;
	s18 =	sadd.s32 s8, s10;
	[dreg:$0x11] =	wrdreg s20  }
0x19: {  	s24 =	sadd.s32 s8, s23;
	s26 =	sshll.u32 s25, $0x4;
	s10 =	sshll.u32 s25, $0xB  }
0x1a: {  	s31 =	sshll.u32 s28, $0x4;
	s13 =	sshll.u32 s28, $0xB;
	s16 =	sshll.u32 s15, $0x4  }
0x1b: {  	s19 =	sshll.u32 s17, $0x4;
	s23 =	sshll.u32 s17, $0xB;
	[dreg:$0xf] =	wrdreg s9  }
0x1c: {  	s25 =	sor.u32 $0x120, s0;
	s28 =	sor.u32 $0x140, s0;
	[dreg:$0x10] =	wrdreg s18  }
0x1d: {  	s17 =	sor.u32 $0x180, s0;
	[dreg:$0x12] =	wrdreg s24;
	s9 =	sadd.s32 s22, s26  }
0x1e: {  	s30 =	sadd.s32 s8, s10;
	s12 =	sadd.s32 s22, s31;
	s14 =	sadd.s32 s8, s13  }
0x1f: {  	s10 =	sshll.u32 s15, $0xB;
	s20 =	sadd.s32 s22, s19;
	s24 =	sadd.s32 s8, s23  }
0x20: {  	s26 =	sshll.u32 s25, $0x4;
	s31 =	sshll.u32 s28, $0x4;
	[dreg:$0x13] =	wrdreg s9  }
0x21: {  	s13 =	sshll.u32 s28, $0xB;
	s15 =	sor.u32 $0x160, s0;
	[dreg:$0x14] =	wrdreg s30  }
0x22: {  	s19 =	sshll.u32 s17, $0x4;
	s23 =	sshll.u32 s17, $0xB;
	[dreg:$0x15] =	wrdreg s12  }
0x23: {  	s28 =	sor.u32 $0x1C0, s0;
	s17 =	sor.u32 $0x200, s0;
	[dreg:$0x16] =	wrdreg s14  }
0x24: {  	s9 =	sadd.s32 s22, s16;
	s18 =	sadd.s32 s8, s10;
	[dreg:$0x19] =	wrdreg s20  }
0x25: {  	[dreg:$0x1a] =	wrdreg s24;
	s10 =	sshll.u32 s25, $0xB;
	s12 =	sadd.s32 s22, s31  }
0x26: {  	s14 =	sadd.s32 s8, s13;
	s16 =	sshll.u32 s15, $0x4;
	s20 =	sadd.s32 s22, s19  }
0x27: {  	s24 =	sadd.s32 s8, s23;
	s25 =	sor.u32 $0x1A0, s0;
	[dreg:$0x17] =	wrdreg s9  }
0x28: {  	s31 =	sshll.u32 s28, $0x4;
	s13 =	sshll.u32 s28, $0xB;
	[dreg:$0x18] =	wrdreg s18  }
0x29: {  	s19 =	sshll.u32 s17, $0x4;
	s23 =	sshll.u32 s17, $0xB;
	[dreg:$0x1d] =	wrdreg s12  }
0x2a: {  	s28 =	sor.u32 $0x240, s0;
	s9 =	sadd.s32 s22, s26;
	[dreg:$0x1e] =	wrdreg s14  }
0x2b: {  	s30 =	sadd.s32 s8, s10;
	s10 =	sshll.u32 s15, $0xB;
	[smem:$0x7DD] =	sst s20  }
0x2c: {  	[smem:$0x7DE] =	sst s24;
	s26 =	sshll.u32 s25, $0x4;
	s12 =	sadd.s32 s22, s31  }
0x2d: {  	s14 =	sadd.s32 s8, s13;
	s15 =	sor.u32 $0x1E0, s0;
	[dreg:$0x1b] =	wrdreg s9  }
0x2e: {  	s20 =	sadd.s32 s22, s19;
	s24 =	sadd.s32 s8, s23;
	[dreg:$0x1c] =	wrdreg s30  }
0x2f: {  	s31 =	sshll.u32 s28, $0x4;
	s11 =	sshll.u32 s28, $0xB;
	[smem:$0x7E1] =	sst s12  }
0x30: {  	s13 =	sor.u32 $0x260, s0;
	s23 =	sor.u32 $0x2A0, s0;
	[smem:$0x7E2] =	sst s14  }
0x31: {  	s9 =	sadd.s32 s22, s16;
	s18 =	sadd.s32 s8, s10;
	[smem:$0x7E5] =	sst s20  }
0x32: {  	s10 =	sshll.u32 s25, $0xB;
	s16 =	sshll.u32 s15, $0x4;
	[smem:$0x7E6] =	sst s24  }
0x33: {  	s25 =	sor.u32 $0x220, s0;
	s12 =	sadd.s32 s8, s11;
	[dreg:$0x1f] =	wrdreg s9  }
0x34: {  	s14 =	sshll.u32 s13, $0x4;
	s24 =	sshll.u32 s23, $0x4;
	[smem:$0x7DC] =	sst s18  }
0x35: {  	s9 =	sadd.s32 s22, s26;
	s30 =	sadd.s32 s8, s10;
	[smem:$0x7EA] =	sst s12  }
0x36: {  	s10 =	sshll.u32 s15, $0xB;
	s26 =	sshll.u32 s25, $0x4;
	[smem:$0x7DF] =	sst s9  }
0x37: {  	s15 =	sor.u32 $0x280, s0;
	s12 =	sor.u32 $0x2E0, s0;
	[smem:$0x7E0] =	sst s30  }
0x38: {  	s9 =	sadd.s32 s22, s16;
	s18 =	sadd.s32 s8, s10;
	s10 =	sshll.u32 s25, $0xB  }
0x39: {  	s17 =	sshll.u32 s15, $0x4;
	s19 =	sshll.u32 s15, $0xB;
	[smem:$0x7E3] =	sst s9  }
0x3a: {  	s25 =	sor.u32 $0x2C0, s0;
	[smem:$0x7E4] =	sst s18;
	s9 =	sadd.s32 s22, s26  }
0x3b: {  	s30 =	sadd.s32 s8, s10;
	s10 =	sadd.s32 s22, s31;
	s18 =	sadd.s32 s22, s17  }
0x3c: {  	s20 =	sadd.s32 s8, s19;
	s28 =	sshll.u32 s25, $0x4;
	[smem:$0x7E7] =	sst s9  }
0x3d: {  	s31 =	sshll.u32 s25, $0xB;
	s19 =	sshll.u32 s7, $0xD;
	[smem:$0x7E8] =	sst s30  }
0x3e: {  	s25 =	sadd.s32 $0x187600, s5;
	s7 =	ssub.s32 $0x2, s7;
	[smem:$0x7E9] =	sst s10  }
0x3f: {  	s9 =	sadd.s32 s22, s14;
	s10 =	sshll.u32 s13, $0xB;
	[smem:$0x7ED] =	sst s18  }
0x40: {  	[smem:$0x7EE] =	sst s20;
	s30 =	sadd.s32 s22, s28;
	s11 =	sadd.s32 s8, s31  }
0x41: {  	s13 =	sshll.u32 s12, $0x4;
	s14 =	sor.u32 $0x300, s0;
	[smem:$0x7F8] =	sst s25  }
0x42: {  	s20 =	sadd.s32 s19, s5;
	s19 =	simm.s32 $0x4;
	[smem:$0x7EB] =	sst s9  }
0x43: {  	s31 =	simm.s32 $0x20;
	s16 =	sadd.s32 s8, s10;
	[smem:$0x7F1] =	sst s30  }
0x44: {  	s9 =	sadd.s32 s22, s24;
	s10 =	sshll.u32 s23, $0xB;
	[smem:$0x7F2] =	sst s11  }
0x45: {  	s18 =	sshll.u32 s14, $0xB;
	s23 =	sadd.s32 $0x30D0, s22;
	[smem:$0x7FD] =	sst s31  }
0x46: {  	s24 =	sshll.u32 s0, $0x2;
	s28 =	sadd.s32 $0x18C200, s20;
	[smem:$0x7EC] =	sst s16  }
0x47: {  	s30 =	sadd.s32 $0x190200, s20;
	s11 =	simm.s32 $0x9180;
	[smem:$0x7EF] =	sst s9  }
0x48: {  	s26 =	sadd.s32 s8, s10;
	s9 =	sadd.s32 s22, s13;
	[smem:$0x7F7] =	sst s23  }
0x49: {  	s10 =	sshll.u32 s12, $0xB;
	s16 =	sshll.u32 s14, $0x4;
	[smem:$0x7FB] =	sst s28  }
0x4a: {  	s5 =	sadd.s32 s24, s5;
	s6 =	sadd.s32 s6, s24;
	[smem:$0x7FC] =	sst s30  }
0x4b: {  	s12 =	simm.s32 $0x8080;
	[smem:$0x7F0] =	sst s26;
	s26 =	sshrl.u32 s7, $0x1  }
0x4c: {  	s14 =	simm.s32 $0x4000;
	[smem:$0x7F9] =	sst s6;
	s6 =	ssub.s32 s7, s26  }
0x4d: {  	s13 =	simm.s32 $0x80;
	s23 =	simm.s32 $0xD180;
	s6 =	smax.u32 s6, $0x1  }
0x4e: {  	s24 =	simm.s32 $0x1;
	[smem:$0x7F3] =	sst s9;
	s7 =	sadd.s32 $0xFFFFFFFF, s6  }
0x4f: {  	s15 =	sadd.s32 s8, s10;
	s9 =	rddreg [dreg:$0x6];
	p4 =	sne.s32 s7, $0x0  }
.Ltmp0:
0x50: {  	s17 =	sadd.s32 s22, s16;
	[smem:$0x7F4] =	sst s15;
	(pc) =	sbr.rel @!p4 .LBB2_1-.Ltmp0, $4  }
0x51: {  	s8 =	sadd.s32 s8, s18;
	s5 =	sadd.s32 $0x18C000, s5;
	[smem:$0x7F5] =	sst s17  }
0x52: {  	s18 =	simm.s32 $0x2;
	s16 =	simm.s32 $0x5;
	[smem:$0x7F6] =	sst s8  }
0x53: {  	[smem:$0x7FA] =	sst s5;
	s5 =	simm.s32 $0x6;
	s17 =	simm.s32 $0x8000  }
0x54: {  	s15 =	simm.s32 $0x3;
	s8 =	sshrl.u32 @!p0 s4, $0x3;
	s6 =	sshrl.u32 @!p0 s3, $0x3  }
0x55: {  	s21 =	simm.s32 @!p0 $0x1C06;
	s20 =	simm.s32 @!p0 $0x6  }
0x56: {  	[spmem:s8], [sflag:s21] =	dma.local @!p0 [hbm:s9], $0x2000  }
0x57: {  	_ =	swait.ge @!p0 [sflag:s20], $0x2000  }
0x58: {  	[sflag:s20] =	ssyncset.done @!p0 $0x0  }
0x59: {  	s0 =	rddreg [dreg:$0x7];
	[sflag:s20] =	ssyncadd.s32 @!p0 $0xFFFFE000  }
0x5a: {  	[spmem:s6], [sflag:s21] =	dma.local @!p0 [hbm:s0], $0x2000  }
0x5b: {  	_ =	swait.ge @!p0 [sflag:s20], $0x2000  }
0x5c: {  	[sflag:s20] =	ssyncset.done @!p0 $0x0  }
0x5d: {  	[sflag:s20] =	ssyncadd.s32 @!p0 $0xFFFFE000  }
0x5e: {  	[bflag:$0x0] =	sbarrier.arrive $0xFFFF  }
0x5f: {  	s25 =	rddreg [dreg:$0x8]  }
0x60: {  	[tilespmem:s11], [sflag:$0x6] =	stream.linear.gather [hbm4b:s25+s2], $0x4000, $0x38;
	[tilespmem:$0xDC80] =	vst v63  }
0x61: {  	_ =	swait.ge [sflag:s5], $0x4000  }
0x62: {  	[sflag:s5] =	ssyncset.done $0x0  }
0x63: {  	s26 =	rddreg [dreg:$0x9];
	[sflag:s5] =	ssyncadd.s32 $0xFFFFC000  }
0x64: {  	[tilespmem:s17], [sflag:$0x4] =	stream.linear.gather [hbm4b:s26+s2], $0x80, $0x38;
	[tilespmem:$0xDC80] =	vst v63  }
0x65: {  	s1 =	rddreg [dreg:$0xa]  }
0x66: {  	[tilespmem:s2], [sflag:$0x2] =	stream.linear.gather [hbm4b:s1+s2], $0x4000, $0x38;
	[tilespmem:$0xDC80] =	vst v63  }
0x67: {  	s28 =	rddreg [dreg:$0xb]  }
0x68: {  	[tilespmem:s12], [sflag:$0x5] =	stream.linear.gather [hbm4b:s28+s2], $0x80, $0x38;
	[tilespmem:$0xDC80] =	vst v63  }
0x69: {  	s9 =	rddreg [dreg:$0xc]  }
0x6a: {  	[tilespmem:s14], [sflag:$0x3] =	stream.linear.gather [hbm4b:s9+s2], $0x4000, $0x38;
	[tilespmem:$0xDC80] =	vst v63  }
0x6b: {  	_ =	swait.ge [sflag:s19], $0x80  }
0x6c: {  	[sflag:s19] =	ssyncset.done $0x0  }
0x6d: {  	[sflag:s19] =	ssyncadd.s32 $0xFFFFFF80  }
0x6e: {  	_ =	swait.ge [sflag:s18], $0x4000  }
0x6f: {  	[sflag:s18] =	ssyncset.done $0x0  }
0x70: {  	[sflag:s18] =	ssyncadd.s32 $0xFFFFC000  }
0x71: {  	[spmem:s4] =	stream.indirect.scatter.add.f32 [tilespmem:s2], [sflag:$0x6], $0x40, s17, s13, $0xb8;
	[tilespmem:$0xDC80] =	vst v63  }
0x72: {  	_ =	swait.ge [sflag:s5], $0x2000  }
0x73: {  	[sflag:s5] =	ssyncset.done $0x0  }
0x74: {  	[sflag:s5] =	ssyncadd.s32 $0xFFFFE000  }
0x75: {  	[spmem:s3] =	stream.indirect.scatter.add.f32 [tilespmem:s11], [sflag:$0x6], $0x10, s17, s13, $0xb8;
	[tilespmem:$0xDC80] =	vst v63  }
0x76: {  	_ =	swait.ge [sflag:s5], $0x800  }
0x77: {  	[sflag:s5] =	ssyncset.done $0x0  }
0x78: {  	s10 =	rddreg [dreg:$0xd];
	[sflag:s5] =	ssyncadd.s32 $0xFFFFF800  }
0x79: {  	[tilespmem:s17], [sflag:$0x4] =	stream.linear.gather [hbm4b:s10+s2], $0x80, $0x38;
	[tilespmem:$0xDC80] =	vst v63  }
0x7a: {  	s23 =	rddreg [dreg:$0xe]  }
0x7b: {  	[tilespmem:s2], [sflag:$0x2] =	stream.linear.gather [hbm4b:s23+s2], $0x4000, $0x38;
	[tilespmem:$0xDC80] =	vst v63  }
0x7c: {  	_ =	swait.ge [sflag:s16], $0x80  }
0x7d: {  	[sflag:s16] =	ssyncset.done $0x0  }
0x7e: {  	[sflag:s16] =	ssyncadd.s32 $0xFFFFFF80  }
0x7f: {  	_ =	swait.ge [sflag:s15], $0x4000  }
0x80: {  	[sflag:s15] =	ssyncset.done $0x0  }
0x81: {  	[sflag:s15] =	ssyncadd.s32 $0xFFFFC000  }
0x82: {  	[spmem:s4] =	stream.indirect.scatter.add.f32 [tilespmem:s14], [sflag:$0x6], $0x40, s12, s13, $0xb8;
	[tilespmem:$0xDC80] =	vst v63  }
0x83: {  	_ =	swait.ge [sflag:s5], $0x2000  }
0x84: {  	[sflag:s5] =	ssyncset.done $0x0  }
0x85: {  	[sflag:s5] =	ssyncadd.s32 $0xFFFFE000  }
0x86: {  	[spmem:s3] =	stream.indirect.scatter.add.f32 [tilespmem:s11], [sflag:$0x6], $0x10, s12, s13, $0xb8;
	[tilespmem:$0xDC80] =	vst v63  }
0x87: {  	_ =	swait.ge [sflag:s5], $0x800  }
0x88: {  	[sflag:s5] =	ssyncset.done $0x0  }
0x89: {  	s24 =	rddreg [dreg:$0xf];
	[sflag:s5] =	ssyncadd.s32 $0xFFFFF800  }
0x8a: {  	[tilespmem:s12], [sflag:$0x5] =	stream.linear.gather [hbm4b:s24+s2], $0x80, $0x38;
	[tilespmem:$0xDC80] =	vst v63  }
0x8b: {  	s25 =	rddreg [dreg:$0x10]  }
0x8c: {  	[tilespmem:s14], [sflag:$0x3] =	stream.linear.gather [hbm4b:s25+s2], $0x4000, $0x38;
	[tilespmem:$0xDC80] =	vst v63  }
0x8d: {  	_ =	swait.ge [sflag:s19], $0x80  }
0x8e: {  	[sflag:s19] =	ssyncset.done $0x0  }
0x8f: {  	[sflag:s19] =	ssyncadd.s32 $0xFFFFFF80  }
0x90: {  	_ =	swait.ge [sflag:s18], $0x4000  }
0x91: {  	[sflag:s18] =	ssyncset.done $0x0  }
0x92: {  	[sflag:s18] =	ssyncadd.s32 $0xFFFFC000  }
0x93: {  	[spmem:s4] =	stream.indirect.scatter.add.f32 [tilespmem:s2], [sflag:$0x6], $0x40, s17, s13, $0xb8;
	[tilespmem:$0xDC80] =	vst v63  }
0x94: {  	_ =	swait.ge [sflag:s5], $0x2000  }
0x95: {  	[sflag:s5] =	ssyncset.done $0x0  }
0x96: {  	[sflag:s5] =	ssyncadd.s32 $0xFFFFE000  }
0x97: {  	[spmem:s3] =	stream.indirect.scatter.add.f32 [tilespmem:s11], [sflag:$0x6], $0x10, s17, s13, $0xb8;
	[tilespmem:$0xDC80] =	vst v63  }
0x98: {  	_ =	swait.ge [sflag:s5], $0x800  }
0x99: {  	[sflag:s5] =	ssyncset.done $0x0  }
0x9a: {  	s26 =	rddreg [dreg:$0x11];
	[sflag:s5] =	ssyncadd.s32 $0xFFFFF800  }
0x9b: {  	[tilespmem:s17], [sflag:$0x4] =	stream.linear.gather [hbm4b:s26+s2], $0x80, $0x38;
	[tilespmem:$0xDC80] =	vst v63  }
0x9c: {  	s28 =	rddreg [dreg:$0x12]  }
0x9d: {  	[tilespmem:s2], [sflag:$0x2] =	stream.linear.gather [hbm4b:s28+s2], $0x4000, $0x38;
	[tilespmem:$0xDC80] =	vst v63  }
0x9e: {  	_ =	swait.ge [sflag:s16], $0x80  }
0x9f: {  	[sflag:s16] =	ssyncset.done $0x0  }
0xa0: {  	[sflag:s16] =	ssyncadd.s32 $0xFFFFFF80  }
0xa1: {  	_ =	swait.ge [sflag:s15], $0x4000  }
0xa2: {  	[sflag:s15] =	ssyncset.done $0x0  }
0xa3: {  	[sflag:s15] =	ssyncadd.s32 $0xFFFFC000  }
0xa4: {  	[spmem:s4] =	stream.indirect.scatter.add.f32 [tilespmem:s14], [sflag:$0x6], $0x40, s12, s13, $0xb8;
	[tilespmem:$0xDC80] =	vst v63  }
0xa5: {  	_ =	swait.ge [sflag:s5], $0x2000  }
0xa6: {  	[sflag:s5] =	ssyncset.done $0x0  }
0xa7: {  	[sflag:s5] =	ssyncadd.s32 $0xFFFFE000  }
0xa8: {  	[spmem:s3] =	stream.indirect.scatter.add.f32 [tilespmem:s11], [sflag:$0x6], $0x10, s12, s13, $0xb8;
	[tilespmem:$0xDC80] =	vst v63  }
0xa9: {  	_ =	swait.ge [sflag:s5], $0x800  }
0xaa: {  	[sflag:s5] =	ssyncset.done $0x0  }
0xab: {  	s1 =	rddreg [dreg:$0x13];
	[sflag:s5] =	ssyncadd.s32 $0xFFFFF800  }
0xac: {  	[tilespmem:s12], [sflag:$0x5] =	stream.linear.gather [hbm4b:s1+s2], $0x80, $0x38;
	[tilespmem:$0xDC80] =	vst v63  }
0xad: {  	s9 =	rddreg [dreg:$0x14]  }
0xae: {  	[tilespmem:s14], [sflag:$0x3] =	stream.linear.gather [hbm4b:s9+s2], $0x4000, $0x38;
	[tilespmem:$0xDC80] =	vst v63  }
0xaf: {  	_ =	swait.ge [sflag:s19], $0x80  }
0xb0: {  	[sflag:s19] =	ssyncset.done $0x0  }
0xb1: {  	[sflag:s19] =	ssyncadd.s32 $0xFFFFFF80  }
0xb2: {  	_ =	swait.ge [sflag:s18], $0x4000  }
0xb3: {  	[sflag:s18] =	ssyncset.done $0x0  }
0xb4: {  	[sflag:s18] =	ssyncadd.s32 $0xFFFFC000  }
0xb5: {  	[spmem:s4] =	stream.indirect.scatter.add.f32 [tilespmem:s2], [sflag:$0x6], $0x40, s17, s13, $0xb8;
	[tilespmem:$0xDC80] =	vst v63  }
0xb6: {  	_ =	swait.ge [sflag:s5], $0x2000  }
0xb7: {  	[sflag:s5] =	ssyncset.done $0x0  }
0xb8: {  	[sflag:s5] =	ssyncadd.s32 $0xFFFFE000  }
0xb9: {  	[spmem:s3] =	stream.indirect.scatter.add.f32 [tilespmem:s11], [sflag:$0x6], $0x10, s17, s13, $0xb8;
	[tilespmem:$0xDC80] =	vst v63  }
0xba: {  	_ =	swait.ge [sflag:s5], $0x800  }
0xbb: {  	[sflag:s5] =	ssyncset.done $0x0  }
0xbc: {  	s10 =	rddreg [dreg:$0x15];
	[sflag:s5] =	ssyncadd.s32 $0xFFFFF800  }
0xbd: {  	[tilespmem:s17], [sflag:$0x4] =	stream.linear.gather [hbm4b:s10+s2], $0x80, $0x38;
	[tilespmem:$0xDC80] =	vst v63  }
0xbe: {  	s23 =	rddreg [dreg:$0x16]  }
0xbf: {  	[tilespmem:s2], [sflag:$0x2] =	stream.linear.gather [hbm4b:s23+s2], $0x4000, $0x38;
	[tilespmem:$0xDC80] =	vst v63  }
0xc0: {  	_ =	swait.ge [sflag:s16], $0x80  }
0xc1: {  	[sflag:s16] =	ssyncset.done $0x0  }
0xc2: {  	[sflag:s16] =	ssyncadd.s32 $0xFFFFFF80  }
0xc3: {  	_ =	swait.ge [sflag:s15], $0x4000  }
0xc4: {  	[sflag:s15] =	ssyncset.done $0x0  }
0xc5: {  	[sflag:s15] =	ssyncadd.s32 $0xFFFFC000  }
0xc6: {  	[spmem:s4] =	stream.indirect.scatter.add.f32 [tilespmem:s14], [sflag:$0x6], $0x40, s12, s13, $0xb8;
	[tilespmem:$0xDC80] =	vst v63  }
0xc7: {  	_ =	swait.ge [sflag:s5], $0x2000  }
0xc8: {  	[sflag:s5] =	ssyncset.done $0x0  }
0xc9: {  	[sflag:s5] =	ssyncadd.s32 $0xFFFFE000  }
0xca: {  	[spmem:s3] =	stream.indirect.scatter.add.f32 [tilespmem:s11], [sflag:$0x6], $0x10, s12, s13, $0xb8;
	[tilespmem:$0xDC80] =	vst v63  }
0xcb: {  	_ =	swait.ge [sflag:s5], $0x800  }
0xcc: {  	[sflag:s5] =	ssyncset.done $0x0  }
0xcd: {  	s24 =	rddreg [dreg:$0x17];
	[sflag:s5] =	ssyncadd.s32 $0xFFFFF800  }
0xce: {  	[tilespmem:s12], [sflag:$0x5] =	stream.linear.gather [hbm4b:s24+s2], $0x80, $0x38;
	[tilespmem:$0xDC80] =	vst v63  }
0xcf: {  	s25 =	rddreg [dreg:$0x18]  }
0xd0: {  	[tilespmem:s14], [sflag:$0x3] =	stream.linear.gather [hbm4b:s25+s2], $0x4000, $0x38;
	[tilespmem:$0xDC80] =	vst v63  }
0xd1: {  	_ =	swait.ge [sflag:s19], $0x80  }
0xd2: {  	[sflag:s19] =	ssyncset.done $0x0  }
0xd3: {  	[sflag:s19] =	ssyncadd.s32 $0xFFFFFF80  }
0xd4: {  	_ =	swait.ge [sflag:s18], $0x4000  }
0xd5: {  	[sflag:s18] =	ssyncset.done $0x0  }
0xd6: {  	[sflag:s18] =	ssyncadd.s32 $0xFFFFC000  }
0xd7: {  	[spmem:s4] =	stream.indirect.scatter.add.f32 [tilespmem:s2], [sflag:$0x6], $0x40, s17, s13, $0xb8;
	[tilespmem:$0xDC80] =	vst v63  }
0xd8: {  	_ =	swait.ge [sflag:s5], $0x2000  }
0xd9: {  	[sflag:s5] =	ssyncset.done $0x0  }
0xda: {  	[sflag:s5] =	ssyncadd.s32 $0xFFFFE000  }
0xdb: {  	[spmem:s3] =	stream.indirect.scatter.add.f32 [tilespmem:s11], [sflag:$0x6], $0x10, s17, s13, $0xb8;
	[tilespmem:$0xDC80] =	vst v63  }
0xdc: {  	_ =	swait.ge [sflag:s5], $0x800  }
0xdd: {  	[sflag:s5] =	ssyncset.done $0x0  }
0xde: {  	s26 =	rddreg [dreg:$0x19];
	[sflag:s5] =	ssyncadd.s32 $0xFFFFF800  }
0xdf: {  	[tilespmem:s17], [sflag:$0x4] =	stream.linear.gather [hbm4b:s26+s2], $0x80, $0x38;
	[tilespmem:$0xDC80] =	vst v63  }
0xe0: {  	s28 =	rddreg [dreg:$0x1a]  }
0xe1: {  	[tilespmem:s2], [sflag:$0x2] =	stream.linear.gather [hbm4b:s28+s2], $0x4000, $0x38;
	[tilespmem:$0xDC80] =	vst v63  }
0xe2: {  	_ =	swait.ge [sflag:s16], $0x80  }
0xe3: {  	[sflag:s16] =	ssyncset.done $0x0  }
0xe4: {  	[sflag:s16] =	ssyncadd.s32 $0xFFFFFF80  }
0xe5: {  	_ =	swait.ge [sflag:s15], $0x4000  }
0xe6: {  	[sflag:s15] =	ssyncset.done $0x0  }
0xe7: {  	[sflag:s15] =	ssyncadd.s32 $0xFFFFC000  }
0xe8: {  	[spmem:s4] =	stream.indirect.scatter.add.f32 [tilespmem:s14], [sflag:$0x6], $0x40, s12, s13, $0xb8;
	[tilespmem:$0xDC80] =	vst v63  }
0xe9: {  	_ =	swait.ge [sflag:s5], $0x2000  }
0xea: {  	[sflag:s5] =	ssyncset.done $0x0  }
0xeb: {  	[sflag:s5] =	ssyncadd.s32 $0xFFFFE000  }
0xec: {  	[spmem:s3] =	stream.indirect.scatter.add.f32 [tilespmem:s11], [sflag:$0x6], $0x10, s12, s13, $0xb8;
	[tilespmem:$0xDC80] =	vst v63  }
0xed: {  	_ =	swait.ge [sflag:s5], $0x800  }
0xee: {  	[sflag:s5] =	ssyncset.done $0x0  }
0xef: {  	s1 =	rddreg [dreg:$0x1b];
	[sflag:s5] =	ssyncadd.s32 $0xFFFFF800  }
0xf0: {  	[tilespmem:s12], [sflag:$0x5] =	stream.linear.gather [hbm4b:s1+s2], $0x80, $0x38;
	[tilespmem:$0xDC80] =	vst v63  }
0xf1: {  	s9 =	rddreg [dreg:$0x1c]  }
0xf2: {  	[tilespmem:s14], [sflag:$0x3] =	stream.linear.gather [hbm4b:s9+s2], $0x4000, $0x38;
	[tilespmem:$0xDC80] =	vst v63  }
0xf3: {  	_ =	swait.ge [sflag:s19], $0x80  }
0xf4: {  	[sflag:s19] =	ssyncset.done $0x0  }
0xf5: {  	[sflag:s19] =	ssyncadd.s32 $0xFFFFFF80  }
0xf6: {  	_ =	swait.ge [sflag:s18], $0x4000  }
0xf7: {  	[sflag:s18] =	ssyncset.done $0x0  }
0xf8: {  	[sflag:s18] =	ssyncadd.s32 $0xFFFFC000  }
0xf9: {  	[spmem:s4] =	stream.indirect.scatter.add.f32 [tilespmem:s2], [sflag:$0x6], $0x40, s17, s13, $0xb8;
	[tilespmem:$0xDC80] =	vst v63  }
0xfa: {  	_ =	swait.ge [sflag:s5], $0x2000  }
0xfb: {  	[sflag:s5] =	ssyncset.done $0x0  }
0xfc: {  	[sflag:s5] =	ssyncadd.s32 $0xFFFFE000  }
0xfd: {  	[spmem:s3] =	stream.indirect.scatter.add.f32 [tilespmem:s11], [sflag:$0x6], $0x10, s17, s13, $0xb8;
	[tilespmem:$0xDC80] =	vst v63  }
0xfe: {  	_ =	swait.ge [sflag:s5], $0x800  }
0xff: {  	[sflag:s5] =	ssyncset.done $0x0  }
0x100: {  	s10 =	rddreg [dreg:$0x1d];
	[sflag:s5] =	ssyncadd.s32 $0xFFFFF800  }
0x101: {  	[tilespmem:s17], [sflag:$0x4] =	stream.linear.gather [hbm4b:s10+s2], $0x80, $0x38;
	[tilespmem:$0xDC80] =	vst v63  }
0x102: {  	s23 =	rddreg [dreg:$0x1e]  }
0x103: {  	[tilespmem:s2], [sflag:$0x2] =	stream.linear.gather [hbm4b:s23+s2], $0x4000, $0x38;
	[tilespmem:$0xDC80] =	vst v63  }
0x104: {  	_ =	swait.ge [sflag:s16], $0x80  }
0x105: {  	[sflag:s16] =	ssyncset.done $0x0  }
0x106: {  	[sflag:s16] =	ssyncadd.s32 $0xFFFFFF80  }
0x107: {  	_ =	swait.ge [sflag:s15], $0x4000  }
0x108: {  	[sflag:s15] =	ssyncset.done $0x0  }
0x109: {  	[sflag:s15] =	ssyncadd.s32 $0xFFFFC000  }
0x10a: {  	[spmem:s4] =	stream.indirect.scatter.add.f32 [tilespmem:s14], [sflag:$0x6], $0x40, s12, s13, $0xb8;
	[tilespmem:$0xDC80] =	vst v63  }
0x10b: {  	_ =	swait.ge [sflag:s5], $0x2000  }
0x10c: {  	[sflag:s5] =	ssyncset.done $0x0  }
0x10d: {  	[sflag:s5] =	ssyncadd.s32 $0xFFFFE000  }
0x10e: {  	[spmem:s3] =	stream.indirect.scatter.add.f32 [tilespmem:s11], [sflag:$0x6], $0x10, s12, s13, $0xb8;
	[tilespmem:$0xDC80] =	vst v63  }
0x10f: {  	_ =	swait.ge [sflag:s5], $0x800  }
0x110: {  	s24 =	rddreg [dreg:$0x1f];
	[sflag:s5] =	ssyncset.done $0x0  }
0x111: {  	s25 =	sld [smem:$0x7DC];
	[sflag:s5] =	ssyncadd.s32 $0xFFFFF800  }
0x112: {  	[tilespmem:s12], [sflag:$0x5] =	stream.linear.gather [hbm4b:s24+s2], $0x80, $0x38;
	[tilespmem:$0xDC80] =	vst v63  }
0x113: {  	_ = 	snop  }
0x114: {  	[tilespmem:s14], [sflag:$0x3] =	stream.linear.gather [hbm4b:s25+s2], $0x4000, $0x38;
	[tilespmem:$0xDC80] =	vst v63  }
0x115: {  	_ =	swait.ge [sflag:s19], $0x80  }
0x116: {  	[sflag:s19] =	ssyncset.done $0x0  }
0x117: {  	[sflag:s19] =	ssyncadd.s32 $0xFFFFFF80  }
0x118: {  	_ =	swait.ge [sflag:s18], $0x4000  }
0x119: {  	[sflag:s18] =	ssyncset.done $0x0  }
0x11a: {  	[sflag:s18] =	ssyncadd.s32 $0xFFFFC000  }
0x11b: {  	[spmem:s4] =	stream.indirect.scatter.add.f32 [tilespmem:s2], [sflag:$0x6], $0x40, s17, s13, $0xb8;
	[tilespmem:$0xDC80] =	vst v63  }
0x11c: {  	_ =	swait.ge [sflag:s5], $0x2000  }
0x11d: {  	[sflag:s5] =	ssyncset.done $0x0  }
0x11e: {  	[sflag:s5] =	ssyncadd.s32 $0xFFFFE000  }
0x11f: {  	[spmem:s3] =	stream.indirect.scatter.add.f32 [tilespmem:s11], [sflag:$0x6], $0x10, s17, s13, $0xb8;
	[tilespmem:$0xDC80] =	vst v63  }
0x120: {  	_ =	swait.ge [sflag:s5], $0x800  }
0x121: {  	s26 =	sld [smem:$0x7DD]  }
0x122: {  	[sflag:s5] =	ssyncset.done $0x0  }
0x123: {  	s28 =	sld [smem:$0x7DE];
	[sflag:s5] =	ssyncadd.s32 $0xFFFFF800  }
0x124: {  	[tilespmem:s17], [sflag:$0x4] =	stream.linear.gather [hbm4b:s26+s2], $0x80, $0x38;
	[tilespmem:$0xDC80] =	vst v63  }
0x125: {  	_ = 	snop  }
0x126: {  	[tilespmem:s2], [sflag:$0x2] =	stream.linear.gather [hbm4b:s28+s2], $0x4000, $0x38;
	[tilespmem:$0xDC80] =	vst v63  }
0x127: {  	_ =	swait.ge [sflag:s16], $0x80  }
0x128: {  	[sflag:s16] =	ssyncset.done $0x0  }
0x129: {  	[sflag:s16] =	ssyncadd.s32 $0xFFFFFF80  }
0x12a: {  	_ =	swait.ge [sflag:s15], $0x4000  }
0x12b: {  	[sflag:s15] =	ssyncset.done $0x0  }
0x12c: {  	[sflag:s15] =	ssyncadd.s32 $0xFFFFC000  }
0x12d: {  	[spmem:s4] =	stream.indirect.scatter.add.f32 [tilespmem:s14], [sflag:$0x6], $0x40, s12, s13, $0xb8;
	[tilespmem:$0xDC80] =	vst v63  }
0x12e: {  	_ =	swait.ge [sflag:s5], $0x2000  }
0x12f: {  	[sflag:s5] =	ssyncset.done $0x0  }
0x130: {  	[sflag:s5] =	ssyncadd.s32 $0xFFFFE000  }
0x131: {  	[spmem:s3] =	stream.indirect.scatter.add.f32 [tilespmem:s11], [sflag:$0x6], $0x10, s12, s13, $0xb8;
	[tilespmem:$0xDC80] =	vst v63  }
0x132: {  	_ =	swait.ge [sflag:s5], $0x800  }
0x133: {  	s1 =	sld [smem:$0x7DF]  }
0x134: {  	[sflag:s5] =	ssyncset.done $0x0  }
0x135: {  	s9 =	sld [smem:$0x7E0];
	[sflag:s5] =	ssyncadd.s32 $0xFFFFF800  }
0x136: {  	[tilespmem:s12], [sflag:$0x5] =	stream.linear.gather [hbm4b:s1+s2], $0x80, $0x38;
	[tilespmem:$0xDC80] =	vst v63  }
0x137: {  	_ = 	snop  }
0x138: {  	[tilespmem:s14], [sflag:$0x3] =	stream.linear.gather [hbm4b:s9+s2], $0x4000, $0x38;
	[tilespmem:$0xDC80] =	vst v63  }
0x139: {  	_ =	swait.ge [sflag:s19], $0x80  }
0x13a: {  	[sflag:s19] =	ssyncset.done $0x0  }
0x13b: {  	[sflag:s19] =	ssyncadd.s32 $0xFFFFFF80  }
0x13c: {  	_ =	swait.ge [sflag:s18], $0x4000  }
0x13d: {  	[sflag:s18] =	ssyncset.done $0x0  }
0x13e: {  	[sflag:s18] =	ssyncadd.s32 $0xFFFFC000  }
0x13f: {  	[spmem:s4] =	stream.indirect.scatter.add.f32 [tilespmem:s2], [sflag:$0x6], $0x40, s17, s13, $0xb8;
	[tilespmem:$0xDC80] =	vst v63  }
0x140: {  	_ =	swait.ge [sflag:s5], $0x2000  }
0x141: {  	[sflag:s5] =	ssyncset.done $0x0  }
0x142: {  	[sflag:s5] =	ssyncadd.s32 $0xFFFFE000  }
0x143: {  	[spmem:s3] =	stream.indirect.scatter.add.f32 [tilespmem:s11], [sflag:$0x6], $0x10, s17, s13, $0xb8;
	[tilespmem:$0xDC80] =	vst v63  }
0x144: {  	_ =	swait.ge [sflag:s5], $0x800  }
0x145: {  	s10 =	sld [smem:$0x7E1]  }
0x146: {  	[sflag:s5] =	ssyncset.done $0x0  }
0x147: {  	s23 =	sld [smem:$0x7E2];
	[sflag:s5] =	ssyncadd.s32 $0xFFFFF800  }
0x148: {  	[tilespmem:s17], [sflag:$0x4] =	stream.linear.gather [hbm4b:s10+s2], $0x80, $0x38;
	[tilespmem:$0xDC80] =	vst v63  }
0x149: {  	_ = 	snop  }
0x14a: {  	[tilespmem:s2], [sflag:$0x2] =	stream.linear.gather [hbm4b:s23+s2], $0x4000, $0x38;
	[tilespmem:$0xDC80] =	vst v63  }
0x14b: {  	_ =	swait.ge [sflag:s16], $0x80  }
0x14c: {  	[sflag:s16] =	ssyncset.done $0x0  }
0x14d: {  	[sflag:s16] =	ssyncadd.s32 $0xFFFFFF80  }
0x14e: {  	_ =	swait.ge [sflag:s15], $0x4000  }
0x14f: {  	[sflag:s15] =	ssyncset.done $0x0  }
0x150: {  	[sflag:s15] =	ssyncadd.s32 $0xFFFFC000  }
0x151: {  	[spmem:s4] =	stream.indirect.scatter.add.f32 [tilespmem:s14], [sflag:$0x6], $0x40, s12, s13, $0xb8;
	[tilespmem:$0xDC80] =	vst v63  }
0x152: {  	_ =	swait.ge [sflag:s5], $0x2000  }
0x153: {  	[sflag:s5] =	ssyncset.done $0x0  }
0x154: {  	[sflag:s5] =	ssyncadd.s32 $0xFFFFE000  }
0x155: {  	[spmem:s3] =	stream.indirect.scatter.add.f32 [tilespmem:s11], [sflag:$0x6], $0x10, s12, s13, $0xb8;
	[tilespmem:$0xDC80] =	vst v63  }
0x156: {  	_ =	swait.ge [sflag:s5], $0x800  }
0x157: {  	s24 =	sld [smem:$0x7E3]  }
0x158: {  	[sflag:s5] =	ssyncset.done $0x0  }
0x159: {  	s25 =	sld [smem:$0x7E4];
	[sflag:s5] =	ssyncadd.s32 $0xFFFFF800  }
0x15a: {  	[tilespmem:s12], [sflag:$0x5] =	stream.linear.gather [hbm4b:s24+s2], $0x80, $0x38;
	[tilespmem:$0xDC80] =	vst v63  }
0x15b: {  	_ = 	snop  }
0x15c: {  	[tilespmem:s14], [sflag:$0x3] =	stream.linear.gather [hbm4b:s25+s2], $0x4000, $0x38;
	[tilespmem:$0xDC80] =	vst v63  }
0x15d: {  	_ =	swait.ge [sflag:s19], $0x80  }
0x15e: {  	[sflag:s19] =	ssyncset.done $0x0  }
0x15f: {  	[sflag:s19] =	ssyncadd.s32 $0xFFFFFF80  }
0x160: {  	_ =	swait.ge [sflag:s18], $0x4000  }
0x161: {  	[sflag:s18] =	ssyncset.done $0x0  }
0x162: {  	[sflag:s18] =	ssyncadd.s32 $0xFFFFC000  }
0x163: {  	[spmem:s4] =	stream.indirect.scatter.add.f32 [tilespmem:s2], [sflag:$0x6], $0x40, s17, s13, $0xb8;
	[tilespmem:$0xDC80] =	vst v63  }
0x164: {  	_ =	swait.ge [sflag:s5], $0x2000  }
0x165: {  	[sflag:s5] =	ssyncset.done $0x0  }
0x166: {  	[sflag:s5] =	ssyncadd.s32 $0xFFFFE000  }
0x167: {  	[spmem:s3] =	stream.indirect.scatter.add.f32 [tilespmem:s11], [sflag:$0x6], $0x10, s17, s13, $0xb8;
	[tilespmem:$0xDC80] =	vst v63  }
0x168: {  	_ =	swait.ge [sflag:s5], $0x800  }
0x169: {  	s26 =	sld [smem:$0x7E5]  }
0x16a: {  	[sflag:s5] =	ssyncset.done $0x0  }
0x16b: {  	s28 =	sld [smem:$0x7E6];
	[sflag:s5] =	ssyncadd.s32 $0xFFFFF800  }
0x16c: {  	[tilespmem:s17], [sflag:$0x4] =	stream.linear.gather [hbm4b:s26+s2], $0x80, $0x38;
	[tilespmem:$0xDC80] =	vst v63  }
0x16d: {  	_ = 	snop  }
0x16e: {  	[tilespmem:s2], [sflag:$0x2] =	stream.linear.gather [hbm4b:s28+s2], $0x4000, $0x38;
	[tilespmem:$0xDC80] =	vst v63  }
0x16f: {  	_ =	swait.ge [sflag:s16], $0x80  }
0x170: {  	[sflag:s16] =	ssyncset.done $0x0  }
0x171: {  	[sflag:s16] =	ssyncadd.s32 $0xFFFFFF80  }
0x172: {  	_ =	swait.ge [sflag:s15], $0x4000  }
0x173: {  	[sflag:s15] =	ssyncset.done $0x0  }
0x174: {  	[sflag:s15] =	ssyncadd.s32 $0xFFFFC000  }
0x175: {  	[spmem:s4] =	stream.indirect.scatter.add.f32 [tilespmem:s14], [sflag:$0x6], $0x40, s12, s13, $0xb8;
	[tilespmem:$0xDC80] =	vst v63  }
0x176: {  	_ =	swait.ge [sflag:s5], $0x2000  }
0x177: {  	[sflag:s5] =	ssyncset.done $0x0  }
0x178: {  	[sflag:s5] =	ssyncadd.s32 $0xFFFFE000  }
0x179: {  	[spmem:s3] =	stream.indirect.scatter.add.f32 [tilespmem:s11], [sflag:$0x6], $0x10, s12, s13, $0xb8;
	[tilespmem:$0xDC80] =	vst v63  }
0x17a: {  	_ =	swait.ge [sflag:s5], $0x800  }
0x17b: {  	s1 =	sld [smem:$0x7E7]  }
0x17c: {  	[sflag:s5] =	ssyncset.done $0x0  }
0x17d: {  	s9 =	sld [smem:$0x7E8];
	[sflag:s5] =	ssyncadd.s32 $0xFFFFF800  }
0x17e: {  	[tilespmem:s12], [sflag:$0x5] =	stream.linear.gather [hbm4b:s1+s2], $0x80, $0x38;
	[tilespmem:$0xDC80] =	vst v63  }
0x17f: {  	_ = 	snop  }
0x180: {  	[tilespmem:s14], [sflag:$0x3] =	stream.linear.gather [hbm4b:s9+s2], $0x4000, $0x38;
	[tilespmem:$0xDC80] =	vst v63  }
0x181: {  	_ =	swait.ge [sflag:s19], $0x80  }
0x182: {  	[sflag:s19] =	ssyncset.done $0x0  }
0x183: {  	[sflag:s19] =	ssyncadd.s32 $0xFFFFFF80  }
0x184: {  	_ =	swait.ge [sflag:s18], $0x4000  }
0x185: {  	[sflag:s18] =	ssyncset.done $0x0  }
0x186: {  	[sflag:s18] =	ssyncadd.s32 $0xFFFFC000  }
0x187: {  	[spmem:s4] =	stream.indirect.scatter.add.f32 [tilespmem:s2], [sflag:$0x6], $0x40, s17, s13, $0xb8;
	[tilespmem:$0xDC80] =	vst v63  }
0x188: {  	_ =	swait.ge [sflag:s5], $0x2000  }
0x189: {  	[sflag:s5] =	ssyncset.done $0x0  }
0x18a: {  	[sflag:s5] =	ssyncadd.s32 $0xFFFFE000  }
0x18b: {  	[spmem:s3] =	stream.indirect.scatter.add.f32 [tilespmem:s11], [sflag:$0x6], $0x10, s17, s13, $0xb8;
	[tilespmem:$0xDC80] =	vst v63  }
0x18c: {  	_ =	swait.ge [sflag:s5], $0x800  }
0x18d: {  	s10 =	sld [smem:$0x7E9]  }
0x18e: {  	[sflag:s5] =	ssyncset.done $0x0  }
0x18f: {  	s23 =	sld [smem:$0x7EA];
	[sflag:s5] =	ssyncadd.s32 $0xFFFFF800  }
0x190: {  	[tilespmem:s17], [sflag:$0x4] =	stream.linear.gather [hbm4b:s10+s2], $0x80, $0x38;
	[tilespmem:$0xDC80] =	vst v63  }
0x191: {  	_ = 	snop  }
0x192: {  	[tilespmem:s2], [sflag:$0x2] =	stream.linear.gather [hbm4b:s23+s2], $0x4000, $0x38;
	[tilespmem:$0xDC80] =	vst v63  }
0x193: {  	_ =	swait.ge [sflag:s16], $0x80  }
0x194: {  	[sflag:s16] =	ssyncset.done $0x0  }
0x195: {  	[sflag:s16] =	ssyncadd.s32 $0xFFFFFF80  }
0x196: {  	_ =	swait.ge [sflag:s15], $0x4000  }
0x197: {  	[sflag:s15] =	ssyncset.done $0x0  }
0x198: {  	[sflag:s15] =	ssyncadd.s32 $0xFFFFC000  }
0x199: {  	[spmem:s4] =	stream.indirect.scatter.add.f32 [tilespmem:s14], [sflag:$0x6], $0x40, s12, s13, $0xb8;
	[tilespmem:$0xDC80] =	vst v63  }
0x19a: {  	_ =	swait.ge [sflag:s5], $0x2000  }
0x19b: {  	[sflag:s5] =	ssyncset.done $0x0  }
0x19c: {  	[sflag:s5] =	ssyncadd.s32 $0xFFFFE000  }
0x19d: {  	[spmem:s3] =	stream.indirect.scatter.add.f32 [tilespmem:s11], [sflag:$0x6], $0x10, s12, s13, $0xb8;
	[tilespmem:$0xDC80] =	vst v63  }
0x19e: {  	_ =	swait.ge [sflag:s5], $0x800  }
0x19f: {  	s24 =	sld [smem:$0x7EB]  }
0x1a0: {  	[sflag:s5] =	ssyncset.done $0x0  }
0x1a1: {  	s25 =	sld [smem:$0x7EC];
	[sflag:s5] =	ssyncadd.s32 $0xFFFFF800  }
0x1a2: {  	[tilespmem:s12], [sflag:$0x5] =	stream.linear.gather [hbm4b:s24+s2], $0x80, $0x38;
	[tilespmem:$0xDC80] =	vst v63  }
0x1a3: {  	_ = 	snop  }
0x1a4: {  	[tilespmem:s14], [sflag:$0x3] =	stream.linear.gather [hbm4b:s25+s2], $0x4000, $0x38;
	[tilespmem:$0xDC80] =	vst v63  }
0x1a5: {  	_ =	swait.ge [sflag:s19], $0x80  }
0x1a6: {  	[sflag:s19] =	ssyncset.done $0x0  }
0x1a7: {  	[sflag:s19] =	ssyncadd.s32 $0xFFFFFF80  }
0x1a8: {  	_ =	swait.ge [sflag:s18], $0x4000  }
0x1a9: {  	[sflag:s18] =	ssyncset.done $0x0  }
0x1aa: {  	[sflag:s18] =	ssyncadd.s32 $0xFFFFC000  }
0x1ab: {  	[spmem:s4] =	stream.indirect.scatter.add.f32 [tilespmem:s2], [sflag:$0x6], $0x40, s17, s13, $0xb8;
	[tilespmem:$0xDC80] =	vst v63  }
0x1ac: {  	_ =	swait.ge [sflag:s5], $0x2000  }
0x1ad: {  	[sflag:s5] =	ssyncset.done $0x0  }
0x1ae: {  	[sflag:s5] =	ssyncadd.s32 $0xFFFFE000  }
0x1af: {  	[spmem:s3] =	stream.indirect.scatter.add.f32 [tilespmem:s11], [sflag:$0x6], $0x10, s17, s13, $0xb8;
	[tilespmem:$0xDC80] =	vst v63  }
0x1b0: {  	_ =	swait.ge [sflag:s5], $0x800  }
0x1b1: {  	s26 =	sld [smem:$0x7ED]  }
0x1b2: {  	[sflag:s5] =	ssyncset.done $0x0  }
0x1b3: {  	s28 =	sld [smem:$0x7EE];
	[sflag:s5] =	ssyncadd.s32 $0xFFFFF800  }
0x1b4: {  	[tilespmem:s17], [sflag:$0x4] =	stream.linear.gather [hbm4b:s26+s2], $0x80, $0x38;
	[tilespmem:$0xDC80] =	vst v63  }
0x1b5: {  	_ = 	snop  }
0x1b6: {  	[tilespmem:s2], [sflag:$0x2] =	stream.linear.gather [hbm4b:s28+s2], $0x4000, $0x38;
	[tilespmem:$0xDC80] =	vst v63  }
0x1b7: {  	_ =	swait.ge [sflag:s16], $0x80  }
0x1b8: {  	[sflag:s16] =	ssyncset.done $0x0  }
0x1b9: {  	[sflag:s16] =	ssyncadd.s32 $0xFFFFFF80  }
0x1ba: {  	_ =	swait.ge [sflag:s15], $0x4000  }
0x1bb: {  	[sflag:s15] =	ssyncset.done $0x0  }
0x1bc: {  	[sflag:s15] =	ssyncadd.s32 $0xFFFFC000  }
0x1bd: {  	[spmem:s4] =	stream.indirect.scatter.add.f32 [tilespmem:s14], [sflag:$0x6], $0x40, s12, s13, $0xb8;
	[tilespmem:$0xDC80] =	vst v63  }
0x1be: {  	_ =	swait.ge [sflag:s5], $0x2000  }
0x1bf: {  	[sflag:s5] =	ssyncset.done $0x0  }
0x1c0: {  	[sflag:s5] =	ssyncadd.s32 $0xFFFFE000  }
0x1c1: {  	[spmem:s3] =	stream.indirect.scatter.add.f32 [tilespmem:s11], [sflag:$0x6], $0x10, s12, s13, $0xb8;
	[tilespmem:$0xDC80] =	vst v63  }
0x1c2: {  	_ =	swait.ge [sflag:s5], $0x800  }
0x1c3: {  	s9 =	sld [smem:$0x7EF]  }
0x1c4: {  	[sflag:s5] =	ssyncset.done $0x0  }
0x1c5: {  	s10 =	sld [smem:$0x7F0];
	[sflag:s5] =	ssyncadd.s32 $0xFFFFF800  }
0x1c6: {  	[tilespmem:s12], [sflag:$0x5] =	stream.linear.gather [hbm4b:s9+s2], $0x80, $0x38;
	[tilespmem:$0xDC80] =	vst v63  }
0x1c7: {  	_ = 	snop  }
0x1c8: {  	[tilespmem:s14], [sflag:$0x3] =	stream.linear.gather [hbm4b:s10+s2], $0x4000, $0x38;
	[tilespmem:$0xDC80] =	vst v63  }
0x1c9: {  	_ =	swait.ge [sflag:s19], $0x80  }
0x1ca: {  	[sflag:s19] =	ssyncset.done $0x0  }
0x1cb: {  	[sflag:s19] =	ssyncadd.s32 $0xFFFFFF80  }
0x1cc: {  	_ =	swait.ge [sflag:s18], $0x4000  }
0x1cd: {  	[sflag:s18] =	ssyncset.done $0x0  }
0x1ce: {  	[sflag:s18] =	ssyncadd.s32 $0xFFFFC000  }
0x1cf: {  	[spmem:s4] =	stream.indirect.scatter.add.f32 [tilespmem:s2], [sflag:$0x6], $0x40, s17, s13, $0xb8;
	[tilespmem:$0xDC80] =	vst v63  }
0x1d0: {  	_ =	swait.ge [sflag:s5], $0x2000  }
0x1d1: {  	[sflag:s5] =	ssyncset.done $0x0  }
0x1d2: {  	[sflag:s5] =	ssyncadd.s32 $0xFFFFE000  }
0x1d3: {  	[spmem:s3] =	stream.indirect.scatter.add.f32 [tilespmem:s11], [sflag:$0x6], $0x10, s17, s13, $0xb8;
	[tilespmem:$0xDC80] =	vst v63  }
0x1d4: {  	_ =	swait.ge [sflag:s5], $0x800  }
0x1d5: {  	s23 =	sld [smem:$0x7F1]  }
0x1d6: {  	[sflag:s5] =	ssyncset.done $0x0  }
0x1d7: {  	s24 =	sld [smem:$0x7F2];
	[sflag:s5] =	ssyncadd.s32 $0xFFFFF800  }
0x1d8: {  	[tilespmem:s17], [sflag:$0x4] =	stream.linear.gather [hbm4b:s23+s2], $0x80, $0x38;
	[tilespmem:$0xDC80] =	vst v63  }
0x1d9: {  	_ = 	snop  }
0x1da: {  	[tilespmem:s2], [sflag:$0x2] =	stream.linear.gather [hbm4b:s24+s2], $0x4000, $0x38;
	[tilespmem:$0xDC80] =	vst v63  }
0x1db: {  	_ =	swait.ge [sflag:s16], $0x80  }
0x1dc: {  	[sflag:s16] =	ssyncset.done $0x0  }
0x1dd: {  	[sflag:s16] =	ssyncadd.s32 $0xFFFFFF80  }
0x1de: {  	_ =	swait.ge [sflag:s15], $0x4000  }
0x1df: {  	[sflag:s15] =	ssyncset.done $0x0  }
0x1e0: {  	[sflag:s15] =	ssyncadd.s32 $0xFFFFC000  }
0x1e1: {  	[spmem:s4] =	stream.indirect.scatter.add.f32 [tilespmem:s14], [sflag:$0x6], $0x40, s12, s13, $0xb8;
	[tilespmem:$0xDC80] =	vst v63  }
0x1e2: {  	_ =	swait.ge [sflag:s5], $0x2000  }
0x1e3: {  	[sflag:s5] =	ssyncset.done $0x0  }
0x1e4: {  	[sflag:s5] =	ssyncadd.s32 $0xFFFFE000  }
0x1e5: {  	[spmem:s3] =	stream.indirect.scatter.add.f32 [tilespmem:s11], [sflag:$0x6], $0x10, s12, s13, $0xb8;
	[tilespmem:$0xDC80] =	vst v63  }
0x1e6: {  	_ =	swait.ge [sflag:s5], $0x800  }
0x1e7: {  	s25 =	sld [smem:$0x7F3]  }
0x1e8: {  	[sflag:s5] =	ssyncset.done $0x0  }
0x1e9: {  	s26 =	sld [smem:$0x7F4];
	[sflag:s5] =	ssyncadd.s32 $0xFFFFF800  }
0x1ea: {  	[tilespmem:s12], [sflag:$0x5] =	stream.linear.gather [hbm4b:s25+s2], $0x80, $0x38;
	[tilespmem:$0xDC80] =	vst v63  }
0x1eb: {  	_ = 	snop  }
0x1ec: {  	[tilespmem:s14], [sflag:$0x3] =	stream.linear.gather [hbm4b:s26+s2], $0x4000, $0x38;
	[tilespmem:$0xDC80] =	vst v63  }
0x1ed: {  	_ =	swait.ge [sflag:s19], $0x80  }
0x1ee: {  	[sflag:s19] =	ssyncset.done $0x0  }
0x1ef: {  	[sflag:s19] =	ssyncadd.s32 $0xFFFFFF80  }
0x1f0: {  	_ =	swait.ge [sflag:s18], $0x4000  }
0x1f1: {  	[sflag:s18] =	ssyncset.done $0x0  }
0x1f2: {  	[sflag:s18] =	ssyncadd.s32 $0xFFFFC000  }
0x1f3: {  	[spmem:s4] =	stream.indirect.scatter.add.f32 [tilespmem:s2], [sflag:$0x6], $0x40, s17, s13, $0xb8;
	[tilespmem:$0xDC80] =	vst v63  }
0x1f4: {  	_ =	swait.ge [sflag:s5], $0x2000  }
0x1f5: {  	[sflag:s5] =	ssyncset.done $0x0  }
0x1f6: {  	[sflag:s5] =	ssyncadd.s32 $0xFFFFE000  }
0x1f7: {  	[spmem:s3] =	stream.indirect.scatter.add.f32 [tilespmem:s11], [sflag:$0x6], $0x10, s17, s13, $0xb8;
	[tilespmem:$0xDC80] =	vst v63  }
0x1f8: {  	_ =	swait.ge [sflag:s5], $0x800  }
0x1f9: {  	s0 =	sld [smem:$0x7F5]  }
0x1fa: {  	s10 =	smov.u32 s22;
	s22 =	simm.s32 @!p1 $0x8000;
	[sflag:s5] =	ssyncset.done $0x0  }
0x1fb: {  	s23 =	simm.s32 @!p1 $0x0;
	s1 =	sld [smem:$0x7F6];
	[sflag:s5] =	ssyncadd.s32 $0xFFFFF800  }
0x1fc: {  	[tilespmem:s22], [sflag:$0x4] =	stream.linear.gather @!p1 [hbm4b:s0+s23], $0x80, $0x38;
	[tilespmem:$0xDC80] =	vst v63  }
0x1fd: {  	_ = 	snop  }
0x1fe: {  	[tilespmem:s23], [sflag:$0x2] =	stream.linear.gather @!p1 [hbm4b:s1+s23], $0x4000, $0x38;
	[tilespmem:$0xDC80] =	vst v63  }
0x1ff: {  	_ =	swait.ge [sflag:s16], $0x80  }
0x200: {  	[sflag:s16] =	ssyncset.done $0x0  }
0x201: {  	[sflag:s16] =	ssyncadd.s32 $0xFFFFFF80  }
0x202: {  	_ =	swait.ge [sflag:s15], $0x4000  }
0x203: {  	[sflag:s15] =	ssyncset.done $0x0  }
0x204: {  	[sflag:s15] =	ssyncadd.s32 $0xFFFFC000  }
0x205: {  	[spmem:s4] =	stream.indirect.scatter.add.f32 [tilespmem:s14], [sflag:$0x6], $0x40, s12, s13, $0xb8;
	[tilespmem:$0xDC80] =	vst v63  }
0x206: {  	_ =	swait.ge [sflag:s5], $0x2000  }
0x207: {  	[sflag:s5] =	ssyncset.done $0x0  }
0x208: {  	[sflag:s5] =	ssyncadd.s32 $0xFFFFE000  }
0x209: {  	[spmem:s3] =	stream.indirect.scatter.add.f32 [tilespmem:s11], [sflag:$0x6], $0x10, s12, s13, $0xb8;
	[tilespmem:$0xDC80] =	vst v63  }
0x20a: {  	_ =	swait.ge [sflag:s5], $0x800  }
0x20b: {  	s0 =	sld [smem:$0x7F7]  }
0x20c: {  	s24 =	simm.s32 @!p2 $0x6;
	[sflag:s5] =	ssyncset.done $0x0  }
0x20d: {  	s26 =	simm.s32 @!p2 $0x9100;
	s1 =	simm.s32 @!p2 $0x0;
	[sflag:s5] =	ssyncadd.s32 $0xFFFFF800  }
0x20e: {  	[tilespmem:s26], [sflag:$0x6] =	stream.linear.gather @!p2 [hbm4b:s0+s1], $0x20, $0x38;
	[tilespmem:$0xDC80] =	vst v63  }
0x20f: {  	_ =	swait.ge @!p2 [sflag:s24], $0x20  }
0x210: {  	s0 =	sld [smem:$0x7F8]  }
0x211: {  	[sflag:s24] =	ssyncset.done @!p2 $0x0  }
0x212: {  	s9 =	simm.s32 @!p2 $0x8100;
	[sflag:s24] =	ssyncadd.s32 @!p2 $0xFFFFFFE0  }
0x213: {  	[tilespmem:s9], [sflag:$0x6] =	stream.linear.gather @!p2 [hbm4b:s0+s1], $0x1000, $0x38;
	[tilespmem:$0xDC80] =	vst v63  }
0x214: {  	_ =	swait.ge @!p2 [sflag:s24], $0x1000  }
0x215: {  	[sflag:s24] =	ssyncset.done @!p2 $0x0  }
0x216: {  	s0 =	simm.s32 @!p2 $0x20;
	[sflag:s24] =	ssyncadd.s32 @!p2 $0xFFFFF000  }
0x217: {  	[spmem:s4] =	stream.indirect.scatter.add.f32 @!p2 [tilespmem:s9], [sflag:$0x6], $0x40, s26, s0, $0xb8;
	[tilespmem:$0xDC80] =	vst v63  }
0x218: {  	_ =	swait.ge @!p2 [sflag:s24], $0x800  }
0x219: {  	[sflag:s24] =	ssyncset.done @!p2 $0x0  }
0x21a: {  	s1 =	simm.s32 @!p2 $0x9180;
	[sflag:s24] =	ssyncadd.s32 @!p2 $0xFFFFF800  }
0x21b: {  	[spmem:s3] =	stream.indirect.scatter.add.f32 @!p2 [tilespmem:s1], [sflag:$0x6], $0x10, s26, s0, $0xb8;
	[tilespmem:$0xDC80] =	vst v63  }
0x21c: {  	_ =	swait.ge @!p2 [sflag:s24], $0x200  }
0x21d: {  	[sflag:s24] =	ssyncset.done @!p2 $0x0  }
0x21e: {  	s31 =	simm.s32 @!p1 $0x4;
	[sflag:s24] =	ssyncadd.s32 @!p2 $0xFFFFFE00  }
0x21f: {  	_ =	swait.ge @!p1 [sflag:s31], $0x80  }
0x220: {  	[sflag:s31] =	ssyncset.done @!p1 $0x0  }
0x221: {  	s0 =	simm.s32 @!p1 $0x2;
	[sflag:s31] =	ssyncadd.s32 @!p1 $0xFFFFFF80  }
0x222: {  	_ =	swait.ge @!p1 [sflag:s0], $0x4000  }
0x223: {  	[sflag:s0] =	ssyncset.done @!p1 $0x0  }
0x224: {  	s30 =	simm.s32 @!p1 $0x6;
	s1 =	simm.s32 @!p1 $0x80;
	[sflag:s0] =	ssyncadd.s32 @!p1 $0xFFFFC000  }
0x225: {  	[spmem:s4] =	stream.indirect.scatter.add.f32 @!p1 [tilespmem:s23], [sflag:$0x6], $0x40, s22, s1, $0xb8;
	[tilespmem:$0xDC80] =	vst v63  }
0x226: {  	_ =	swait.ge @!p1 [sflag:s30], $0x2000  }
0x227: {  	[sflag:s30] =	ssyncset.done @!p1 $0x0  }
0x228: {  	s9 =	simm.s32 @!p1 $0x9180;
	[sflag:s30] =	ssyncadd.s32 @!p1 $0xFFFFE000  }
0x229: {  	[spmem:s3] =	stream.indirect.scatter.add.f32 @!p1 [tilespmem:s9], [sflag:$0x6], $0x10, s22, s1, $0xb8;
	[tilespmem:$0xDC80] =	vst v63  }
0x22a: {  	_ =	swait.ge @!p1 [sflag:s30], $0x800  }
0x22b: {  	s9 =	sld [smem:$0x7F9]  }
0x22c: {  	[sflag:s30] =	ssyncset.done @!p1 $0x0  }
0x22d: {  	s28 =	simm.s32 $0xD180;
	[sflag:s30] =	ssyncadd.s32 @!p1 $0xFFFFF800  }
0x22e: {  	[tilespmem:s28], [sflag:$0x6] =	stream.linear.gather [hbm4b:s9+s2], $0x20, $0x38;
	[tilespmem:$0xDC80] =	vst v63  }
0x22f: {  	_ =	swait.ge [sflag:s5], $0x20  }
0x230: {  	s9 =	sld [smem:$0x7FD]  }
0x231: {  	[sflag:s5] =	ssyncset.done $0x0  }
0x232: {  	s25 =	simm.s32 $0x1;
	[sflag:s5] =	ssyncadd.s32 $0xFFFFFFE0  }
0x233: {  	[tilespmem:s29], [sflag:$0x1] =	stream.indirect.gather [hbm4b:s10+s9], $0x1, s28, s9, $0xb8;
	[tilespmem:$0xDC80] =	vst v63  }
0x234: {  	_ =	swait.ge [sflag:s25], $0x20  }
0x235: {  	s28 =	sld [smem:$0x7FA]  }
0x236: {  	[sflag:s25] =	ssyncset.done $0x0  }
0x237: {  	[sflag:s25] =	ssyncadd.s32 $0xFFFFFFE0  }
0x238: {  	[hbm4b:s28+s2] =	stream.linear.scatter [tilespmem:s29], [sflag:$0x6], $0x20, $0x38;
	[tilespmem:$0xDC80] =	vst v63  }
0x239: {  	_ =	swait.ge [sflag:s5], $0x20  }
0x23a: {  	[sflag:s5] =	ssyncset.done $0x0  }
0x23b: {  	[sflag:s5] =	ssyncadd.s32 $0xFFFFFFE0  }
0x23c: {  	[bflag:$0x0] =	sbarrier.arrive $0xFFFF  }
0x23d: {  	s9 =	sld [smem:$0x7FB];
	_ =	sdelay $0x2  }
0x23e: {  	[hbm:s9], [sflag:s21] =	dma.local @!p0 [spmem:s8], $0x2000  }
0x23f: {  	s7 =	sadd.s32 $0xFFFFFFFF, s7;
	_ =	swait.ge @!p0 [sflag:s20], $0x2000  }
0x240: {  	p4 =	sne.s32 s7, $0x0;
	s9 =	sld [smem:$0x7FC]  }
.Ltmp1:
0x241: {  	[sflag:s20] =	ssyncset.done @!p0 $0x0;
	(pc) =	sbr.rel @!p4 .LBB2_3-.Ltmp1, $4  }
0x242: {  	[sflag:s20] =	ssyncadd.s32 @!p0 $0xFFFFE000  }
0x243: {  	[hbm:s9], [sflag:s21] =	dma.local @!p0 [spmem:s6], $0x2000  }
0x244: {  	_ =	swait.ge @!p0 [sflag:s20], $0x2000  }
0x245: {  	p3 =	por $0x1, $0x1;
	s9 =	rddreg [dreg:$0x6];
	[sflag:s20] =	ssyncset.done @!p0 $0x0  }
.LBB2_4:
0x246: {  	[sflag:s20] =	ssyncadd.s32 @!p0 $0xFFFFE000  }
0x247: {  	[spmem:s8], [sflag:s21] =	dma.local @!p0 [hbm:s9], $0x2000  }
0x248: {  	_ =	swait.ge @!p0 [sflag:s20], $0x2000  }
0x249: {  	[sflag:s20] =	ssyncset.done @!p0 $0x0  }
0x24a: {  	s9 =	rddreg [dreg:$0x7];
	[sflag:s20] =	ssyncadd.s32 @!p0 $0xFFFFE000  }
0x24b: {  	[spmem:s6], [sflag:s21] =	dma.local @!p0 [hbm:s9], $0x2000  }
0x24c: {  	_ =	swait.ge @!p0 [sflag:s20], $0x2000  }
0x24d: {  	[sflag:s20] =	ssyncset.done @!p0 $0x0  }
0x24e: {  	[sflag:s20] =	ssyncadd.s32 @!p0 $0xFFFFE000  }
0x24f: {  	[bflag:$0x0] =	sbarrier.arrive $0xFFFF  }
0x250: {  	s28 =	rddreg [dreg:$0x8]  }
0x251: {  	[tilespmem:s11], [sflag:$0x6] =	stream.linear.gather [hbm4b:s28+s2], $0x4000, $0x38;
	[tilespmem:$0xDC80] =	vst v63  }
0x252: {  	_ =	swait.ge [sflag:s5], $0x4000  }
0x253: {  	[sflag:s5] =	ssyncset.done $0x0  }
0x254: {  	s29 =	rddreg [dreg:$0x9];
	[sflag:s5] =	ssyncadd.s32 $0xFFFFC000  }
0x255: {  	[tilespmem:s17], [sflag:$0x4] =	stream.linear.gather [hbm4b:s29+s2], $0x80, $0x38;
	[tilespmem:$0xDC80] =	vst v63  }
0x256: {  	s10 =	rddreg [dreg:$0xa]  }
0x257: {  	[tilespmem:s2], [sflag:$0x2] =	stream.linear.gather [hbm4b:s10+s2], $0x4000, $0x38;
	[tilespmem:$0xDC80] =	vst v63  }
0x258: {  	s28 =	rddreg [dreg:$0xb]  }
0x259: {  	[tilespmem:s12], [sflag:$0x5] =	stream.linear.gather [hbm4b:s28+s2], $0x80, $0x38;
	[tilespmem:$0xDC80] =	vst v63  }
0x25a: {  	s29 =	rddreg [dreg:$0xc]  }
0x25b: {  	[tilespmem:s14], [sflag:$0x3] =	stream.linear.gather [hbm4b:s29+s2], $0x4000, $0x38;
	[tilespmem:$0xDC80] =	vst v63  }
0x25c: {  	_ =	swait.ge [sflag:s19], $0x80  }
0x25d: {  	[sflag:s19] =	ssyncset.done $0x0  }
0x25e: {  	[sflag:s19] =	ssyncadd.s32 $0xFFFFFF80  }
0x25f: {  	_ =	swait.ge [sflag:s18], $0x4000  }
0x260: {  	[sflag:s18] =	ssyncset.done $0x0  }
0x261: {  	[sflag:s18] =	ssyncadd.s32 $0xFFFFC000  }
0x262: {  	[spmem:s4] =	stream.indirect.scatter.add.f32 [tilespmem:s2], [sflag:$0x6], $0x40, s17, s13, $0xb8;
	[tilespmem:$0xDC80] =	vst v63  }
0x263: {  	_ =	swait.ge [sflag:s5], $0x2000  }
0x264: {  	[sflag:s5] =	ssyncset.done $0x0  }
0x265: {  	[sflag:s5] =	ssyncadd.s32 $0xFFFFE000  }
0x266: {  	[spmem:s3] =	stream.indirect.scatter.add.f32 [tilespmem:s11], [sflag:$0x6], $0x10, s17, s13, $0xb8;
	[tilespmem:$0xDC80] =	vst v63  }
0x267: {  	_ =	swait.ge [sflag:s5], $0x800  }
0x268: {  	[sflag:s5] =	ssyncset.done $0x0  }
0x269: {  	s28 =	rddreg [dreg:$0xd];
	[sflag:s5] =	ssyncadd.s32 $0xFFFFF800  }
0x26a: {  	[tilespmem:s17], [sflag:$0x4] =	stream.linear.gather [hbm4b:s28+s2], $0x80, $0x38;
	[tilespmem:$0xDC80] =	vst v63  }
0x26b: {  	s29 =	rddreg [dreg:$0xe]  }
0x26c: {  	[tilespmem:s2], [sflag:$0x2] =	stream.linear.gather [hbm4b:s29+s2], $0x4000, $0x38;
	[tilespmem:$0xDC80] =	vst v63  }
0x26d: {  	_ =	swait.ge [sflag:s16], $0x80  }
0x26e: {  	[sflag:s16] =	ssyncset.done $0x0  }
0x26f: {  	[sflag:s16] =	ssyncadd.s32 $0xFFFFFF80  }
0x270: {  	_ =	swait.ge [sflag:s15], $0x4000  }
0x271: {  	[sflag:s15] =	ssyncset.done $0x0  }
0x272: {  	[sflag:s15] =	ssyncadd.s32 $0xFFFFC000  }
0x273: {  	[spmem:s4] =	stream.indirect.scatter.add.f32 [tilespmem:s14], [sflag:$0x6], $0x40, s12, s13, $0xb8;
	[tilespmem:$0xDC80] =	vst v63  }
0x274: {  	_ =	swait.ge [sflag:s5], $0x2000  }
0x275: {  	[sflag:s5] =	ssyncset.done $0x0  }
0x276: {  	[sflag:s5] =	ssyncadd.s32 $0xFFFFE000  }
0x277: {  	[spmem:s3] =	stream.indirect.scatter.add.f32 [tilespmem:s11], [sflag:$0x6], $0x10, s12, s13, $0xb8;
	[tilespmem:$0xDC80] =	vst v63  }
0x278: {  	_ =	swait.ge [sflag:s5], $0x800  }
0x279: {  	[sflag:s5] =	ssyncset.done $0x0  }
0x27a: {  	s28 =	rddreg [dreg:$0xf];
	[sflag:s5] =	ssyncadd.s32 $0xFFFFF800  }
0x27b: {  	[tilespmem:s12], [sflag:$0x5] =	stream.linear.gather [hbm4b:s28+s2], $0x80, $0x38;
	[tilespmem:$0xDC80] =	vst v63  }
0x27c: {  	s29 =	rddreg [dreg:$0x10]  }
0x27d: {  	[tilespmem:s14], [sflag:$0x3] =	stream.linear.gather [hbm4b:s29+s2], $0x4000, $0x38;
	[tilespmem:$0xDC80] =	vst v63  }
0x27e: {  	_ =	swait.ge [sflag:s19], $0x80  }
0x27f: {  	[sflag:s19] =	ssyncset.done $0x0  }
0x280: {  	[sflag:s19] =	ssyncadd.s32 $0xFFFFFF80  }
0x281: {  	_ =	swait.ge [sflag:s18], $0x4000  }
0x282: {  	[sflag:s18] =	ssyncset.done $0x0  }
0x283: {  	[sflag:s18] =	ssyncadd.s32 $0xFFFFC000  }
0x284: {  	[spmem:s4] =	stream.indirect.scatter.add.f32 [tilespmem:s2], [sflag:$0x6], $0x40, s17, s13, $0xb8;
	[tilespmem:$0xDC80] =	vst v63  }
0x285: {  	_ =	swait.ge [sflag:s5], $0x2000  }
0x286: {  	[sflag:s5] =	ssyncset.done $0x0  }
0x287: {  	[sflag:s5] =	ssyncadd.s32 $0xFFFFE000  }
0x288: {  	[spmem:s3] =	stream.indirect.scatter.add.f32 [tilespmem:s11], [sflag:$0x6], $0x10, s17, s13, $0xb8;
	[tilespmem:$0xDC80] =	vst v63  }
0x289: {  	_ =	swait.ge [sflag:s5], $0x800  }
0x28a: {  	[sflag:s5] =	ssyncset.done $0x0  }
0x28b: {  	s28 =	rddreg [dreg:$0x11];
	[sflag:s5] =	ssyncadd.s32 $0xFFFFF800  }
0x28c: {  	[tilespmem:s17], [sflag:$0x4] =	stream.linear.gather [hbm4b:s28+s2], $0x80, $0x38;
	[tilespmem:$0xDC80] =	vst v63  }
0x28d: {  	s29 =	rddreg [dreg:$0x12]  }
0x28e: {  	[tilespmem:s2], [sflag:$0x2] =	stream.linear.gather [hbm4b:s29+s2], $0x4000, $0x38;
	[tilespmem:$0xDC80] =	vst v63  }
0x28f: {  	_ =	swait.ge [sflag:s16], $0x80  }
0x290: {  	[sflag:s16] =	ssyncset.done $0x0  }
0x291: {  	[sflag:s16] =	ssyncadd.s32 $0xFFFFFF80  }
0x292: {  	_ =	swait.ge [sflag:s15], $0x4000  }
0x293: {  	[sflag:s15] =	ssyncset.done $0x0  }
0x294: {  	[sflag:s15] =	ssyncadd.s32 $0xFFFFC000  }
0x295: {  	[spmem:s4] =	stream.indirect.scatter.add.f32 [tilespmem:s14], [sflag:$0x6], $0x40, s12, s13, $0xb8;
	[tilespmem:$0xDC80] =	vst v63  }
0x296: {  	_ =	swait.ge [sflag:s5], $0x2000  }
0x297: {  	[sflag:s5] =	ssyncset.done $0x0  }
0x298: {  	[sflag:s5] =	ssyncadd.s32 $0xFFFFE000  }
0x299: {  	[spmem:s3] =	stream.indirect.scatter.add.f32 [tilespmem:s11], [sflag:$0x6], $0x10, s12, s13, $0xb8;
	[tilespmem:$0xDC80] =	vst v63  }
0x29a: {  	_ =	swait.ge [sflag:s5], $0x800  }
0x29b: {  	[sflag:s5] =	ssyncset.done $0x0  }
0x29c: {  	s28 =	rddreg [dreg:$0x13];
	[sflag:s5] =	ssyncadd.s32 $0xFFFFF800  }
0x29d: {  	[tilespmem:s12], [sflag:$0x5] =	stream.linear.gather [hbm4b:s28+s2], $0x80, $0x38;
	[tilespmem:$0xDC80] =	vst v63  }
0x29e: {  	s29 =	rddreg [dreg:$0x14]  }
0x29f: {  	[tilespmem:s14], [sflag:$0x3] =	stream.linear.gather [hbm4b:s29+s2], $0x4000, $0x38;
	[tilespmem:$0xDC80] =	vst v63  }
0x2a0: {  	_ =	swait.ge [sflag:s19], $0x80  }
0x2a1: {  	[sflag:s19] =	ssyncset.done $0x0  }
0x2a2: {  	[sflag:s19] =	ssyncadd.s32 $0xFFFFFF80  }
0x2a3: {  	_ =	swait.ge [sflag:s18], $0x4000  }
0x2a4: {  	[sflag:s18] =	ssyncset.done $0x0  }
0x2a5: {  	[sflag:s18] =	ssyncadd.s32 $0xFFFFC000  }
0x2a6: {  	[spmem:s4] =	stream.indirect.scatter.add.f32 [tilespmem:s2], [sflag:$0x6], $0x40, s17, s13, $0xb8;
	[tilespmem:$0xDC80] =	vst v63  }
0x2a7: {  	_ =	swait.ge [sflag:s5], $0x2000  }
0x2a8: {  	[sflag:s5] =	ssyncset.done $0x0  }
0x2a9: {  	[sflag:s5] =	ssyncadd.s32 $0xFFFFE000  }
0x2aa: {  	[spmem:s3] =	stream.indirect.scatter.add.f32 [tilespmem:s11], [sflag:$0x6], $0x10, s17, s13, $0xb8;
	[tilespmem:$0xDC80] =	vst v63  }
0x2ab: {  	_ =	swait.ge [sflag:s5], $0x800  }
0x2ac: {  	[sflag:s5] =	ssyncset.done $0x0  }
0x2ad: {  	s28 =	rddreg [dreg:$0x15];
	[sflag:s5] =	ssyncadd.s32 $0xFFFFF800  }
0x2ae: {  	[tilespmem:s17], [sflag:$0x4] =	stream.linear.gather [hbm4b:s28+s2], $0x80, $0x38;
	[tilespmem:$0xDC80] =	vst v63  }
0x2af: {  	s29 =	rddreg [dreg:$0x16]  }
0x2b0: {  	[tilespmem:s2], [sflag:$0x2] =	stream.linear.gather [hbm4b:s29+s2], $0x4000, $0x38;
	[tilespmem:$0xDC80] =	vst v63  }
0x2b1: {  	_ =	swait.ge [sflag:s16], $0x80  }
0x2b2: {  	[sflag:s16] =	ssyncset.done $0x0  }
0x2b3: {  	[sflag:s16] =	ssyncadd.s32 $0xFFFFFF80  }
0x2b4: {  	_ =	swait.ge [sflag:s15], $0x4000  }
0x2b5: {  	[sflag:s15] =	ssyncset.done $0x0  }
0x2b6: {  	[sflag:s15] =	ssyncadd.s32 $0xFFFFC000  }
0x2b7: {  	[spmem:s4] =	stream.indirect.scatter.add.f32 [tilespmem:s14], [sflag:$0x6], $0x40, s12, s13, $0xb8;
	[tilespmem:$0xDC80] =	vst v63  }
0x2b8: {  	_ =	swait.ge [sflag:s5], $0x2000  }
0x2b9: {  	[sflag:s5] =	ssyncset.done $0x0  }
0x2ba: {  	[sflag:s5] =	ssyncadd.s32 $0xFFFFE000  }
0x2bb: {  	[spmem:s3] =	stream.indirect.scatter.add.f32 [tilespmem:s11], [sflag:$0x6], $0x10, s12, s13, $0xb8;
	[tilespmem:$0xDC80] =	vst v63  }
0x2bc: {  	_ =	swait.ge [sflag:s5], $0x800  }
0x2bd: {  	[sflag:s5] =	ssyncset.done $0x0  }
0x2be: {  	s28 =	rddreg [dreg:$0x17];
	[sflag:s5] =	ssyncadd.s32 $0xFFFFF800  }
0x2bf: {  	[tilespmem:s12], [sflag:$0x5] =	stream.linear.gather [hbm4b:s28+s2], $0x80, $0x38;
	[tilespmem:$0xDC80] =	vst v63  }
0x2c0: {  	s29 =	rddreg [dreg:$0x18]  }
0x2c1: {  	[tilespmem:s14], [sflag:$0x3] =	stream.linear.gather [hbm4b:s29+s2], $0x4000, $0x38;
	[tilespmem:$0xDC80] =	vst v63  }
0x2c2: {  	_ =	swait.ge [sflag:s19], $0x80  }
0x2c3: {  	[sflag:s19] =	ssyncset.done $0x0  }
0x2c4: {  	[sflag:s19] =	ssyncadd.s32 $0xFFFFFF80  }
0x2c5: {  	_ =	swait.ge [sflag:s18], $0x4000  }
0x2c6: {  	[sflag:s18] =	ssyncset.done $0x0  }
0x2c7: {  	[sflag:s18] =	ssyncadd.s32 $0xFFFFC000  }
0x2c8: {  	[spmem:s4] =	stream.indirect.scatter.add.f32 [tilespmem:s2], [sflag:$0x6], $0x40, s17, s13, $0xb8;
	[tilespmem:$0xDC80] =	vst v63  }
0x2c9: {  	_ =	swait.ge [sflag:s5], $0x2000  }
0x2ca: {  	[sflag:s5] =	ssyncset.done $0x0  }
0x2cb: {  	[sflag:s5] =	ssyncadd.s32 $0xFFFFE000  }
0x2cc: {  	[spmem:s3] =	stream.indirect.scatter.add.f32 [tilespmem:s11], [sflag:$0x6], $0x10, s17, s13, $0xb8;
	[tilespmem:$0xDC80] =	vst v63  }
0x2cd: {  	_ =	swait.ge [sflag:s5], $0x800  }
0x2ce: {  	[sflag:s5] =	ssyncset.done $0x0  }
0x2cf: {  	s28 =	rddreg [dreg:$0x19];
	[sflag:s5] =	ssyncadd.s32 $0xFFFFF800  }
0x2d0: {  	[tilespmem:s17], [sflag:$0x4] =	stream.linear.gather [hbm4b:s28+s2], $0x80, $0x38;
	[tilespmem:$0xDC80] =	vst v63  }
0x2d1: {  	s29 =	rddreg [dreg:$0x1a]  }
0x2d2: {  	[tilespmem:s2], [sflag:$0x2] =	stream.linear.gather [hbm4b:s29+s2], $0x4000, $0x38;
	[tilespmem:$0xDC80] =	vst v63  }
0x2d3: {  	_ =	swait.ge [sflag:s16], $0x80  }
0x2d4: {  	[sflag:s16] =	ssyncset.done $0x0  }
0x2d5: {  	[sflag:s16] =	ssyncadd.s32 $0xFFFFFF80  }
0x2d6: {  	_ =	swait.ge [sflag:s15], $0x4000  }
0x2d7: {  	[sflag:s15] =	ssyncset.done $0x0  }
0x2d8: {  	[sflag:s15] =	ssyncadd.s32 $0xFFFFC000  }
0x2d9: {  	[spmem:s4] =	stream.indirect.scatter.add.f32 [tilespmem:s14], [sflag:$0x6], $0x40, s12, s13, $0xb8;
	[tilespmem:$0xDC80] =	vst v63  }
0x2da: {  	_ =	swait.ge [sflag:s5], $0x2000  }
0x2db: {  	[sflag:s5] =	ssyncset.done $0x0  }
0x2dc: {  	[sflag:s5] =	ssyncadd.s32 $0xFFFFE000  }
0x2dd: {  	[spmem:s3] =	stream.indirect.scatter.add.f32 [tilespmem:s11], [sflag:$0x6], $0x10, s12, s13, $0xb8;
	[tilespmem:$0xDC80] =	vst v63  }
0x2de: {  	_ =	swait.ge [sflag:s5], $0x800  }
0x2df: {  	[sflag:s5] =	ssyncset.done $0x0  }
0x2e0: {  	s28 =	rddreg [dreg:$0x1b];
	[sflag:s5] =	ssyncadd.s32 $0xFFFFF800  }
0x2e1: {  	[tilespmem:s12], [sflag:$0x5] =	stream.linear.gather [hbm4b:s28+s2], $0x80, $0x38;
	[tilespmem:$0xDC80] =	vst v63  }
0x2e2: {  	s29 =	rddreg [dreg:$0x1c]  }
0x2e3: {  	[tilespmem:s14], [sflag:$0x3] =	stream.linear.gather [hbm4b:s29+s2], $0x4000, $0x38;
	[tilespmem:$0xDC80] =	vst v63  }
0x2e4: {  	_ =	swait.ge [sflag:s19], $0x80  }
0x2e5: {  	[sflag:s19] =	ssyncset.done $0x0  }
0x2e6: {  	[sflag:s19] =	ssyncadd.s32 $0xFFFFFF80  }
0x2e7: {  	_ =	swait.ge [sflag:s18], $0x4000  }
0x2e8: {  	[sflag:s18] =	ssyncset.done $0x0  }
0x2e9: {  	[sflag:s18] =	ssyncadd.s32 $0xFFFFC000  }
0x2ea: {  	[spmem:s4] =	stream.indirect.scatter.add.f32 [tilespmem:s2], [sflag:$0x6], $0x40, s17, s13, $0xb8;
	[tilespmem:$0xDC80] =	vst v63  }
0x2eb: {  	_ =	swait.ge [sflag:s5], $0x2000  }
0x2ec: {  	[sflag:s5] =	ssyncset.done $0x0  }
0x2ed: {  	[sflag:s5] =	ssyncadd.s32 $0xFFFFE000  }
0x2ee: {  	[spmem:s3] =	stream.indirect.scatter.add.f32 [tilespmem:s11], [sflag:$0x6], $0x10, s17, s13, $0xb8;
	[tilespmem:$0xDC80] =	vst v63  }
0x2ef: {  	_ =	swait.ge [sflag:s5], $0x800  }
0x2f0: {  	[sflag:s5] =	ssyncset.done $0x0  }
0x2f1: {  	s28 =	rddreg [dreg:$0x1d];
	[sflag:s5] =	ssyncadd.s32 $0xFFFFF800  }
0x2f2: {  	[tilespmem:s17], [sflag:$0x4] =	stream.linear.gather [hbm4b:s28+s2], $0x80, $0x38;
	[tilespmem:$0xDC80] =	vst v63  }
0x2f3: {  	s29 =	rddreg [dreg:$0x1e]  }
0x2f4: {  	[tilespmem:s2], [sflag:$0x2] =	stream.linear.gather [hbm4b:s29+s2], $0x4000, $0x38;
	[tilespmem:$0xDC80] =	vst v63  }
0x2f5: {  	_ =	swait.ge [sflag:s16], $0x80  }
0x2f6: {  	[sflag:s16] =	ssyncset.done $0x0  }
0x2f7: {  	[sflag:s16] =	ssyncadd.s32 $0xFFFFFF80  }
0x2f8: {  	_ =	swait.ge [sflag:s15], $0x4000  }
0x2f9: {  	[sflag:s15] =	ssyncset.done $0x0  }
0x2fa: {  	[sflag:s15] =	ssyncadd.s32 $0xFFFFC000  }
0x2fb: {  	[spmem:s4] =	stream.indirect.scatter.add.f32 [tilespmem:s14], [sflag:$0x6], $0x40, s12, s13, $0xb8;
	[tilespmem:$0xDC80] =	vst v63  }
0x2fc: {  	_ =	swait.ge [sflag:s5], $0x2000  }
0x2fd: {  	[sflag:s5] =	ssyncset.done $0x0  }
0x2fe: {  	[sflag:s5] =	ssyncadd.s32 $0xFFFFE000  }
0x2ff: {  	[spmem:s3] =	stream.indirect.scatter.add.f32 [tilespmem:s11], [sflag:$0x6], $0x10, s12, s13, $0xb8;
	[tilespmem:$0xDC80] =	vst v63  }
0x300: {  	_ =	swait.ge [sflag:s5], $0x800  }
0x301: {  	s28 =	rddreg [dreg:$0x1f];
	[sflag:s5] =	ssyncset.done $0x0  }
0x302: {  	s29 =	sld [smem:$0x7DC];
	[sflag:s5] =	ssyncadd.s32 $0xFFFFF800  }
0x303: {  	[tilespmem:s12], [sflag:$0x5] =	stream.linear.gather [hbm4b:s28+s2], $0x80, $0x38;
	[tilespmem:$0xDC80] =	vst v63  }
0x304: {  	_ = 	snop  }
0x305: {  	[tilespmem:s14], [sflag:$0x3] =	stream.linear.gather [hbm4b:s29+s2], $0x4000, $0x38;
	[tilespmem:$0xDC80] =	vst v63  }
0x306: {  	_ =	swait.ge [sflag:s19], $0x80  }
0x307: {  	[sflag:s19] =	ssyncset.done $0x0  }
0x308: {  	[sflag:s19] =	ssyncadd.s32 $0xFFFFFF80  }
0x309: {  	_ =	swait.ge [sflag:s18], $0x4000  }
0x30a: {  	[sflag:s18] =	ssyncset.done $0x0  }
0x30b: {  	[sflag:s18] =	ssyncadd.s32 $0xFFFFC000  }
0x30c: {  	[spmem:s4] =	stream.indirect.scatter.add.f32 [tilespmem:s2], [sflag:$0x6], $0x40, s17, s13, $0xb8;
	[tilespmem:$0xDC80] =	vst v63  }
0x30d: {  	_ =	swait.ge [sflag:s5], $0x2000  }
0x30e: {  	[sflag:s5] =	ssyncset.done $0x0  }
0x30f: {  	[sflag:s5] =	ssyncadd.s32 $0xFFFFE000  }
0x310: {  	[spmem:s3] =	stream.indirect.scatter.add.f32 [tilespmem:s11], [sflag:$0x6], $0x10, s17, s13, $0xb8;
	[tilespmem:$0xDC80] =	vst v63  }
0x311: {  	_ =	swait.ge [sflag:s5], $0x800  }
0x312: {  	s28 =	sld [smem:$0x7DD]  }
0x313: {  	[sflag:s5] =	ssyncset.done $0x0  }
0x314: {  	s29 =	sld [smem:$0x7DE];
	[sflag:s5] =	ssyncadd.s32 $0xFFFFF800  }
0x315: {  	[tilespmem:s17], [sflag:$0x4] =	stream.linear.gather [hbm4b:s28+s2], $0x80, $0x38;
	[tilespmem:$0xDC80] =	vst v63  }
0x316: {  	_ = 	snop  }
0x317: {  	[tilespmem:s2], [sflag:$0x2] =	stream.linear.gather [hbm4b:s29+s2], $0x4000, $0x38;
	[tilespmem:$0xDC80] =	vst v63  }
0x318: {  	_ =	swait.ge [sflag:s16], $0x80  }
0x319: {  	[sflag:s16] =	ssyncset.done $0x0  }
0x31a: {  	[sflag:s16] =	ssyncadd.s32 $0xFFFFFF80  }
0x31b: {  	_ =	swait.ge [sflag:s15], $0x4000  }
0x31c: {  	[sflag:s15] =	ssyncset.done $0x0  }
0x31d: {  	[sflag:s15] =	ssyncadd.s32 $0xFFFFC000  }
0x31e: {  	[spmem:s4] =	stream.indirect.scatter.add.f32 [tilespmem:s14], [sflag:$0x6], $0x40, s12, s13, $0xb8;
	[tilespmem:$0xDC80] =	vst v63  }
0x31f: {  	_ =	swait.ge [sflag:s5], $0x2000  }
0x320: {  	[sflag:s5] =	ssyncset.done $0x0  }
0x321: {  	[sflag:s5] =	ssyncadd.s32 $0xFFFFE000  }
0x322: {  	[spmem:s3] =	stream.indirect.scatter.add.f32 [tilespmem:s11], [sflag:$0x6], $0x10, s12, s13, $0xb8;
	[tilespmem:$0xDC80] =	vst v63  }
0x323: {  	_ =	swait.ge [sflag:s5], $0x800  }
0x324: {  	s28 =	sld [smem:$0x7DF]  }
0x325: {  	[sflag:s5] =	ssyncset.done $0x0  }
0x326: {  	s29 =	sld [smem:$0x7E0];
	[sflag:s5] =	ssyncadd.s32 $0xFFFFF800  }
0x327: {  	[tilespmem:s12], [sflag:$0x5] =	stream.linear.gather [hbm4b:s28+s2], $0x80, $0x38;
	[tilespmem:$0xDC80] =	vst v63  }
0x328: {  	_ = 	snop  }
0x329: {  	[tilespmem:s14], [sflag:$0x3] =	stream.linear.gather [hbm4b:s29+s2], $0x4000, $0x38;
	[tilespmem:$0xDC80] =	vst v63  }
0x32a: {  	_ =	swait.ge [sflag:s19], $0x80  }
0x32b: {  	[sflag:s19] =	ssyncset.done $0x0  }
0x32c: {  	[sflag:s19] =	ssyncadd.s32 $0xFFFFFF80  }
0x32d: {  	_ =	swait.ge [sflag:s18], $0x4000  }
0x32e: {  	[sflag:s18] =	ssyncset.done $0x0  }
0x32f: {  	[sflag:s18] =	ssyncadd.s32 $0xFFFFC000  }
0x330: {  	[spmem:s4] =	stream.indirect.scatter.add.f32 [tilespmem:s2], [sflag:$0x6], $0x40, s17, s13, $0xb8;
	[tilespmem:$0xDC80] =	vst v63  }
0x331: {  	_ =	swait.ge [sflag:s5], $0x2000  }
0x332: {  	[sflag:s5] =	ssyncset.done $0x0  }
0x333: {  	[sflag:s5] =	ssyncadd.s32 $0xFFFFE000  }
0x334: {  	[spmem:s3] =	stream.indirect.scatter.add.f32 [tilespmem:s11], [sflag:$0x6], $0x10, s17, s13, $0xb8;
	[tilespmem:$0xDC80] =	vst v63  }
0x335: {  	_ =	swait.ge [sflag:s5], $0x800  }
0x336: {  	s28 =	sld [smem:$0x7E1]  }
0x337: {  	[sflag:s5] =	ssyncset.done $0x0  }
0x338: {  	s29 =	sld [smem:$0x7E2];
	[sflag:s5] =	ssyncadd.s32 $0xFFFFF800  }
0x339: {  	[tilespmem:s17], [sflag:$0x4] =	stream.linear.gather [hbm4b:s28+s2], $0x80, $0x38;
	[tilespmem:$0xDC80] =	vst v63  }
0x33a: {  	_ = 	snop  }
0x33b: {  	[tilespmem:s2], [sflag:$0x2] =	stream.linear.gather [hbm4b:s29+s2], $0x4000, $0x38;
	[tilespmem:$0xDC80] =	vst v63  }
0x33c: {  	_ =	swait.ge [sflag:s16], $0x80  }
0x33d: {  	[sflag:s16] =	ssyncset.done $0x0  }
0x33e: {  	[sflag:s16] =	ssyncadd.s32 $0xFFFFFF80  }
0x33f: {  	_ =	swait.ge [sflag:s15], $0x4000  }
0x340: {  	[sflag:s15] =	ssyncset.done $0x0  }
0x341: {  	[sflag:s15] =	ssyncadd.s32 $0xFFFFC000  }
0x342: {  	[spmem:s4] =	stream.indirect.scatter.add.f32 [tilespmem:s14], [sflag:$0x6], $0x40, s12, s13, $0xb8;
	[tilespmem:$0xDC80] =	vst v63  }
0x343: {  	_ =	swait.ge [sflag:s5], $0x2000  }
0x344: {  	[sflag:s5] =	ssyncset.done $0x0  }
0x345: {  	[sflag:s5] =	ssyncadd.s32 $0xFFFFE000  }
0x346: {  	[spmem:s3] =	stream.indirect.scatter.add.f32 [tilespmem:s11], [sflag:$0x6], $0x10, s12, s13, $0xb8;
	[tilespmem:$0xDC80] =	vst v63  }
0x347: {  	_ =	swait.ge [sflag:s5], $0x800  }
0x348: {  	s28 =	sld [smem:$0x7E3]  }
0x349: {  	[sflag:s5] =	ssyncset.done $0x0  }
0x34a: {  	s29 =	sld [smem:$0x7E4];
	[sflag:s5] =	ssyncadd.s32 $0xFFFFF800  }
0x34b: {  	[tilespmem:s12], [sflag:$0x5] =	stream.linear.gather [hbm4b:s28+s2], $0x80, $0x38;
	[tilespmem:$0xDC80] =	vst v63  }
0x34c: {  	_ = 	snop  }
0x34d: {  	[tilespmem:s14], [sflag:$0x3] =	stream.linear.gather [hbm4b:s29+s2], $0x4000, $0x38;
	[tilespmem:$0xDC80] =	vst v63  }
0x34e: {  	_ =	swait.ge [sflag:s19], $0x80  }
0x34f: {  	[sflag:s19] =	ssyncset.done $0x0  }
0x350: {  	[sflag:s19] =	ssyncadd.s32 $0xFFFFFF80  }
0x351: {  	_ =	swait.ge [sflag:s18], $0x4000  }
0x352: {  	[sflag:s18] =	ssyncset.done $0x0  }
0x353: {  	[sflag:s18] =	ssyncadd.s32 $0xFFFFC000  }
0x354: {  	[spmem:s4] =	stream.indirect.scatter.add.f32 [tilespmem:s2], [sflag:$0x6], $0x40, s17, s13, $0xb8;
	[tilespmem:$0xDC80] =	vst v63  }
0x355: {  	_ =	swait.ge [sflag:s5], $0x2000  }
0x356: {  	[sflag:s5] =	ssyncset.done $0x0  }
0x357: {  	[sflag:s5] =	ssyncadd.s32 $0xFFFFE000  }
0x358: {  	[spmem:s3] =	stream.indirect.scatter.add.f32 [tilespmem:s11], [sflag:$0x6], $0x10, s17, s13, $0xb8;
	[tilespmem:$0xDC80] =	vst v63  }
0x359: {  	_ =	swait.ge [sflag:s5], $0x800  }
0x35a: {  	s28 =	sld [smem:$0x7E5]  }
0x35b: {  	[sflag:s5] =	ssyncset.done $0x0  }
0x35c: {  	s29 =	sld [smem:$0x7E6];
	[sflag:s5] =	ssyncadd.s32 $0xFFFFF800  }
0x35d: {  	[tilespmem:s17], [sflag:$0x4] =	stream.linear.gather [hbm4b:s28+s2], $0x80, $0x38;
	[tilespmem:$0xDC80] =	vst v63  }
0x35e: {  	_ = 	snop  }
0x35f: {  	[tilespmem:s2], [sflag:$0x2] =	stream.linear.gather [hbm4b:s29+s2], $0x4000, $0x38;
	[tilespmem:$0xDC80] =	vst v63  }
0x360: {  	_ =	swait.ge [sflag:s16], $0x80  }
0x361: {  	[sflag:s16] =	ssyncset.done $0x0  }
0x362: {  	[sflag:s16] =	ssyncadd.s32 $0xFFFFFF80  }
0x363: {  	_ =	swait.ge [sflag:s15], $0x4000  }
0x364: {  	[sflag:s15] =	ssyncset.done $0x0  }
0x365: {  	[sflag:s15] =	ssyncadd.s32 $0xFFFFC000  }
0x366: {  	[spmem:s4] =	stream.indirect.scatter.add.f32 [tilespmem:s14], [sflag:$0x6], $0x40, s12, s13, $0xb8;
	[tilespmem:$0xDC80] =	vst v63  }
0x367: {  	_ =	swait.ge [sflag:s5], $0x2000  }
0x368: {  	[sflag:s5] =	ssyncset.done $0x0  }
0x369: {  	[sflag:s5] =	ssyncadd.s32 $0xFFFFE000  }
0x36a: {  	[spmem:s3] =	stream.indirect.scatter.add.f32 [tilespmem:s11], [sflag:$0x6], $0x10, s12, s13, $0xb8;
	[tilespmem:$0xDC80] =	vst v63  }
0x36b: {  	_ =	swait.ge [sflag:s5], $0x800  }
0x36c: {  	s28 =	sld [smem:$0x7E7]  }
0x36d: {  	[sflag:s5] =	ssyncset.done $0x0  }
0x36e: {  	s29 =	sld [smem:$0x7E8];
	[sflag:s5] =	ssyncadd.s32 $0xFFFFF800  }
0x36f: {  	[tilespmem:s12], [sflag:$0x5] =	stream.linear.gather [hbm4b:s28+s2], $0x80, $0x38;
	[tilespmem:$0xDC80] =	vst v63  }
0x370: {  	_ = 	snop  }
0x371: {  	[tilespmem:s14], [sflag:$0x3] =	stream.linear.gather [hbm4b:s29+s2], $0x4000, $0x38;
	[tilespmem:$0xDC80] =	vst v63  }
0x372: {  	_ =	swait.ge [sflag:s19], $0x80  }
0x373: {  	[sflag:s19] =	ssyncset.done $0x0  }
0x374: {  	[sflag:s19] =	ssyncadd.s32 $0xFFFFFF80  }
0x375: {  	_ =	swait.ge [sflag:s18], $0x4000  }
0x376: {  	[sflag:s18] =	ssyncset.done $0x0  }
0x377: {  	[sflag:s18] =	ssyncadd.s32 $0xFFFFC000  }
0x378: {  	[spmem:s4] =	stream.indirect.scatter.add.f32 [tilespmem:s2], [sflag:$0x6], $0x40, s17, s13, $0xb8;
	[tilespmem:$0xDC80] =	vst v63  }
0x379: {  	_ =	swait.ge [sflag:s5], $0x2000  }
0x37a: {  	[sflag:s5] =	ssyncset.done $0x0  }
0x37b: {  	[sflag:s5] =	ssyncadd.s32 $0xFFFFE000  }
0x37c: {  	[spmem:s3] =	stream.indirect.scatter.add.f32 [tilespmem:s11], [sflag:$0x6], $0x10, s17, s13, $0xb8;
	[tilespmem:$0xDC80] =	vst v63  }
0x37d: {  	_ =	swait.ge [sflag:s5], $0x800  }
0x37e: {  	s28 =	sld [smem:$0x7E9]  }
0x37f: {  	[sflag:s5] =	ssyncset.done $0x0  }
0x380: {  	s29 =	sld [smem:$0x7EA];
	[sflag:s5] =	ssyncadd.s32 $0xFFFFF800  }
0x381: {  	[tilespmem:s17], [sflag:$0x4] =	stream.linear.gather [hbm4b:s28+s2], $0x80, $0x38;
	[tilespmem:$0xDC80] =	vst v63  }
0x382: {  	_ = 	snop  }
0x383: {  	[tilespmem:s2], [sflag:$0x2] =	stream.linear.gather [hbm4b:s29+s2], $0x4000, $0x38;
	[tilespmem:$0xDC80] =	vst v63  }
0x384: {  	_ =	swait.ge [sflag:s16], $0x80  }
0x385: {  	[sflag:s16] =	ssyncset.done $0x0  }
0x386: {  	[sflag:s16] =	ssyncadd.s32 $0xFFFFFF80  }
0x387: {  	_ =	swait.ge [sflag:s15], $0x4000  }
0x388: {  	[sflag:s15] =	ssyncset.done $0x0  }
0x389: {  	[sflag:s15] =	ssyncadd.s32 $0xFFFFC000  }
0x38a: {  	[spmem:s4] =	stream.indirect.scatter.add.f32 [tilespmem:s14], [sflag:$0x6], $0x40, s12, s13, $0xb8;
	[tilespmem:$0xDC80] =	vst v63  }
0x38b: {  	_ =	swait.ge [sflag:s5], $0x2000  }
0x38c: {  	[sflag:s5] =	ssyncset.done $0x0  }
0x38d: {  	[sflag:s5] =	ssyncadd.s32 $0xFFFFE000  }
0x38e: {  	[spmem:s3] =	stream.indirect.scatter.add.f32 [tilespmem:s11], [sflag:$0x6], $0x10, s12, s13, $0xb8;
	[tilespmem:$0xDC80] =	vst v63  }
0x38f: {  	_ =	swait.ge [sflag:s5], $0x800  }
0x390: {  	s28 =	sld [smem:$0x7EB]  }
0x391: {  	[sflag:s5] =	ssyncset.done $0x0  }
0x392: {  	s29 =	sld [smem:$0x7EC];
	[sflag:s5] =	ssyncadd.s32 $0xFFFFF800  }
0x393: {  	[tilespmem:s12], [sflag:$0x5] =	stream.linear.gather [hbm4b:s28+s2], $0x80, $0x38;
	[tilespmem:$0xDC80] =	vst v63  }
0x394: {  	_ = 	snop  }
0x395: {  	[tilespmem:s14], [sflag:$0x3] =	stream.linear.gather [hbm4b:s29+s2], $0x4000, $0x38;
	[tilespmem:$0xDC80] =	vst v63  }
0x396: {  	_ =	swait.ge [sflag:s19], $0x80  }
0x397: {  	[sflag:s19] =	ssyncset.done $0x0  }
0x398: {  	[sflag:s19] =	ssyncadd.s32 $0xFFFFFF80  }
0x399: {  	_ =	swait.ge [sflag:s18], $0x4000  }
0x39a: {  	[sflag:s18] =	ssyncset.done $0x0  }
0x39b: {  	[sflag:s18] =	ssyncadd.s32 $0xFFFFC000  }
0x39c: {  	[spmem:s4] =	stream.indirect.scatter.add.f32 [tilespmem:s2], [sflag:$0x6], $0x40, s17, s13, $0xb8;
	[tilespmem:$0xDC80] =	vst v63  }
0x39d: {  	_ =	swait.ge [sflag:s5], $0x2000  }
0x39e: {  	[sflag:s5] =	ssyncset.done $0x0  }
0x39f: {  	[sflag:s5] =	ssyncadd.s32 $0xFFFFE000  }
0x3a0: {  	[spmem:s3] =	stream.indirect.scatter.add.f32 [tilespmem:s11], [sflag:$0x6], $0x10, s17, s13, $0xb8;
	[tilespmem:$0xDC80] =	vst v63  }
0x3a1: {  	_ =	swait.ge [sflag:s5], $0x800  }
0x3a2: {  	s28 =	sld [smem:$0x7ED]  }
0x3a3: {  	[sflag:s5] =	ssyncset.done $0x0  }
0x3a4: {  	s29 =	sld [smem:$0x7EE];
	[sflag:s5] =	ssyncadd.s32 $0xFFFFF800  }
0x3a5: {  	[tilespmem:s17], [sflag:$0x4] =	stream.linear.gather [hbm4b:s28+s2], $0x80, $0x38;
	[tilespmem:$0xDC80] =	vst v63  }
0x3a6: {  	_ = 	snop  }
0x3a7: {  	[tilespmem:s2], [sflag:$0x2] =	stream.linear.gather [hbm4b:s29+s2], $0x4000, $0x38;
	[tilespmem:$0xDC80] =	vst v63  }
0x3a8: {  	_ =	swait.ge [sflag:s16], $0x80  }
0x3a9: {  	[sflag:s16] =	ssyncset.done $0x0  }
0x3aa: {  	[sflag:s16] =	ssyncadd.s32 $0xFFFFFF80  }
0x3ab: {  	_ =	swait.ge [sflag:s15], $0x4000  }
0x3ac: {  	[sflag:s15] =	ssyncset.done $0x0  }
0x3ad: {  	[sflag:s15] =	ssyncadd.s32 $0xFFFFC000  }
0x3ae: {  	[spmem:s4] =	stream.indirect.scatter.add.f32 [tilespmem:s14], [sflag:$0x6], $0x40, s12, s13, $0xb8;
	[tilespmem:$0xDC80] =	vst v63  }
0x3af: {  	_ =	swait.ge [sflag:s5], $0x2000  }
0x3b0: {  	[sflag:s5] =	ssyncset.done $0x0  }
0x3b1: {  	[sflag:s5] =	ssyncadd.s32 $0xFFFFE000  }
0x3b2: {  	[spmem:s3] =	stream.indirect.scatter.add.f32 [tilespmem:s11], [sflag:$0x6], $0x10, s12, s13, $0xb8;
	[tilespmem:$0xDC80] =	vst v63  }
0x3b3: {  	_ =	swait.ge [sflag:s5], $0x800  }
0x3b4: {  	s28 =	sld [smem:$0x7EF]  }
0x3b5: {  	[sflag:s5] =	ssyncset.done $0x0  }
0x3b6: {  	s29 =	sld [smem:$0x7F0];
	[sflag:s5] =	ssyncadd.s32 $0xFFFFF800  }
0x3b7: {  	[tilespmem:s12], [sflag:$0x5] =	stream.linear.gather [hbm4b:s28+s2], $0x80, $0x38;
	[tilespmem:$0xDC80] =	vst v63  }
0x3b8: {  	_ = 	snop  }
0x3b9: {  	[tilespmem:s14], [sflag:$0x3] =	stream.linear.gather [hbm4b:s29+s2], $0x4000, $0x38;
	[tilespmem:$0xDC80] =	vst v63  }
0x3ba: {  	_ =	swait.ge [sflag:s19], $0x80  }
0x3bb: {  	[sflag:s19] =	ssyncset.done $0x0  }
0x3bc: {  	[sflag:s19] =	ssyncadd.s32 $0xFFFFFF80  }
0x3bd: {  	_ =	swait.ge [sflag:s18], $0x4000  }
0x3be: {  	[sflag:s18] =	ssyncset.done $0x0  }
0x3bf: {  	[sflag:s18] =	ssyncadd.s32 $0xFFFFC000  }
0x3c0: {  	[spmem:s4] =	stream.indirect.scatter.add.f32 [tilespmem:s2], [sflag:$0x6], $0x40, s17, s13, $0xb8;
	[tilespmem:$0xDC80] =	vst v63  }
0x3c1: {  	_ =	swait.ge [sflag:s5], $0x2000  }
0x3c2: {  	[sflag:s5] =	ssyncset.done $0x0  }
0x3c3: {  	[sflag:s5] =	ssyncadd.s32 $0xFFFFE000  }
0x3c4: {  	[spmem:s3] =	stream.indirect.scatter.add.f32 [tilespmem:s11], [sflag:$0x6], $0x10, s17, s13, $0xb8;
	[tilespmem:$0xDC80] =	vst v63  }
0x3c5: {  	_ =	swait.ge [sflag:s5], $0x800  }
0x3c6: {  	s28 =	sld [smem:$0x7F1]  }
0x3c7: {  	[sflag:s5] =	ssyncset.done $0x0  }
0x3c8: {  	s29 =	sld [smem:$0x7F2];
	[sflag:s5] =	ssyncadd.s32 $0xFFFFF800  }
0x3c9: {  	[tilespmem:s17], [sflag:$0x4] =	stream.linear.gather [hbm4b:s28+s2], $0x80, $0x38;
	[tilespmem:$0xDC80] =	vst v63  }
0x3ca: {  	_ = 	snop  }
0x3cb: {  	[tilespmem:s2], [sflag:$0x2] =	stream.linear.gather [hbm4b:s29+s2], $0x4000, $0x38;
	[tilespmem:$0xDC80] =	vst v63  }
0x3cc: {  	_ =	swait.ge [sflag:s16], $0x80  }
0x3cd: {  	[sflag:s16] =	ssyncset.done $0x0  }
0x3ce: {  	[sflag:s16] =	ssyncadd.s32 $0xFFFFFF80  }
0x3cf: {  	_ =	swait.ge [sflag:s15], $0x4000  }
0x3d0: {  	[sflag:s15] =	ssyncset.done $0x0  }
0x3d1: {  	[sflag:s15] =	ssyncadd.s32 $0xFFFFC000  }
0x3d2: {  	[spmem:s4] =	stream.indirect.scatter.add.f32 [tilespmem:s14], [sflag:$0x6], $0x40, s12, s13, $0xb8;
	[tilespmem:$0xDC80] =	vst v63  }
0x3d3: {  	_ =	swait.ge [sflag:s5], $0x2000  }
0x3d4: {  	[sflag:s5] =	ssyncset.done $0x0  }
0x3d5: {  	[sflag:s5] =	ssyncadd.s32 $0xFFFFE000  }
0x3d6: {  	[spmem:s3] =	stream.indirect.scatter.add.f32 [tilespmem:s11], [sflag:$0x6], $0x10, s12, s13, $0xb8;
	[tilespmem:$0xDC80] =	vst v63  }
0x3d7: {  	_ =	swait.ge [sflag:s5], $0x800  }
0x3d8: {  	s28 =	sld [smem:$0x7F3]  }
0x3d9: {  	[sflag:s5] =	ssyncset.done $0x0  }
0x3da: {  	s29 =	sld [smem:$0x7F4];
	[sflag:s5] =	ssyncadd.s32 $0xFFFFF800  }
0x3db: {  	[tilespmem:s12], [sflag:$0x5] =	stream.linear.gather [hbm4b:s28+s2], $0x80, $0x38;
	[tilespmem:$0xDC80] =	vst v63  }
0x3dc: {  	_ = 	snop  }
0x3dd: {  	[tilespmem:s14], [sflag:$0x3] =	stream.linear.gather [hbm4b:s29+s2], $0x4000, $0x38;
	[tilespmem:$0xDC80] =	vst v63  }
0x3de: {  	_ =	swait.ge [sflag:s19], $0x80  }
0x3df: {  	[sflag:s19] =	ssyncset.done $0x0  }
0x3e0: {  	[sflag:s19] =	ssyncadd.s32 $0xFFFFFF80  }
0x3e1: {  	_ =	swait.ge [sflag:s18], $0x4000  }
0x3e2: {  	[sflag:s18] =	ssyncset.done $0x0  }
0x3e3: {  	[sflag:s18] =	ssyncadd.s32 $0xFFFFC000  }
0x3e4: {  	[spmem:s4] =	stream.indirect.scatter.add.f32 [tilespmem:s2], [sflag:$0x6], $0x40, s17, s13, $0xb8;
	[tilespmem:$0xDC80] =	vst v63  }
0x3e5: {  	_ =	swait.ge [sflag:s5], $0x2000  }
0x3e6: {  	[sflag:s5] =	ssyncset.done $0x0  }
0x3e7: {  	[sflag:s5] =	ssyncadd.s32 $0xFFFFE000  }
0x3e8: {  	[spmem:s3] =	stream.indirect.scatter.add.f32 [tilespmem:s11], [sflag:$0x6], $0x10, s17, s13, $0xb8;
	[tilespmem:$0xDC80] =	vst v63  }
0x3e9: {  	_ =	swait.ge [sflag:s5], $0x800  }
0x3ea: {  	s9 =	sld [smem:$0x7F5]  }
0x3eb: {  	[sflag:s5] =	ssyncset.done $0x0  }
0x3ec: {  	s10 =	sld [smem:$0x7F6];
	[sflag:s5] =	ssyncadd.s32 $0xFFFFF800  }
0x3ed: {  	[tilespmem:s22], [sflag:$0x4] =	stream.linear.gather @!p1 [hbm4b:s9+s23], $0x80, $0x38;
	[tilespmem:$0xDC80] =	vst v63  }
0x3ee: {  	_ = 	snop  }
0x3ef: {  	[tilespmem:s23], [sflag:$0x2] =	stream.linear.gather @!p1 [hbm4b:s10+s23], $0x4000, $0x38;
	[tilespmem:$0xDC80] =	vst v63  }
0x3f0: {  	_ =	swait.ge [sflag:s16], $0x80  }
0x3f1: {  	[sflag:s16] =	ssyncset.done $0x0  }
0x3f2: {  	[sflag:s16] =	ssyncadd.s32 $0xFFFFFF80  }
0x3f3: {  	_ =	swait.ge [sflag:s15], $0x4000  }
0x3f4: {  	[sflag:s15] =	ssyncset.done $0x0  }
0x3f5: {  	[sflag:s15] =	ssyncadd.s32 $0xFFFFC000  }
0x3f6: {  	[spmem:s4] =	stream.indirect.scatter.add.f32 [tilespmem:s14], [sflag:$0x6], $0x40, s12, s13, $0xb8;
	[tilespmem:$0xDC80] =	vst v63  }
0x3f7: {  	_ =	swait.ge [sflag:s5], $0x2000  }
0x3f8: {  	[sflag:s5] =	ssyncset.done $0x0  }
0x3f9: {  	[sflag:s5] =	ssyncadd.s32 $0xFFFFE000  }
0x3fa: {  	[spmem:s3] =	stream.indirect.scatter.add.f32 [tilespmem:s11], [sflag:$0x6], $0x10, s12, s13, $0xb8;
	[tilespmem:$0xDC80] =	vst v63  }
0x3fb: {  	_ =	swait.ge [sflag:s5], $0x800  }
0x3fc: {  	s9 =	sld [smem:$0x7F7]  }
0x3fd: {  	[sflag:s5] =	ssyncset.done $0x0  }
0x3fe: {  	s28 =	simm.s32 @!p2 $0x0;
	[sflag:s5] =	ssyncadd.s32 $0xFFFFF800  }
0x3ff: {  	[tilespmem:s26], [sflag:$0x6] =	stream.linear.gather @!p2 [hbm4b:s9+s28], $0x20, $0x38;
	[tilespmem:$0xDC80] =	vst v63  }
0x400: {  	_ =	swait.ge @!p2 [sflag:s24], $0x20  }
0x401: {  	s9 =	sld [smem:$0x7F8]  }
0x402: {  	[sflag:s24] =	ssyncset.done @!p2 $0x0  }
0x403: {  	s29 =	simm.s32 @!p2 $0x8100;
	[sflag:s24] =	ssyncadd.s32 @!p2 $0xFFFFFFE0  }
0x404: {  	[tilespmem:s29], [sflag:$0x6] =	stream.linear.gather @!p2 [hbm4b:s9+s28], $0x1000, $0x38;
	[tilespmem:$0xDC80] =	vst v63  }
0x405: {  	_ =	swait.ge @!p2 [sflag:s24], $0x1000  }
0x406: {  	[sflag:s24] =	ssyncset.done @!p2 $0x0  }
0x407: {  	s9 =	simm.s32 @!p2 $0x20;
	[sflag:s24] =	ssyncadd.s32 @!p2 $0xFFFFF000  }
0x408: {  	[spmem:s4] =	stream.indirect.scatter.add.f32 @!p2 [tilespmem:s29], [sflag:$0x6], $0x40, s26, s9, $0xb8;
	[tilespmem:$0xDC80] =	vst v63  }
0x409: {  	_ =	swait.ge @!p2 [sflag:s24], $0x800  }
0x40a: {  	[sflag:s24] =	ssyncset.done @!p2 $0x0  }
0x40b: {  	s28 =	simm.s32 @!p2 $0x9180;
	[sflag:s24] =	ssyncadd.s32 @!p2 $0xFFFFF800  }
0x40c: {  	[spmem:s3] =	stream.indirect.scatter.add.f32 @!p2 [tilespmem:s28], [sflag:$0x6], $0x10, s26, s9, $0xb8;
	[tilespmem:$0xDC80] =	vst v63  }
0x40d: {  	_ =	swait.ge @!p2 [sflag:s24], $0x200  }
0x40e: {  	[sflag:s24] =	ssyncset.done @!p2 $0x0  }
0x40f: {  	[sflag:s24] =	ssyncadd.s32 @!p2 $0xFFFFFE00  }
0x410: {  	_ =	swait.ge @!p1 [sflag:s31], $0x80  }
0x411: {  	[sflag:s31] =	ssyncset.done @!p1 $0x0  }
0x412: {  	[sflag:s31] =	ssyncadd.s32 @!p1 $0xFFFFFF80  }
0x413: {  	_ =	swait.ge @!p1 [sflag:s0], $0x4000  }
0x414: {  	[sflag:s0] =	ssyncset.done @!p1 $0x0  }
0x415: {  	[sflag:s0] =	ssyncadd.s32 @!p1 $0xFFFFC000  }
0x416: {  	[spmem:s4] =	stream.indirect.scatter.add.f32 @!p1 [tilespmem:s23], [sflag:$0x6], $0x40, s22, s1, $0xb8;
	[tilespmem:$0xDC80] =	vst v63  }
0x417: {  	_ =	swait.ge @!p1 [sflag:s30], $0x2000  }
0x418: {  	[sflag:s30] =	ssyncset.done @!p1 $0x0  }
0x419: {  	s9 =	simm.s32 @!p1 $0x9180;
	[sflag:s30] =	ssyncadd.s32 @!p1 $0xFFFFE000  }
0x41a: {  	[spmem:s3] =	stream.indirect.scatter.add.f32 @!p1 [tilespmem:s9], [sflag:$0x6], $0x10, s22, s1, $0xb8;
	[tilespmem:$0xDC80] =	vst v63  }
0x41b: {  	_ =	swait.ge @!p1 [sflag:s30], $0x800  }
0x41c: {  	s28 =	sld [smem:$0x7F9]  }
0x41d: {  	[sflag:s30] =	ssyncset.done @!p1 $0x0  }
0x41e: {  	s29 =	simm.s32 $0xD180;
	[sflag:s30] =	ssyncadd.s32 @!p1 $0xFFFFF800  }
0x41f: {  	[tilespmem:s29], [sflag:$0x6] =	stream.linear.gather [hbm4b:s28+s2], $0x20, $0x38;
	[tilespmem:$0xDC80] =	vst v63  }
0x420: {  	_ =	swait.ge [sflag:s5], $0x20  }
0x421: {  	s9 =	sld [smem:$0x7FD];
	[sflag:s5] =	ssyncset.done $0x0  }
0x422: {  	[sflag:s5] =	ssyncadd.s32 $0xFFFFFFE0  }
0x423: {  	s10 =	simm.s32 $0xD200;
	s28 =	rddreg [dreg:$0x1]  }
0x424: {  	[tilespmem:s10], [sflag:$0x1] =	stream.indirect.gather [hbm4b:s28+s9], $0x1, s29, s9, $0xb8;
	[tilespmem:$0xDC80] =	vst v63  }
0x425: {  	_ =	swait.ge [sflag:s25], $0x20  }
0x426: {  	s29 =	sld [smem:$0x7FA]  }
0x427: {  	[sflag:s25] =	ssyncset.done $0x0  }
0x428: {  	[sflag:s25] =	ssyncadd.s32 $0xFFFFFFE0  }
0x429: {  	[hbm4b:s29+s2] =	stream.linear.scatter [tilespmem:s10], [sflag:$0x6], $0x20, $0x38;
	[tilespmem:$0xDC80] =	vst v63  }
0x42a: {  	_ =	swait.ge [sflag:s5], $0x20  }
0x42b: {  	[sflag:s5] =	ssyncset.done $0x0  }
0x42c: {  	[sflag:s5] =	ssyncadd.s32 $0xFFFFFFE0  }
0x42d: {  	[bflag:$0x0] =	sbarrier.arrive $0xFFFF  }
0x42e: {  	s9 =	sld [smem:$0x7FB];
	_ =	sdelay $0x2  }
0x42f: {  	[hbm:s9], [sflag:s21] =	dma.local @!p0 [spmem:s8], $0x2000  }
0x430: {  	s7 =	sadd.s32 $0xFFFFFFFF, s7;
	_ =	swait.ge @!p0 [sflag:s20], $0x2000  }
0x431: {  	p4 =	sne.s32 s7, $0x0;
	s9 =	sld [smem:$0x7FC]  }
.Ltmp2:
0x432: {  	[sflag:s20] =	ssyncset.done @!p0 $0x0;
	(pc) =	sbr.rel @p4 .LBB2_4-.Ltmp2, $4  }
0x433: {  	[sflag:s20] =	ssyncadd.s32 @!p0 $0xFFFFE000  }
0x434: {  	[hbm:s9], [sflag:s21] =	dma.local @!p0 [spmem:s6], $0x2000  }
0x435: {  	_ =	swait.ge @!p0 [sflag:s20], $0x2000  }
0x436: {  	s9 =	rddreg [dreg:$0x6];
	[sflag:s20] =	ssyncset.done @!p0 $0x0  }
0x437: {  	s21 =	rddreg [dreg:$0x5]  }
0x438: {  	s22 =	rddreg [dreg:$0x1];
	s23 =	simm.s32 $0xD180;
	s24 =	simm.s32 $0x1  }
.LBB2_6:
0x439: {  	p3 =	por p0, !p3  }
0x43a: {  	s1 =	simm.s32 @!p0 $0x1C06;
	s0 =	simm.s32 @!p0 $0x6;
	[sflag:s20] =	ssyncadd.s32 @!p3 $0xFFFFE000  }
0x43b: {  	[spmem:s8], [sflag:s1] =	dma.local @!p0 [hbm:s9], $0x2000  }
0x43c: {  	_ =	swait.ge @!p0 [sflag:s0], $0x2000  }
0x43d: {  	[sflag:s0] =	ssyncset.done @!p0 $0x0  }
0x43e: {  	s7 =	rddreg [dreg:$0x7];
	[sflag:s0] =	ssyncadd.s32 @!p0 $0xFFFFE000  }
0x43f: {  	[spmem:s6], [sflag:s1] =	dma.local @!p0 [hbm:s7], $0x2000  }
0x440: {  	_ =	swait.ge @!p0 [sflag:s0], $0x2000  }
0x441: {  	[sflag:s0] =	ssyncset.done @!p0 $0x0  }
0x442: {  	[sflag:s0] =	ssyncadd.s32 @!p0 $0xFFFFE000  }
0x443: {  	[bflag:$0x0] =	sbarrier.arrive $0xFFFF  }
0x444: {  	s26 =	rddreg [dreg:$0x8]  }
0x445: {  	[tilespmem:s11], [sflag:$0x6] =	stream.linear.gather [hbm4b:s26+s2], $0x4000, $0x38;
	[tilespmem:$0xDC80] =	vst v63  }
0x446: {  	_ =	swait.ge [sflag:s5], $0x4000  }
0x447: {  	[sflag:s5] =	ssyncset.done $0x0  }
0x448: {  	s28 =	rddreg [dreg:$0x9];
	[sflag:s5] =	ssyncadd.s32 $0xFFFFC000  }
0x449: {  	[tilespmem:s17], [sflag:$0x4] =	stream.linear.gather [hbm4b:s28+s2], $0x80, $0x38;
	[tilespmem:$0xDC80] =	vst v63  }
0x44a: {  	s29 =	rddreg [dreg:$0xa]  }
0x44b: {  	[tilespmem:s2], [sflag:$0x2] =	stream.linear.gather [hbm4b:s29+s2], $0x4000, $0x38;
	[tilespmem:$0xDC80] =	vst v63  }
0x44c: {  	s30 =	rddreg [dreg:$0xb]  }
0x44d: {  	[tilespmem:s12], [sflag:$0x5] =	stream.linear.gather [hbm4b:s30+s2], $0x80, $0x38;
	[tilespmem:$0xDC80] =	vst v63  }
0x44e: {  	s31 =	rddreg [dreg:$0xc]  }
0x44f: {  	[tilespmem:s14], [sflag:$0x3] =	stream.linear.gather [hbm4b:s31+s2], $0x4000, $0x38;
	[tilespmem:$0xDC80] =	vst v63  }
0x450: {  	_ =	swait.ge [sflag:s19], $0x80  }
0x451: {  	[sflag:s19] =	ssyncset.done $0x0  }
0x452: {  	[sflag:s19] =	ssyncadd.s32 $0xFFFFFF80  }
0x453: {  	_ =	swait.ge [sflag:s18], $0x4000  }
0x454: {  	[sflag:s18] =	ssyncset.done $0x0  }
0x455: {  	[sflag:s18] =	ssyncadd.s32 $0xFFFFC000  }
0x456: {  	[spmem:s4] =	stream.indirect.scatter.add.f32 [tilespmem:s2], [sflag:$0x6], $0x40, s17, s13, $0xb8;
	[tilespmem:$0xDC80] =	vst v63  }
0x457: {  	_ =	swait.ge [sflag:s5], $0x2000  }
0x458: {  	[sflag:s5] =	ssyncset.done $0x0  }
0x459: {  	[sflag:s5] =	ssyncadd.s32 $0xFFFFE000  }
0x45a: {  	[spmem:s3] =	stream.indirect.scatter.add.f32 [tilespmem:s11], [sflag:$0x6], $0x10, s17, s13, $0xb8;
	[tilespmem:$0xDC80] =	vst v63  }
0x45b: {  	_ =	swait.ge [sflag:s5], $0x800  }
0x45c: {  	[sflag:s5] =	ssyncset.done $0x0  }
0x45d: {  	s10 =	rddreg [dreg:$0xd];
	[sflag:s5] =	ssyncadd.s32 $0xFFFFF800  }
0x45e: {  	[tilespmem:s17], [sflag:$0x4] =	stream.linear.gather [hbm4b:s10+s2], $0x80, $0x38;
	[tilespmem:$0xDC80] =	vst v63  }
0x45f: {  	s20 =	rddreg [dreg:$0xe]  }
0x460: {  	[tilespmem:s2], [sflag:$0x2] =	stream.linear.gather [hbm4b:s20+s2], $0x4000, $0x38;
	[tilespmem:$0xDC80] =	vst v63  }
0x461: {  	_ =	swait.ge [sflag:s16], $0x80  }
0x462: {  	[sflag:s16] =	ssyncset.done $0x0  }
0x463: {  	[sflag:s16] =	ssyncadd.s32 $0xFFFFFF80  }
0x464: {  	_ =	swait.ge [sflag:s15], $0x4000  }
0x465: {  	[sflag:s15] =	ssyncset.done $0x0  }
0x466: {  	[sflag:s15] =	ssyncadd.s32 $0xFFFFC000  }
0x467: {  	[spmem:s4] =	stream.indirect.scatter.add.f32 [tilespmem:s14], [sflag:$0x6], $0x40, s12, s13, $0xb8;
	[tilespmem:$0xDC80] =	vst v63  }
0x468: {  	_ =	swait.ge [sflag:s5], $0x2000  }
0x469: {  	[sflag:s5] =	ssyncset.done $0x0  }
0x46a: {  	[sflag:s5] =	ssyncadd.s32 $0xFFFFE000  }
0x46b: {  	[spmem:s3] =	stream.indirect.scatter.add.f32 [tilespmem:s11], [sflag:$0x6], $0x10, s12, s13, $0xb8;
	[tilespmem:$0xDC80] =	vst v63  }
0x46c: {  	_ =	swait.ge [sflag:s5], $0x800  }
0x46d: {  	[sflag:s5] =	ssyncset.done $0x0  }
0x46e: {  	s25 =	rddreg [dreg:$0xf];
	[sflag:s5] =	ssyncadd.s32 $0xFFFFF800  }
0x46f: {  	[tilespmem:s12], [sflag:$0x5] =	stream.linear.gather [hbm4b:s25+s2], $0x80, $0x38;
	[tilespmem:$0xDC80] =	vst v63  }
0x470: {  	s26 =	rddreg [dreg:$0x10]  }
0x471: {  	[tilespmem:s14], [sflag:$0x3] =	stream.linear.gather [hbm4b:s26+s2], $0x4000, $0x38;
	[tilespmem:$0xDC80] =	vst v63  }
0x472: {  	_ =	swait.ge [sflag:s19], $0x80  }
0x473: {  	[sflag:s19] =	ssyncset.done $0x0  }
0x474: {  	[sflag:s19] =	ssyncadd.s32 $0xFFFFFF80  }
0x475: {  	_ =	swait.ge [sflag:s18], $0x4000  }
0x476: {  	[sflag:s18] =	ssyncset.done $0x0  }
0x477: {  	[sflag:s18] =	ssyncadd.s32 $0xFFFFC000  }
0x478: {  	[spmem:s4] =	stream.indirect.scatter.add.f32 [tilespmem:s2], [sflag:$0x6], $0x40, s17, s13, $0xb8;
	[tilespmem:$0xDC80] =	vst v63  }
0x479: {  	_ =	swait.ge [sflag:s5], $0x2000  }
0x47a: {  	[sflag:s5] =	ssyncset.done $0x0  }
0x47b: {  	[sflag:s5] =	ssyncadd.s32 $0xFFFFE000  }
0x47c: {  	[spmem:s3] =	stream.indirect.scatter.add.f32 [tilespmem:s11], [sflag:$0x6], $0x10, s17, s13, $0xb8;
	[tilespmem:$0xDC80] =	vst v63  }
0x47d: {  	_ =	swait.ge [sflag:s5], $0x800  }
0x47e: {  	[sflag:s5] =	ssyncset.done $0x0  }
0x47f: {  	s28 =	rddreg [dreg:$0x11];
	[sflag:s5] =	ssyncadd.s32 $0xFFFFF800  }
0x480: {  	[tilespmem:s17], [sflag:$0x4] =	stream.linear.gather [hbm4b:s28+s2], $0x80, $0x38;
	[tilespmem:$0xDC80] =	vst v63  }
0x481: {  	s29 =	rddreg [dreg:$0x12]  }
0x482: {  	[tilespmem:s2], [sflag:$0x2] =	stream.linear.gather [hbm4b:s29+s2], $0x4000, $0x38;
	[tilespmem:$0xDC80] =	vst v63  }
0x483: {  	_ =	swait.ge [sflag:s16], $0x80  }
0x484: {  	[sflag:s16] =	ssyncset.done $0x0  }
0x485: {  	[sflag:s16] =	ssyncadd.s32 $0xFFFFFF80  }
0x486: {  	_ =	swait.ge [sflag:s15], $0x4000  }
0x487: {  	[sflag:s15] =	ssyncset.done $0x0  }
0x488: {  	[sflag:s15] =	ssyncadd.s32 $0xFFFFC000  }
0x489: {  	[spmem:s4] =	stream.indirect.scatter.add.f32 [tilespmem:s14], [sflag:$0x6], $0x40, s12, s13, $0xb8;
	[tilespmem:$0xDC80] =	vst v63  }
0x48a: {  	_ =	swait.ge [sflag:s5], $0x2000  }
0x48b: {  	[sflag:s5] =	ssyncset.done $0x0  }
0x48c: {  	[sflag:s5] =	ssyncadd.s32 $0xFFFFE000  }
0x48d: {  	[spmem:s3] =	stream.indirect.scatter.add.f32 [tilespmem:s11], [sflag:$0x6], $0x10, s12, s13, $0xb8;
	[tilespmem:$0xDC80] =	vst v63  }
0x48e: {  	_ =	swait.ge [sflag:s5], $0x800  }
0x48f: {  	[sflag:s5] =	ssyncset.done $0x0  }
0x490: {  	s30 =	rddreg [dreg:$0x13];
	[sflag:s5] =	ssyncadd.s32 $0xFFFFF800  }
0x491: {  	[tilespmem:s12], [sflag:$0x5] =	stream.linear.gather [hbm4b:s30+s2], $0x80, $0x38;
	[tilespmem:$0xDC80] =	vst v63  }
0x492: {  	s31 =	rddreg [dreg:$0x14]  }
0x493: {  	[tilespmem:s14], [sflag:$0x3] =	stream.linear.gather [hbm4b:s31+s2], $0x4000, $0x38;
	[tilespmem:$0xDC80] =	vst v63  }
0x494: {  	_ =	swait.ge [sflag:s19], $0x80  }
0x495: {  	[sflag:s19] =	ssyncset.done $0x0  }
0x496: {  	[sflag:s19] =	ssyncadd.s32 $0xFFFFFF80  }
0x497: {  	_ =	swait.ge [sflag:s18], $0x4000  }
0x498: {  	[sflag:s18] =	ssyncset.done $0x0  }
0x499: {  	[sflag:s18] =	ssyncadd.s32 $0xFFFFC000  }
0x49a: {  	[spmem:s4] =	stream.indirect.scatter.add.f32 [tilespmem:s2], [sflag:$0x6], $0x40, s17, s13, $0xb8;
	[tilespmem:$0xDC80] =	vst v63  }
0x49b: {  	_ =	swait.ge [sflag:s5], $0x2000  }
0x49c: {  	[sflag:s5] =	ssyncset.done $0x0  }
0x49d: {  	[sflag:s5] =	ssyncadd.s32 $0xFFFFE000  }
0x49e: {  	[spmem:s3] =	stream.indirect.scatter.add.f32 [tilespmem:s11], [sflag:$0x6], $0x10, s17, s13, $0xb8;
	[tilespmem:$0xDC80] =	vst v63  }
0x49f: {  	_ =	swait.ge [sflag:s5], $0x800  }
0x4a0: {  	[sflag:s5] =	ssyncset.done $0x0  }
0x4a1: {  	s10 =	rddreg [dreg:$0x15];
	[sflag:s5] =	ssyncadd.s32 $0xFFFFF800  }
0x4a2: {  	[tilespmem:s17], [sflag:$0x4] =	stream.linear.gather [hbm4b:s10+s2], $0x80, $0x38;
	[tilespmem:$0xDC80] =	vst v63  }
0x4a3: {  	s20 =	rddreg [dreg:$0x16]  }
0x4a4: {  	[tilespmem:s2], [sflag:$0x2] =	stream.linear.gather [hbm4b:s20+s2], $0x4000, $0x38;
	[tilespmem:$0xDC80] =	vst v63  }
0x4a5: {  	_ =	swait.ge [sflag:s16], $0x80  }
0x4a6: {  	[sflag:s16] =	ssyncset.done $0x0  }
0x4a7: {  	[sflag:s16] =	ssyncadd.s32 $0xFFFFFF80  }
0x4a8: {  	_ =	swait.ge [sflag:s15], $0x4000  }
0x4a9: {  	[sflag:s15] =	ssyncset.done $0x0  }
0x4aa: {  	[sflag:s15] =	ssyncadd.s32 $0xFFFFC000  }
0x4ab: {  	[spmem:s4] =	stream.indirect.scatter.add.f32 [tilespmem:s14], [sflag:$0x6], $0x40, s12, s13, $0xb8;
	[tilespmem:$0xDC80] =	vst v63  }
0x4ac: {  	_ =	swait.ge [sflag:s5], $0x2000  }
0x4ad: {  	[sflag:s5] =	ssyncset.done $0x0  }
0x4ae: {  	[sflag:s5] =	ssyncadd.s32 $0xFFFFE000  }
0x4af: {  	[spmem:s3] =	stream.indirect.scatter.add.f32 [tilespmem:s11], [sflag:$0x6], $0x10, s12, s13, $0xb8;
	[tilespmem:$0xDC80] =	vst v63  }
0x4b0: {  	_ =	swait.ge [sflag:s5], $0x800  }
0x4b1: {  	[sflag:s5] =	ssyncset.done $0x0  }
0x4b2: {  	s25 =	rddreg [dreg:$0x17];
	[sflag:s5] =	ssyncadd.s32 $0xFFFFF800  }
0x4b3: {  	[tilespmem:s12], [sflag:$0x5] =	stream.linear.gather [hbm4b:s25+s2], $0x80, $0x38;
	[tilespmem:$0xDC80] =	vst v63  }
0x4b4: {  	s26 =	rddreg [dreg:$0x18]  }
0x4b5: {  	[tilespmem:s14], [sflag:$0x3] =	stream.linear.gather [hbm4b:s26+s2], $0x4000, $0x38;
	[tilespmem:$0xDC80] =	vst v63  }
0x4b6: {  	_ =	swait.ge [sflag:s19], $0x80  }
0x4b7: {  	[sflag:s19] =	ssyncset.done $0x0  }
0x4b8: {  	[sflag:s19] =	ssyncadd.s32 $0xFFFFFF80  }
0x4b9: {  	_ =	swait.ge [sflag:s18], $0x4000  }
0x4ba: {  	[sflag:s18] =	ssyncset.done $0x0  }
0x4bb: {  	[sflag:s18] =	ssyncadd.s32 $0xFFFFC000  }
0x4bc: {  	[spmem:s4] =	stream.indirect.scatter.add.f32 [tilespmem:s2], [sflag:$0x6], $0x40, s17, s13, $0xb8;
	[tilespmem:$0xDC80] =	vst v63  }
0x4bd: {  	_ =	swait.ge [sflag:s5], $0x2000  }
0x4be: {  	[sflag:s5] =	ssyncset.done $0x0  }
0x4bf: {  	[sflag:s5] =	ssyncadd.s32 $0xFFFFE000  }
0x4c0: {  	[spmem:s3] =	stream.indirect.scatter.add.f32 [tilespmem:s11], [sflag:$0x6], $0x10, s17, s13, $0xb8;
	[tilespmem:$0xDC80] =	vst v63  }
0x4c1: {  	_ =	swait.ge [sflag:s5], $0x800  }
0x4c2: {  	[sflag:s5] =	ssyncset.done $0x0  }
0x4c3: {  	s28 =	rddreg [dreg:$0x19];
	[sflag:s5] =	ssyncadd.s32 $0xFFFFF800  }
0x4c4: {  	[tilespmem:s17], [sflag:$0x4] =	stream.linear.gather [hbm4b:s28+s2], $0x80, $0x38;
	[tilespmem:$0xDC80] =	vst v63  }
0x4c5: {  	s29 =	rddreg [dreg:$0x1a]  }
0x4c6: {  	[tilespmem:s2], [sflag:$0x2] =	stream.linear.gather [hbm4b:s29+s2], $0x4000, $0x38;
	[tilespmem:$0xDC80] =	vst v63  }
0x4c7: {  	_ =	swait.ge [sflag:s16], $0x80  }
0x4c8: {  	[sflag:s16] =	ssyncset.done $0x0  }
0x4c9: {  	[sflag:s16] =	ssyncadd.s32 $0xFFFFFF80  }
0x4ca: {  	_ =	swait.ge [sflag:s15], $0x4000  }
0x4cb: {  	[sflag:s15] =	ssyncset.done $0x0  }
0x4cc: {  	[sflag:s15] =	ssyncadd.s32 $0xFFFFC000  }
0x4cd: {  	[spmem:s4] =	stream.indirect.scatter.add.f32 [tilespmem:s14], [sflag:$0x6], $0x40, s12, s13, $0xb8;
	[tilespmem:$0xDC80] =	vst v63  }
0x4ce: {  	_ =	swait.ge [sflag:s5], $0x2000  }
0x4cf: {  	[sflag:s5] =	ssyncset.done $0x0  }
0x4d0: {  	[sflag:s5] =	ssyncadd.s32 $0xFFFFE000  }
0x4d1: {  	[spmem:s3] =	stream.indirect.scatter.add.f32 [tilespmem:s11], [sflag:$0x6], $0x10, s12, s13, $0xb8;
	[tilespmem:$0xDC80] =	vst v63  }
0x4d2: {  	_ =	swait.ge [sflag:s5], $0x800  }
0x4d3: {  	[sflag:s5] =	ssyncset.done $0x0  }
0x4d4: {  	s30 =	rddreg [dreg:$0x1b];
	[sflag:s5] =	ssyncadd.s32 $0xFFFFF800  }
0x4d5: {  	[tilespmem:s12], [sflag:$0x5] =	stream.linear.gather [hbm4b:s30+s2], $0x80, $0x38;
	[tilespmem:$0xDC80] =	vst v63  }
0x4d6: {  	s31 =	rddreg [dreg:$0x1c]  }
0x4d7: {  	[tilespmem:s14], [sflag:$0x3] =	stream.linear.gather [hbm4b:s31+s2], $0x4000, $0x38;
	[tilespmem:$0xDC80] =	vst v63  }
0x4d8: {  	_ =	swait.ge [sflag:s19], $0x80  }
0x4d9: {  	[sflag:s19] =	ssyncset.done $0x0  }
0x4da: {  	[sflag:s19] =	ssyncadd.s32 $0xFFFFFF80  }
0x4db: {  	_ =	swait.ge [sflag:s18], $0x4000  }
0x4dc: {  	[sflag:s18] =	ssyncset.done $0x0  }
0x4dd: {  	[sflag:s18] =	ssyncadd.s32 $0xFFFFC000  }
0x4de: {  	[spmem:s4] =	stream.indirect.scatter.add.f32 [tilespmem:s2], [sflag:$0x6], $0x40, s17, s13, $0xb8;
	[tilespmem:$0xDC80] =	vst v63  }
0x4df: {  	_ =	swait.ge [sflag:s5], $0x2000  }
0x4e0: {  	[sflag:s5] =	ssyncset.done $0x0  }
0x4e1: {  	[sflag:s5] =	ssyncadd.s32 $0xFFFFE000  }
0x4e2: {  	[spmem:s3] =	stream.indirect.scatter.add.f32 [tilespmem:s11], [sflag:$0x6], $0x10, s17, s13, $0xb8;
	[tilespmem:$0xDC80] =	vst v63  }
0x4e3: {  	_ =	swait.ge [sflag:s5], $0x800  }
0x4e4: {  	[sflag:s5] =	ssyncset.done $0x0  }
0x4e5: {  	s10 =	rddreg [dreg:$0x1d];
	[sflag:s5] =	ssyncadd.s32 $0xFFFFF800  }
0x4e6: {  	[tilespmem:s17], [sflag:$0x4] =	stream.linear.gather [hbm4b:s10+s2], $0x80, $0x38;
	[tilespmem:$0xDC80] =	vst v63  }
0x4e7: {  	s20 =	rddreg [dreg:$0x1e]  }
0x4e8: {  	[tilespmem:s2], [sflag:$0x2] =	stream.linear.gather [hbm4b:s20+s2], $0x4000, $0x38;
	[tilespmem:$0xDC80] =	vst v63  }
0x4e9: {  	_ =	swait.ge [sflag:s16], $0x80  }
0x4ea: {  	[sflag:s16] =	ssyncset.done $0x0  }
0x4eb: {  	[sflag:s16] =	ssyncadd.s32 $0xFFFFFF80  }
0x4ec: {  	_ =	swait.ge [sflag:s15], $0x4000  }
0x4ed: {  	[sflag:s15] =	ssyncset.done $0x0  }
0x4ee: {  	[sflag:s15] =	ssyncadd.s32 $0xFFFFC000  }
0x4ef: {  	[spmem:s4] =	stream.indirect.scatter.add.f32 [tilespmem:s14], [sflag:$0x6], $0x40, s12, s13, $0xb8;
	[tilespmem:$0xDC80] =	vst v63  }
0x4f0: {  	_ =	swait.ge [sflag:s5], $0x2000  }
0x4f1: {  	[sflag:s5] =	ssyncset.done $0x0  }
0x4f2: {  	[sflag:s5] =	ssyncadd.s32 $0xFFFFE000  }
0x4f3: {  	[spmem:s3] =	stream.indirect.scatter.add.f32 [tilespmem:s11], [sflag:$0x6], $0x10, s12, s13, $0xb8;
	[tilespmem:$0xDC80] =	vst v63  }
0x4f4: {  	_ =	swait.ge [sflag:s5], $0x800  }
0x4f5: {  	s25 =	rddreg [dreg:$0x1f];
	[sflag:s5] =	ssyncset.done $0x0  }
0x4f6: {  	s26 =	sld [smem:$0x7DC];
	[sflag:s5] =	ssyncadd.s32 $0xFFFFF800  }
0x4f7: {  	[tilespmem:s12], [sflag:$0x5] =	stream.linear.gather [hbm4b:s25+s2], $0x80, $0x38;
	[tilespmem:$0xDC80] =	vst v63  }
0x4f8: {  	_ = 	snop  }
0x4f9: {  	[tilespmem:s14], [sflag:$0x3] =	stream.linear.gather [hbm4b:s26+s2], $0x4000, $0x38;
	[tilespmem:$0xDC80] =	vst v63  }
0x4fa: {  	_ =	swait.ge [sflag:s19], $0x80  }
0x4fb: {  	[sflag:s19] =	ssyncset.done $0x0  }
0x4fc: {  	[sflag:s19] =	ssyncadd.s32 $0xFFFFFF80  }
0x4fd: {  	_ =	swait.ge [sflag:s18], $0x4000  }
0x4fe: {  	[sflag:s18] =	ssyncset.done $0x0  }
0x4ff: {  	[sflag:s18] =	ssyncadd.s32 $0xFFFFC000  }
0x500: {  	[spmem:s4] =	stream.indirect.scatter.add.f32 [tilespmem:s2], [sflag:$0x6], $0x40, s17, s13, $0xb8;
	[tilespmem:$0xDC80] =	vst v63  }
0x501: {  	_ =	swait.ge [sflag:s5], $0x2000  }
0x502: {  	[sflag:s5] =	ssyncset.done $0x0  }
0x503: {  	[sflag:s5] =	ssyncadd.s32 $0xFFFFE000  }
0x504: {  	[spmem:s3] =	stream.indirect.scatter.add.f32 [tilespmem:s11], [sflag:$0x6], $0x10, s17, s13, $0xb8;
	[tilespmem:$0xDC80] =	vst v63  }
0x505: {  	_ =	swait.ge [sflag:s5], $0x800  }
0x506: {  	s28 =	sld [smem:$0x7DD]  }
0x507: {  	[sflag:s5] =	ssyncset.done $0x0  }
0x508: {  	s29 =	sld [smem:$0x7DE];
	[sflag:s5] =	ssyncadd.s32 $0xFFFFF800  }
0x509: {  	[tilespmem:s17], [sflag:$0x4] =	stream.linear.gather [hbm4b:s28+s2], $0x80, $0x38;
	[tilespmem:$0xDC80] =	vst v63  }
0x50a: {  	_ = 	snop  }
0x50b: {  	[tilespmem:s2], [sflag:$0x2] =	stream.linear.gather [hbm4b:s29+s2], $0x4000, $0x38;
	[tilespmem:$0xDC80] =	vst v63  }
0x50c: {  	_ =	swait.ge [sflag:s16], $0x80  }
0x50d: {  	[sflag:s16] =	ssyncset.done $0x0  }
0x50e: {  	[sflag:s16] =	ssyncadd.s32 $0xFFFFFF80  }
0x50f: {  	_ =	swait.ge [sflag:s15], $0x4000  }
0x510: {  	[sflag:s15] =	ssyncset.done $0x0  }
0x511: {  	[sflag:s15] =	ssyncadd.s32 $0xFFFFC000  }
0x512: {  	[spmem:s4] =	stream.indirect.scatter.add.f32 [tilespmem:s14], [sflag:$0x6], $0x40, s12, s13, $0xb8;
	[tilespmem:$0xDC80] =	vst v63  }
0x513: {  	_ =	swait.ge [sflag:s5], $0x2000  }
0x514: {  	[sflag:s5] =	ssyncset.done $0x0  }
0x515: {  	[sflag:s5] =	ssyncadd.s32 $0xFFFFE000  }
0x516: {  	[spmem:s3] =	stream.indirect.scatter.add.f32 [tilespmem:s11], [sflag:$0x6], $0x10, s12, s13, $0xb8;
	[tilespmem:$0xDC80] =	vst v63  }
0x517: {  	_ =	swait.ge [sflag:s5], $0x800  }
0x518: {  	s30 =	sld [smem:$0x7DF]  }
0x519: {  	[sflag:s5] =	ssyncset.done $0x0  }
0x51a: {  	s31 =	sld [smem:$0x7E0];
	[sflag:s5] =	ssyncadd.s32 $0xFFFFF800  }
0x51b: {  	[tilespmem:s12], [sflag:$0x5] =	stream.linear.gather [hbm4b:s30+s2], $0x80, $0x38;
	[tilespmem:$0xDC80] =	vst v63  }
0x51c: {  	_ = 	snop  }
0x51d: {  	[tilespmem:s14], [sflag:$0x3] =	stream.linear.gather [hbm4b:s31+s2], $0x4000, $0x38;
	[tilespmem:$0xDC80] =	vst v63  }
0x51e: {  	_ =	swait.ge [sflag:s19], $0x80  }
0x51f: {  	[sflag:s19] =	ssyncset.done $0x0  }
0x520: {  	[sflag:s19] =	ssyncadd.s32 $0xFFFFFF80  }
0x521: {  	_ =	swait.ge [sflag:s18], $0x4000  }
0x522: {  	[sflag:s18] =	ssyncset.done $0x0  }
0x523: {  	[sflag:s18] =	ssyncadd.s32 $0xFFFFC000  }
0x524: {  	[spmem:s4] =	stream.indirect.scatter.add.f32 [tilespmem:s2], [sflag:$0x6], $0x40, s17, s13, $0xb8;
	[tilespmem:$0xDC80] =	vst v63  }
0x525: {  	_ =	swait.ge [sflag:s5], $0x2000  }
0x526: {  	[sflag:s5] =	ssyncset.done $0x0  }
0x527: {  	[sflag:s5] =	ssyncadd.s32 $0xFFFFE000  }
0x528: {  	[spmem:s3] =	stream.indirect.scatter.add.f32 [tilespmem:s11], [sflag:$0x6], $0x10, s17, s13, $0xb8;
	[tilespmem:$0xDC80] =	vst v63  }
0x529: {  	_ =	swait.ge [sflag:s5], $0x800  }
0x52a: {  	s10 =	sld [smem:$0x7E1]  }
0x52b: {  	[sflag:s5] =	ssyncset.done $0x0  }
0x52c: {  	s20 =	sld [smem:$0x7E2];
	[sflag:s5] =	ssyncadd.s32 $0xFFFFF800  }
0x52d: {  	[tilespmem:s17], [sflag:$0x4] =	stream.linear.gather [hbm4b:s10+s2], $0x80, $0x38;
	[tilespmem:$0xDC80] =	vst v63  }
0x52e: {  	_ = 	snop  }
0x52f: {  	[tilespmem:s2], [sflag:$0x2] =	stream.linear.gather [hbm4b:s20+s2], $0x4000, $0x38;
	[tilespmem:$0xDC80] =	vst v63  }
0x530: {  	_ =	swait.ge [sflag:s16], $0x80  }
0x531: {  	[sflag:s16] =	ssyncset.done $0x0  }
0x532: {  	[sflag:s16] =	ssyncadd.s32 $0xFFFFFF80  }
0x533: {  	_ =	swait.ge [sflag:s15], $0x4000  }
0x534: {  	[sflag:s15] =	ssyncset.done $0x0  }
0x535: {  	[sflag:s15] =	ssyncadd.s32 $0xFFFFC000  }
0x536: {  	[spmem:s4] =	stream.indirect.scatter.add.f32 [tilespmem:s14], [sflag:$0x6], $0x40, s12, s13, $0xb8;
	[tilespmem:$0xDC80] =	vst v63  }
0x537: {  	_ =	swait.ge [sflag:s5], $0x2000  }
0x538: {  	[sflag:s5] =	ssyncset.done $0x0  }
0x539: {  	[sflag:s5] =	ssyncadd.s32 $0xFFFFE000  }
0x53a: {  	[spmem:s3] =	stream.indirect.scatter.add.f32 [tilespmem:s11], [sflag:$0x6], $0x10, s12, s13, $0xb8;
	[tilespmem:$0xDC80] =	vst v63  }
0x53b: {  	_ =	swait.ge [sflag:s5], $0x800  }
0x53c: {  	s25 =	sld [smem:$0x7E3]  }
0x53d: {  	[sflag:s5] =	ssyncset.done $0x0  }
0x53e: {  	s26 =	sld [smem:$0x7E4];
	[sflag:s5] =	ssyncadd.s32 $0xFFFFF800  }
0x53f: {  	[tilespmem:s12], [sflag:$0x5] =	stream.linear.gather [hbm4b:s25+s2], $0x80, $0x38;
	[tilespmem:$0xDC80] =	vst v63  }
0x540: {  	_ = 	snop  }
0x541: {  	[tilespmem:s14], [sflag:$0x3] =	stream.linear.gather [hbm4b:s26+s2], $0x4000, $0x38;
	[tilespmem:$0xDC80] =	vst v63  }
0x542: {  	_ =	swait.ge [sflag:s19], $0x80  }
0x543: {  	[sflag:s19] =	ssyncset.done $0x0  }
0x544: {  	[sflag:s19] =	ssyncadd.s32 $0xFFFFFF80  }
0x545: {  	_ =	swait.ge [sflag:s18], $0x4000  }
0x546: {  	[sflag:s18] =	ssyncset.done $0x0  }
0x547: {  	[sflag:s18] =	ssyncadd.s32 $0xFFFFC000  }
0x548: {  	[spmem:s4] =	stream.indirect.scatter.add.f32 [tilespmem:s2], [sflag:$0x6], $0x40, s17, s13, $0xb8;
	[tilespmem:$0xDC80] =	vst v63  }
0x549: {  	_ =	swait.ge [sflag:s5], $0x2000  }
0x54a: {  	[sflag:s5] =	ssyncset.done $0x0  }
0x54b: {  	[sflag:s5] =	ssyncadd.s32 $0xFFFFE000  }
0x54c: {  	[spmem:s3] =	stream.indirect.scatter.add.f32 [tilespmem:s11], [sflag:$0x6], $0x10, s17, s13, $0xb8;
	[tilespmem:$0xDC80] =	vst v63  }
0x54d: {  	_ =	swait.ge [sflag:s5], $0x800  }
0x54e: {  	s28 =	sld [smem:$0x7E5]  }
0x54f: {  	[sflag:s5] =	ssyncset.done $0x0  }
0x550: {  	s29 =	sld [smem:$0x7E6];
	[sflag:s5] =	ssyncadd.s32 $0xFFFFF800  }
0x551: {  	[tilespmem:s17], [sflag:$0x4] =	stream.linear.gather [hbm4b:s28+s2], $0x80, $0x38;
	[tilespmem:$0xDC80] =	vst v63  }
0x552: {  	_ = 	snop  }
0x553: {  	[tilespmem:s2], [sflag:$0x2] =	stream.linear.gather [hbm4b:s29+s2], $0x4000, $0x38;
	[tilespmem:$0xDC80] =	vst v63  }
0x554: {  	_ =	swait.ge [sflag:s16], $0x80  }
0x555: {  	[sflag:s16] =	ssyncset.done $0x0  }
0x556: {  	[sflag:s16] =	ssyncadd.s32 $0xFFFFFF80  }
0x557: {  	_ =	swait.ge [sflag:s15], $0x4000  }
0x558: {  	[sflag:s15] =	ssyncset.done $0x0  }
0x559: {  	[sflag:s15] =	ssyncadd.s32 $0xFFFFC000  }
0x55a: {  	[spmem:s4] =	stream.indirect.scatter.add.f32 [tilespmem:s14], [sflag:$0x6], $0x40, s12, s13, $0xb8;
	[tilespmem:$0xDC80] =	vst v63  }
0x55b: {  	_ =	swait.ge [sflag:s5], $0x2000  }
0x55c: {  	[sflag:s5] =	ssyncset.done $0x0  }
0x55d: {  	[sflag:s5] =	ssyncadd.s32 $0xFFFFE000  }
0x55e: {  	[spmem:s3] =	stream.indirect.scatter.add.f32 [tilespmem:s11], [sflag:$0x6], $0x10, s12, s13, $0xb8;
	[tilespmem:$0xDC80] =	vst v63  }
0x55f: {  	_ =	swait.ge [sflag:s5], $0x800  }
0x560: {  	s30 =	sld [smem:$0x7E7]  }
0x561: {  	[sflag:s5] =	ssyncset.done $0x0  }
0x562: {  	s31 =	sld [smem:$0x7E8];
	[sflag:s5] =	ssyncadd.s32 $0xFFFFF800  }
0x563: {  	[tilespmem:s12], [sflag:$0x5] =	stream.linear.gather [hbm4b:s30+s2], $0x80, $0x38;
	[tilespmem:$0xDC80] =	vst v63  }
0x564: {  	_ = 	snop  }
0x565: {  	[tilespmem:s14], [sflag:$0x3] =	stream.linear.gather [hbm4b:s31+s2], $0x4000, $0x38;
	[tilespmem:$0xDC80] =	vst v63  }
0x566: {  	_ =	swait.ge [sflag:s19], $0x80  }
0x567: {  	[sflag:s19] =	ssyncset.done $0x0  }
0x568: {  	[sflag:s19] =	ssyncadd.s32 $0xFFFFFF80  }
0x569: {  	_ =	swait.ge [sflag:s18], $0x4000  }
0x56a: {  	[sflag:s18] =	ssyncset.done $0x0  }
0x56b: {  	[sflag:s18] =	ssyncadd.s32 $0xFFFFC000  }
0x56c: {  	[spmem:s4] =	stream.indirect.scatter.add.f32 [tilespmem:s2], [sflag:$0x6], $0x40, s17, s13, $0xb8;
	[tilespmem:$0xDC80] =	vst v63  }
0x56d: {  	_ =	swait.ge [sflag:s5], $0x2000  }
0x56e: {  	[sflag:s5] =	ssyncset.done $0x0  }
0x56f: {  	[sflag:s5] =	ssyncadd.s32 $0xFFFFE000  }
0x570: {  	[spmem:s3] =	stream.indirect.scatter.add.f32 [tilespmem:s11], [sflag:$0x6], $0x10, s17, s13, $0xb8;
	[tilespmem:$0xDC80] =	vst v63  }
0x571: {  	_ =	swait.ge [sflag:s5], $0x800  }
0x572: {  	s10 =	sld [smem:$0x7E9]  }
0x573: {  	[sflag:s5] =	ssyncset.done $0x0  }
0x574: {  	s20 =	sld [smem:$0x7EA];
	[sflag:s5] =	ssyncadd.s32 $0xFFFFF800  }
0x575: {  	[tilespmem:s17], [sflag:$0x4] =	stream.linear.gather [hbm4b:s10+s2], $0x80, $0x38;
	[tilespmem:$0xDC80] =	vst v63  }
0x576: {  	_ = 	snop  }
0x577: {  	[tilespmem:s2], [sflag:$0x2] =	stream.linear.gather [hbm4b:s20+s2], $0x4000, $0x38;
	[tilespmem:$0xDC80] =	vst v63  }
0x578: {  	_ =	swait.ge [sflag:s16], $0x80  }
0x579: {  	[sflag:s16] =	ssyncset.done $0x0  }
0x57a: {  	[sflag:s16] =	ssyncadd.s32 $0xFFFFFF80  }
0x57b: {  	_ =	swait.ge [sflag:s15], $0x4000  }
0x57c: {  	[sflag:s15] =	ssyncset.done $0x0  }
0x57d: {  	[sflag:s15] =	ssyncadd.s32 $0xFFFFC000  }
0x57e: {  	[spmem:s4] =	stream.indirect.scatter.add.f32 [tilespmem:s14], [sflag:$0x6], $0x40, s12, s13, $0xb8;
	[tilespmem:$0xDC80] =	vst v63  }
0x57f: {  	_ =	swait.ge [sflag:s5], $0x2000  }
0x580: {  	[sflag:s5] =	ssyncset.done $0x0  }
0x581: {  	[sflag:s5] =	ssyncadd.s32 $0xFFFFE000  }
0x582: {  	[spmem:s3] =	stream.indirect.scatter.add.f32 [tilespmem:s11], [sflag:$0x6], $0x10, s12, s13, $0xb8;
	[tilespmem:$0xDC80] =	vst v63  }
0x583: {  	_ =	swait.ge [sflag:s5], $0x800  }
0x584: {  	s25 =	sld [smem:$0x7EB]  }
0x585: {  	[sflag:s5] =	ssyncset.done $0x0  }
0x586: {  	s26 =	sld [smem:$0x7EC];
	[sflag:s5] =	ssyncadd.s32 $0xFFFFF800  }
0x587: {  	[tilespmem:s12], [sflag:$0x5] =	stream.linear.gather [hbm4b:s25+s2], $0x80, $0x38;
	[tilespmem:$0xDC80] =	vst v63  }
0x588: {  	_ = 	snop  }
0x589: {  	[tilespmem:s14], [sflag:$0x3] =	stream.linear.gather [hbm4b:s26+s2], $0x4000, $0x38;
	[tilespmem:$0xDC80] =	vst v63  }
0x58a: {  	_ =	swait.ge [sflag:s19], $0x80  }
0x58b: {  	[sflag:s19] =	ssyncset.done $0x0  }
0x58c: {  	[sflag:s19] =	ssyncadd.s32 $0xFFFFFF80  }
0x58d: {  	_ =	swait.ge [sflag:s18], $0x4000  }
0x58e: {  	[sflag:s18] =	ssyncset.done $0x0  }
0x58f: {  	[sflag:s18] =	ssyncadd.s32 $0xFFFFC000  }
0x590: {  	[spmem:s4] =	stream.indirect.scatter.add.f32 [tilespmem:s2], [sflag:$0x6], $0x40, s17, s13, $0xb8;
	[tilespmem:$0xDC80] =	vst v63  }
0x591: {  	_ =	swait.ge [sflag:s5], $0x2000  }
0x592: {  	[sflag:s5] =	ssyncset.done $0x0  }
0x593: {  	[sflag:s5] =	ssyncadd.s32 $0xFFFFE000  }
0x594: {  	[spmem:s3] =	stream.indirect.scatter.add.f32 [tilespmem:s11], [sflag:$0x6], $0x10, s17, s13, $0xb8;
	[tilespmem:$0xDC80] =	vst v63  }
0x595: {  	_ =	swait.ge [sflag:s5], $0x800  }
0x596: {  	s28 =	sld [smem:$0x7ED]  }
0x597: {  	[sflag:s5] =	ssyncset.done $0x0  }
0x598: {  	s29 =	sld [smem:$0x7EE];
	[sflag:s5] =	ssyncadd.s32 $0xFFFFF800  }
0x599: {  	[tilespmem:s17], [sflag:$0x4] =	stream.linear.gather [hbm4b:s28+s2], $0x80, $0x38;
	[tilespmem:$0xDC80] =	vst v63  }
0x59a: {  	_ = 	snop  }
0x59b: {  	[tilespmem:s2], [sflag:$0x2] =	stream.linear.gather [hbm4b:s29+s2], $0x4000, $0x38;
	[tilespmem:$0xDC80] =	vst v63  }
0x59c: {  	_ =	swait.ge [sflag:s16], $0x80  }
0x59d: {  	[sflag:s16] =	ssyncset.done $0x0  }
0x59e: {  	[sflag:s16] =	ssyncadd.s32 $0xFFFFFF80  }
0x59f: {  	_ =	swait.ge [sflag:s15], $0x4000  }
0x5a0: {  	[sflag:s15] =	ssyncset.done $0x0  }
0x5a1: {  	[sflag:s15] =	ssyncadd.s32 $0xFFFFC000  }
0x5a2: {  	[spmem:s4] =	stream.indirect.scatter.add.f32 [tilespmem:s14], [sflag:$0x6], $0x40, s12, s13, $0xb8;
	[tilespmem:$0xDC80] =	vst v63  }
0x5a3: {  	_ =	swait.ge [sflag:s5], $0x2000  }
0x5a4: {  	[sflag:s5] =	ssyncset.done $0x0  }
0x5a5: {  	[sflag:s5] =	ssyncadd.s32 $0xFFFFE000  }
0x5a6: {  	[spmem:s3] =	stream.indirect.scatter.add.f32 [tilespmem:s11], [sflag:$0x6], $0x10, s12, s13, $0xb8;
	[tilespmem:$0xDC80] =	vst v63  }
0x5a7: {  	_ =	swait.ge [sflag:s5], $0x800  }
0x5a8: {  	s30 =	sld [smem:$0x7EF]  }
0x5a9: {  	[sflag:s5] =	ssyncset.done $0x0  }
0x5aa: {  	s31 =	sld [smem:$0x7F0];
	[sflag:s5] =	ssyncadd.s32 $0xFFFFF800  }
0x5ab: {  	[tilespmem:s12], [sflag:$0x5] =	stream.linear.gather [hbm4b:s30+s2], $0x80, $0x38;
	[tilespmem:$0xDC80] =	vst v63  }
0x5ac: {  	_ = 	snop  }
0x5ad: {  	[tilespmem:s14], [sflag:$0x3] =	stream.linear.gather [hbm4b:s31+s2], $0x4000, $0x38;
	[tilespmem:$0xDC80] =	vst v63  }
0x5ae: {  	_ =	swait.ge [sflag:s19], $0x80  }
0x5af: {  	[sflag:s19] =	ssyncset.done $0x0  }
0x5b0: {  	[sflag:s19] =	ssyncadd.s32 $0xFFFFFF80  }
0x5b1: {  	_ =	swait.ge [sflag:s18], $0x4000  }
0x5b2: {  	[sflag:s18] =	ssyncset.done $0x0  }
0x5b3: {  	[sflag:s18] =	ssyncadd.s32 $0xFFFFC000  }
0x5b4: {  	[spmem:s4] =	stream.indirect.scatter.add.f32 [tilespmem:s2], [sflag:$0x6], $0x40, s17, s13, $0xb8;
	[tilespmem:$0xDC80] =	vst v63  }
0x5b5: {  	_ =	swait.ge [sflag:s5], $0x2000  }
0x5b6: {  	[sflag:s5] =	ssyncset.done $0x0  }
0x5b7: {  	[sflag:s5] =	ssyncadd.s32 $0xFFFFE000  }
0x5b8: {  	[spmem:s3] =	stream.indirect.scatter.add.f32 [tilespmem:s11], [sflag:$0x6], $0x10, s17, s13, $0xb8;
	[tilespmem:$0xDC80] =	vst v63  }
0x5b9: {  	_ =	swait.ge [sflag:s5], $0x800  }
0x5ba: {  	s10 =	sld [smem:$0x7F1]  }
0x5bb: {  	[sflag:s5] =	ssyncset.done $0x0  }
0x5bc: {  	s20 =	sld [smem:$0x7F2];
	[sflag:s5] =	ssyncadd.s32 $0xFFFFF800  }
0x5bd: {  	[tilespmem:s17], [sflag:$0x4] =	stream.linear.gather [hbm4b:s10+s2], $0x80, $0x38;
	[tilespmem:$0xDC80] =	vst v63  }
0x5be: {  	_ = 	snop  }
0x5bf: {  	[tilespmem:s2], [sflag:$0x2] =	stream.linear.gather [hbm4b:s20+s2], $0x4000, $0x38;
	[tilespmem:$0xDC80] =	vst v63  }
0x5c0: {  	_ =	swait.ge [sflag:s16], $0x80  }
0x5c1: {  	[sflag:s16] =	ssyncset.done $0x0  }
0x5c2: {  	[sflag:s16] =	ssyncadd.s32 $0xFFFFFF80  }
0x5c3: {  	_ =	swait.ge [sflag:s15], $0x4000  }
0x5c4: {  	[sflag:s15] =	ssyncset.done $0x0  }
0x5c5: {  	[sflag:s15] =	ssyncadd.s32 $0xFFFFC000  }
0x5c6: {  	[spmem:s4] =	stream.indirect.scatter.add.f32 [tilespmem:s14], [sflag:$0x6], $0x40, s12, s13, $0xb8;
	[tilespmem:$0xDC80] =	vst v63  }
0x5c7: {  	_ =	swait.ge [sflag:s5], $0x2000  }
0x5c8: {  	[sflag:s5] =	ssyncset.done $0x0  }
0x5c9: {  	[sflag:s5] =	ssyncadd.s32 $0xFFFFE000  }
0x5ca: {  	[spmem:s3] =	stream.indirect.scatter.add.f32 [tilespmem:s11], [sflag:$0x6], $0x10, s12, s13, $0xb8;
	[tilespmem:$0xDC80] =	vst v63  }
0x5cb: {  	_ =	swait.ge [sflag:s5], $0x800  }
0x5cc: {  	s25 =	sld [smem:$0x7F3]  }
0x5cd: {  	[sflag:s5] =	ssyncset.done $0x0  }
0x5ce: {  	s26 =	sld [smem:$0x7F4];
	[sflag:s5] =	ssyncadd.s32 $0xFFFFF800  }
0x5cf: {  	[tilespmem:s12], [sflag:$0x5] =	stream.linear.gather [hbm4b:s25+s2], $0x80, $0x38;
	[tilespmem:$0xDC80] =	vst v63  }
0x5d0: {  	_ = 	snop  }
0x5d1: {  	[tilespmem:s14], [sflag:$0x3] =	stream.linear.gather [hbm4b:s26+s2], $0x4000, $0x38;
	[tilespmem:$0xDC80] =	vst v63  }
0x5d2: {  	_ =	swait.ge [sflag:s19], $0x80  }
0x5d3: {  	[sflag:s19] =	ssyncset.done $0x0  }
0x5d4: {  	[sflag:s19] =	ssyncadd.s32 $0xFFFFFF80  }
0x5d5: {  	_ =	swait.ge [sflag:s18], $0x4000  }
0x5d6: {  	[sflag:s18] =	ssyncset.done $0x0  }
0x5d7: {  	[sflag:s18] =	ssyncadd.s32 $0xFFFFC000  }
0x5d8: {  	[spmem:s4] =	stream.indirect.scatter.add.f32 [tilespmem:s2], [sflag:$0x6], $0x40, s17, s13, $0xb8;
	[tilespmem:$0xDC80] =	vst v63  }
0x5d9: {  	_ =	swait.ge [sflag:s5], $0x2000  }
0x5da: {  	[sflag:s5] =	ssyncset.done $0x0  }
0x5db: {  	[sflag:s5] =	ssyncadd.s32 $0xFFFFE000  }
0x5dc: {  	[spmem:s3] =	stream.indirect.scatter.add.f32 [tilespmem:s11], [sflag:$0x6], $0x10, s17, s13, $0xb8;
	[tilespmem:$0xDC80] =	vst v63  }
0x5dd: {  	_ =	swait.ge [sflag:s5], $0x800  }
0x5de: {  	s7 =	sld [smem:$0x7F5]  }
0x5df: {  	s9 =	simm.s32 @!p1 $0x8000;
	[sflag:s5] =	ssyncset.done $0x0  }
0x5e0: {  	s10 =	simm.s32 @!p1 $0x0;
	s17 =	sld [smem:$0x7F6];
	[sflag:s5] =	ssyncadd.s32 $0xFFFFF800  }
0x5e1: {  	[tilespmem:s9], [sflag:$0x4] =	stream.linear.gather @!p1 [hbm4b:s7+s10], $0x80, $0x38;
	[tilespmem:$0xDC80] =	vst v63  }
0x5e2: {  	_ = 	snop  }
0x5e3: {  	[tilespmem:s10], [sflag:$0x2] =	stream.linear.gather @!p1 [hbm4b:s17+s10], $0x4000, $0x38;
	[tilespmem:$0xDC80] =	vst v63  }
0x5e4: {  	_ =	swait.ge [sflag:s16], $0x80  }
0x5e5: {  	[sflag:s16] =	ssyncset.done $0x0  }
0x5e6: {  	[sflag:s16] =	ssyncadd.s32 $0xFFFFFF80  }
0x5e7: {  	_ =	swait.ge [sflag:s15], $0x4000  }
0x5e8: {  	[sflag:s15] =	ssyncset.done $0x0  }
0x5e9: {  	[sflag:s15] =	ssyncadd.s32 $0xFFFFC000  }
0x5ea: {  	[spmem:s4] =	stream.indirect.scatter.add.f32 [tilespmem:s14], [sflag:$0x6], $0x40, s12, s13, $0xb8;
	[tilespmem:$0xDC80] =	vst v63  }
0x5eb: {  	_ =	swait.ge [sflag:s5], $0x2000  }
0x5ec: {  	[sflag:s5] =	ssyncset.done $0x0  }
0x5ed: {  	[sflag:s5] =	ssyncadd.s32 $0xFFFFE000  }
0x5ee: {  	[spmem:s3] =	stream.indirect.scatter.add.f32 [tilespmem:s11], [sflag:$0x6], $0x10, s12, s13, $0xb8;
	[tilespmem:$0xDC80] =	vst v63  }
0x5ef: {  	_ =	swait.ge [sflag:s5], $0x800  }
0x5f0: {  	s7 =	sld [smem:$0x7F7]  }
0x5f1: {  	s11 =	simm.s32 @!p2 $0x6;
	[sflag:s5] =	ssyncset.done $0x0  }
0x5f2: {  	s12 =	simm.s32 @!p2 $0x0;
	s13 =	simm.s32 @!p2 $0x9100;
	[sflag:s5] =	ssyncadd.s32 $0xFFFFF800  }
0x5f3: {  	[tilespmem:s13], [sflag:$0x6] =	stream.linear.gather @!p2 [hbm4b:s7+s12], $0x20, $0x38;
	[tilespmem:$0xDC80] =	vst v63  }
0x5f4: {  	_ =	swait.ge @!p2 [sflag:s11], $0x20  }
0x5f5: {  	s7 =	sld [smem:$0x7F8]  }
0x5f6: {  	[sflag:s11] =	ssyncset.done @!p2 $0x0  }
0x5f7: {  	s14 =	simm.s32 @!p2 $0x8100;
	[sflag:s11] =	ssyncadd.s32 @!p2 $0xFFFFFFE0  }
0x5f8: {  	[tilespmem:s14], [sflag:$0x6] =	stream.linear.gather @!p2 [hbm4b:s7+s12], $0x1000, $0x38;
	[tilespmem:$0xDC80] =	vst v63  }
0x5f9: {  	_ =	swait.ge @!p2 [sflag:s11], $0x1000  }
0x5fa: {  	[sflag:s11] =	ssyncset.done @!p2 $0x0  }
0x5fb: {  	s7 =	simm.s32 @!p2 $0x20;
	[sflag:s11] =	ssyncadd.s32 @!p2 $0xFFFFF000  }
0x5fc: {  	[spmem:s4] =	stream.indirect.scatter.add.f32 @!p2 [tilespmem:s14], [sflag:$0x6], $0x40, s13, s7, $0xb8;
	[tilespmem:$0xDC80] =	vst v63  }
0x5fd: {  	_ =	swait.ge @!p2 [sflag:s11], $0x800  }
0x5fe: {  	[sflag:s11] =	ssyncset.done @!p2 $0x0  }
0x5ff: {  	s12 =	simm.s32 @!p2 $0x9180;
	[sflag:s11] =	ssyncadd.s32 @!p2 $0xFFFFF800  }
0x600: {  	[spmem:s3] =	stream.indirect.scatter.add.f32 @!p2 [tilespmem:s12], [sflag:$0x6], $0x10, s13, s7, $0xb8;
	[tilespmem:$0xDC80] =	vst v63  }
0x601: {  	_ =	swait.ge @!p2 [sflag:s11], $0x200  }
0x602: {  	[sflag:s11] =	ssyncset.done @!p2 $0x0  }
0x603: {  	s7 =	simm.s32 @!p1 $0x4;
	[sflag:s11] =	ssyncadd.s32 @!p2 $0xFFFFFE00  }
0x604: {  	_ =	swait.ge @!p1 [sflag:s7], $0x80  }
0x605: {  	[sflag:s7] =	ssyncset.done @!p1 $0x0  }
0x606: {  	[sflag:s7] =	ssyncadd.s32 @!p1 $0xFFFFFF80;
	s7 =	simm.s32 @!p1 $0x2  }
0x607: {  	_ =	swait.ge @!p1 [sflag:s7], $0x4000  }
0x608: {  	[sflag:s7] =	ssyncset.done @!p1 $0x0  }
0x609: {  	s11 =	simm.s32 @!p1 $0x6;
	[sflag:s7] =	ssyncadd.s32 @!p1 $0xFFFFC000;
	s7 =	simm.s32 @!p1 $0x80  }
0x60a: {  	[spmem:s4] =	stream.indirect.scatter.add.f32 @!p1 [tilespmem:s10], [sflag:$0x6], $0x40, s9, s7, $0xb8;
	[tilespmem:$0xDC80] =	vst v63  }
0x60b: {  	_ =	swait.ge @!p1 [sflag:s11], $0x2000  }
0x60c: {  	[sflag:s11] =	ssyncset.done @!p1 $0x0  }
0x60d: {  	s4 =	simm.s32 @!p1 $0x9180;
	[sflag:s11] =	ssyncadd.s32 @!p1 $0xFFFFE000  }
0x60e: {  	[spmem:s3] =	stream.indirect.scatter.add.f32 @!p1 [tilespmem:s4], [sflag:$0x6], $0x10, s9, s7, $0xb8;
	[tilespmem:$0xDC80] =	vst v63  }
0x60f: {  	_ =	swait.ge @!p1 [sflag:s11], $0x800  }
0x610: {  	s28 =	sld [smem:$0x7F9]  }
0x611: {  	[sflag:s11] =	ssyncset.done @!p1 $0x0  }
0x612: {  	[sflag:s11] =	ssyncadd.s32 @!p1 $0xFFFFF800  }
0x613: {  	[tilespmem:s23], [sflag:$0x6] =	stream.linear.gather [hbm4b:s28+s2], $0x20, $0x38;
	[tilespmem:$0xDC80] =	vst v63  }
0x614: {  	_ =	swait.ge [sflag:s5], $0x20  }
0x615: {  	s29 =	sld [smem:$0x7FD]  }
0x616: {  	[sflag:s5] =	ssyncset.done $0x0  }
0x617: {  	s30 =	simm.s32 $0xD200;
	[sflag:s5] =	ssyncadd.s32 $0xFFFFFFE0  }
0x618: {  	[tilespmem:s30], [sflag:$0x1] =	stream.indirect.gather [hbm4b:s22+s29], $0x1, s23, s29, $0xb8;
	[tilespmem:$0xDC80] =	vst v63  }
0x619: {  	_ =	swait.ge [sflag:s24], $0x20  }
0x61a: {  	s31 =	sld [smem:$0x7FA]  }
0x61b: {  	[sflag:s24] =	ssyncset.done $0x0  }
0x61c: {  	[sflag:s24] =	ssyncadd.s32 $0xFFFFFFE0  }
0x61d: {  	[hbm4b:s31+s2] =	stream.linear.scatter [tilespmem:s30], [sflag:$0x6], $0x20, $0x38;
	[tilespmem:$0xDC80] =	vst v63  }
0x61e: {  	_ =	swait.ge [sflag:s5], $0x20  }
0x61f: {  	[sflag:s5] =	ssyncset.done $0x0  }
0x620: {  	[sflag:s5] =	ssyncadd.s32 $0xFFFFFFE0  }
0x621: {  	[bflag:$0x0] =	sbarrier.arrive $0xFFFF  }
0x622: {  	s2 =	sld [smem:$0x7FB];
	_ =	sdelay $0x2  }
0x623: {  	[hbm:s2], [sflag:s1] =	dma.local @!p0 [spmem:s8], $0x2000  }
0x624: {  	_ =	swait.ge @!p0 [sflag:s0], $0x2000  }
0x625: {  	s2 =	sld [smem:$0x7FC]  }
0x626: {  	[sflag:s0] =	ssyncset.done @!p0 $0x0  }
0x627: {  	[sflag:s0] =	ssyncadd.s32 @!p0 $0xFFFFE000  }
0x628: {  	[hbm:s2], [sflag:s1] =	dma.local @!p0 [spmem:s6], $0x2000  }
0x629: {  	_ =	swait.ge @!p0 [sflag:s0], $0x2000  }
0x62a: {  	[sflag:s0] =	ssyncset.done @!p0 $0x0  }
0x62b: {  	[sflag:s0] =	ssyncadd.s32 @!p0 $0xFFFFE000  }
0x62c: {  	_ =	sfence.sel $0x180000  }
0x62d: {  	[bflag:$0x0] =	sbarrier.arrive $0xFFFF  }
0x62e: {  	_ =	strace $0x90000047  }
0x62f: {  	s0 =	sadd.s32 @!p0 $0x100000, s21;
	[bflag:$0x2] =	sbarrier.arrive $0xFFFF  }
0x630: {  	[sflag:s0] =	ssyncadd.tile.s32 @!p0 $0x1;
	_ =	shalt  }
.LBB2_1:
.Ltmp3:
0x631: {  	(pc) =	sbr.rel .LBB2_6-.Ltmp3, $2  }
0x632: {  	_ =	sdelay $0x2  }
0x633: {  	_ = 	snop  }
.LBB2_3:
.Ltmp4:
0x634: {  	(pc) =	sbr.rel .LBB2_6-.Ltmp4, $3  }
0x635: {  	_ =	sdelay $0x1  }
0x636: {  	s21 =	rddreg [dreg:$0x5]  }
0x637: {  	s22 =	rddreg [dreg:$0x1];
	s23 =	simm.s32 $0xD180;
	s24 =	simm.s32 $0x1  }
.Lfunc_end2:
_tile_overlayer_lowered:
.L_overlay_start_2:
0x638: {  	(tag) =	ssettag $0x2  }
0x639: {  	s0 =	rddreg [dreg:$0x0];
	s2 =	stileid.u32  }
0x63a: {  	s1 =	rddreg [dreg:$0x1];
	p0 =	sne.s32 s2, $0x0  }
0x63b: {  	s3 =	rddreg [dreg:$0x2];
	[bflag:$0x3] =	sbarrier.arrive $0xFFFF;
	s2 =	simm.s32 @!p0 $0x1C06  }
0x63c: {  	[timem:s3], [sflag:s2] =	dma.local @!p0 [hbm:s0], s1  }
0x63d: {  	s0 =	simm.s32 @!p0 $0x6  }
0x63e: {  	_ =	swait.ge @!p0 [sflag:s0], s1  }
0x63f: {  	s1 =	ssub.s32 @!p0 $0x0, s1;
	[sflag:s0] =	ssyncset.done @!p0 $0x0  }
0x640: {  	[sflag:s0] =	ssyncadd.s32 @!p0 s1  }
0x641: {  	[bflag:$0x3] =	sbarrier.arrive $0xFFFF  }
0x642: {  	_ =	shalt  }

</sc_bundles>
